<compile_context>
chip_gen: v7x
topology: tpu7x:2x2x1
jax: 0.10.2.dev20260603
libtpu: 0.0.44.dev20260713+nightly
codegen_flags: <defaults>
</compile_context>

<pallas_src>
import functools

import jax
import jax.numpy as jnp
from jax import lax
from jax.experimental import pallas as pl
from jax.experimental.pallas import tpu as pltpu
from jax.experimental.pallas import tpu_sc as plsc

T, D, I, E, TOP_K = 2048, 1024, 1024, 8, 2
SWIGLU_LIMIT = 7.0
SWIGLU_ALPHA = 1.702

NPAIR = T * TOP_K
BM = 512
NB = NPAIR // BM + E
NP = NB * BM

NC, NS = 2, 16
NW = NC * NS
TPW = T // NW

@functools.cache
def _sc_mesh():
    return plsc.VectorSubcoreMesh(core_axis_name="c", subcore_axis_name="s")



_RBM = 512


_PPB = 2 * _RBM
_TRI = None


def _tri_const():
    global _TRI
    if _TRI is None:
        import numpy as _np
        _TRI = jnp.asarray(
            _np.tril(_np.ones((_PPB, _PPB), _np.float32), -1), jnp.bfloat16)
    return _TRI


def _router_body(x_ref, wgt_ref, bg_ref, tri_ref,
                 i1_ref, i2_ref, w0_ref, w1_ref, re_ref, ro_ref, cnt_ref,
                 acc_ref):
    m = pl.program_id(0)

    @pl.when(m == 0)
    def _():
        acc_ref[...] = jnp.zeros_like(acc_ref)

    logits = (
        jnp.dot(x_ref[...], wgt_ref[...], preferred_element_type=jnp.float32)
        + bg_ref[...]
    )
    lane = lax.broadcasted_iota(jnp.int32, (_RBM, E), 1)
    v1 = jnp.max(logits, axis=1, keepdims=True)
    i1 = jnp.min(jnp.where(logits == v1, lane, E), axis=1, keepdims=True)
    masked = jnp.where(lane == i1, -jnp.inf, logits)
    v2 = jnp.max(masked, axis=1, keepdims=True)
    i2 = jnp.min(jnp.where(masked == v2, lane, E), axis=1, keepdims=True)
    w0 = 1.0 / (1.0 + jnp.exp(v2 - v1))
    i1_ref[...] = i1
    i2_ref[...] = i2
    ones16 = jnp.ones((1, 16), jnp.float32)
    w0_ref[...] = w0 * ones16
    w1_ref[...] = (1.0 - w0) * ones16

    oh = jnp.concatenate(
        [(lane == i1).astype(jnp.float32), (lane == i2).astype(jnp.float32)],
        axis=0)
    r_local = jnp.dot(tri_ref[...], oh.astype(jnp.bfloat16),
                      preferred_element_type=jnp.float32)
    acc = acc_ref[...]
    ranksel = jnp.sum((r_local + acc) * oh, axis=1, keepdims=True)
    re_ref[...] = ranksel[:_RBM].astype(jnp.int32)
    ro_ref[...] = ranksel[_RBM:].astype(jnp.int32)
    new_acc = acc + jnp.sum(oh, axis=0, keepdims=True)
    acc_ref[...] = new_acc
    cnt_ref[...] = new_acc.astype(jnp.int32)


def _router(x, Wg, bg):
    return pl.pallas_call(
        _router_body,
        grid=(T // _RBM,),
        in_specs=[
            pl.BlockSpec((_RBM, D), lambda m: (m, 0)),
            pl.BlockSpec((D, E), lambda m: (0, 0)),
            pl.BlockSpec((1, E), lambda m: (0, 0)),
            pl.BlockSpec((_PPB, _PPB), lambda m: (0, 0)),
        ],
        out_specs=[
            pl.BlockSpec((_RBM, 1), lambda m: (m, 0)),
            pl.BlockSpec((_RBM, 1), lambda m: (m, 0)),
            pl.BlockSpec((_RBM, 16), lambda m: (m, 0)),
            pl.BlockSpec((_RBM, 16), lambda m: (m, 0)),
            pl.BlockSpec((_RBM, 1), lambda m: (m, 0)),
            pl.BlockSpec((_RBM, 1), lambda m: (m, 0)),
            pl.BlockSpec((1, E), lambda m: (0, 0)),
        ],
        out_shape=[
            jax.ShapeDtypeStruct((T, 1), jnp.int32),
            jax.ShapeDtypeStruct((T, 1), jnp.int32),
            jax.ShapeDtypeStruct((T, 16), jnp.float32),
            jax.ShapeDtypeStruct((T, 16), jnp.float32),
            jax.ShapeDtypeStruct((T, 1), jnp.int32),
            jax.ShapeDtypeStruct((T, 1), jnp.int32),
            jax.ShapeDtypeStruct((1, E), jnp.int32),
        ],
        scratch_shapes=[pltpu.VMEM((1, E), jnp.float32)],
    )(x, Wg.T, bg.reshape(1, E), _tri_const())




def _dispatch_body(x_ref, de_ref, do_ref, xs_ref,
                   rows_v, de_v, do_v, sem0, sem1):
    wid = lax.axis_index("s") * NC + lax.axis_index("c")
    base = wid * TPW
    pltpu.sync_copy(de_ref.at[wid], de_v)
    pltpu.sync_copy(do_ref.at[wid], do_v)
    pltpu.sync_copy(x_ref.at[pl.ds(base, TPW)], rows_v)
    c0 = pltpu.async_copy(rows_v, xs_ref.at[de_v], sem0)
    c1 = pltpu.async_copy(rows_v, xs_ref.at[do_v], sem1)
    c0.wait()
    c1.wait()


@functools.cache
def _dispatch_kernel():
    return pl.kernel(
        _dispatch_body, mesh=_sc_mesh(),
        out_type=jax.ShapeDtypeStruct((NP, D), jnp.float32),
        scratch_types=[
            pltpu.VMEM((TPW, D), jnp.float32),
            pltpu.VMEM((TPW,), jnp.int32),
            pltpu.VMEM((TPW,), jnp.int32),
            pltpu.SemaphoreType.DMA,
            pltpu.SemaphoreType.DMA,
        ],
    )


def _dispatch(xb, de, do):
    return _dispatch_kernel()(xb, de, do)




CCH = 32


def _cgather_body(y_ref, p0_ref, p1_ref, w0_ref, w1_ref, o_ref,
                  b0_v, b1_v, p0_v, p1_v, w0_v, w1_v, sem0, sem1):
    wid = lax.axis_index("s") * NC + lax.axis_index("c")
    base = wid * TPW
    pltpu.sync_copy(w0_ref.at[wid], w0_v)
    pltpu.sync_copy(w1_ref.at[wid], w1_v)
    for c in range(TPW // CCH):
        pltpu.sync_copy(p0_ref.at[wid, pl.ds(c * CCH, CCH)], p0_v)
        pltpu.sync_copy(p1_ref.at[wid, pl.ds(c * CCH, CCH)], p1_v)
        c0 = pltpu.async_copy(y_ref.at[p0_v], b0_v, sem0)
        c1 = pltpu.async_copy(y_ref.at[p1_v], b1_v, sem1)
        c0.wait()
        c1.wait()

        def _wrow(r, carry):
            tok = c * CCH + r
            wv0 = w0_v[tok, pl.ds(0, 16)]
            wv1 = w1_v[tok, pl.ds(0, 16)]
            for j in range(D // 16):
                sl = pl.ds(j * 16, 16)
                b0_v[r, sl] = b0_v[r, sl] * wv0 + b1_v[r, sl] * wv1
            return carry

        lax.fori_loop(0, CCH, _wrow, 0)
        pltpu.sync_copy(b0_v, o_ref.at[pl.ds(base + c * CCH, CCH)])


@functools.cache
def _cgather_kernel():
    return pl.kernel(
        _cgather_body, mesh=_sc_mesh(),
        out_type=jax.ShapeDtypeStruct((T, D), jnp.float32),
        scratch_types=[
            pltpu.VMEM((CCH, D), jnp.float32),
            pltpu.VMEM((CCH, D), jnp.float32),
            pltpu.VMEM((CCH,), jnp.int32),
            pltpu.VMEM((CCH,), jnp.int32),
            pltpu.VMEM((TPW, 16), jnp.float32),
            pltpu.VMEM((TPW, 16), jnp.float32),
            pltpu.SemaphoreType.DMA,
            pltpu.SemaphoreType.DMA,
        ],
    )


def _cgather(y, de, do, w0, w1):
    return _cgather_kernel()(y, de, do, w0, w1)




def _gmm_body(bexp_ref, nblk_ref, x_ref, w1_ref, b1_ref, w2_ref, b2_ref,
              o_ref):
    m = pl.program_id(0)

    @pl.when(m < nblk_ref[0])
    def _():
        xb = x_ref[...].astype(jnp.bfloat16)
        gate = lax.dot_general(
            xb, w1_ref[0][:, :I],
            (((1,), (0,)), ((), ())),
            preferred_element_type=jnp.float32,
        ) + b1_ref[0][:, :I]
        up = lax.dot_general(
            xb, w1_ref[0][:, I:],
            (((1,), (0,)), ((), ())),
            preferred_element_type=jnp.float32,
        ) + b1_ref[0][:, I:]
        gate = jnp.minimum(gate, SWIGLU_LIMIT)
        up = jnp.clip(up, -SWIGLU_LIMIT, SWIGLU_LIMIT)
        act = gate * jax.nn.sigmoid(SWIGLU_ALPHA * gate) * (up + 1.0)
        y = lax.dot_general(
            act.astype(jnp.bfloat16), w2_ref[0],
            (((1,), (0,)), ((), ())),
            preferred_element_type=jnp.float32,
        ) + b2_ref[0]
        o_ref[...] = y


def _gmm(x_sorted, W1b, b1, W2b, b2, bexp, nblk):
    grid_spec = pltpu.PrefetchScalarGridSpec(
        num_scalar_prefetch=2,
        grid=(NB,),
        in_specs=[
            pl.BlockSpec((BM, D), lambda m, be, nb: (m, 0)),
            pl.BlockSpec((1, D, 2 * I), lambda m, be, nb: (be[m], 0, 0)),
            pl.BlockSpec((1, 1, 2 * I), lambda m, be, nb: (be[m], 0, 0)),
            pl.BlockSpec((1, I, D), lambda m, be, nb: (be[m], 0, 0)),
            pl.BlockSpec((1, 1, D), lambda m, be, nb: (be[m], 0, 0)),
        ],
        out_specs=pl.BlockSpec((BM, D), lambda m, be, nb: (m, 0)),
    )
    return pl.pallas_call(
        _gmm_body,
        grid_spec=grid_spec,
        out_shape=jax.ShapeDtypeStruct((NP, D), jnp.float32),
    )(bexp, nblk, x_sorted, W1b, b1, W2b, b2)


def kernel(hidden_states, Wg, bg, W1, b1, W2, b2):
    x = hidden_states
    i1, i2, w0, w1, re, ro, cnt = _router(x, Wg, bg)

    counts = cnt.reshape(E)
    blocks_per_e = (counts + BM - 1) // BM
    block_end = jnp.cumsum(blocks_per_e)
    row_start = (block_end - blocks_per_e) * BM
    nblk = block_end[-1:].astype(jnp.int32)
    m_idx = jnp.arange(NB, dtype=jnp.int32)
    bexp = jnp.minimum(
        jnp.sum((m_idx[:, None] >= block_end[None, :]).astype(jnp.int32), 1),
        E - 1,
    )

    eye = jnp.arange(E, dtype=jnp.int32)[None, :]
    rs1 = jnp.sum(jnp.where(i1 == eye, row_start[None, :], 0), axis=1)
    rs2 = jnp.sum(jnp.where(i2 == eye, row_start[None, :], 0), axis=1)
    de = (rs1 + re[:, 0]).reshape(NW, TPW)
    do = (rs2 + ro[:, 0]).reshape(NW, TPW)

    x_sorted = _dispatch(x, de, do)

    y = _gmm(x_sorted, W1.astype(jnp.bfloat16), b1.reshape(E, 1, 2 * I),
             W2.astype(jnp.bfloat16), b2.reshape(E, 1, D), bexp, nblk)

    return _cgather(y, de, do, w0.reshape(NW, TPW, 16),
                    w1.reshape(NW, TPW, 16))

# --- scband reference (transcript-rebuilt; emitter-appended) ---
"""Pipeline reference for scband-gptossmo-elayer-77704548319529 (READ-ONLY COPY).

The authoritative reference and input builder live on the scoring server;
editing this copy changes nothing except your own understanding.
"""

import jax, jax.numpy as jnp
import numpy as np

T, D, I, E, TOP_K = 2048, 1024, 1024, 8, 2
SWIGLU_LIMIT = 7.0
SWIGLU_ALPHA = 1.702


def setup_inputs(seed: int = 0) -> dict:
    key = jax.random.key(seed)
    ks = jax.random.split(key, 7)
    hidden_states = jax.random.normal(ks[0], (T, D), dtype=jnp.float32)
    Wg = jax.random.normal(ks[1], (E, D), dtype=jnp.float32) * (1.0 / np.sqrt(D))
    bg = jax.random.normal(ks[2], (E,), dtype=jnp.float32) * 0.01
    W1 = jax.random.normal(ks[3], (E, D, 2 * I), dtype=jnp.float32) * (1.0 / np.sqrt(D))
    b1 = jax.random.normal(ks[4], (E, 2 * I), dtype=jnp.float32) * 0.01
    W2 = jax.random.normal(ks[5], (E, I, D), dtype=jnp.float32) * (1.0 / np.sqrt(I))
    b2 = jax.random.normal(ks[6], (E, D), dtype=jnp.float32) * 0.01
    return {"hidden_states": hidden_states, "Wg": Wg, "bg": bg, "W1": W1, "b1": b1, "W2": W2, "b2": b2}


def reference(hidden_states, Wg, bg, W1, b1, W2, b2):
    # router gate (RowParallelLinear with bias)
    router_logits = hidden_states @ Wg.T + bg  # [T, E]
    # top-k selection with renormalize=True (softmax over selected logits)
    topk_vals, topk_idx = jax.lax.top_k(router_logits, TOP_K)  # [T, k]
    topk_w = jax.nn.softmax(topk_vals, axis=-1)  # renormalized weights
    combine = jnp.zeros((hidden_states.shape[0], E), dtype=hidden_states.dtype)
    combine = combine.at[jnp.arange(hidden_states.shape[0])[:, None], topk_idx].set(topk_w)  # [T, E]
    # expert MLPs with GPT-OSS clamped swiglu
    h1 = jnp.einsum('td,edf->tef', hidden_states, W1) + b1[None]  # [T, E, 2I]
    gate, up = jnp.split(h1, 2, axis=-1)
    gate = jnp.minimum(gate, SWIGLU_LIMIT)
    up = jnp.clip(up, -SWIGLU_LIMIT, SWIGLU_LIMIT)
    act = gate * jax.nn.sigmoid(SWIGLU_ALPHA * gate) * (up + 1.0)  # [T, E, I]
    expert_out = jnp.einsum('tef,efd->ted', act, W2) + b2[None]  # [T, E, D]
    # weighted combine (reduce_results=True)
    output = jnp.einsum('ted,te->td', expert_out, combine)  # [T, D]
    return output

if __name__ == "__main__":
    import jax
    _d = setup_inputs()
    print(jax.jit(kernel)(*tuple(_d.values())))

</pallas_src>

<mosaic_0001>
#map = affine_map<(d0, d1) -> (0, 0)>
module attributes {stable_mosaic.version = 14 : i64} {
  func.func @_dispatch_body(%arg0: i32, %arg1: i32, %arg2: memref<2048x1024xf32, #tpu.memory_space<hbm>>, %arg3: memref<32x64xi32, #tpu.memory_space<hbm>>, %arg4: memref<32x64xi32, #tpu.memory_space<hbm>>, %arg5: memref<8192x1024xf32, #tpu.memory_space<hbm>>, %arg6: memref<64x1024xf32, #tpu.memory_space<vmem>>, %arg7: memref<64xi32, #tpu.memory_space<vmem>>, %arg8: memref<64xi32, #tpu.memory_space<vmem>>, %arg9: memref<!tpu.dma_semaphore, #tpu.memory_space<semaphore_mem>>, %arg10: memref<!tpu.dma_semaphore, #tpu.memory_space<semaphore_mem>>) attributes {dimension_semantics = [#tpu.dimension_semantics<core_parallel>, #tpu.dimension_semantics<subcore_parallel>], iteration_bounds = array<i64: 2, 16>, scalar_prefetch = 0 : i64, scratch_operands = 5 : i64, tpu.core_type = #tpu.core_type<sc_vector_subcore>, window_params = [{transform_indices = #map}, {transform_indices = #map}, {transform_indices = #map}, {transform_indices = #map}]} {
    %mul3A = arith.constant 2 : i32
    %mul3A_0 = arith.muli %arg1, %mul3A : i32
    %add3A = arith.addi %mul3A_0, %arg0 : i32
    %mul3A_1 = arith.constant 64 : i32
    %mul3A_2 = arith.muli %add3A, %mul3A_1 : i32
    "tpu.region"() ({
      %run_scoped3A = tpu.sem_alloc : memref<!tpu.dma_semaphore, #tpu.memory_space<semaphore_mem>>
      %dma_start3A_13 = arith.constant 0 : i32
      %dma_start3A_14 = tpu.memref_slice %arg3[%add3A, %dma_start3A_13] : memref<32x64xi32, #tpu.memory_space<hbm>> -> memref<1x64xi32, #tpu.memory_space<hbm>>
      %dma_start3A_15 = tpu.memref_squeeze %dma_start3A_14 : memref<1x64xi32, #tpu.memory_space<hbm>> -> memref<64xi32, #tpu.memory_space<hbm>>
      %dma_start3A_16 = arith.constant 0 : i32
      %dma_start3A_17 = tpu.memref_slice %arg3[%add3A, %dma_start3A_16] : memref<32x64xi32, #tpu.memory_space<hbm>> -> memref<1x64xi32, #tpu.memory_space<hbm>>
      %dma_start3A_18 = tpu.memref_squeeze %dma_start3A_17 : memref<1x64xi32, #tpu.memory_space<hbm>> -> memref<64xi32, #tpu.memory_space<hbm>>
      tpu.enqueue_dma source(%dma_start3A_18 : memref<64xi32, #tpu.memory_space<hbm>>) target(%arg7 : memref<64xi32, #tpu.memory_space<vmem>>) target_semaphore(%run_scoped3A : memref<!tpu.dma_semaphore, #tpu.memory_space<semaphore_mem>>)
      %dma_wait3A_19 = arith.constant 0 : i32
      %dma_wait3A_20 = tpu.memref_slice %arg3[%add3A, %dma_wait3A_19] : memref<32x64xi32, #tpu.memory_space<hbm>> -> memref<1x64xi32, #tpu.memory_space<hbm>>
      %dma_wait3A_21 = tpu.memref_squeeze %dma_wait3A_20 : memref<1x64xi32, #tpu.memory_space<hbm>> -> memref<64xi32, #tpu.memory_space<hbm>>
      %dma_wait3A_22 = arith.constant 0 : i32
      %dma_wait3A_23 = tpu.memref_slice %arg3[%add3A, %dma_wait3A_22] : memref<32x64xi32, #tpu.memory_space<hbm>> -> memref<1x64xi32, #tpu.memory_space<hbm>>
      %dma_wait3A_24 = tpu.memref_squeeze %dma_wait3A_23 : memref<1x64xi32, #tpu.memory_space<hbm>> -> memref<64xi32, #tpu.memory_space<hbm>>
      tpu.wait_dma2 semaphore(%run_scoped3A : memref<!tpu.dma_semaphore, #tpu.memory_space<semaphore_mem>>) src(%dma_wait3A_24 : memref<64xi32, #tpu.memory_space<hbm>>) dst(%arg7 : memref<64xi32, #tpu.memory_space<vmem>>)
      tpu.yield
    }) : () -> ()
    "tpu.region"() ({
      %run_scoped3A = tpu.sem_alloc : memref<!tpu.dma_semaphore, #tpu.memory_space<semaphore_mem>>
      %dma_start3A_13 = arith.constant 0 : i32
      %dma_start3A_14 = tpu.memref_slice %arg4[%add3A, %dma_start3A_13] : memref<32x64xi32, #tpu.memory_space<hbm>> -> memref<1x64xi32, #tpu.memory_space<hbm>>
      %dma_start3A_15 = tpu.memref_squeeze %dma_start3A_14 : memref<1x64xi32, #tpu.memory_space<hbm>> -> memref<64xi32, #tpu.memory_space<hbm>>
      %dma_start3A_16 = arith.constant 0 : i32
      %dma_start3A_17 = tpu.memref_slice %arg4[%add3A, %dma_start3A_16] : memref<32x64xi32, #tpu.memory_space<hbm>> -> memref<1x64xi32, #tpu.memory_space<hbm>>
      %dma_start3A_18 = tpu.memref_squeeze %dma_start3A_17 : memref<1x64xi32, #tpu.memory_space<hbm>> -> memref<64xi32, #tpu.memory_space<hbm>>
      tpu.enqueue_dma source(%dma_start3A_18 : memref<64xi32, #tpu.memory_space<hbm>>) target(%arg8 : memref<64xi32, #tpu.memory_space<vmem>>) target_semaphore(%run_scoped3A : memref<!tpu.dma_semaphore, #tpu.memory_space<semaphore_mem>>)
      %dma_wait3A_19 = arith.constant 0 : i32
      %dma_wait3A_20 = tpu.memref_slice %arg4[%add3A, %dma_wait3A_19] : memref<32x64xi32, #tpu.memory_space<hbm>> -> memref<1x64xi32, #tpu.memory_space<hbm>>
      %dma_wait3A_21 = tpu.memref_squeeze %dma_wait3A_20 : memref<1x64xi32, #tpu.memory_space<hbm>> -> memref<64xi32, #tpu.memory_space<hbm>>
      %dma_wait3A_22 = arith.constant 0 : i32
      %dma_wait3A_23 = tpu.memref_slice %arg4[%add3A, %dma_wait3A_22] : memref<32x64xi32, #tpu.memory_space<hbm>> -> memref<1x64xi32, #tpu.memory_space<hbm>>
      %dma_wait3A_24 = tpu.memref_squeeze %dma_wait3A_23 : memref<1x64xi32, #tpu.memory_space<hbm>> -> memref<64xi32, #tpu.memory_space<hbm>>
      tpu.wait_dma2 semaphore(%run_scoped3A : memref<!tpu.dma_semaphore, #tpu.memory_space<semaphore_mem>>) src(%dma_wait3A_24 : memref<64xi32, #tpu.memory_space<hbm>>) dst(%arg8 : memref<64xi32, #tpu.memory_space<vmem>>)
      tpu.yield
    }) : () -> ()
    "tpu.region"() ({
      %run_scoped3A = tpu.sem_alloc : memref<!tpu.dma_semaphore, #tpu.memory_space<semaphore_mem>>
      %dma_start3A_13 = arith.constant 0 : i32
      %dma_start3A_14 = tpu.memref_slice %arg2[%mul3A_2, %dma_start3A_13] : memref<2048x1024xf32, #tpu.memory_space<hbm>> -> memref<64x1024xf32, #tpu.memory_space<hbm>>
      %dma_start3A_15 = arith.constant 0 : i32
      %dma_start3A_16 = tpu.memref_slice %arg2[%mul3A_2, %dma_start3A_15] : memref<2048x1024xf32, #tpu.memory_space<hbm>> -> memref<64x1024xf32, #tpu.memory_space<hbm>>
      tpu.enqueue_dma source(%dma_start3A_16 : memref<64x1024xf32, #tpu.memory_space<hbm>>) target(%arg6 : memref<64x1024xf32, #tpu.memory_space<vmem>>) target_semaphore(%run_scoped3A : memref<!tpu.dma_semaphore, #tpu.memory_space<semaphore_mem>>)
      %dma_wait3A_17 = arith.constant 0 : i32
      %dma_wait3A_18 = tpu.memref_slice %arg2[%mul3A_2, %dma_wait3A_17] : memref<2048x1024xf32, #tpu.memory_space<hbm>> -> memref<64x1024xf32, #tpu.memory_space<hbm>>
      %dma_wait3A_19 = arith.constant 0 : i32
      %dma_wait3A_20 = tpu.memref_slice %arg2[%mul3A_2, %dma_wait3A_19] : memref<2048x1024xf32, #tpu.memory_space<hbm>> -> memref<64x1024xf32, #tpu.memory_space<hbm>>
      tpu.wait_dma2 semaphore(%run_scoped3A : memref<!tpu.dma_semaphore, #tpu.memory_space<semaphore_mem>>) src(%dma_wait3A_20 : memref<64x1024xf32, #tpu.memory_space<hbm>>) dst(%arg6 : memref<64x1024xf32, #tpu.memory_space<vmem>>)
      tpu.yield
    }) : () -> ()
    %dma_start3A = arith.constant 0 : i32
    %dma_start3A_3 = arith.constant 0 : i32
    %dma_start3A_4 = tpu.memref_slice %arg5[%dma_start3A, %dma_start3A_3] : memref<8192x1024xf32, #tpu.memory_space<hbm>> -> memref<8192x1024xf32, #tpu.memory_space<hbm>>
    tpu.enqueue_indirect_dma source(%arg6 : memref<64x1024xf32, #tpu.memory_space<vmem>>) target(%dma_start3A_4 : memref<8192x1024xf32, #tpu.memory_space<hbm>>) offsets(%arg7 : memref<64xi32, #tpu.memory_space<vmem>>) semaphore(%arg9 : memref<!tpu.dma_semaphore, #tpu.memory_space<semaphore_mem>>)
    %dma_start3A_5 = arith.constant 0 : i32
    %dma_start3A_6 = arith.constant 0 : i32
    %dma_start3A_7 = tpu.memref_slice %arg5[%dma_start3A_5, %dma_start3A_6] : memref<8192x1024xf32, #tpu.memory_space<hbm>> -> memref<8192x1024xf32, #tpu.memory_space<hbm>>
    tpu.enqueue_indirect_dma source(%arg6 : memref<64x1024xf32, #tpu.memory_space<vmem>>) target(%dma_start3A_7 : memref<8192x1024xf32, #tpu.memory_space<hbm>>) offsets(%arg8 : memref<64xi32, #tpu.memory_space<vmem>>) semaphore(%arg10 : memref<!tpu.dma_semaphore, #tpu.memory_space<semaphore_mem>>)
    %dma_wait3A = arith.constant 0 : i32
    %dma_wait3A_8 = arith.constant 0 : i32
    %dma_wait3A_9 = tpu.memref_slice %arg5[%dma_wait3A, %dma_wait3A_8] : memref<8192x1024xf32, #tpu.memory_space<hbm>> -> memref<8192x1024xf32, #tpu.memory_space<hbm>>
    tpu.wait_indirect_dma semaphore(%arg9 : memref<!tpu.dma_semaphore, #tpu.memory_space<semaphore_mem>>) src(%arg6 : memref<64x1024xf32, #tpu.memory_space<vmem>>) dst(%dma_wait3A_9 : memref<8192x1024xf32, #tpu.memory_space<hbm>>)
    %dma_wait3A_10 = arith.constant 0 : i32
    %dma_wait3A_11 = arith.constant 0 : i32
    %dma_wait3A_12 = tpu.memref_slice %arg5[%dma_wait3A_10, %dma_wait3A_11] : memref<8192x1024xf32, #tpu.memory_space<hbm>> -> memref<8192x1024xf32, #tpu.memory_space<hbm>>
    tpu.wait_indirect_dma semaphore(%arg10 : memref<!tpu.dma_semaphore, #tpu.memory_space<semaphore_mem>>) src(%arg6 : memref<64x1024xf32, #tpu.memory_space<vmem>>) dst(%dma_wait3A_12 : memref<8192x1024xf32, #tpu.memory_space<hbm>>)
    return
  }
}

#map = affine_map<(d0, d1) -> (0, 0)>
#map1 = affine_map<(d0, d1) -> (0, 0, 0)>
module attributes {stable_mosaic.version = 14 : i64} {
  func.func @_cgather_body(%arg0: i32, %arg1: i32, %arg2: memref<8192x1024xf32, #tpu.memory_space<hbm>>, %arg3: memref<32x64xi32, #tpu.memory_space<hbm>>, %arg4: memref<32x64xi32, #tpu.memory_space<hbm>>, %arg5: memref<32x64x16xf32, #tpu.memory_space<hbm>>, %arg6: memref<32x64x16xf32, #tpu.memory_space<hbm>>, %arg7: memref<2048x1024xf32, #tpu.memory_space<hbm>>, %arg8: memref<32x1024xf32, #tpu.memory_space<vmem>>, %arg9: memref<32x1024xf32, #tpu.memory_space<vmem>>, %arg10: memref<32xi32, #tpu.memory_space<vmem>>, %arg11: memref<32xi32, #tpu.memory_space<vmem>>, %arg12: memref<64x16xf32, #tpu.memory_space<vmem>>, %arg13: memref<64x16xf32, #tpu.memory_space<vmem>>, %arg14: memref<!tpu.dma_semaphore, #tpu.memory_space<semaphore_mem>>, %arg15: memref<!tpu.dma_semaphore, #tpu.memory_space<semaphore_mem>>) attributes {dimension_semantics = [#tpu.dimension_semantics<core_parallel>, #tpu.dimension_semantics<subcore_parallel>], iteration_bounds = array<i64: 2, 16>, scalar_prefetch = 0 : i64, scratch_operands = 8 : i64, tpu.core_type = #tpu.core_type<sc_vector_subcore>, window_params = [{transform_indices = #map}, {transform_indices = #map}, {transform_indices = #map}, {transform_indices = #map1}, {transform_indices = #map1}, {transform_indices = #map}]} {
    %mul3A = arith.constant 2 : i32
    %mul3A_0 = arith.muli %arg1, %mul3A : i32
    %add3A = arith.addi %mul3A_0, %arg0 : i32
    %mul3A_1 = arith.constant 64 : i32
    %mul3A_2 = arith.muli %add3A, %mul3A_1 : i32
    "tpu.region"() ({
      %run_scoped3A = tpu.sem_alloc : memref<!tpu.dma_semaphore, #tpu.memory_space<semaphore_mem>>
      %dma_start3A_40 = arith.constant 0 : i32
      %dma_start3A_41 = arith.constant 0 : i32
      %dma_start3A_42 = tpu.memref_slice %arg5[%add3A, %dma_start3A_40, %dma_start3A_41] : memref<32x64x16xf32, #tpu.memory_space<hbm>> -> memref<1x64x16xf32, #tpu.memory_space<hbm>>
      %dma_start3A_43 = tpu.memref_squeeze %dma_start3A_42 : memref<1x64x16xf32, #tpu.memory_space<hbm>> -> memref<64x16xf32, #tpu.memory_space<hbm>>
      %dma_start3A_44 = arith.constant 0 : i32
      %dma_start3A_45 = arith.constant 0 : i32
      %dma_start3A_46 = tpu.memref_slice %arg5[%add3A, %dma_start3A_44, %dma_start3A_45] : memref<32x64x16xf32, #tpu.memory_space<hbm>> -> memref<1x64x16xf32, #tpu.memory_space<hbm>>
      %dma_start3A_47 = tpu.memref_squeeze %dma_start3A_46 : memref<1x64x16xf32, #tpu.memory_space<hbm>> -> memref<64x16xf32, #tpu.memory_space<hbm>>
      tpu.enqueue_dma source(%dma_start3A_47 : memref<64x16xf32, #tpu.memory_space<hbm>>) target(%arg12 : memref<64x16xf32, #tpu.memory_space<vmem>>) target_semaphore(%run_scoped3A : memref<!tpu.dma_semaphore, #tpu.memory_space<semaphore_mem>>)
      %dma_wait3A_48 = arith.constant 0 : i32
      %dma_wait3A_49 = arith.constant 0 : i32
      %dma_wait3A_50 = tpu.memref_slice %arg5[%add3A, %dma_wait3A_48, %dma_wait3A_49] : memref<32x64x16xf32, #tpu.memory_space<hbm>> -> memref<1x64x16xf32, #tpu.memory_space<hbm>>
      %dma_wait3A_51 = tpu.memref_squeeze %dma_wait3A_50 : memref<1x64x16xf32, #tpu.memory_space<hbm>> -> memref<64x16xf32, #tpu.memory_space<hbm>>
      %dma_wait3A_52 = arith.constant 0 : i32
      %dma_wait3A_53 = arith.constant 0 : i32
      %dma_wait3A_54 = tpu.memref_slice %arg5[%add3A, %dma_wait3A_52, %dma_wait3A_53] : memref<32x64x16xf32, #tpu.memory_space<hbm>> -> memref<1x64x16xf32, #tpu.memory_space<hbm>>
      %dma_wait3A_55 = tpu.memref_squeeze %dma_wait3A_54 : memref<1x64x16xf32, #tpu.memory_space<hbm>> -> memref<64x16xf32, #tpu.memory_space<hbm>>
      tpu.wait_dma2 semaphore(%run_scoped3A : memref<!tpu.dma_semaphore, #tpu.memory_space<semaphore_mem>>) src(%dma_wait3A_55 : memref<64x16xf32, #tpu.memory_space<hbm>>) dst(%arg12 : memref<64x16xf32, #tpu.memory_space<vmem>>)
      tpu.yield
    }) : () -> ()
    "tpu.region"() ({
      %run_scoped3A = tpu.sem_alloc : memref<!tpu.dma_semaphore, #tpu.memory_space<semaphore_mem>>
      %dma_start3A_40 = arith.constant 0 : i32
      %dma_start3A_41 = arith.constant 0 : i32
      %dma_start3A_42 = tpu.memref_slice %arg6[%add3A, %dma_start3A_40, %dma_start3A_41] : memref<32x64x16xf32, #tpu.memory_space<hbm>> -> memref<1x64x16xf32, #tpu.memory_space<hbm>>
      %dma_start3A_43 = tpu.memref_squeeze %dma_start3A_42 : memref<1x64x16xf32, #tpu.memory_space<hbm>> -> memref<64x16xf32, #tpu.memory_space<hbm>>
      %dma_start3A_44 = arith.constant 0 : i32
      %dma_start3A_45 = arith.constant 0 : i32
      %dma_start3A_46 = tpu.memref_slice %arg6[%add3A, %dma_start3A_44, %dma_start3A_45] : memref<32x64x16xf32, #tpu.memory_space<hbm>> -> memref<1x64x16xf32, #tpu.memory_space<hbm>>
      %dma_start3A_47 = tpu.memref_squeeze %dma_start3A_46 : memref<1x64x16xf32, #tpu.memory_space<hbm>> -> memref<64x16xf32, #tpu.memory_space<hbm>>
      tpu.enqueue_dma source(%dma_start3A_47 : memref<64x16xf32, #tpu.memory_space<hbm>>) target(%arg13 : memref<64x16xf32, #tpu.memory_space<vmem>>) target_semaphore(%run_scoped3A : memref<!tpu.dma_semaphore, #tpu.memory_space<semaphore_mem>>)
      %dma_wait3A_48 = arith.constant 0 : i32
      %dma_wait3A_49 = arith.constant 0 : i32
      %dma_wait3A_50 = tpu.memref_slice %arg6[%add3A, %dma_wait3A_48, %dma_wait3A_49] : memref<32x64x16xf32, #tpu.memory_space<hbm>> -> memref<1x64x16xf32, #tpu.memory_space<hbm>>
      %dma_wait3A_51 = tpu.memref_squeeze %dma_wait3A_50 : memref<1x64x16xf32, #tpu.memory_space<hbm>> -> memref<64x16xf32, #tpu.memory_space<hbm>>
      %dma_wait3A_52 = arith.constant 0 : i32
      %dma_wait3A_53 = arith.constant 0 : i32
      %dma_wait3A_54 = tpu.memref_slice %arg6[%add3A, %dma_wait3A_52, %dma_wait3A_53] : memref<32x64x16xf32, #tpu.memory_space<hbm>> -> memref<1x64x16xf32, #tpu.memory_space<hbm>>
      %dma_wait3A_55 = tpu.memref_squeeze %dma_wait3A_54 : memref<1x64x16xf32, #tpu.memory_space<hbm>> -> memref<64x16xf32, #tpu.memory_space<hbm>>
      tpu.wait_dma2 semaphore(%run_scoped3A : memref<!tpu.dma_semaphore, #tpu.memory_space<semaphore_mem>>) src(%dma_wait3A_55 : memref<64x16xf32, #tpu.memory_space<hbm>>) dst(%arg13 : memref<64x16xf32, #tpu.memory_space<vmem>>)
      tpu.yield
    }) : () -> ()
    "tpu.region"() ({
      %run_scoped3A = tpu.sem_alloc : memref<!tpu.dma_semaphore, #tpu.memory_space<semaphore_mem>>
      %dma_start3A_40 = arith.constant 0 : i32
      %dma_start3A_41 = tpu.memref_slice %arg3[%add3A, %dma_start3A_40] : memref<32x64xi32, #tpu.memory_space<hbm>> -> memref<1x32xi32, #tpu.memory_space<hbm>>
      %dma_start3A_42 = tpu.memref_squeeze %dma_start3A_41 : memref<1x32xi32, #tpu.memory_space<hbm>> -> memref<32xi32, #tpu.memory_space<hbm>>
      %dma_start3A_43 = arith.constant 0 : i32
      %dma_start3A_44 = tpu.memref_slice %arg3[%add3A, %dma_start3A_43] : memref<32x64xi32, #tpu.memory_space<hbm>> -> memref<1x32xi32, #tpu.memory_space<hbm>>
      %dma_start3A_45 = tpu.memref_squeeze %dma_start3A_44 : memref<1x32xi32, #tpu.memory_space<hbm>> -> memref<32xi32, #tpu.memory_space<hbm>>
      tpu.enqueue_dma source(%dma_start3A_45 : memref<32xi32, #tpu.memory_space<hbm>>) target(%arg10 : memref<32xi32, #tpu.memory_space<vmem>>) target_semaphore(%run_scoped3A : memref<!tpu.dma_semaphore, #tpu.memory_space<semaphore_mem>>)
      %dma_wait3A_46 = arith.constant 0 : i32
      %dma_wait3A_47 = tpu.memref_slice %arg3[%add3A, %dma_wait3A_46] : memref<32x64xi32, #tpu.memory_space<hbm>> -> memref<1x32xi32, #tpu.memory_space<hbm>>
      %dma_wait3A_48 = tpu.memref_squeeze %dma_wait3A_47 : memref<1x32xi32, #tpu.memory_space<hbm>> -> memref<32xi32, #tpu.memory_space<hbm>>
      %dma_wait3A_49 = arith.constant 0 : i32
      %dma_wait3A_50 = tpu.memref_slice %arg3[%add3A, %dma_wait3A_49] : memref<32x64xi32, #tpu.memory_space<hbm>> -> memref<1x32xi32, #tpu.memory_space<hbm>>
      %dma_wait3A_51 = tpu.memref_squeeze %dma_wait3A_50 : memref<1x32xi32, #tpu.memory_space<hbm>> -> memref<32xi32, #tpu.memory_space<hbm>>
      tpu.wait_dma2 semaphore(%run_scoped3A : memref<!tpu.dma_semaphore, #tpu.memory_space<semaphore_mem>>) src(%dma_wait3A_51 : memref<32xi32, #tpu.memory_space<hbm>>) dst(%arg10 : memref<32xi32, #tpu.memory_space<vmem>>)
      tpu.yield
    }) : () -> ()
    "tpu.region"() ({
      %run_scoped3A = tpu.sem_alloc : memref<!tpu.dma_semaphore, #tpu.memory_space<semaphore_mem>>
      %dma_start3A_40 = arith.constant 0 : i32
      %dma_start3A_41 = tpu.memref_slice %arg4[%add3A, %dma_start3A_40] : memref<32x64xi32, #tpu.memory_space<hbm>> -> memref<1x32xi32, #tpu.memory_space<hbm>>
      %dma_start3A_42 = tpu.memref_squeeze %dma_start3A_41 : memref<1x32xi32, #tpu.memory_space<hbm>> -> memref<32xi32, #tpu.memory_space<hbm>>
      %dma_start3A_43 = arith.constant 0 : i32
      %dma_start3A_44 = tpu.memref_slice %arg4[%add3A, %dma_start3A_43] : memref<32x64xi32, #tpu.memory_space<hbm>> -> memref<1x32xi32, #tpu.memory_space<hbm>>
      %dma_start3A_45 = tpu.memref_squeeze %dma_start3A_44 : memref<1x32xi32, #tpu.memory_space<hbm>> -> memref<32xi32, #tpu.memory_space<hbm>>
      tpu.enqueue_dma source(%dma_start3A_45 : memref<32xi32, #tpu.memory_space<hbm>>) target(%arg11 : memref<32xi32, #tpu.memory_space<vmem>>) target_semaphore(%run_scoped3A : memref<!tpu.dma_semaphore, #tpu.memory_space<semaphore_mem>>)
      %dma_wait3A_46 = arith.constant 0 : i32
      %dma_wait3A_47 = tpu.memref_slice %arg4[%add3A, %dma_wait3A_46] : memref<32x64xi32, #tpu.memory_space<hbm>> -> memref<1x32xi32, #tpu.memory_space<hbm>>
      %dma_wait3A_48 = tpu.memref_squeeze %dma_wait3A_47 : memref<1x32xi32, #tpu.memory_space<hbm>> -> memref<32xi32, #tpu.memory_space<hbm>>
      %dma_wait3A_49 = arith.constant 0 : i32
      %dma_wait3A_50 = tpu.memref_slice %arg4[%add3A, %dma_wait3A_49] : memref<32x64xi32, #tpu.memory_space<hbm>> -> memref<1x32xi32, #tpu.memory_space<hbm>>
      %dma_wait3A_51 = tpu.memref_squeeze %dma_wait3A_50 : memref<1x32xi32, #tpu.memory_space<hbm>> -> memref<32xi32, #tpu.memory_space<hbm>>
      tpu.wait_dma2 semaphore(%run_scoped3A : memref<!tpu.dma_semaphore, #tpu.memory_space<semaphore_mem>>) src(%dma_wait3A_51 : memref<32xi32, #tpu.memory_space<hbm>>) dst(%arg11 : memref<32xi32, #tpu.memory_space<vmem>>)
      tpu.yield
    }) : () -> ()
    %dma_start3A = arith.constant 0 : i32
    %dma_start3A_3 = arith.constant 0 : i32
    %dma_start3A_4 = tpu.memref_slice %arg2[%dma_start3A, %dma_start3A_3] : memref<8192x1024xf32, #tpu.memory_space<hbm>> -> memref<8192x1024xf32, #tpu.memory_space<hbm>>
    tpu.enqueue_indirect_dma source(%dma_start3A_4 : memref<8192x1024xf32, #tpu.memory_space<hbm>>) target(%arg8 : memref<32x1024xf32, #tpu.memory_space<vmem>>) offsets(%arg10 : memref<32xi32, #tpu.memory_space<vmem>>) semaphore(%arg14 : memref<!tpu.dma_semaphore, #tpu.memory_space<semaphore_mem>>)
    %dma_start3A_5 = arith.constant 0 : i32
    %dma_start3A_6 = arith.constant 0 : i32
    %dma_start3A_7 = tpu.memref_slice %arg2[%dma_start3A_5, %dma_start3A_6] : memref<8192x1024xf32, #tpu.memory_space<hbm>> -> memref<8192x1024xf32, #tpu.memory_space<hbm>>
    tpu.enqueue_indirect_dma source(%dma_start3A_7 : memref<8192x1024xf32, #tpu.memory_space<hbm>>) target(%arg9 : memref<32x1024xf32, #tpu.memory_space<vmem>>) offsets(%arg11 : memref<32xi32, #tpu.memory_space<vmem>>) semaphore(%arg15 : memref<!tpu.dma_semaphore, #tpu.memory_space<semaphore_mem>>)
    %dma_wait3A = arith.constant 0 : i32
    %dma_wait3A_8 = arith.constant 0 : i32
    %dma_wait3A_9 = tpu.memref_slice %arg2[%dma_wait3A, %dma_wait3A_8] : memref<8192x1024xf32, #tpu.memory_space<hbm>> -> memref<8192x1024xf32, #tpu.memory_space<hbm>>
    tpu.wait_indirect_dma semaphore(%arg14 : memref<!tpu.dma_semaphore, #tpu.memory_space<semaphore_mem>>) src(%dma_wait3A_9 : memref<8192x1024xf32, #tpu.memory_space<hbm>>) dst(%arg8 : memref<32x1024xf32, #tpu.memory_space<vmem>>)
    %dma_wait3A_10 = arith.constant 0 : i32
    %dma_wait3A_11 = arith.constant 0 : i32
    %dma_wait3A_12 = tpu.memref_slice %arg2[%dma_wait3A_10, %dma_wait3A_11] : memref<8192x1024xf32, #tpu.memory_space<hbm>> -> memref<8192x1024xf32, #tpu.memory_space<hbm>>
    tpu.wait_indirect_dma semaphore(%arg15 : memref<!tpu.dma_semaphore, #tpu.memory_space<semaphore_mem>>) src(%dma_wait3A_12 : memref<8192x1024xf32, #tpu.memory_space<hbm>>) dst(%arg9 : memref<32x1024xf32, #tpu.memory_space<vmem>>)
    %scan3A = arith.constant 0 : i32
    %scan3A_13 = arith.constant 0 : i32
    %scan3A_14 = arith.constant 32 : i32
    %scan3A_15 = arith.addi %scan3A_13, %scan3A_14 : i32
    %scan3A_16 = arith.constant 1 : i32
    scf.for %scan3A_40 = %scan3A_13 to %scan3A_15 step %scan3A_16  : i32 {
      %add3A_41 = arith.constant 0 : i32
      %add3A_42 = arith.addi %add3A_41, %scan3A_40 : i32
      %get3A = arith.index_cast %add3A_42 : i32 to index
      %get3A_43 = arith.constant 0 : index
      %get3A_44 = tpu.vector_load %arg12[%get3A, %get3A_43] {strides = array<i32>} : memref<64x16xf32, #tpu.memory_space<vmem>>, vector<1x16xf32>,
      %get3A_45 = vector.shape_cast %get3A_44 : vector<1x16xf32> to vector<16xf32>
      %get3A_46 = arith.index_cast %add3A_42 : i32 to index
      %get3A_47 = arith.constant 0 : index
      %get3A_48 = tpu.vector_load %arg13[%get3A_46, %get3A_47] {strides = array<i32>} : memref<64x16xf32, #tpu.memory_space<vmem>>, vector<1x16xf32>,
      %get3A_49 = vector.shape_cast %get3A_48 : vector<1x16xf32> to vector<16xf32>
      %get3A_50 = arith.index_cast %scan3A_40 : i32 to index
      %get3A_51 = arith.constant 0 : index
      %get3A_52 = tpu.vector_load %arg8[%get3A_50, %get3A_51] {strides = array<i32>} : memref<32x1024xf32, #tpu.memory_space<vmem>>, vector<1x16xf32>,
      %get3A_53 = vector.shape_cast %get3A_52 : vector<1x16xf32> to vector<16xf32>
      %mul3A_54 = arith.mulf %get3A_53, %get3A_45 : vector<16xf32>
      %get3A_55 = arith.index_cast %scan3A_40 : i32 to index
      %get3A_56 = arith.constant 0 : index
      %get3A_57 = tpu.vector_load %arg9[%get3A_55, %get3A_56] {strides = array<i32>} : memref<32x1024xf32, #tpu.memory_space<vmem>>, vector<1x16xf32>,
      %get3A_58 = vector.shape_cast %get3A_57 : vector<1x16xf32> to vector<16xf32>
      %mul3A_59 = arith.mulf %get3A_58, %get3A_49 : vector<16xf32>
      %add3A_60 = arith.addf %mul3A_54, %mul3A_59 : vector<16xf32>
      %swap3A = arith.index_cast %scan3A_40 : i32 to index
      %swap3A_61 = arith.constant 0 : index
      %swap3A_62 = tpu.vector_load %arg8[%swap3A, %swap3A_61] {strides = array<i32>} : memref<32x1024xf32, #tpu.memory_space<vmem>>, vector<1x16xf32>,
      %swap3A_63 = vector.shape_cast %swap3A_62 : vector<1x16xf32> to vector<16xf32>
      %swap3A_64 = vector.shape_cast %add3A_60 : vector<16xf32> to vector<1x16xf32>
      tpu.vector_store %arg8[%swap3A, %swap3A_61], %swap3A_64 {strides = array<i32>} : memref<32x1024xf32, #tpu.memory_space<vmem>>, vector<1x16xf32>,
      %get3A_65 = arith.index_cast %scan3A_40 : i32 to index
      %get3A_66 = arith.constant 16 : index
      %get3A_67 = tpu.vector_load %arg8[%get3A_65, %get3A_66] {strides = array<i32>} : memref<32x1024xf32, #tpu.memory_space<vmem>>, vector<1x16xf32>,
      %get3A_68 = vector.shape_cast %get3A_67 : vector<1x16xf32> to vector<16xf32>
      %mul3A_69 = arith.mulf %get3A_68, %get3A_45 : vector<16xf32>
      %get3A_70 = arith.index_cast %scan3A_40 : i32 to index
      %get3A_71 = arith.constant 16 : index
      %get3A_72 = tpu.vector_load %arg9[%get3A_70, %get3A_71] {strides = array<i32>} : memref<32x1024xf32, #tpu.memory_space<vmem>>, vector<1x16xf32>,
      %get3A_73 = vector.shape_cast %get3A_72 : vector<1x16xf32> to vector<16xf32>
      %mul3A_74 = arith.mulf %get3A_73, %get3A_49 : vector<16xf32>
      %add3A_75 = arith.addf %mul3A_69, %mul3A_74 : vector<16xf32>
      %swap3A_76 = arith.index_cast %scan3A_40 : i32 to index
      %swap3A_77 = arith.constant 16 : index
      %swap3A_78 = tpu.vector_load %arg8[%swap3A_76, %swap3A_77] {strides = array<i32>} : memref<32x1024xf32, #tpu.memory_space<vmem>>, vector<1x16xf32>,
      %swap3A_79 = vector.shape_cast %swap3A_78 : vector<1x16xf32> to vector<16xf32>
      %swap3A_80 = vector.shape_cast %add3A_75 : vector<16xf32> to vector<1x16xf32>
      tpu.vector_store %arg8[%swap3A_76, %swap3A_77], %swap3A_80 {strides = array<i32>} : memref<32x1024xf32, #tpu.memory_space<vmem>>, vector<1x16xf32>,
      %get3A_81 = arith.index_cast %scan3A_40 : i32 to index
      %get3A_82 = arith.constant 32 : index
      %get3A_83 = tpu.vector_load %arg8[%get3A_81, %get3A_82] {strides = array<i32>} : memref<32x1024xf32, #tpu.memory_space<vmem>>, vector<1x16xf32>,
      %get3A_84 = vector.shape_cast %get3A_83 : vector<1x16xf32> to vector<16xf32>
      %mul3A_85 = arith.mulf %get3A_84, %get3A_45 : vector<16xf32>
      %get3A_86 = arith.index_cast %scan3A_40 : i32 to index
      %get3A_87 = arith.constant 32 : index
      %get3A_88 = tpu.vector_load %arg9[%get3A_86, %get3A_87] {strides = array<i32>} : memref<32x1024xf32, #tpu.memory_space<vmem>>, vector<1x16xf32>,
      %get3A_89 = vector.shape_cast %get3A_88 : vector<1x16xf32> to vector<16xf32>
      %mul3A_90 = arith.mulf %get3A_89, %get3A_49 : vector<16xf32>
      %add3A_91 = arith.addf %mul3A_85, %mul3A_90 : vector<16xf32>
      %swap3A_92 = arith.index_cast %scan3A_40 : i32 to index
      %swap3A_93 = arith.constant 32 : index
      %swap3A_94 = tpu.vector_load %arg8[%swap3A_92, %swap3A_93] {strides = array<i32>} : memref<32x1024xf32, #tpu.memory_space<vmem>>, vector<1x16xf32>,
      %swap3A_95 = vector.shape_cast %swap3A_94 : vector<1x16xf32> to vector<16xf32>
      %swap3A_96 = vector.shape_cast %add3A_91 : vector<16xf32> to vector<1x16xf32>
      tpu.vector_store %arg8[%swap3A_92, %swap3A_93], %swap3A_96 {strides = array<i32>} : memref<32x1024xf32, #tpu.memory_space<vmem>>, vector<1x16xf32>,
      %get3A_97 = arith.index_cast %scan3A_40 : i32 to index
      %get3A_98 = arith.constant 48 : index
      %get3A_99 = tpu.vector_load %arg8[%get3A_97, %get3A_98] {strides = array<i32>} : memref<32x1024xf32, #tpu.memory_space<vmem>>, vector<1x16xf32>,
      %get3A_100 = vector.shape_cast %get3A_99 : vector<1x16xf32> to vector<16xf32>
      %mul3A_101 = arith.mulf %get3A_100, %get3A_45 : vector<16xf32>
      %get3A_102 = arith.index_cast %scan3A_40 : i32 to index
      %get3A_103 = arith.constant 48 : index
      %get3A_104 = tpu.vector_load %arg9[%get3A_102, %get3A_103] {strides = array<i32>} : memref<32x1024xf32, #tpu.memory_space<vmem>>, vector<1x16xf32>,
      %get3A_105 = vector.shape_cast %get3A_104 : vector<1x16xf32> to vector<16xf32>
      %mul3A_106 = arith.mulf %get3A_105, %get3A_49 : vector<16xf32>
      %add3A_107 = arith.addf %mul3A_101, %mul3A_106 : vector<16xf32>
      %swap3A_108 = arith.index_cast %scan3A_40 : i32 to index
      %swap3A_109 = arith.constant 48 : index
      %swap3A_110 = tpu.vector_load %arg8[%swap3A_108, %swap3A_109] {strides = array<i32>} : memref<32x1024xf32, #tpu.memory_space<vmem>>, vector<1x16xf32>,
      %swap3A_111 = vector.shape_cast %swap3A_110 : vector<1x16xf32> to vector<16xf32>
      %swap3A_112 = vector.shape_cast %add3A_107 : vector<16xf32> to vector<1x16xf32>
      tpu.vector_store %arg8[%swap3A_108, %swap3A_109], %swap3A_112 {strides = array<i32>} : memref<32x1024xf32, #tpu.memory_space<vmem>>, vector<1x16xf32>,
      %get3A_113 = arith.index_cast %scan3A_40 : i32 to index
      %get3A_114 = arith.constant 64 : index
      %get3A_115 = tpu.vector_load %arg8[%get3A_113, %get3A_114] {strides = array<i32>} : memref<32x1024xf32, #tpu.memory_space<vmem>>, vector<1x16xf32>,
      %get3A_116 = vector.shape_cast %get3A_115 : vector<1x16xf32> to vector<16xf32>
      %mul3A_117 = arith.mulf %get3A_116, %get3A_45 : vector<16xf32>
      %get3A_118 = arith.index_cast %scan3A_40 : i32 to index
      %get3A_119 = arith.constant 64 : index
      %get3A_120 = tpu.vector_load %arg9[%get3A_118, %get3A_119] {strides = array<i32>} : memref<32x1024xf32, #tpu.memory_space<vmem>>, vector<1x16xf32>,
      %get3A_121 = vector.shape_cast %get3A_120 : vector<1x16xf32> to vector<16xf32>
      %mul3A_122 = arith.mulf %get3A_121, %get3A_49 : vector<16xf32>
      %add3A_123 = arith.addf %mul3A_117, %mul3A_122 : vector<16xf32>
      %swap3A_124 = arith.index_cast %scan3A_40 : i32 to index
      %swap3A_125 = arith.constant 64 : index
      %swap3A_126 = tpu.vector_load %arg8[%swap3A_124, %swap3A_125] {strides = array<i32>} : memref<32x1024xf32, #tpu.memory_space<vmem>>, vector<1x16xf32>,
      %swap3A_127 = vector.shape_cast %swap3A_126 : vector<1x16xf32> to vector<16xf32>
      %swap3A_128 = vector.shape_cast %add3A_123 : vector<16xf32> to vector<1x16xf32>
      tpu.vector_store %arg8[%swap3A_124, %swap3A_125], %swap3A_128 {strides = array<i32>} : memref<32x1024xf32, #tpu.memory_space<vmem>>, vector<1x16xf32>,
      %get3A_129 = arith.index_cast %scan3A_40 : i32 to index
      %get3A_130 = arith.constant 80 : index
      %get3A_131 = tpu.vector_load %arg8[%get3A_129, %get3A_130] {strides = array<i32>} : memref<32x1024xf32, #tpu.memory_space<vmem>>, vector<1x16xf32>,
      %get3A_132 = vector.shape_cast %get3A_131 : vector<1x16xf32> to vector<16xf32>
      %mul3A_133 = arith.mulf %get3A_132, %get3A_45 : vector<16xf32>
      %get3A_134 = arith.index_cast %scan3A_40 : i32 to index
      %get3A_135 = arith.constant 80 : index
      %get3A_136 = tpu.vector_load %arg9[%get3A_134, %get3A_135] {strides = array<i32>} : memref<32x1024xf32, #tpu.memory_space<vmem>>, vector<1x16xf32>,
      %get3A_137 = vector.shape_cast %get3A_136 : vector<1x16xf32> to vector<16xf32>
      %mul3A_138 = arith.mulf %get3A_137, %get3A_49 : vector<16xf32>
      %add3A_139 = arith.addf %mul3A_133, %mul3A_138 : vector<16xf32>
      %swap3A_140 = arith.index_cast %scan3A_40 : i32 to index
      %swap3A_141 = arith.constant 80 : index
      %swap3A_142 = tpu.vector_load %arg8[%swap3A_140, %swap3A_141] {strides = array<i32>} : memref<32x1024xf32, #tpu.memory_space<vmem>>, vector<1x16xf32>,
      %swap3A_143 = vector.shape_cast %swap3A_142 : vector<1x16xf32> to vector<16xf32>
      %swap3A_144 = vector.shape_cast %add3A_139 : vector<16xf32> to vector<1x16xf32>
      tpu.vector_store %arg8[%swap3A_140, %swap3A_141], %swap3A_144 {strides = array<i32>} : memref<32x1024xf32, #tpu.memory_space<vmem>>, vector<1x16xf32>,
      %get3A_145 = arith.index_cast %scan3A_40 : i32 to index
      %get3A_146 = arith.constant 96 : index
      %get3A_147 = tpu.vector_load %arg8[%get3A_145, %get3A_146] {strides = array<i32>} : memref<32x1024xf32, #tpu.memory_space<vmem>>, vector<1x16xf32>,
      %get3A_148 = vector.shape_cast %get3A_147 : vector<1x16xf32> to vector<16xf32>
      %mul3A_149 = arith.mulf %get3A_148, %get3A_45 : vector<16xf32>
      %get3A_150 = arith.index_cast %scan3A_40 : i32 to index
      %get3A_151 = arith.constant 96 : index
      %get3A_152 = tpu.vector_load %arg9[%get3A_150, %get3A_151] {strides = array<i32>} : memref<32x1024xf32, #tpu.memory_space<vmem>>, vector<1x16xf32>,
      %get3A_153 = vector.shape_cast %get3A_152 : vector<1x16xf32> to vector<16xf32>
      %mul3A_154 = arith.mulf %get3A_153, %get3A_49 : vector<16xf32>
      %add3A_155 = arith.addf %mul3A_149, %mul3A_154 : vector<16xf32>
      %swap3A_156 = arith.index_cast %scan3A_40 : i32 to index
      %swap3A_157 = arith.constant 96 : index
      %swap3A_158 = tpu.vector_load %arg8[%swap3A_156, %swap3A_157] {strides = array<i32>} : memref<32x1024xf32, #tpu.memory_space<vmem>>, vector<1x16xf32>,
      %swap3A_159 = vector.shape_cast %swap3A_158 : vector<1x16xf32> to vector<16xf32>
      %swap3A_160 = vector.shape_cast %add3A_155 : vector<16xf32> to vector<1x16xf32>
      tpu.vector_store %arg8[%swap3A_156, %swap3A_157], %swap3A_160 {strides = array<i32>} : memref<32x1024xf32, #tpu.memory_space<vmem>>, vector<1x16xf32>,
      %get3A_161 = arith.index_cast %scan3A_40 : i32 to index
      %get3A_162 = arith.constant 112 : index
      %get3A_163 = tpu.vector_load %arg8[%get3A_161, %get3A_162] {strides = array<i32>} : memref<32x1024xf32, #tpu.memory_space<vmem>>, vector<1x16xf32>,
      %get3A_164 = vector.shape_cast %get3A_163 : vector<1x16xf32> to vector<16xf32>
      %mul3A_165 = arith.mulf %get3A_164, %get3A_45 : vector<16xf32>
      %get3A_166 = arith.index_cast %scan3A_40 : i32 to index
      %get3A_167 = arith.constant 112 : index
      %get3A_168 = tpu.vector_load %arg9[%get3A_166, %get3A_167] {strides = array<i32>} : memref<32x1024xf32, #tpu.memory_space<vmem>>, vector<1x16xf32>,
      %get3A_169 = vector.shape_cast %get3A_168 : vector<1x16xf32> to vector<16xf32>
      %mul3A_170 = arith.mulf %get3A_169, %get3A_49 : vector<16xf32>
      %add3A_171 = arith.addf %mul3A_165, %mul3A_170 : vector<16xf32>
      %swap3A_172 = arith.index_cast %scan3A_40 : i32 to index
      %swap3A_173 = arith.constant 112 : index
      %swap3A_174 = tpu.vector_load %arg8[%swap3A_172, %swap3A_173] {strides = array<i32>} : memref<32x1024xf32, #tpu.memory_space<vmem>>, vector<1x16xf32>,
      %swap3A_175 = vector.shape_cast %swap3A_174 : vector<1x16xf32> to vector<16xf32>
      %swap3A_176 = vector.shape_cast %add3A_171 : vector<16xf32> to vector<1x16xf32>
      tpu.vector_store %arg8[%swap3A_172, %swap3A_173], %swap3A_176 {strides = array<i32>} : memref<32x1024xf32, #tpu.memory_space<vmem>>, vector<1x16xf32>,
      %get3A_177 = arith.index_cast %scan3A_40 : i32 to index
      %get3A_178 = arith.constant 128 : index
      %get3A_179 = tpu.vector_load %arg8[%get3A_177, %get3A_178] {strides = array<i32>} : memref<32x1024xf32, #tpu.memory_space<vmem>>, vector<1x16xf32>,
      %get3A_180 = vector.shape_cast %get3A_179 : vector<1x16xf32> to vector<16xf32>
      %mul3A_181 = arith.mulf %get3A_180, %get3A_45 : vector<16xf32>
      %get3A_182 = arith.index_cast %scan3A_40 : i32 to index
      %get3A_183 = arith.constant 128 : index
      %get3A_184 = tpu.vector_load %arg9[%get3A_182, %get3A_183] {strides = array<i32>} : memref<32x1024xf32, #tpu.memory_space<vmem>>, vector<1x16xf32>,
      %get3A_185 = vector.shape_cast %get3A_184 : vector<1x16xf32> to vector<16xf32>
      %mul3A_186 = arith.mulf %get3A_185, %get3A_49 : vector<16xf32>
      %add3A_187 = arith.addf %mul3A_181, %mul3A_186 : vector<16xf32>
      %swap3A_188 = arith.index_cast %scan3A_40 : i32 to index
      %swap3A_189 = arith.constant 128 : index
      %swap3A_190 = tpu.vector_load %arg8[%swap3A_188, %swap3A_189] {strides = array<i32>} : memref<32x1024xf32, #tpu.memory_space<vmem>>, vector<1x16xf32>,
      %swap3A_191 = vector.shape_cast %swap3A_190 : vector<1x16xf32> to vector<16xf32>
      %swap3A_192 = vector.shape_cast %add3A_187 : vector<16xf32> to vector<1x16xf32>
      tpu.vector_store %arg8[%swap3A_188, %swap3A_189], %swap3A_192 {strides = array<i32>} : memref<32x1024xf32, #tpu.memory_space<vmem>>, vector<1x16xf32>,
      %get3A_193 = arith.index_cast %scan3A_40 : i32 to index
      %get3A_194 = arith.constant 144 : index
      %get3A_195 = tpu.vector_load %arg8[%get3A_193, %get3A_194] {strides = array<i32>} : memref<32x1024xf32, #tpu.memory_space<vmem>>, vector<1x16xf32>,
      %get3A_196 = vector.shape_cast %get3A_195 : vector<1x16xf32> to vector<16xf32>
      %mul3A_197 = arith.mulf %get3A_196, %get3A_45 : vector<16xf32>
      %get3A_198 = arith.index_cast %scan3A_40 : i32 to index
      %get3A_199 = arith.constant 144 : index
      %get3A_200 = tpu.vector_load %arg9[%get3A_198, %get3A_199] {strides = array<i32>} : memref<32x1024xf32, #tpu.memory_space<vmem>>, vector<1x16xf32>,
      %get3A_201 = vector.shape_cast %get3A_200 : vector<1x16xf32> to vector<16xf32>
      %mul3A_202 = arith.mulf %get3A_201, %get3A_49 : vector<16xf32>
      %add3A_203 = arith.addf %mul3A_197, %mul3A_202 : vector<16xf32>
      %swap3A_204 = arith.index_cast %scan3A_40 : i32 to index
      %swap3A_205 = arith.constant 144 : index
      %swap3A_206 = tpu.vector_load %arg8[%swap3A_204, %swap3A_205] {strides = array<i32>} : memref<32x1024xf32, #tpu.memory_space<vmem>>, vector<1x16xf32>,
      %swap3A_207 = vector.shape_cast %swap3A_206 : vector<1x16xf32> to vector<16xf32>
      %swap3A_208 = vector.shape_cast %add3A_203 : vector<16xf32> to vector<1x16xf32>
      tpu.vector_store %arg8[%swap3A_204, %swap3A_205], %swap3A_208 {strides = array<i32>} : memref<32x1024xf32, #tpu.memory_space<vmem>>, vector<1x16xf32>,
      %get3A_209 = arith.index_cast %scan3A_40 : i32 to index
      %get3A_210 = arith.constant 160 : index
      %get3A_211 = tpu.vector_load %arg8[%get3A_209, %get3A_210] {strides = array<i32>} : memref<32x1024xf32, #tpu.memory_space<vmem>>, vector<1x16xf32>,
      %get3A_212 = vector.shape_cast %get3A_211 : vector<1x16xf32> to vector<16xf32>
      %mul3A_213 = arith.mulf %get3A_212, %get3A_45 : vector<16xf32>
      %get3A_214 = arith.index_cast %scan3A_40 : i32 to index
      %get3A_215 = arith.constant 160 : index
      %get3A_216 = tpu.vector_load %arg9[%get3A_214, %get3A_215] {strides = array<i32>} : memref<32x1024xf32, #tpu.memory_space<vmem>>, vector<1x16xf32>,
      %get3A_217 = vector.shape_cast %get3A_216 : vector<1x16xf32> to vector<16xf32>
      %mul3A_218 = arith.mulf %get3A_217, %get3A_49 : vector<16xf32>
      %add3A_219 = arith.addf %mul3A_213, %mul3A_218 : vector<16xf32>
      %swap3A_220 = arith.index_cast %scan3A_40 : i32 to index
      %swap3A_221 = arith.constant 160 : index
      %swap3A_222 = tpu.vector_load %arg8[%swap3A_220, %swap3A_221] {strides = array<i32>} : memref<32x1024xf32, #tpu.memory_space<vmem>>, vector<1x16xf32>,
      %swap3A_223 = vector.shape_cast %swap3A_222 : vector<1x16xf32> to vector<16xf32>
      %swap3A_224 = vector.shape_cast %add3A_219 : vector<16xf32> to vector<1x16xf32>
      tpu.vector_store %arg8[%swap3A_220, %swap3A_221], %swap3A_224 {strides = array<i32>} : memref<32x1024xf32, #tpu.memory_space<vmem>>, vector<1x16xf32>,
      %get3A_225 = arith.index_cast %scan3A_40 : i32 to index
      %get3A_226 = arith.constant 176 : index
      %get3A_227 = tpu.vector_load %arg8[%get3A_225, %get3A_226] {strides = array<i32>} : memref<32x1024xf32, #tpu.memory_space<vmem>>, vector<1x16xf32>,
      %get3A_228 = vector.shape_cast %get3A_227 : vector<1x16xf32> to vector<16xf32>
      %mul3A_229 = arith.mulf %get3A_228, %get3A_45 : vector<16xf32>
      %get3A_230 = arith.index_cast %scan3A_40 : i32 to index
      %get3A_231 = arith.constant 176 : index
      %get3A_232 = tpu.vector_load %arg9[%get3A_230, %get3A_231] {strides = array<i32>} : memref<32x1024xf32, #tpu.memory_space<vmem>>, vector<1x16xf32>,
      %get3A_233 = vector.shape_cast %get3A_232 : vector<1x16xf32> to vector<16xf32>
      %mul3A_234 = arith.mulf %get3A_233, %get3A_49 : vector<16xf32>
      %add3A_235 = arith.addf %mul3A_229, %mul3A_234 : vector<16xf32>
      %swap3A_236 = arith.index_cast %scan3A_40 : i32 to index
      %swap3A_237 = arith.constant 176 : index
      %swap3A_238 = tpu.vector_load %arg8[%swap3A_236, %swap3A_237] {strides = array<i32>} : memref<32x1024xf32, #tpu.memory_space<vmem>>, vector<1x16xf32>,
      %swap3A_239 = vector.shape_cast %swap3A_238 : vector<1x16xf32> to vector<16xf32>
      %swap3A_240 = vector.shape_cast %add3A_235 : vector<16xf32> to vector<1x16xf32>
      tpu.vector_store %arg8[%swap3A_236, %swap3A_237], %swap3A_240 {strides = array<i32>} : memref<32x1024xf32, #tpu.memory_space<vmem>>, vector<1x16xf32>,
      %get3A_241 = arith.index_cast %scan3A_40 : i32 to index
      %get3A_242 = arith.constant 192 : index
      %get3A_243 = tpu.vector_load %arg8[%get3A_241, %get3A_242] {strides = array<i32>} : memref<32x1024xf32, #tpu.memory_space<vmem>>, vector<1x16xf32>,
      %get3A_244 = vector.shape_cast %get3A_243 : vector<1x16xf32> to vector<16xf32>
      %mul3A_245 = arith.mulf %get3A_244, %get3A_45 : vector<16xf32>
      %get3A_246 = arith.index_cast %scan3A_40 : i32 to index
      %get3A_247 = arith.constant 192 : index
      %get3A_248 = tpu.vector_load %arg9[%get3A_246, %get3A_247] {strides = array<i32>} : memref<32x1024xf32, #tpu.memory_space<vmem>>, vector<1x16xf32>,
      %get3A_249 = vector.shape_cast %get3A_248 : vector<1x16xf32> to vector<16xf32>
      %mul3A_250 = arith.mulf %get3A_249, %get3A_49 : vector<16xf32>
      %add3A_251 = arith.addf %mul3A_245, %mul3A_250 : vector<16xf32>
      %swap3A_252 = arith.index_cast %scan3A_40 : i32 to index
      %swap3A_253 = arith.constant 192 : index
      %swap3A_254 = tpu.vector_load %arg8[%swap3A_252, %swap3A_253] {strides = array<i32>} : memref<32x1024xf32, #tpu.memory_space<vmem>>, vector<1x16xf32>,
      %swap3A_255 = vector.shape_cast %swap3A_254 : vector<1x16xf32> to vector<16xf32>
      %swap3A_256 = vector.shape_cast %add3A_251 : vector<16xf32> to vector<1x16xf32>
      tpu.vector_store %arg8[%swap3A_252, %swap3A_253], %swap3A_256 {strides = array<i32>} : memref<32x1024xf32, #tpu.memory_space<vmem>>, vector<1x16xf32>,
      %get3A_257 = arith.index_cast %scan3A_40 : i32 to index
      %get3A_258 = arith.constant 208 : index
      %get3A_259 = tpu.vector_load %arg8[%get3A_257, %get3A_258] {strides = array<i32>} : memref<32x1024xf32, #tpu.memory_space<vmem>>, vector<1x16xf32>,
      %get3A_260 = vector.shape_cast %get3A_259 : vector<1x16xf32> to vector<16xf32>
      %mul3A_261 = arith.mulf %get3A_260, %get3A_45 : vector<16xf32>
      %get3A_262 = arith.index_cast %scan3A_40 : i32 to index
      %get3A_263 = arith.constant 208 : index
      %get3A_264 = tpu.vector_load %arg9[%get3A_262, %get3A_263] {strides = array<i32>} : memref<32x1024xf32, #tpu.memory_space<vmem>>, vector<1x16xf32>,
      %get3A_265 = vector.shape_cast %get3A_264 : vector<1x16xf32> to vector<16xf32>
      %mul3A_266 = arith.mulf %get3A_265, %get3A_49 : vector<16xf32>
      %add3A_267 = arith.addf %mul3A_261, %mul3A_266 : vector<16xf32>
      %swap3A_268 = arith.index_cast %scan3A_40 : i32 to index
      %swap3A_269 = arith.constant 208 : index
      %swap3A_270 = tpu.vector_load %arg8[%swap3A_268, %swap3A_269] {strides = array<i32>} : memref<32x1024xf32, #tpu.memory_space<vmem>>, vector<1x16xf32>,
      %swap3A_271 = vector.shape_cast %swap3A_270 : vector<1x16xf32> to vector<16xf32>
      %swap3A_272 = vector.shape_cast %add3A_267 : vector<16xf32> to vector<1x16xf32>
      tpu.vector_store %arg8[%swap3A_268, %swap3A_269], %swap3A_272 {strides = array<i32>} : memref<32x1024xf32, #tpu.memory_space<vmem>>, vector<1x16xf32>,
      %get3A_273 = arith.index_cast %scan3A_40 : i32 to index
      %get3A_274 = arith.constant 224 : index
      %get3A_275 = tpu.vector_load %arg8[%get3A_273, %get3A_274] {strides = array<i32>} : memref<32x1024xf32, #tpu.memory_space<vmem>>, vector<1x16xf32>,
      %get3A_276 = vector.shape_cast %get3A_275 : vector<1x16xf32> to vector<16xf32>
      %mul3A_277 = arith.mulf %get3A_276, %get3A_45 : vector<16xf32>
      %get3A_278 = arith.index_cast %scan3A_40 : i32 to index
      %get3A_279 = arith.constant 224 : index
      %get3A_280 = tpu.vector_load %arg9[%get3A_278, %get3A_279] {strides = array<i32>} : memref<32x1024xf32, #tpu.memory_space<vmem>>, vector<1x16xf32>,
      %get3A_281 = vector.shape_cast %get3A_280 : vector<1x16xf32> to vector<16xf32>
      %mul3A_282 = arith.mulf %get3A_281, %get3A_49 : vector<16xf32>
      %add3A_283 = arith.addf %mul3A_277, %mul3A_282 : vector<16xf32>
      %swap3A_284 = arith.index_cast %scan3A_40 : i32 to index
      %swap3A_285 = arith.constant 224 : index
      %swap3A_286 = tpu.vector_load %arg8[%swap3A_284, %swap3A_285] {strides = array<i32>} : memref<32x1024xf32, #tpu.memory_space<vmem>>, vector<1x16xf32>,
      %swap3A_287 = vector.shape_cast %swap3A_286 : vector<1x16xf32> to vector<16xf32>
      %swap3A_288 = vector.shape_cast %add3A_283 : vector<16xf32> to vector<1x16xf32>
      tpu.vector_store %arg8[%swap3A_284, %swap3A_285], %swap3A_288 {strides = array<i32>} : memref<32x1024xf32, #tpu.memory_space<vmem>>, vector<1x16xf32>,
      %get3A_289 = arith.index_cast %scan3A_40 : i32 to index
      %get3A_290 = arith.constant 240 : index
      %get3A_291 = tpu.vector_load %arg8[%get3A_289, %get3A_290] {strides = array<i32>} : memref<32x1024xf32, #tpu.memory_space<vmem>>, vector<1x16xf32>,
      %get3A_292 = vector.shape_cast %get3A_291 : vector<1x16xf32> to vector<16xf32>
      %mul3A_293 = arith.mulf %get3A_292, %get3A_45 : vector<16xf32>
      %get3A_294 = arith.index_cast %scan3A_40 : i32 to index
      %get3A_295 = arith.constant 240 : index
      %get3A_296 = tpu.vector_load %arg9[%get3A_294, %get3A_295] {strides = array<i32>} : memref<32x1024xf32, #tpu.memory_space<vmem>>, vector<1x16xf32>,
      %get3A_297 = vector.shape_cast %get3A_296 : vector<1x16xf32> to vector<16xf32>
      %mul3A_298 = arith.mulf %get3A_297, %get3A_49 : vector<16xf32>
      %add3A_299 = arith.addf %mul3A_293, %mul3A_298 : vector<16xf32>
      %swap3A_300 = arith.index_cast %scan3A_40 : i32 to index
      %swap3A_301 = arith.constant 240 : index
      %swap3A_302 = tpu.vector_load %arg8[%swap3A_300, %swap3A_301] {strides = array<i32>} : memref<32x1024xf32, #tpu.memory_space<vmem>>, vector<1x16xf32>,
      %swap3A_303 = vector.shape_cast %swap3A_302 : vector<1x16xf32> to vector<16xf32>
      %swap3A_304 = vector.shape_cast %add3A_299 : vector<16xf32> to vector<1x16xf32>
      tpu.vector_store %arg8[%swap3A_300, %swap3A_301], %swap3A_304 {strides = array<i32>} : memref<32x1024xf32, #tpu.memory_space<vmem>>, vector<1x16xf32>,
      %get3A_305 = arith.index_cast %scan3A_40 : i32 to index
      %get3A_306 = arith.constant 256 : index
      %get3A_307 = tpu.vector_load %arg8[%get3A_305, %get3A_306] {strides = array<i32>} : memref<32x1024xf32, #tpu.memory_space<vmem>>, vector<1x16xf32>,
      %get3A_308 = vector.shape_cast %get3A_307 : vector<1x16xf32> to vector<16xf32>
      %mul3A_309 = arith.mulf %get3A_308, %get3A_45 : vector<16xf32>
      %get3A_310 = arith.index_cast %scan3A_40 : i32 to index
      %get3A_311 = arith.constant 256 : index
      %get3A_312 = tpu.vector_load %arg9[%get3A_310, %get3A_311] {strides = array<i32>} : memref<32x1024xf32, #tpu.memory_space<vmem>>, vector<1x16xf32>,
      %get3A_313 = vector.shape_cast %get3A_312 : vector<1x16xf32> to vector<16xf32>
      %mul3A_314 = arith.mulf %get3A_313, %get3A_49 : vector<16xf32>
      %add3A_315 = arith.addf %mul3A_309, %mul3A_314 : vector<16xf32>
      %swap3A_316 = arith.index_cast %scan3A_40 : i32 to index
      %swap3A_317 = arith.constant 256 : index
      %swap3A_318 = tpu.vector_load %arg8[%swap3A_316, %swap3A_317] {strides = array<i32>} : memref<32x1024xf32, #tpu.memory_space<vmem>>, vector<1x16xf32>,
      %swap3A_319 = vector.shape_cast %swap3A_318 : vector<1x16xf32> to vector<16xf32>
      %swap3A_320 = vector.shape_cast %add3A_315 : vector<16xf32> to vector<1x16xf32>
      tpu.vector_store %arg8[%swap3A_316, %swap3A_317], %swap3A_320 {strides = array<i32>} : memref<32x1024xf32, #tpu.memory_space<vmem>>, vector<1x16xf32>,
      %get3A_321 = arith.index_cast %scan3A_40 : i32 to index
      %get3A_322 = arith.constant 272 : index
      %get3A_323 = tpu.vector_load %arg8[%get3A_321, %get3A_322] {strides = array<i32>} : memref<32x1024xf32, #tpu.memory_space<vmem>>, vector<1x16xf32>,
      %get3A_324 = vector.shape_cast %get3A_323 : vector<1x16xf32> to vector<16xf32>
      %mul3A_325 = arith.mulf %get3A_324, %get3A_45 : vector<16xf32>
      %get3A_326 = arith.index_cast %scan3A_40 : i32 to index
      %get3A_327 = arith.constant 272 : index
      %get3A_328 = tpu.vector_load %arg9[%get3A_326, %get3A_327] {strides = array<i32>} : memref<32x1024xf32, #tpu.memory_space<vmem>>, vector<1x16xf32>,
      %get3A_329 = vector.shape_cast %get3A_328 : vector<1x16xf32> to vector<16xf32>
      %mul3A_330 = arith.mulf %get3A_329, %get3A_49 : vector<16xf32>
      %add3A_331 = arith.addf %mul3A_325, %mul3A_330 : vector<16xf32>
      %swap3A_332 = arith.index_cast %scan3A_40 : i32 to index
      %swap3A_333 = arith.constant 272 : index
      %swap3A_334 = tpu.vector_load %arg8[%swap3A_332, %swap3A_333] {strides = array<i32>} : memref<32x1024xf32, #tpu.memory_space<vmem>>, vector<1x16xf32>,
      %swap3A_335 = vector.shape_cast %swap3A_334 : vector<1x16xf32> to vector<16xf32>
      %swap3A_336 = vector.shape_cast %add3A_331 : vector<16xf32> to vector<1x16xf32>
      tpu.vector_store %arg8[%swap3A_332, %swap3A_333], %swap3A_336 {strides = array<i32>} : memref<32x1024xf32, #tpu.memory_space<vmem>>, vector<1x16xf32>,
      %get3A_337 = arith.index_cast %scan3A_40 : i32 to index
      %get3A_338 = arith.constant 288 : index
      %get3A_339 = tpu.vector_load %arg8[%get3A_337, %get3A_338] {strides = array<i32>} : memref<32x1024xf32, #tpu.memory_space<vmem>>, vector<1x16xf32>,
      %get3A_340 = vector.shape_cast %get3A_339 : vector<1x16xf32> to vector<16xf32>
      %mul3A_341 = arith.mulf %get3A_340, %get3A_45 : vector<16xf32>
      %get3A_342 = arith.index_cast %scan3A_40 : i32 to index
      %get3A_343 = arith.constant 288 : index
      %get3A_344 = tpu.vector_load %arg9[%get3A_342, %get3A_343] {strides = array<i32>} : memref<32x1024xf32, #tpu.memory_space<vmem>>, vector<1x16xf32>,
      %get3A_345 = vector.shape_cast %get3A_344 : vector<1x16xf32> to vector<16xf32>
      %mul3A_346 = arith.mulf %get3A_345, %get3A_49 : vector<16xf32>
      %add3A_347 = arith.addf %mul3A_341, %mul3A_346 : vector<16xf32>
      %swap3A_348 = arith.index_cast %scan3A_40 : i32 to index
      %swap3A_349 = arith.constant 288 : index
      %swap3A_350 = tpu.vector_load %arg8[%swap3A_348, %swap3A_349] {strides = array<i32>} : memref<32x1024xf32, #tpu.memory_space<vmem>>, vector<1x16xf32>,
      %swap3A_351 = vector.shape_cast %swap3A_350 : vector<1x16xf32> to vector<16xf32>
      %swap3A_352 = vector.shape_cast %add3A_347 : vector<16xf32> to vector<1x16xf32>
      tpu.vector_store %arg8[%swap3A_348, %swap3A_349], %swap3A_352 {strides = array<i32>} : memref<32x1024xf32, #tpu.memory_space<vmem>>, vector<1x16xf32>,
      %get3A_353 = arith.index_cast %scan3A_40 : i32 to index
      %get3A_354 = arith.constant 304 : index
      %get3A_355 = tpu.vector_load %arg8[%get3A_353, %get3A_354] {strides = array<i32>} : memref<32x1024xf32, #tpu.memory_space<vmem>>, vector<1x16xf32>,
      %get3A_356 = vector.shape_cast %get3A_355 : vector<1x16xf32> to vector<16xf32>
      %mul3A_357 = arith.mulf %get3A_356, %get3A_45 : vector<16xf32>
      %get3A_358 = arith.index_cast %scan3A_40 : i32 to index
      %get3A_359 = arith.constant 304 : index
      %get3A_360 = tpu.vector_load %arg9[%get3A_358, %get3A_359] {strides = array<i32>} : memref<32x1024xf32, #tpu.memory_space<vmem>>, vector<1x16xf32>,
      %get3A_361 = vector.shape_cast %get3A_360 : vector<1x16xf32> to vector<16xf32>
      %mul3A_362 = arith.mulf %get3A_361, %get3A_49 : vector<16xf32>
      %add3A_363 = arith.addf %mul3A_357, %mul3A_362 : vector<16xf32>
      %swap3A_364 = arith.index_cast %scan3A_40 : i32 to index
      %swap3A_365 = arith.constant 304 : index
      %swap3A_366 = tpu.vector_load %arg8[%swap3A_364, %swap3A_365] {strides = array<i32>} : memref<32x1024xf32, #tpu.memory_space<vmem>>, vector<1x16xf32>,
      %swap3A_367 = vector.shape_cast %swap3A_366 : vector<1x16xf32> to vector<16xf32>
      %swap3A_368 = vector.shape_cast %add3A_363 : vector<16xf32> to vector<1x16xf32>
      tpu.vector_store %arg8[%swap3A_364, %swap3A_365], %swap3A_368 {strides = array<i32>} : memref<32x1024xf32, #tpu.memory_space<vmem>>, vector<1x16xf32>,
      %get3A_369 = arith.index_cast %scan3A_40 : i32 to index
      %get3A_370 = arith.constant 320 : index
      %get3A_371 = tpu.vector_load %arg8[%get3A_369, %get3A_370] {strides = array<i32>} : memref<32x1024xf32, #tpu.memory_space<vmem>>, vector<1x16xf32>,
      %get3A_372 = vector.shape_cast %get3A_371 : vector<1x16xf32> to vector<16xf32>
      %mul3A_373 = arith.mulf %get3A_372, %get3A_45 : vector<16xf32>
      %get3A_374 = arith.index_cast %scan3A_40 : i32 to index
      %get3A_375 = arith.constant 320 : index
      %get3A_376 = tpu.vector_load %arg9[%get3A_374, %get3A_375] {strides = array<i32>} : memref<32x1024xf32, #tpu.memory_space<vmem>>, vector<1x16xf32>,
      %get3A_377 = vector.shape_cast %get3A_376 : vector<1x16xf32> to vector<16xf32>
      %mul3A_378 = arith.mulf %get3A_377, %get3A_49 : vector<16xf32>
      %add3A_379 = arith.addf %mul3A_373, %mul3A_378 : vector<16xf32>
      %swap3A_380 = arith.index_cast %scan3A_40 : i32 to index
      %swap3A_381 = arith.constant 320 : index
      %swap3A_382 = tpu.vector_load %arg8[%swap3A_380, %swap3A_381] {strides = array<i32>} : memref<32x1024xf32, #tpu.memory_space<vmem>>, vector<1x16xf32>,
      %swap3A_383 = vector.shape_cast %swap3A_382 : vector<1x16xf32> to vector<16xf32>
      %swap3A_384 = vector.shape_cast %add3A_379 : vector<16xf32> to vector<1x16xf32>
      tpu.vector_store %arg8[%swap3A_380, %swap3A_381], %swap3A_384 {strides = array<i32>} : memref<32x1024xf32, #tpu.memory_space<vmem>>, vector<1x16xf32>,
      %get3A_385 = arith.index_cast %scan3A_40 : i32 to index
      %get3A_386 = arith.constant 336 : index
      %get3A_387 = tpu.vector_load %arg8[%get3A_385, %get3A_386] {strides = array<i32>} : memref<32x1024xf32, #tpu.memory_space<vmem>>, vector<1x16xf32>,
      %get3A_388 = vector.shape_cast %get3A_387 : vector<1x16xf32> to vector<16xf32>
      %mul3A_389 = arith.mulf %get3A_388, %get3A_45 : vector<16xf32>
      %get3A_390 = arith.index_cast %scan3A_40 : i32 to index
      %get3A_391 = arith.constant 336 : index
      %get3A_392 = tpu.vector_load %arg9[%get3A_390, %get3A_391] {strides = array<i32>} : memref<32x1024xf32, #tpu.memory_space<vmem>>, vector<1x16xf32>,
      %get3A_393 = vector.shape_cast %get3A_392 : vector<1x16xf32> to vector<16xf32>
      %mul3A_394 = arith.mulf %get3A_393, %get3A_49 : vector<16xf32>
      %add3A_395 = arith.addf %mul3A_389, %mul3A_394 : vector<16xf32>
      %swap3A_396 = arith.index_cast %scan3A_40 : i32 to index
      %swap3A_397 = arith.constant 336 : index
      %swap3A_398 = tpu.vector_load %arg8[%swap3A_396, %swap3A_397] {strides = array<i32>} : memref<32x1024xf32, #tpu.memory_space<vmem>>, vector<1x16xf32>,
      %swap3A_399 = vector.shape_cast %swap3A_398 : vector<1x16xf32> to vector<16xf32>
      %swap3A_400 = vector.shape_cast %add3A_395 : vector<16xf32> to vector<1x16xf32>
      tpu.vector_store %arg8[%swap3A_396, %swap3A_397], %swap3A_400 {strides = array<i32>} : memref<32x1024xf32, #tpu.memory_space<vmem>>, vector<1x16xf32>,
      %get3A_401 = arith.index_cast %scan3A_40 : i32 to index
      %get3A_402 = arith.constant 352 : index
      %get3A_403 = tpu.vector_load %arg8[%get3A_401, %get3A_402] {strides = array<i32>} : memref<32x1024xf32, #tpu.memory_space<vmem>>, vector<1x16xf32>,
      %get3A_404 = vector.shape_cast %get3A_403 : vector<1x16xf32> to vector<16xf32>
      %mul3A_405 = arith.mulf %get3A_404, %get3A_45 : vector<16xf32>
      %get3A_406 = arith.index_cast %scan3A_40 : i32 to index
      %get3A_407 = arith.constant 352 : index
      %get3A_408 = tpu.vector_load %arg9[%get3A_406, %get3A_407] {strides = array<i32>} : memref<32x1024xf32, #tpu.memory_space<vmem>>, vector<1x16xf32>,
      %get3A_409 = vector.shape_cast %get3A_408 : vector<1x16xf32> to vector<16xf32>
      %mul3A_410 = arith.mulf %get3A_409, %get3A_49 : vector<16xf32>
      %add3A_411 = arith.addf %mul3A_405, %mul3A_410 : vector<16xf32>
      %swap3A_412 = arith.index_cast %scan3A_40 : i32 to index
      %swap3A_413 = arith.constant 352 : index
      %swap3A_414 = tpu.vector_load %arg8[%swap3A_412, %swap3A_413] {strides = array<i32>} : memref<32x1024xf32, #tpu.memory_space<vmem>>, vector<1x16xf32>,
      %swap3A_415 = vector.shape_cast %swap3A_414 : vector<1x16xf32> to vector<16xf32>
      %swap3A_416 = vector.shape_cast %add3A_411 : vector<16xf32> to vector<1x16xf32>
      tpu.vector_store %arg8[%swap3A_412, %swap3A_413], %swap3A_416 {strides = array<i32>} : memref<32x1024xf32, #tpu.memory_space<vmem>>, vector<1x16xf32>,
      %get3A_417 = arith.index_cast %scan3A_40 : i32 to index
      %get3A_418 = arith.constant 368 : index
      %get3A_419 = tpu.vector_load %arg8[%get3A_417, %get3A_418] {strides = array<i32>} : memref<32x1024xf32, #tpu.memory_space<vmem>>, vector<1x16xf32>,
      %get3A_420 = vector.shape_cast %get3A_419 : vector<1x16xf32> to vector<16xf32>
      %mul3A_421 = arith.mulf %get3A_420, %get3A_45 : vector<16xf32>
      %get3A_422 = arith.index_cast %scan3A_40 : i32 to index
      %get3A_423 = arith.constant 368 : index
      %get3A_424 = tpu.vector_load %arg9[%get3A_422, %get3A_423] {strides = array<i32>} : memref<32x1024xf32, #tpu.memory_space<vmem>>, vector<1x16xf32>,
      %get3A_425 = vector.shape_cast %get3A_424 : vector<1x16xf32> to vector<16xf32>
      %mul3A_426 = arith.mulf %get3A_425, %get3A_49 : vector<16xf32>
      %add3A_427 = arith.addf %mul3A_421, %mul3A_426 : vector<16xf32>
      %swap3A_428 = arith.index_cast %scan3A_40 : i32 to index
      %swap3A_429 = arith.constant 368 : index
      %swap3A_430 = tpu.vector_load %arg8[%swap3A_428, %swap3A_429] {strides = array<i32>} : memref<32x1024xf32, #tpu.memory_space<vmem>>, vector<1x16xf32>,
      %swap3A_431 = vector.shape_cast %swap3A_430 : vector<1x16xf32> to vector<16xf32>
      %swap3A_432 = vector.shape_cast %add3A_427 : vector<16xf32> to vector<1x16xf32>
      tpu.vector_store %arg8[%swap3A_428, %swap3A_429], %swap3A_432 {strides = array<i32>} : memref<32x1024xf32, #tpu.memory_space<vmem>>, vector<1x16xf32>,
      %get3A_433 = arith.index_cast %scan3A_40 : i32 to index
      %get3A_434 = arith.constant 384 : index
      %get3A_435 = tpu.vector_load %arg8[%get3A_433, %get3A_434] {strides = array<i32>} : memref<32x1024xf32, #tpu.memory_space<vmem>>, vector<1x16xf32>,
      %get3A_436 = vector.shape_cast %get3A_435 : vector<1x16xf32> to vector<16xf32>
      %mul3A_437 = arith.mulf %get3A_436, %get3A_45 : vector<16xf32>
      %get3A_438 = arith.index_cast %scan3A_40 : i32 to index
      %get3A_439 = arith.constant 384 : index
      %get3A_440 = tpu.vector_load %arg9[%get3A_438, %get3A_439] {strides = array<i32>} : memref<32x1024xf32, #tpu.memory_space<vmem>>, vector<1x16xf32>,
      %get3A_441 = vector.shape_cast %get3A_440 : vector<1x16xf32> to vector<16xf32>
      %mul3A_442 = arith.mulf %get3A_441, %get3A_49 : vector<16xf32>
      %add3A_443 = arith.addf %mul3A_437, %mul3A_442 : vector<16xf32>
      %swap3A_444 = arith.index_cast %scan3A_40 : i32 to index
      %swap3A_445 = arith.constant 384 : index
      %swap3A_446 = tpu.vector_load %arg8[%swap3A_444, %swap3A_445] {strides = array<i32>} : memref<32x1024xf32, #tpu.memory_space<vmem>>, vector<1x16xf32>,
      %swap3A_447 = vector.shape_cast %swap3A_446 : vector<1x16xf32> to vector<16xf32>
      %swap3A_448 = vector.shape_cast %add3A_443 : vector<16xf32> to vector<1x16xf32>
      tpu.vector_store %arg8[%swap3A_444, %swap3A_445], %swap3A_448 {strides = array<i32>} : memref<32x1024xf32, #tpu.memory_space<vmem>>, vector<1x16xf32>,
      %get3A_449 = arith.index_cast %scan3A_40 : i32 to index
      %get3A_450 = arith.constant 400 : index
      %get3A_451 = tpu.vector_load %arg8[%get3A_449, %get3A_450] {strides = array<i32>} : memref<32x1024xf32, #tpu.memory_space<vmem>>, vector<1x16xf32>,
      %get3A_452 = vector.shape_cast %get3A_451 : vector<1x16xf32> to vector<16xf32>
      %mul3A_453 = arith.mulf %get3A_452, %get3A_45 : vector<16xf32>
      %get3A_454 = arith.index_cast %scan3A_40 : i32 to index
      %get3A_455 = arith.constant 400 : index
      %get3A_456 = tpu.vector_load %arg9[%get3A_454, %get3A_455] {strides = array<i32>} : memref<32x1024xf32, #tpu.memory_space<vmem>>, vector<1x16xf32>,
      %get3A_457 = vector.shape_cast %get3A_456 : vector<1x16xf32> to vector<16xf32>
      %mul3A_458 = arith.mulf %get3A_457, %get3A_49 : vector<16xf32>
      %add3A_459 = arith.addf %mul3A_453, %mul3A_458 : vector<16xf32>
      %swap3A_460 = arith.index_cast %scan3A_40 : i32 to index
      %swap3A_461 = arith.constant 400 : index
      %swap3A_462 = tpu.vector_load %arg8[%swap3A_460, %swap3A_461] {strides = array<i32>} : memref<32x1024xf32, #tpu.memory_space<vmem>>, vector<1x16xf32>,
      %swap3A_463 = vector.shape_cast %swap3A_462 : vector<1x16xf32> to vector<16xf32>
      %swap3A_464 = vector.shape_cast %add3A_459 : vector<16xf32> to vector<1x16xf32>
      tpu.vector_store %arg8[%swap3A_460, %swap3A_461], %swap3A_464 {strides = array<i32>} : memref<32x1024xf32, #tpu.memory_space<vmem>>, vector<1x16xf32>,
      %get3A_465 = arith.index_cast %scan3A_40 : i32 to index
      %get3A_466 = arith.constant 416 : index
      %get3A_467 = tpu.vector_load %arg8[%get3A_465, %get3A_466] {strides = array<i32>} : memref<32x1024xf32, #tpu.memory_space<vmem>>, vector<1x16xf32>,
      %get3A_468 = vector.shape_cast %get3A_467 : vector<1x16xf32> to vector<16xf32>
      %mul3A_469 = arith.mulf %get3A_468, %get3A_45 : vector<16xf32>
      %get3A_470 = arith.index_cast %scan3A_40 : i32 to index
      %get3A_471 = arith.constant 416 : index
      %get3A_472 = tpu.vector_load %arg9[%get3A_470, %get3A_471] {strides = array<i32>} : memref<32x1024xf32, #tpu.memory_space<vmem>>, vector<1x16xf32>,
      %get3A_473 = vector.shape_cast %get3A_472 : vector<1x16xf32> to vector<16xf32>
      %mul3A_474 = arith.mulf %get3A_473, %get3A_49 : vector<16xf32>
      %add3A_475 = arith.addf %mul3A_469, %mul3A_474 : vector<16xf32>
      %swap3A_476 = arith.index_cast %scan3A_40 : i32 to index
      %swap3A_477 = arith.constant 416 : index
      %swap3A_478 = tpu.vector_load %arg8[%swap3A_476, %swap3A_477] {strides = array<i32>} : memref<32x1024xf32, #tpu.memory_space<vmem>>, vector<1x16xf32>,
      %swap3A_479 = vector.shape_cast %swap3A_478 : vector<1x16xf32> to vector<16xf32>
      %swap3A_480 = vector.shape_cast %add3A_475 : vector<16xf32> to vector<1x16xf32>
      tpu.vector_store %arg8[%swap3A_476, %swap3A_477], %swap3A_480 {strides = array<i32>} : memref<32x1024xf32, #tpu.memory_space<vmem>>, vector<1x16xf32>,
      %get3A_481 = arith.index_cast %scan3A_40 : i32 to index
      %get3A_482 = arith.constant 432 : index
      %get3A_483 = tpu.vector_load %arg8[%get3A_481, %get3A_482] {strides = array<i32>} : memref<32x1024xf32, #tpu.memory_space<vmem>>, vector<1x16xf32>,
      %get3A_484 = vector.shape_cast %get3A_483 : vector<1x16xf32> to vector<16xf32>
      %mul3A_485 = arith.mulf %get3A_484, %get3A_45 : vector<16xf32>
      %get3A_486 = arith.index_cast %scan3A_40 : i32 to index
      %get3A_487 = arith.constant 432 : index
      %get3A_488 = tpu.vector_load %arg9[%get3A_486, %get3A_487] {strides = array<i32>} : memref<32x1024xf32, #tpu.memory_space<vmem>>, vector<1x16xf32>,
      %get3A_489 = vector.shape_cast %get3A_488 : vector<1x16xf32> to vector<16xf32>
      %mul3A_490 = arith.mulf %get3A_489, %get3A_49 : vector<16xf32>
      %add3A_491 = arith.addf %mul3A_485, %mul3A_490 : vector<16xf32>
      %swap3A_492 = arith.index_cast %scan3A_40 : i32 to index
      %swap3A_493 = arith.constant 432 : index
      %swap3A_494 = tpu.vector_load %arg8[%swap3A_492, %swap3A_493] {strides = array<i32>} : memref<32x1024xf32, #tpu.memory_space<vmem>>, vector<1x16xf32>,
      %swap3A_495 = vector.shape_cast %swap3A_494 : vector<1x16xf32> to vector<16xf32>
      %swap3A_496 = vector.shape_cast %add3A_491 : vector<16xf32> to vector<1x16xf32>
      tpu.vector_store %arg8[%swap3A_492, %swap3A_493], %swap3A_496 {strides = array<i32>} : memref<32x1024xf32, #tpu.memory_space<vmem>>, vector<1x16xf32>,
      %get3A_497 = arith.index_cast %scan3A_40 : i32 to index
      %get3A_498 = arith.constant 448 : index
      %get3A_499 = tpu.vector_load %arg8[%get3A_497, %get3A_498] {strides = array<i32>} : memref<32x1024xf32, #tpu.memory_space<vmem>>, vector<1x16xf32>,
      %get3A_500 = vector.shape_cast %get3A_499 : vector<1x16xf32> to vector<16xf32>
      %mul3A_501 = arith.mulf %get3A_500, %get3A_45 : vector<16xf32>
      %get3A_502 = arith.index_cast %scan3A_40 : i32 to index
      %get3A_503 = arith.constant 448 : index
      %get3A_504 = tpu.vector_load %arg9[%get3A_502, %get3A_503] {strides = array<i32>} : memref<32x1024xf32, #tpu.memory_space<vmem>>, vector<1x16xf32>,
      %get3A_505 = vector.shape_cast %get3A_504 : vector<1x16xf32> to vector<16xf32>
      %mul3A_506 = arith.mulf %get3A_505, %get3A_49 : vector<16xf32>
      %add3A_507 = arith.addf %mul3A_501, %mul3A_506 : vector<16xf32>
      %swap3A_508 = arith.index_cast %scan3A_40 : i32 to index
      %swap3A_509 = arith.constant 448 : index
      %swap3A_510 = tpu.vector_load %arg8[%swap3A_508, %swap3A_509] {strides = array<i32>} : memref<32x1024xf32, #tpu.memory_space<vmem>>, vector<1x16xf32>,
      %swap3A_511 = vector.shape_cast %swap3A_510 : vector<1x16xf32> to vector<16xf32>
      %swap3A_512 = vector.shape_cast %add3A_507 : vector<16xf32> to vector<1x16xf32>
      tpu.vector_store %arg8[%swap3A_508, %swap3A_509], %swap3A_512 {strides = array<i32>} : memref<32x1024xf32, #tpu.memory_space<vmem>>, vector<1x16xf32>,
      %get3A_513 = arith.index_cast %scan3A_40 : i32 to index
      %get3A_514 = arith.constant 464 : index
      %get3A_515 = tpu.vector_load %arg8[%get3A_513, %get3A_514] {strides = array<i32>} : memref<32x1024xf32, #tpu.memory_space<vmem>>, vector<1x16xf32>,
      %get3A_516 = vector.shape_cast %get3A_515 : vector<1x16xf32> to vector<16xf32>
      %mul3A_517 = arith.mulf %get3A_516, %get3A_45 : vector<16xf32>
      %get3A_518 = arith.index_cast %scan3A_40 : i32 to index
      %get3A_519 = arith.constant 464 : index
      %get3A_520 = tpu.vector_load %arg9[%get3A_518, %get3A_519] {strides = array<i32>} : memref<32x1024xf32, #tpu.memory_space<vmem>>, vector<1x16xf32>,
      %get3A_521 = vector.shape_cast %get3A_520 : vector<1x16xf32> to vector<16xf32>
      %mul3A_522 = arith.mulf %get3A_521, %get3A_49 : vector<16xf32>
      %add3A_523 = arith.addf %mul3A_517, %mul3A_522 : vector<16xf32>
      %swap3A_524 = arith.index_cast %scan3A_40 : i32 to index
      %swap3A_525 = arith.constant 464 : index
      %swap3A_526 = tpu.vector_load %arg8[%swap3A_524, %swap3A_525] {strides = array<i32>} : memref<32x1024xf32, #tpu.memory_space<vmem>>, vector<1x16xf32>,
      %swap3A_527 = vector.shape_cast %swap3A_526 : vector<1x16xf32> to vector<16xf32>
      %swap3A_528 = vector.shape_cast %add3A_523 : vector<16xf32> to vector<1x16xf32>
      tpu.vector_store %arg8[%swap3A_524, %swap3A_525], %swap3A_528 {strides = array<i32>} : memref<32x1024xf32, #tpu.memory_space<vmem>>, vector<1x16xf32>,
      %get3A_529 = arith.index_cast %scan3A_40 : i32 to index
      %get3A_530 = arith.constant 480 : index
      %get3A_531 = tpu.vector_load %arg8[%get3A_529, %get3A_530] {strides = array<i32>} : memref<32x1024xf32, #tpu.memory_space<vmem>>, vector<1x16xf32>,
      %get3A_532 = vector.shape_cast %get3A_531 : vector<1x16xf32> to vector<16xf32>
      %mul3A_533 = arith.mulf %get3A_532, %get3A_45 : vector<16xf32>
      %get3A_534 = arith.index_cast %scan3A_40 : i32 to index
      %get3A_535 = arith.constant 480 : index
      %get3A_536 = tpu.vector_load %arg9[%get3A_534, %get3A_535] {strides = array<i32>} : memref<32x1024xf32, #tpu.memory_space<vmem>>, vector<1x16xf32>,
      %get3A_537 = vector.shape_cast %get3A_536 : vector<1x16xf32> to vector<16xf32>
      %mul3A_538 = arith.mulf %get3A_537, %get3A_49 : vector<16xf32>
      %add3A_539 = arith.addf %mul3A_533, %mul3A_538 : vector<16xf32>
      %swap3A_540 = arith.index_cast %scan3A_40 : i32 to index
      %swap3A_541 = arith.constant 480 : index
      %swap3A_542 = tpu.vector_load %arg8[%swap3A_540, %swap3A_541] {strides = array<i32>} : memref<32x1024xf32, #tpu.memory_space<vmem>>, vector<1x16xf32>,
      %swap3A_543 = vector.shape_cast %swap3A_542 : vector<1x16xf32> to vector<16xf32>
      %swap3A_544 = vector.shape_cast %add3A_539 : vector<16xf32> to vector<1x16xf32>
      tpu.vector_store %arg8[%swap3A_540, %swap3A_541], %swap3A_544 {strides = array<i32>} : memref<32x1024xf32, #tpu.memory_space<vmem>>, vector<1x16xf32>,
      %get3A_545 = arith.index_cast %scan3A_40 : i32 to index
      %get3A_546 = arith.constant 496 : index
      %get3A_547 = tpu.vector_load %arg8[%get3A_545, %get3A_546] {strides = array<i32>} : memref<32x1024xf32, #tpu.memory_space<vmem>>, vector<1x16xf32>,
      %get3A_548 = vector.shape_cast %get3A_547 : vector<1x16xf32> to vector<16xf32>
      %mul3A_549 = arith.mulf %get3A_548, %get3A_45 : vector<16xf32>
      %get3A_550 = arith.index_cast %scan3A_40 : i32 to index
      %get3A_551 = arith.constant 496 : index
      %get3A_552 = tpu.vector_load %arg9[%get3A_550, %get3A_551] {strides = array<i32>} : memref<32x1024xf32, #tpu.memory_space<vmem>>, vector<1x16xf32>,
      %get3A_553 = vector.shape_cast %get3A_552 : vector<1x16xf32> to vector<16xf32>
      %mul3A_554 = arith.mulf %get3A_553, %get3A_49 : vector<16xf32>
      %add3A_555 = arith.addf %mul3A_549, %mul3A_554 : vector<16xf32>
      %swap3A_556 = arith.index_cast %scan3A_40 : i32 to index
      %swap3A_557 = arith.constant 496 : index
      %swap3A_558 = tpu.vector_load %arg8[%swap3A_556, %swap3A_557] {strides = array<i32>} : memref<32x1024xf32, #tpu.memory_space<vmem>>, vector<1x16xf32>,
      %swap3A_559 = vector.shape_cast %swap3A_558 : vector<1x16xf32> to vector<16xf32>
      %swap3A_560 = vector.shape_cast %add3A_555 : vector<16xf32> to vector<1x16xf32>
      tpu.vector_store %arg8[%swap3A_556, %swap3A_557], %swap3A_560 {strides = array<i32>} : memref<32x1024xf32, #tpu.memory_space<vmem>>, vector<1x16xf32>,
      %get3A_561 = arith.index_cast %scan3A_40 : i32 to index
      %get3A_562 = arith.constant 512 : index
      %get3A_563 = tpu.vector_load %arg8[%get3A_561, %get3A_562] {strides = array<i32>} : memref<32x1024xf32, #tpu.memory_space<vmem>>, vector<1x16xf32>,
      %get3A_564 = vector.shape_cast %get3A_563 : vector<1x16xf32> to vector<16xf32>
      %mul3A_565 = arith.mulf %get3A_564, %get3A_45 : vector<16xf32>
      %get3A_566 = arith.index_cast %scan3A_40 : i32 to index
      %get3A_567 = arith.constant 512 : index
      %get3A_568 = tpu.vector_load %arg9[%get3A_566, %get3A_567] {strides = array<i32>} : memref<32x1024xf32, #tpu.memory_space<vmem>>, vector<1x16xf32>,
      %get3A_569 = vector.shape_cast %get3A_568 : vector<1x16xf32> to vector<16xf32>
      %mul3A_570 = arith.mulf %get3A_569, %get3A_49 : vector<16xf32>
      %add3A_571 = arith.addf %mul3A_565, %mul3A_570 : vector<16xf32>
      %swap3A_572 = arith.index_cast %scan3A_40 : i32 to index
      %swap3A_573 = arith.constant 512 : index
      %swap3A_574 = tpu.vector_load %arg8[%swap3A_572, %swap3A_573] {strides = array<i32>} : memref<32x1024xf32, #tpu.memory_space<vmem>>, vector<1x16xf32>,
      %swap3A_575 = vector.shape_cast %swap3A_574 : vector<1x16xf32> to vector<16xf32>
      %swap3A_576 = vector.shape_cast %add3A_571 : vector<16xf32> to vector<1x16xf32>
      tpu.vector_store %arg8[%swap3A_572, %swap3A_573], %swap3A_576 {strides = array<i32>} : memref<32x1024xf32, #tpu.memory_space<vmem>>, vector<1x16xf32>,
      %get3A_577 = arith.index_cast %scan3A_40 : i32 to index
      %get3A_578 = arith.constant 528 : index
      %get3A_579 = tpu.vector_load %arg8[%get3A_577, %get3A_578] {strides = array<i32>} : memref<32x1024xf32, #tpu.memory_space<vmem>>, vector<1x16xf32>,
      %get3A_580 = vector.shape_cast %get3A_579 : vector<1x16xf32> to vector<16xf32>
      %mul3A_581 = arith.mulf %get3A_580, %get3A_45 : vector<16xf32>
      %get3A_582 = arith.index_cast %scan3A_40 : i32 to index
      %get3A_583 = arith.constant 528 : index
      %get3A_584 = tpu.vector_load %arg9[%get3A_582, %get3A_583] {strides = array<i32>} : memref<32x1024xf32, #tpu.memory_space<vmem>>, vector<1x16xf32>,
      %get3A_585 = vector.shape_cast %get3A_584 : vector<1x16xf32> to vector<16xf32>
      %mul3A_586 = arith.mulf %get3A_585, %get3A_49 : vector<16xf32>
      %add3A_587 = arith.addf %mul3A_581, %mul3A_586 : vector<16xf32>
      %swap3A_588 = arith.index_cast %scan3A_40 : i32 to index
      %swap3A_589 = arith.constant 528 : index
      %swap3A_590 = tpu.vector_load %arg8[%swap3A_588, %swap3A_589] {strides = array<i32>} : memref<32x1024xf32, #tpu.memory_space<vmem>>, vector<1x16xf32>,
      %swap3A_591 = vector.shape_cast %swap3A_590 : vector<1x16xf32> to vector<16xf32>
      %swap3A_592 = vector.shape_cast %add3A_587 : vector<16xf32> to vector<1x16xf32>
      tpu.vector_store %arg8[%swap3A_588, %swap3A_589], %swap3A_592 {strides = array<i32>} : memref<32x1024xf32, #tpu.memory_space<vmem>>, vector<1x16xf32>,
      %get3A_593 = arith.index_cast %scan3A_40 : i32 to index
      %get3A_594 = arith.constant 544 : index
      %get3A_595 = tpu.vector_load %arg8[%get3A_593, %get3A_594] {strides = array<i32>} : memref<32x1024xf32, #tpu.memory_space<vmem>>, vector<1x16xf32>,
      %get3A_596 = vector.shape_cast %get3A_595 : vector<1x16xf32> to vector<16xf32>
      %mul3A_597 = arith.mulf %get3A_596, %get3A_45 : vector<16xf32>
      %get3A_598 = arith.index_cast %scan3A_40 : i32 to index
      %get3A_599 = arith.constant 544 : index
      %get3A_600 = tpu.vector_load %arg9[%get3A_598, %get3A_599] {strides = array<i32>} : memref<32x1024xf32, #tpu.memory_space<vmem>>, vector<1x16xf32>,
      %get3A_601 = vector.shape_cast %get3A_600 : vector<1x16xf32> to vector<16xf32>
      %mul3A_602 = arith.mulf %get3A_601, %get3A_49 : vector<16xf32>
      %add3A_603 = arith.addf %mul3A_597, %mul3A_602 : vector<16xf32>
      %swap3A_604 = arith.index_cast %scan3A_40 : i32 to index
      %swap3A_605 = arith.constant 544 : index
      %swap3A_606 = tpu.vector_load %arg8[%swap3A_604, %swap3A_605] {strides = array<i32>} : memref<32x1024xf32, #tpu.memory_space<vmem>>, vector<1x16xf32>,
      %swap3A_607 = vector.shape_cast %swap3A_606 : vector<1x16xf32> to vector<16xf32>
      %swap3A_608 = vector.shape_cast %add3A_603 : vector<16xf32> to vector<1x16xf32>
      tpu.vector_store %arg8[%swap3A_604, %swap3A_605], %swap3A_608 {strides = array<i32>} : memref<32x1024xf32, #tpu.memory_space<vmem>>, vector<1x16xf32>,
      %get3A_609 = arith.index_cast %scan3A_40 : i32 to index
      %get3A_610 = arith.constant 560 : index
      %get3A_611 = tpu.vector_load %arg8[%get3A_609, %get3A_610] {strides = array<i32>} : memref<32x1024xf32, #tpu.memory_space<vmem>>, vector<1x16xf32>,
      %get3A_612 = vector.shape_cast %get3A_611 : vector<1x16xf32> to vector<16xf32>
      %mul3A_613 = arith.mulf %get3A_612, %get3A_45 : vector<16xf32>
      %get3A_614 = arith.index_cast %scan3A_40 : i32 to index
      %get3A_615 = arith.constant 560 : index
      %get3A_616 = tpu.vector_load %arg9[%get3A_614, %get3A_615] {strides = array<i32>} : memref<32x1024xf32, #tpu.memory_space<vmem>>, vector<1x16xf32>,
      %get3A_617 = vector.shape_cast %get3A_616 : vector<1x16xf32> to vector<16xf32>
      %mul3A_618 = arith.mulf %get3A_617, %get3A_49 : vector<16xf32>
      %add3A_619 = arith.addf %mul3A_613, %mul3A_618 : vector<16xf32>
      %swap3A_620 = arith.index_cast %scan3A_40 : i32 to index
      %swap3A_621 = arith.constant 560 : index
      %swap3A_622 = tpu.vector_load %arg8[%swap3A_620, %swap3A_621] {strides = array<i32>} : memref<32x1024xf32, #tpu.memory_space<vmem>>, vector<1x16xf32>,
      %swap3A_623 = vector.shape_cast %swap3A_622 : vector<1x16xf32> to vector<16xf32>
      %swap3A_624 = vector.shape_cast %add3A_619 : vector<16xf32> to vector<1x16xf32>
      tpu.vector_store %arg8[%swap3A_620, %swap3A_621], %swap3A_624 {strides = array<i32>} : memref<32x1024xf32, #tpu.memory_space<vmem>>, vector<1x16xf32>,
      %get3A_625 = arith.index_cast %scan3A_40 : i32 to index
      %get3A_626 = arith.constant 576 : index
      %get3A_627 = tpu.vector_load %arg8[%get3A_625, %get3A_626] {strides = array<i32>} : memref<32x1024xf32, #tpu.memory_space<vmem>>, vector<1x16xf32>,
      %get3A_628 = vector.shape_cast %get3A_627 : vector<1x16xf32> to vector<16xf32>
      %mul3A_629 = arith.mulf %get3A_628, %get3A_45 : vector<16xf32>
      %get3A_630 = arith.index_cast %scan3A_40 : i32 to index
      %get3A_631 = arith.constant 576 : index
      %get3A_632 = tpu.vector_load %arg9[%get3A_630, %get3A_631] {strides = array<i32>} : memref<32x1024xf32, #tpu.memory_space<vmem>>, vector<1x16xf32>,
      %get3A_633 = vector.shape_cast %get3A_632 : vector<1x16xf32> to vector<16xf32>
      %mul3A_634 = arith.mulf %get3A_633, %get3A_49 : vector<16xf32>
      %add3A_635 = arith.addf %mul3A_629, %mul3A_634 : vector<16xf32>
      %swap3A_636 = arith.index_cast %scan3A_40 : i32 to index
      %swap3A_637 = arith.constant 576 : index
      %swap3A_638 = tpu.vector_load %arg8[%swap3A_636, %swap3A_637] {strides = array<i32>} : memref<32x1024xf32, #tpu.memory_space<vmem>>, vector<1x16xf32>,
      %swap3A_639 = vector.shape_cast %swap3A_638 : vector<1x16xf32> to vector<16xf32>
      %swap3A_640 = vector.shape_cast %add3A_635 : vector<16xf32> to vector<1x16xf32>
      tpu.vector_store %arg8[%swap3A_636, %swap3A_637], %swap3A_640 {strides = array<i32>} : memref<32x1024xf32, #tpu.memory_space<vmem>>, vector<1x16xf32>,
      %get3A_641 = arith.index_cast %scan3A_40 : i32 to index
      %get3A_642 = arith.constant 592 : index
      %get3A_643 = tpu.vector_load %arg8[%get3A_641, %get3A_642] {strides = array<i32>} : memref<32x1024xf32, #tpu.memory_space<vmem>>, vector<1x16xf32>,
      %get3A_644 = vector.shape_cast %get3A_643 : vector<1x16xf32> to vector<16xf32>
      %mul3A_645 = arith.mulf %get3A_644, %get3A_45 : vector<16xf32>
      %get3A_646 = arith.index_cast %scan3A_40 : i32 to index
      %get3A_647 = arith.constant 592 : index
      %get3A_648 = tpu.vector_load %arg9[%get3A_646, %get3A_647] {strides = array<i32>} : memref<32x1024xf32, #tpu.memory_space<vmem>>, vector<1x16xf32>,
      %get3A_649 = vector.shape_cast %get3A_648 : vector<1x16xf32> to vector<16xf32>
      %mul3A_650 = arith.mulf %get3A_649, %get3A_49 : vector<16xf32>
      %add3A_651 = arith.addf %mul3A_645, %mul3A_650 : vector<16xf32>
      %swap3A_652 = arith.index_cast %scan3A_40 : i32 to index
      %swap3A_653 = arith.constant 592 : index
      %swap3A_654 = tpu.vector_load %arg8[%swap3A_652, %swap3A_653] {strides = array<i32>} : memref<32x1024xf32, #tpu.memory_space<vmem>>, vector<1x16xf32>,
      %swap3A_655 = vector.shape_cast %swap3A_654 : vector<1x16xf32> to vector<16xf32>
      %swap3A_656 = vector.shape_cast %add3A_651 : vector<16xf32> to vector<1x16xf32>
      tpu.vector_store %arg8[%swap3A_652, %swap3A_653], %swap3A_656 {strides = array<i32>} : memref<32x1024xf32, #tpu.memory_space<vmem>>, vector<1x16xf32>,
      %get3A_657 = arith.index_cast %scan3A_40 : i32 to index
      %get3A_658 = arith.constant 608 : index
      %get3A_659 = tpu.vector_load %arg8[%get3A_657, %get3A_658] {strides = array<i32>} : memref<32x1024xf32, #tpu.memory_space<vmem>>, vector<1x16xf32>,
      %get3A_660 = vector.shape_cast %get3A_659 : vector<1x16xf32> to vector<16xf32>
      %mul3A_661 = arith.mulf %get3A_660, %get3A_45 : vector<16xf32>
      %get3A_662 = arith.index_cast %scan3A_40 : i32 to index
      %get3A_663 = arith.constant 608 : index
      %get3A_664 = tpu.vector_load %arg9[%get3A_662, %get3A_663] {strides = array<i32>} : memref<32x1024xf32, #tpu.memory_space<vmem>>, vector<1x16xf32>,
      %get3A_665 = vector.shape_cast %get3A_664 : vector<1x16xf32> to vector<16xf32>
      %mul3A_666 = arith.mulf %get3A_665, %get3A_49 : vector<16xf32>
      %add3A_667 = arith.addf %mul3A_661, %mul3A_666 : vector<16xf32>
      %swap3A_668 = arith.index_cast %scan3A_40 : i32 to index
      %swap3A_669 = arith.constant 608 : index
      %swap3A_670 = tpu.vector_load %arg8[%swap3A_668, %swap3A_669] {strides = array<i32>} : memref<32x1024xf32, #tpu.memory_space<vmem>>, vector<1x16xf32>,
      %swap3A_671 = vector.shape_cast %swap3A_670 : vector<1x16xf32> to vector<16xf32>
      %swap3A_672 = vector.shape_cast %add3A_667 : vector<16xf32> to vector<1x16xf32>
      tpu.vector_store %arg8[%swap3A_668, %swap3A_669], %swap3A_672 {strides = array<i32>} : memref<32x1024xf32, #tpu.memory_space<vmem>>, vector<1x16xf32>,
      %get3A_673 = arith.index_cast %scan3A_40 : i32 to index
      %get3A_674 = arith.constant 624 : index
      %get3A_675 = tpu.vector_load %arg8[%get3A_673, %get3A_674] {strides = array<i32>} : memref<32x1024xf32, #tpu.memory_space<vmem>>, vector<1x16xf32>,
      %get3A_676 = vector.shape_cast %get3A_675 : vector<1x16xf32> to vector<16xf32>
      %mul3A_677 = arith.mulf %get3A_676, %get3A_45 : vector<16xf32>
      %get3A_678 = arith.index_cast %scan3A_40 : i32 to index
      %get3A_679 = arith.constant 624 : index
      %get3A_680 = tpu.vector_load %arg9[%get3A_678, %get3A_679] {strides = array<i32>} : memref<32x1024xf32, #tpu.memory_space<vmem>>, vector<1x16xf32>,
      %get3A_681 = vector.shape_cast %get3A_680 : vector<1x16xf32> to vector<16xf32>
      %mul3A_682 = arith.mulf %get3A_681, %get3A_49 : vector<16xf32>
      %add3A_683 = arith.addf %mul3A_677, %mul3A_682 : vector<16xf32>
      %swap3A_684 = arith.index_cast %scan3A_40 : i32 to index
      %swap3A_685 = arith.constant 624 : index
      %swap3A_686 = tpu.vector_load %arg8[%swap3A_684, %swap3A_685] {strides = array<i32>} : memref<32x1024xf32, #tpu.memory_space<vmem>>, vector<1x16xf32>,
      %swap3A_687 = vector.shape_cast %swap3A_686 : vector<1x16xf32> to vector<16xf32>
      %swap3A_688 = vector.shape_cast %add3A_683 : vector<16xf32> to vector<1x16xf32>
      tpu.vector_store %arg8[%swap3A_684, %swap3A_685], %swap3A_688 {strides = array<i32>} : memref<32x1024xf32, #tpu.memory_space<vmem>>, vector<1x16xf32>,
      %get3A_689 = arith.index_cast %scan3A_40 : i32 to index
      %get3A_690 = arith.constant 640 : index
      %get3A_691 = tpu.vector_load %arg8[%get3A_689, %get3A_690] {strides = array<i32>} : memref<32x1024xf32, #tpu.memory_space<vmem>>, vector<1x16xf32>,
      %get3A_692 = vector.shape_cast %get3A_691 : vector<1x16xf32> to vector<16xf32>
      %mul3A_693 = arith.mulf %get3A_692, %get3A_45 : vector<16xf32>
      %get3A_694 = arith.index_cast %scan3A_40 : i32 to index
      %get3A_695 = arith.constant 640 : index
      %get3A_696 = tpu.vector_load %arg9[%get3A_694, %get3A_695] {strides = array<i32>} : memref<32x1024xf32, #tpu.memory_space<vmem>>, vector<1x16xf32>,
      %get3A_697 = vector.shape_cast %get3A_696 : vector<1x16xf32> to vector<16xf32>
      %mul3A_698 = arith.mulf %get3A_697, %get3A_49 : vector<16xf32>
      %add3A_699 = arith.addf %mul3A_693, %mul3A_698 : vector<16xf32>
      %swap3A_700 = arith.index_cast %scan3A_40 : i32 to index
      %swap3A_701 = arith.constant 640 : index
      %swap3A_702 = tpu.vector_load %arg8[%swap3A_700, %swap3A_701] {strides = array<i32>} : memref<32x1024xf32, #tpu.memory_space<vmem>>, vector<1x16xf32>,
      %swap3A_703 = vector.shape_cast %swap3A_702 : vector<1x16xf32> to vector<16xf32>
      %swap3A_704 = vector.shape_cast %add3A_699 : vector<16xf32> to vector<1x16xf32>
      tpu.vector_store %arg8[%swap3A_700, %swap3A_701], %swap3A_704 {strides = array<i32>} : memref<32x1024xf32, #tpu.memory_space<vmem>>, vector<1x16xf32>,
      %get3A_705 = arith.index_cast %scan3A_40 : i32 to index
      %get3A_706 = arith.constant 656 : index
      %get3A_707 = tpu.vector_load %arg8[%get3A_705, %get3A_706] {strides = array<i32>} : memref<32x1024xf32, #tpu.memory_space<vmem>>, vector<1x16xf32>,
      %get3A_708 = vector.shape_cast %get3A_707 : vector<1x16xf32> to vector<16xf32>
      %mul3A_709 = arith.mulf %get3A_708, %get3A_45 : vector<16xf32>
      %get3A_710 = arith.index_cast %scan3A_40 : i32 to index
      %get3A_711 = arith.constant 656 : index
      %get3A_712 = tpu.vector_load %arg9[%get3A_710, %get3A_711] {strides = array<i32>} : memref<32x1024xf32, #tpu.memory_space<vmem>>, vector<1x16xf32>,
      %get3A_713 = vector.shape_cast %get3A_712 : vector<1x16xf32> to vector<16xf32>
      %mul3A_714 = arith.mulf %get3A_713, %get3A_49 : vector<16xf32>
      %add3A_715 = arith.addf %mul3A_709, %mul3A_714 : vector<16xf32>
      %swap3A_716 = arith.index_cast %scan3A_40 : i32 to index
      %swap3A_717 = arith.constant 656 : index
      %swap3A_718 = tpu.vector_load %arg8[%swap3A_716, %swap3A_717] {strides = array<i32>} : memref<32x1024xf32, #tpu.memory_space<vmem>>, vector<1x16xf32>,
      %swap3A_719 = vector.shape_cast %swap3A_718 : vector<1x16xf32> to vector<16xf32>
      %swap3A_720 = vector.shape_cast %add3A_715 : vector<16xf32> to vector<1x16xf32>
      tpu.vector_store %arg8[%swap3A_716, %swap3A_717], %swap3A_720 {strides = array<i32>} : memref<32x1024xf32, #tpu.memory_space<vmem>>, vector<1x16xf32>,
      %get3A_721 = arith.index_cast %scan3A_40 : i32 to index
      %get3A_722 = arith.constant 672 : index
      %get3A_723 = tpu.vector_load %arg8[%get3A_721, %get3A_722] {strides = array<i32>} : memref<32x1024xf32, #tpu.memory_space<vmem>>, vector<1x16xf32>,
      %get3A_724 = vector.shape_cast %get3A_723 : vector<1x16xf32> to vector<16xf32>
      %mul3A_725 = arith.mulf %get3A_724, %get3A_45 : vector<16xf32>
      %get3A_726 = arith.index_cast %scan3A_40 : i32 to index
      %get3A_727 = arith.constant 672 : index
      %get3A_728 = tpu.vector_load %arg9[%get3A_726, %get3A_727] {strides = array<i32>} : memref<32x1024xf32, #tpu.memory_space<vmem>>, vector<1x16xf32>,
      %get3A_729 = vector.shape_cast %get3A_728 : vector<1x16xf32> to vector<16xf32>
      %mul3A_730 = arith.mulf %get3A_729, %get3A_49 : vector<16xf32>
      %add3A_731 = arith.addf %mul3A_725, %mul3A_730 : vector<16xf32>
      %swap3A_732 = arith.index_cast %scan3A_40 : i32 to index
      %swap3A_733 = arith.constant 672 : index
      %swap3A_734 = tpu.vector_load %arg8[%swap3A_732, %swap3A_733] {strides = array<i32>} : memref<32x1024xf32, #tpu.memory_space<vmem>>, vector<1x16xf32>,
      %swap3A_735 = vector.shape_cast %swap3A_734 : vector<1x16xf32> to vector<16xf32>
      %swap3A_736 = vector.shape_cast %add3A_731 : vector<16xf32> to vector<1x16xf32>
      tpu.vector_store %arg8[%swap3A_732, %swap3A_733], %swap3A_736 {strides = array<i32>} : memref<32x1024xf32, #tpu.memory_space<vmem>>, vector<1x16xf32>,
      %get3A_737 = arith.index_cast %scan3A_40 : i32 to index
      %get3A_738 = arith.constant 688 : index
      %get3A_739 = tpu.vector_load %arg8[%get3A_737, %get3A_738] {strides = array<i32>} : memref<32x1024xf32, #tpu.memory_space<vmem>>, vector<1x16xf32>,
      %get3A_740 = vector.shape_cast %get3A_739 : vector<1x16xf32> to vector<16xf32>
      %mul3A_741 = arith.mulf %get3A_740, %get3A_45 : vector<16xf32>
      %get3A_742 = arith.index_cast %scan3A_40 : i32 to index
      %get3A_743 = arith.constant 688 : index
      %get3A_744 = tpu.vector_load %arg9[%get3A_742, %get3A_743] {strides = array<i32>} : memref<32x1024xf32, #tpu.memory_space<vmem>>, vector<1x16xf32>,
      %get3A_745 = vector.shape_cast %get3A_744 : vector<1x16xf32> to vector<16xf32>
      %mul3A_746 = arith.mulf %get3A_745, %get3A_49 : vector<16xf32>
      %add3A_747 = arith.addf %mul3A_741, %mul3A_746 : vector<16xf32>
      %swap3A_748 = arith.index_cast %scan3A_40 : i32 to index
      %swap3A_749 = arith.constant 688 : index
      %swap3A_750 = tpu.vector_load %arg8[%swap3A_748, %swap3A_749] {strides = array<i32>} : memref<32x1024xf32, #tpu.memory_space<vmem>>, vector<1x16xf32>,
      %swap3A_751 = vector.shape_cast %swap3A_750 : vector<1x16xf32> to vector<16xf32>
      %swap3A_752 = vector.shape_cast %add3A_747 : vector<16xf32> to vector<1x16xf32>
      tpu.vector_store %arg8[%swap3A_748, %swap3A_749], %swap3A_752 {strides = array<i32>} : memref<32x1024xf32, #tpu.memory_space<vmem>>, vector<1x16xf32>,
      %get3A_753 = arith.index_cast %scan3A_40 : i32 to index
      %get3A_754 = arith.constant 704 : index
      %get3A_755 = tpu.vector_load %arg8[%get3A_753, %get3A_754] {strides = array<i32>} : memref<32x1024xf32, #tpu.memory_space<vmem>>, vector<1x16xf32>,
      %get3A_756 = vector.shape_cast %get3A_755 : vector<1x16xf32> to vector<16xf32>
      %mul3A_757 = arith.mulf %get3A_756, %get3A_45 : vector<16xf32>
      %get3A_758 = arith.index_cast %scan3A_40 : i32 to index
      %get3A_759 = arith.constant 704 : index
      %get3A_760 = tpu.vector_load %arg9[%get3A_758, %get3A_759] {strides = array<i32>} : memref<32x1024xf32, #tpu.memory_space<vmem>>, vector<1x16xf32>,
      %get3A_761 = vector.shape_cast %get3A_760 : vector<1x16xf32> to vector<16xf32>
      %mul3A_762 = arith.mulf %get3A_761, %get3A_49 : vector<16xf32>
      %add3A_763 = arith.addf %mul3A_757, %mul3A_762 : vector<16xf32>
      %swap3A_764 = arith.index_cast %scan3A_40 : i32 to index
      %swap3A_765 = arith.constant 704 : index
      %swap3A_766 = tpu.vector_load %arg8[%swap3A_764, %swap3A_765] {strides = array<i32>} : memref<32x1024xf32, #tpu.memory_space<vmem>>, vector<1x16xf32>,
      %swap3A_767 = vector.shape_cast %swap3A_766 : vector<1x16xf32> to vector<16xf32>
      %swap3A_768 = vector.shape_cast %add3A_763 : vector<16xf32> to vector<1x16xf32>
      tpu.vector_store %arg8[%swap3A_764, %swap3A_765], %swap3A_768 {strides = array<i32>} : memref<32x1024xf32, #tpu.memory_space<vmem>>, vector<1x16xf32>,
      %get3A_769 = arith.index_cast %scan3A_40 : i32 to index
      %get3A_770 = arith.constant 720 : index
      %get3A_771 = tpu.vector_load %arg8[%get3A_769, %get3A_770] {strides = array<i32>} : memref<32x1024xf32, #tpu.memory_space<vmem>>, vector<1x16xf32>,
      %get3A_772 = vector.shape_cast %get3A_771 : vector<1x16xf32> to vector<16xf32>
      %mul3A_773 = arith.mulf %get3A_772, %get3A_45 : vector<16xf32>
      %get3A_774 = arith.index_cast %scan3A_40 : i32 to index
      %get3A_775 = arith.constant 720 : index
      %get3A_776 = tpu.vector_load %arg9[%get3A_774, %get3A_775] {strides = array<i32>} : memref<32x1024xf32, #tpu.memory_space<vmem>>, vector<1x16xf32>,
      %get3A_777 = vector.shape_cast %get3A_776 : vector<1x16xf32> to vector<16xf32>
      %mul3A_778 = arith.mulf %get3A_777, %get3A_49 : vector<16xf32>
      %add3A_779 = arith.addf %mul3A_773, %mul3A_778 : vector<16xf32>
      %swap3A_780 = arith.index_cast %scan3A_40 : i32 to index
      %swap3A_781 = arith.constant 720 : index
      %swap3A_782 = tpu.vector_load %arg8[%swap3A_780, %swap3A_781] {strides = array<i32>} : memref<32x1024xf32, #tpu.memory_space<vmem>>, vector<1x16xf32>,
      %swap3A_783 = vector.shape_cast %swap3A_782 : vector<1x16xf32> to vector<16xf32>
      %swap3A_784 = vector.shape_cast %add3A_779 : vector<16xf32> to vector<1x16xf32>
      tpu.vector_store %arg8[%swap3A_780, %swap3A_781], %swap3A_784 {strides = array<i32>} : memref<32x1024xf32, #tpu.memory_space<vmem>>, vector<1x16xf32>,
      %get3A_785 = arith.index_cast %scan3A_40 : i32 to index
      %get3A_786 = arith.constant 736 : index
      %get3A_787 = tpu.vector_load %arg8[%get3A_785, %get3A_786] {strides = array<i32>} : memref<32x1024xf32, #tpu.memory_space<vmem>>, vector<1x16xf32>,
      %get3A_788 = vector.shape_cast %get3A_787 : vector<1x16xf32> to vector<16xf32>
      %mul3A_789 = arith.mulf %get3A_788, %get3A_45 : vector<16xf32>
      %get3A_790 = arith.index_cast %scan3A_40 : i32 to index
      %get3A_791 = arith.constant 736 : index
      %get3A_792 = tpu.vector_load %arg9[%get3A_790, %get3A_791] {strides = array<i32>} : memref<32x1024xf32, #tpu.memory_space<vmem>>, vector<1x16xf32>,
      %get3A_793 = vector.shape_cast %get3A_792 : vector<1x16xf32> to vector<16xf32>
      %mul3A_794 = arith.mulf %get3A_793, %get3A_49 : vector<16xf32>
      %add3A_795 = arith.addf %mul3A_789, %mul3A_794 : vector<16xf32>
      %swap3A_796 = arith.index_cast %scan3A_40 : i32 to index
      %swap3A_797 = arith.constant 736 : index
      %swap3A_798 = tpu.vector_load %arg8[%swap3A_796, %swap3A_797] {strides = array<i32>} : memref<32x1024xf32, #tpu.memory_space<vmem>>, vector<1x16xf32>,
      %swap3A_799 = vector.shape_cast %swap3A_798 : vector<1x16xf32> to vector<16xf32>
      %swap3A_800 = vector.shape_cast %add3A_795 : vector<16xf32> to vector<1x16xf32>
      tpu.vector_store %arg8[%swap3A_796, %swap3A_797], %swap3A_800 {strides = array<i32>} : memref<32x1024xf32, #tpu.memory_space<vmem>>, vector<1x16xf32>,
      %get3A_801 = arith.index_cast %scan3A_40 : i32 to index
      %get3A_802 = arith.constant 752 : index
      %get3A_803 = tpu.vector_load %arg8[%get3A_801, %get3A_802] {strides = array<i32>} : memref<32x1024xf32, #tpu.memory_space<vmem>>, vector<1x16xf32>,
      %get3A_804 = vector.shape_cast %get3A_803 : vector<1x16xf32> to vector<16xf32>
      %mul3A_805 = arith.mulf %get3A_804, %get3A_45 : vector<16xf32>
      %get3A_806 = arith.index_cast %scan3A_40 : i32 to index
      %get3A_807 = arith.constant 752 : index
      %get3A_808 = tpu.vector_load %arg9[%get3A_806, %get3A_807] {strides = array<i32>} : memref<32x1024xf32, #tpu.memory_space<vmem>>, vector<1x16xf32>,
      %get3A_809 = vector.shape_cast %get3A_808 : vector<1x16xf32> to vector<16xf32>
      %mul3A_810 = arith.mulf %get3A_809, %get3A_49 : vector<16xf32>
      %add3A_811 = arith.addf %mul3A_805, %mul3A_810 : vector<16xf32>
      %swap3A_812 = arith.index_cast %scan3A_40 : i32 to index
      %swap3A_813 = arith.constant 752 : index
      %swap3A_814 = tpu.vector_load %arg8[%swap3A_812, %swap3A_813] {strides = array<i32>} : memref<32x1024xf32, #tpu.memory_space<vmem>>, vector<1x16xf32>,
      %swap3A_815 = vector.shape_cast %swap3A_814 : vector<1x16xf32> to vector<16xf32>
      %swap3A_816 = vector.shape_cast %add3A_811 : vector<16xf32> to vector<1x16xf32>
      tpu.vector_store %arg8[%swap3A_812, %swap3A_813], %swap3A_816 {strides = array<i32>} : memref<32x1024xf32, #tpu.memory_space<vmem>>, vector<1x16xf32>,
      %get3A_817 = arith.index_cast %scan3A_40 : i32 to index
      %get3A_818 = arith.constant 768 : index
      %get3A_819 = tpu.vector_load %arg8[%get3A_817, %get3A_818] {strides = array<i32>} : memref<32x1024xf32, #tpu.memory_space<vmem>>, vector<1x16xf32>,
      %get3A_820 = vector.shape_cast %get3A_819 : vector<1x16xf32> to vector<16xf32>
      %mul3A_821 = arith.mulf %get3A_820, %get3A_45 : vector<16xf32>
      %get3A_822 = arith.index_cast %scan3A_40 : i32 to index
      %get3A_823 = arith.constant 768 : index
      %get3A_824 = tpu.vector_load %arg9[%get3A_822, %get3A_823] {strides = array<i32>} : memref<32x1024xf32, #tpu.memory_space<vmem>>, vector<1x16xf32>,
      %get3A_825 = vector.shape_cast %get3A_824 : vector<1x16xf32> to vector<16xf32>
      %mul3A_826 = arith.mulf %get3A_825, %get3A_49 : vector<16xf32>
      %add3A_827 = arith.addf %mul3A_821, %mul3A_826 : vector<16xf32>
      %swap3A_828 = arith.index_cast %scan3A_40 : i32 to index
      %swap3A_829 = arith.constant 768 : index
      %swap3A_830 = tpu.vector_load %arg8[%swap3A_828, %swap3A_829] {strides = array<i32>} : memref<32x1024xf32, #tpu.memory_space<vmem>>, vector<1x16xf32>,
      %swap3A_831 = vector.shape_cast %swap3A_830 : vector<1x16xf32> to vector<16xf32>
      %swap3A_832 = vector.shape_cast %add3A_827 : vector<16xf32> to vector<1x16xf32>
      tpu.vector_store %arg8[%swap3A_828, %swap3A_829], %swap3A_832 {strides = array<i32>} : memref<32x1024xf32, #tpu.memory_space<vmem>>, vector<1x16xf32>,
      %get3A_833 = arith.index_cast %scan3A_40 : i32 to index
      %get3A_834 = arith.constant 784 : index
      %get3A_835 = tpu.vector_load %arg8[%get3A_833, %get3A_834] {strides = array<i32>} : memref<32x1024xf32, #tpu.memory_space<vmem>>, vector<1x16xf32>,
      %get3A_836 = vector.shape_cast %get3A_835 : vector<1x16xf32> to vector<16xf32>
      %mul3A_837 = arith.mulf %get3A_836, %get3A_45 : vector<16xf32>
      %get3A_838 = arith.index_cast %scan3A_40 : i32 to index
      %get3A_839 = arith.constant 784 : index
      %get3A_840 = tpu.vector_load %arg9[%get3A_838, %get3A_839] {strides = array<i32>} : memref<32x1024xf32, #tpu.memory_space<vmem>>, vector<1x16xf32>,
      %get3A_841 = vector.shape_cast %get3A_840 : vector<1x16xf32> to vector<16xf32>
      %mul3A_842 = arith.mulf %get3A_841, %get3A_49 : vector<16xf32>
      %add3A_843 = arith.addf %mul3A_837, %mul3A_842 : vector<16xf32>
      %swap3A_844 = arith.index_cast %scan3A_40 : i32 to index
      %swap3A_845 = arith.constant 784 : index
      %swap3A_846 = tpu.vector_load %arg8[%swap3A_844, %swap3A_845] {strides = array<i32>} : memref<32x1024xf32, #tpu.memory_space<vmem>>, vector<1x16xf32>,
      %swap3A_847 = vector.shape_cast %swap3A_846 : vector<1x16xf32> to vector<16xf32>
      %swap3A_848 = vector.shape_cast %add3A_843 : vector<16xf32> to vector<1x16xf32>
      tpu.vector_store %arg8[%swap3A_844, %swap3A_845], %swap3A_848 {strides = array<i32>} : memref<32x1024xf32, #tpu.memory_space<vmem>>, vector<1x16xf32>,
      %get3A_849 = arith.index_cast %scan3A_40 : i32 to index
      %get3A_850 = arith.constant 800 : index
      %get3A_851 = tpu.vector_load %arg8[%get3A_849, %get3A_850] {strides = array<i32>} : memref<32x1024xf32, #tpu.memory_space<vmem>>, vector<1x16xf32>,
      %get3A_852 = vector.shape_cast %get3A_851 : vector<1x16xf32> to vector<16xf32>
      %mul3A_853 = arith.mulf %get3A_852, %get3A_45 : vector<16xf32>
      %get3A_854 = arith.index_cast %scan3A_40 : i32 to index
      %get3A_855 = arith.constant 800 : index
      %get3A_856 = tpu.vector_load %arg9[%get3A_854, %get3A_855] {strides = array<i32>} : memref<32x1024xf32, #tpu.memory_space<vmem>>, vector<1x16xf32>,
      %get3A_857 = vector.shape_cast %get3A_856 : vector<1x16xf32> to vector<16xf32>
      %mul3A_858 = arith.mulf %get3A_857, %get3A_49 : vector<16xf32>
      %add3A_859 = arith.addf %mul3A_853, %mul3A_858 : vector<16xf32>
      %swap3A_860 = arith.index_cast %scan3A_40 : i32 to index
      %swap3A_861 = arith.constant 800 : index
      %swap3A_862 = tpu.vector_load %arg8[%swap3A_860, %swap3A_861] {strides = array<i32>} : memref<32x1024xf32, #tpu.memory_space<vmem>>, vector<1x16xf32>,
      %swap3A_863 = vector.shape_cast %swap3A_862 : vector<1x16xf32> to vector<16xf32>
      %swap3A_864 = vector.shape_cast %add3A_859 : vector<16xf32> to vector<1x16xf32>
      tpu.vector_store %arg8[%swap3A_860, %swap3A_861], %swap3A_864 {strides = array<i32>} : memref<32x1024xf32, #tpu.memory_space<vmem>>, vector<1x16xf32>,
      %get3A_865 = arith.index_cast %scan3A_40 : i32 to index
      %get3A_866 = arith.constant 816 : index
      %get3A_867 = tpu.vector_load %arg8[%get3A_865, %get3A_866] {strides = array<i32>} : memref<32x1024xf32, #tpu.memory_space<vmem>>, vector<1x16xf32>,
      %get3A_868 = vector.shape_cast %get3A_867 : vector<1x16xf32> to vector<16xf32>
      %mul3A_869 = arith.mulf %get3A_868, %get3A_45 : vector<16xf32>
      %get3A_870 = arith.index_cast %scan3A_40 : i32 to index
      %get3A_871 = arith.constant 816 : index
      %get3A_872 = tpu.vector_load %arg9[%get3A_870, %get3A_871] {strides = array<i32>} : memref<32x1024xf32, #tpu.memory_space<vmem>>, vector<1x16xf32>,
      %get3A_873 = vector.shape_cast %get3A_872 : vector<1x16xf32> to vector<16xf32>
      %mul3A_874 = arith.mulf %get3A_873, %get3A_49 : vector<16xf32>
      %add3A_875 = arith.addf %mul3A_869, %mul3A_874 : vector<16xf32>
      %swap3A_876 = arith.index_cast %scan3A_40 : i32 to index
      %swap3A_877 = arith.constant 816 : index
      %swap3A_878 = tpu.vector_load %arg8[%swap3A_876, %swap3A_877] {strides = array<i32>} : memref<32x1024xf32, #tpu.memory_space<vmem>>, vector<1x16xf32>,
      %swap3A_879 = vector.shape_cast %swap3A_878 : vector<1x16xf32> to vector<16xf32>
      %swap3A_880 = vector.shape_cast %add3A_875 : vector<16xf32> to vector<1x16xf32>
      tpu.vector_store %arg8[%swap3A_876, %swap3A_877], %swap3A_880 {strides = array<i32>} : memref<32x1024xf32, #tpu.memory_space<vmem>>, vector<1x16xf32>,
      %get3A_881 = arith.index_cast %scan3A_40 : i32 to index
      %get3A_882 = arith.constant 832 : index
      %get3A_883 = tpu.vector_load %arg8[%get3A_881, %get3A_882] {strides = array<i32>} : memref<32x1024xf32, #tpu.memory_space<vmem>>, vector<1x16xf32>,
      %get3A_884 = vector.shape_cast %get3A_883 : vector<1x16xf32> to vector<16xf32>
      %mul3A_885 = arith.mulf %get3A_884, %get3A_45 : vector<16xf32>
      %get3A_886 = arith.index_cast %scan3A_40 : i32 to index
      %get3A_887 = arith.constant 832 : index
      %get3A_888 = tpu.vector_load %arg9[%get3A_886, %get3A_887] {strides = array<i32>} : memref<32x1024xf32, #tpu.memory_space<vmem>>, vector<1x16xf32>,
      %get3A_889 = vector.shape_cast %get3A_888 : vector<1x16xf32> to vector<16xf32>
      %mul3A_890 = arith.mulf %get3A_889, %get3A_49 : vector<16xf32>
      %add3A_891 = arith.addf %mul3A_885, %mul3A_890 : vector<16xf32>
      %swap3A_892 = arith.index_cast %scan3A_40 : i32 to index
      %swap3A_893 = arith.constant 832 : index
      %swap3A_894 = tpu.vector_load %arg8[%swap3A_892, %swap3A_893] {strides = array<i32>} : memref<32x1024xf32, #tpu.memory_space<vmem>>, vector<1x16xf32>,
      %swap3A_895 = vector.shape_cast %swap3A_894 : vector<1x16xf32> to vector<16xf32>
      %swap3A_896 = vector.shape_cast %add3A_891 : vector<16xf32> to vector<1x16xf32>
      tpu.vector_store %arg8[%swap3A_892, %swap3A_893], %swap3A_896 {strides = array<i32>} : memref<32x1024xf32, #tpu.memory_space<vmem>>, vector<1x16xf32>,
      %get3A_897 = arith.index_cast %scan3A_40 : i32 to index
      %get3A_898 = arith.constant 848 : index
      %get3A_899 = tpu.vector_load %arg8[%get3A_897, %get3A_898] {strides = array<i32>} : memref<32x1024xf32, #tpu.memory_space<vmem>>, vector<1x16xf32>,
      %get3A_900 = vector.shape_cast %get3A_899 : vector<1x16xf32> to vector<16xf32>
      %mul3A_901 = arith.mulf %get3A_900, %get3A_45 : vector<16xf32>
      %get3A_902 = arith.index_cast %scan3A_40 : i32 to index
      %get3A_903 = arith.constant 848 : index
      %get3A_904 = tpu.vector_load %arg9[%get3A_902, %get3A_903] {strides = array<i32>} : memref<32x1024xf32, #tpu.memory_space<vmem>>, vector<1x16xf32>,
      %get3A_905 = vector.shape_cast %get3A_904 : vector<1x16xf32> to vector<16xf32>
      %mul3A_906 = arith.mulf %get3A_905, %get3A_49 : vector<16xf32>
      %add3A_907 = arith.addf %mul3A_901, %mul3A_906 : vector<16xf32>
      %swap3A_908 = arith.index_cast %scan3A_40 : i32 to index
      %swap3A_909 = arith.constant 848 : index
      %swap3A_910 = tpu.vector_load %arg8[%swap3A_908, %swap3A_909] {strides = array<i32>} : memref<32x1024xf32, #tpu.memory_space<vmem>>, vector<1x16xf32>,
      %swap3A_911 = vector.shape_cast %swap3A_910 : vector<1x16xf32> to vector<16xf32>
      %swap3A_912 = vector.shape_cast %add3A_907 : vector<16xf32> to vector<1x16xf32>
      tpu.vector_store %arg8[%swap3A_908, %swap3A_909], %swap3A_912 {strides = array<i32>} : memref<32x1024xf32, #tpu.memory_space<vmem>>, vector<1x16xf32>,
      %get3A_913 = arith.index_cast %scan3A_40 : i32 to index
      %get3A_914 = arith.constant 864 : index
      %get3A_915 = tpu.vector_load %arg8[%get3A_913, %get3A_914] {strides = array<i32>} : memref<32x1024xf32, #tpu.memory_space<vmem>>, vector<1x16xf32>,
      %get3A_916 = vector.shape_cast %get3A_915 : vector<1x16xf32> to vector<16xf32>
      %mul3A_917 = arith.mulf %get3A_916, %get3A_45 : vector<16xf32>
      %get3A_918 = arith.index_cast %scan3A_40 : i32 to index
      %get3A_919 = arith.constant 864 : index
      %get3A_920 = tpu.vector_load %arg9[%get3A_918, %get3A_919] {strides = array<i32>} : memref<32x1024xf32, #tpu.memory_space<vmem>>, vector<1x16xf32>,
      %get3A_921 = vector.shape_cast %get3A_920 : vector<1x16xf32> to vector<16xf32>
      %mul3A_922 = arith.mulf %get3A_921, %get3A_49 : vector<16xf32>
      %add3A_923 = arith.addf %mul3A_917, %mul3A_922 : vector<16xf32>
      %swap3A_924 = arith.index_cast %scan3A_40 : i32 to index
      %swap3A_925 = arith.constant 864 : index
      %swap3A_926 = tpu.vector_load %arg8[%swap3A_924, %swap3A_925] {strides = array<i32>} : memref<32x1024xf32, #tpu.memory_space<vmem>>, vector<1x16xf32>,
      %swap3A_927 = vector.shape_cast %swap3A_926 : vector<1x16xf32> to vector<16xf32>
      %swap3A_928 = vector.shape_cast %add3A_923 : vector<16xf32> to vector<1x16xf32>
      tpu.vector_store %arg8[%swap3A_924, %swap3A_925], %swap3A_928 {strides = array<i32>} : memref<32x1024xf32, #tpu.memory_space<vmem>>, vector<1x16xf32>,
      %get3A_929 = arith.index_cast %scan3A_40 : i32 to index
      %get3A_930 = arith.constant 880 : index
      %get3A_931 = tpu.vector_load %arg8[%get3A_929, %get3A_930] {strides = array<i32>} : memref<32x1024xf32, #tpu.memory_space<vmem>>, vector<1x16xf32>,
      %get3A_932 = vector.shape_cast %get3A_931 : vector<1x16xf32> to vector<16xf32>
      %mul3A_933 = arith.mulf %get3A_932, %get3A_45 : vector<16xf32>
      %get3A_934 = arith.index_cast %scan3A_40 : i32 to index
      %get3A_935 = arith.constant 880 : index
      %get3A_936 = tpu.vector_load %arg9[%get3A_934, %get3A_935] {strides = array<i32>} : memref<32x1024xf32, #tpu.memory_space<vmem>>, vector<1x16xf32>,
      %get3A_937 = vector.shape_cast %get3A_936 : vector<1x16xf32> to vector<16xf32>
      %mul3A_938 = arith.mulf %get3A_937, %get3A_49 : vector<16xf32>
      %add3A_939 = arith.addf %mul3A_933, %mul3A_938 : vector<16xf32>
      %swap3A_940 = arith.index_cast %scan3A_40 : i32 to index
      %swap3A_941 = arith.constant 880 : index
      %swap3A_942 = tpu.vector_load %arg8[%swap3A_940, %swap3A_941] {strides = array<i32>} : memref<32x1024xf32, #tpu.memory_space<vmem>>, vector<1x16xf32>,
      %swap3A_943 = vector.shape_cast %swap3A_942 : vector<1x16xf32> to vector<16xf32>
      %swap3A_944 = vector.shape_cast %add3A_939 : vector<16xf32> to vector<1x16xf32>
      tpu.vector_store %arg8[%swap3A_940, %swap3A_941], %swap3A_944 {strides = array<i32>} : memref<32x1024xf32, #tpu.memory_space<vmem>>, vector<1x16xf32>,
      %get3A_945 = arith.index_cast %scan3A_40 : i32 to index
      %get3A_946 = arith.constant 896 : index
      %get3A_947 = tpu.vector_load %arg8[%get3A_945, %get3A_946] {strides = array<i32>} : memref<32x1024xf32, #tpu.memory_space<vmem>>, vector<1x16xf32>,
      %get3A_948 = vector.shape_cast %get3A_947 : vector<1x16xf32> to vector<16xf32>
      %mul3A_949 = arith.mulf %get3A_948, %get3A_45 : vector<16xf32>
      %get3A_950 = arith.index_cast %scan3A_40 : i32 to index
      %get3A_951 = arith.constant 896 : index
      %get3A_952 = tpu.vector_load %arg9[%get3A_950, %get3A_951] {strides = array<i32>} : memref<32x1024xf32, #tpu.memory_space<vmem>>, vector<1x16xf32>,
      %get3A_953 = vector.shape_cast %get3A_952 : vector<1x16xf32> to vector<16xf32>
      %mul3A_954 = arith.mulf %get3A_953, %get3A_49 : vector<16xf32>
      %add3A_955 = arith.addf %mul3A_949, %mul3A_954 : vector<16xf32>
      %swap3A_956 = arith.index_cast %scan3A_40 : i32 to index
      %swap3A_957 = arith.constant 896 : index
      %swap3A_958 = tpu.vector_load %arg8[%swap3A_956, %swap3A_957] {strides = array<i32>} : memref<32x1024xf32, #tpu.memory_space<vmem>>, vector<1x16xf32>,
      %swap3A_959 = vector.shape_cast %swap3A_958 : vector<1x16xf32> to vector<16xf32>
      %swap3A_960 = vector.shape_cast %add3A_955 : vector<16xf32> to vector<1x16xf32>
      tpu.vector_store %arg8[%swap3A_956, %swap3A_957], %swap3A_960 {strides = array<i32>} : memref<32x1024xf32, #tpu.memory_space<vmem>>, vector<1x16xf32>,
      %get3A_961 = arith.index_cast %scan3A_40 : i32 to index
      %get3A_962 = arith.constant 912 : index
      %get3A_963 = tpu.vector_load %arg8[%get3A_961, %get3A_962] {strides = array<i32>} : memref<32x1024xf32, #tpu.memory_space<vmem>>, vector<1x16xf32>,
      %get3A_964 = vector.shape_cast %get3A_963 : vector<1x16xf32> to vector<16xf32>
      %mul3A_965 = arith.mulf %get3A_964, %get3A_45 : vector<16xf32>
      %get3A_966 = arith.index_cast %scan3A_40 : i32 to index
      %get3A_967 = arith.constant 912 : index
      %get3A_968 = tpu.vector_load %arg9[%get3A_966, %get3A_967] {strides = array<i32>} : memref<32x1024xf32, #tpu.memory_space<vmem>>, vector<1x16xf32>,
      %get3A_969 = vector.shape_cast %get3A_968 : vector<1x16xf32> to vector<16xf32>
      %mul3A_970 = arith.mulf %get3A_969, %get3A_49 : vector<16xf32>
      %add3A_971 = arith.addf %mul3A_965, %mul3A_970 : vector<16xf32>
      %swap3A_972 = arith.index_cast %scan3A_40 : i32 to index
      %swap3A_973 = arith.constant 912 : index
      %swap3A_974 = tpu.vector_load %arg8[%swap3A_972, %swap3A_973] {strides = array<i32>} : memref<32x1024xf32, #tpu.memory_space<vmem>>, vector<1x16xf32>,
      %swap3A_975 = vector.shape_cast %swap3A_974 : vector<1x16xf32> to vector<16xf32>
      %swap3A_976 = vector.shape_cast %add3A_971 : vector<16xf32> to vector<1x16xf32>
      tpu.vector_store %arg8[%swap3A_972, %swap3A_973], %swap3A_976 {strides = array<i32>} : memref<32x1024xf32, #tpu.memory_space<vmem>>, vector<1x16xf32>,
      %get3A_977 = arith.index_cast %scan3A_40 : i32 to index
      %get3A_978 = arith.constant 928 : index
      %get3A_979 = tpu.vector_load %arg8[%get3A_977, %get3A_978] {strides = array<i32>} : memref<32x1024xf32, #tpu.memory_space<vmem>>, vector<1x16xf32>,
      %get3A_980 = vector.shape_cast %get3A_979 : vector<1x16xf32> to vector<16xf32>
      %mul3A_981 = arith.mulf %get3A_980, %get3A_45 : vector<16xf32>
      %get3A_982 = arith.index_cast %scan3A_40 : i32 to index
      %get3A_983 = arith.constant 928 : index
      %get3A_984 = tpu.vector_load %arg9[%get3A_982, %get3A_983] {strides = array<i32>} : memref<32x1024xf32, #tpu.memory_space<vmem>>, vector<1x16xf32>,
      %get3A_985 = vector.shape_cast %get3A_984 : vector<1x16xf32> to vector<16xf32>
      %mul3A_986 = arith.mulf %get3A_985, %get3A_49 : vector<16xf32>
      %add3A_987 = arith.addf %mul3A_981, %mul3A_986 : vector<16xf32>
      %swap3A_988 = arith.index_cast %scan3A_40 : i32 to index
      %swap3A_989 = arith.constant 928 : index
      %swap3A_990 = tpu.vector_load %arg8[%swap3A_988, %swap3A_989] {strides = array<i32>} : memref<32x1024xf32, #tpu.memory_space<vmem>>, vector<1x16xf32>,
      %swap3A_991 = vector.shape_cast %swap3A_990 : vector<1x16xf32> to vector<16xf32>
      %swap3A_992 = vector.shape_cast %add3A_987 : vector<16xf32> to vector<1x16xf32>
      tpu.vector_store %arg8[%swap3A_988, %swap3A_989], %swap3A_992 {strides = array<i32>} : memref<32x1024xf32, #tpu.memory_space<vmem>>, vector<1x16xf32>,
      %get3A_993 = arith.index_cast %scan3A_40 : i32 to index
      %get3A_994 = arith.constant 944 : index
      %get3A_995 = tpu.vector_load %arg8[%get3A_993, %get3A_994] {strides = array<i32>} : memref<32x1024xf32, #tpu.memory_space<vmem>>, vector<1x16xf32>,
      %get3A_996 = vector.shape_cast %get3A_995 : vector<1x16xf32> to vector<16xf32>
      %mul3A_997 = arith.mulf %get3A_996, %get3A_45 : vector<16xf32>
      %get3A_998 = arith.index_cast %scan3A_40 : i32 to index
      %get3A_999 = arith.constant 944 : index
      %get3A_1000 = tpu.vector_load %arg9[%get3A_998, %get3A_999] {strides = array<i32>} : memref<32x1024xf32, #tpu.memory_space<vmem>>, vector<1x16xf32>,
      %get3A_1001 = vector.shape_cast %get3A_1000 : vector<1x16xf32> to vector<16xf32>
      %mul3A_1002 = arith.mulf %get3A_1001, %get3A_49 : vector<16xf32>
      %add3A_1003 = arith.addf %mul3A_997, %mul3A_1002 : vector<16xf32>
      %swap3A_1004 = arith.index_cast %scan3A_40 : i32 to index
      %swap3A_1005 = arith.constant 944 : index
      %swap3A_1006 = tpu.vector_load %arg8[%swap3A_1004, %swap3A_1005] {strides = array<i32>} : memref<32x1024xf32, #tpu.memory_space<vmem>>, vector<1x16xf32>,
      %swap3A_1007 = vector.shape_cast %swap3A_1006 : vector<1x16xf32> to vector<16xf32>
      %swap3A_1008 = vector.shape_cast %add3A_1003 : vector<16xf32> to vector<1x16xf32>
      tpu.vector_store %arg8[%swap3A_1004, %swap3A_1005], %swap3A_1008 {strides = array<i32>} : memref<32x1024xf32, #tpu.memory_space<vmem>>, vector<1x16xf32>,
      %get3A_1009 = arith.index_cast %scan3A_40 : i32 to index
      %get3A_1010 = arith.constant 960 : index
      %get3A_1011 = tpu.vector_load %arg8[%get3A_1009, %get3A_1010] {strides = array<i32>} : memref<32x1024xf32, #tpu.memory_space<vmem>>, vector<1x16xf32>,
      %get3A_1012 = vector.shape_cast %get3A_1011 : vector<1x16xf32> to vector<16xf32>
      %mul3A_1013 = arith.mulf %get3A_1012, %get3A_45 : vector<16xf32>
      %get3A_1014 = arith.index_cast %scan3A_40 : i32 to index
      %get3A_1015 = arith.constant 960 : index
      %get3A_1016 = tpu.vector_load %arg9[%get3A_1014, %get3A_1015] {strides = array<i32>} : memref<32x1024xf32, #tpu.memory_space<vmem>>, vector<1x16xf32>,
      %get3A_1017 = vector.shape_cast %get3A_1016 : vector<1x16xf32> to vector<16xf32>
      %mul3A_1018 = arith.mulf %get3A_1017, %get3A_49 : vector<16xf32>
      %add3A_1019 = arith.addf %mul3A_1013, %mul3A_1018 : vector<16xf32>
      %swap3A_1020 = arith.index_cast %scan3A_40 : i32 to index
      %swap3A_1021 = arith.constant 960 : index
      %swap3A_1022 = tpu.vector_load %arg8[%swap3A_1020, %swap3A_1021] {strides = array<i32>} : memref<32x1024xf32, #tpu.memory_space<vmem>>, vector<1x16xf32>,
      %swap3A_1023 = vector.shape_cast %swap3A_1022 : vector<1x16xf32> to vector<16xf32>
      %swap3A_1024 = vector.shape_cast %add3A_1019 : vector<16xf32> to vector<1x16xf32>
      tpu.vector_store %arg8[%swap3A_1020, %swap3A_1021], %swap3A_1024 {strides = array<i32>} : memref<32x1024xf32, #tpu.memory_space<vmem>>, vector<1x16xf32>,
      %get3A_1025 = arith.index_cast %scan3A_40 : i32 to index
      %get3A_1026 = arith.constant 976 : index
      %get3A_1027 = tpu.vector_load %arg8[%get3A_1025, %get3A_1026] {strides = array<i32>} : memref<32x1024xf32, #tpu.memory_space<vmem>>, vector<1x16xf32>,
      %get3A_1028 = vector.shape_cast %get3A_1027 : vector<1x16xf32> to vector<16xf32>
      %mul3A_1029 = arith.mulf %get3A_1028, %get3A_45 : vector<16xf32>
      %get3A_1030 = arith.index_cast %scan3A_40 : i32 to index
      %get3A_1031 = arith.constant 976 : index
      %get3A_1032 = tpu.vector_load %arg9[%get3A_1030, %get3A_1031] {strides = array<i32>} : memref<32x1024xf32, #tpu.memory_space<vmem>>, vector<1x16xf32>,
      %get3A_1033 = vector.shape_cast %get3A_1032 : vector<1x16xf32> to vector<16xf32>
      %mul3A_1034 = arith.mulf %get3A_1033, %get3A_49 : vector<16xf32>
      %add3A_1035 = arith.addf %mul3A_1029, %mul3A_1034 : vector<16xf32>
      %swap3A_1036 = arith.index_cast %scan3A_40 : i32 to index
      %swap3A_1037 = arith.constant 976 : index
      %swap3A_1038 = tpu.vector_load %arg8[%swap3A_1036, %swap3A_1037] {strides = array<i32>} : memref<32x1024xf32, #tpu.memory_space<vmem>>, vector<1x16xf32>,
      %swap3A_1039 = vector.shape_cast %swap3A_1038 : vector<1x16xf32> to vector<16xf32>
      %swap3A_1040 = vector.shape_cast %add3A_1035 : vector<16xf32> to vector<1x16xf32>
      tpu.vector_store %arg8[%swap3A_1036, %swap3A_1037], %swap3A_1040 {strides = array<i32>} : memref<32x1024xf32, #tpu.memory_space<vmem>>, vector<1x16xf32>,
      %get3A_1041 = arith.index_cast %scan3A_40 : i32 to index
      %get3A_1042 = arith.constant 992 : index
      %get3A_1043 = tpu.vector_load %arg8[%get3A_1041, %get3A_1042] {strides = array<i32>} : memref<32x1024xf32, #tpu.memory_space<vmem>>, vector<1x16xf32>,
      %get3A_1044 = vector.shape_cast %get3A_1043 : vector<1x16xf32> to vector<16xf32>
      %mul3A_1045 = arith.mulf %get3A_1044, %get3A_45 : vector<16xf32>
      %get3A_1046 = arith.index_cast %scan3A_40 : i32 to index
      %get3A_1047 = arith.constant 992 : index
      %get3A_1048 = tpu.vector_load %arg9[%get3A_1046, %get3A_1047] {strides = array<i32>} : memref<32x1024xf32, #tpu.memory_space<vmem>>, vector<1x16xf32>,
      %get3A_1049 = vector.shape_cast %get3A_1048 : vector<1x16xf32> to vector<16xf32>
      %mul3A_1050 = arith.mulf %get3A_1049, %get3A_49 : vector<16xf32>
      %add3A_1051 = arith.addf %mul3A_1045, %mul3A_1050 : vector<16xf32>
      %swap3A_1052 = arith.index_cast %scan3A_40 : i32 to index
      %swap3A_1053 = arith.constant 992 : index
      %swap3A_1054 = tpu.vector_load %arg8[%swap3A_1052, %swap3A_1053] {strides = array<i32>} : memref<32x1024xf32, #tpu.memory_space<vmem>>, vector<1x16xf32>,
      %swap3A_1055 = vector.shape_cast %swap3A_1054 : vector<1x16xf32> to vector<16xf32>
      %swap3A_1056 = vector.shape_cast %add3A_1051 : vector<16xf32> to vector<1x16xf32>
      tpu.vector_store %arg8[%swap3A_1052, %swap3A_1053], %swap3A_1056 {strides = array<i32>} : memref<32x1024xf32, #tpu.memory_space<vmem>>, vector<1x16xf32>,
      %get3A_1057 = arith.index_cast %scan3A_40 : i32 to index
      %get3A_1058 = arith.constant 1008 : index
      %get3A_1059 = tpu.vector_load %arg8[%get3A_1057, %get3A_1058] {strides = array<i32>} : memref<32x1024xf32, #tpu.memory_space<vmem>>, vector<1x16xf32>,
      %get3A_1060 = vector.shape_cast %get3A_1059 : vector<1x16xf32> to vector<16xf32>
      %mul3A_1061 = arith.mulf %get3A_1060, %get3A_45 : vector<16xf32>
      %get3A_1062 = arith.index_cast %scan3A_40 : i32 to index
      %get3A_1063 = arith.constant 1008 : index
      %get3A_1064 = tpu.vector_load %arg9[%get3A_1062, %get3A_1063] {strides = array<i32>} : memref<32x1024xf32, #tpu.memory_space<vmem>>, vector<1x16xf32>,
      %get3A_1065 = vector.shape_cast %get3A_1064 : vector<1x16xf32> to vector<16xf32>
      %mul3A_1066 = arith.mulf %get3A_1065, %get3A_49 : vector<16xf32>
      %add3A_1067 = arith.addf %mul3A_1061, %mul3A_1066 : vector<16xf32>
      %swap3A_1068 = arith.index_cast %scan3A_40 : i32 to index
      %swap3A_1069 = arith.constant 1008 : index
      %swap3A_1070 = tpu.vector_load %arg8[%swap3A_1068, %swap3A_1069] {strides = array<i32>} : memref<32x1024xf32, #tpu.memory_space<vmem>>, vector<1x16xf32>,
      %swap3A_1071 = vector.shape_cast %swap3A_1070 : vector<1x16xf32> to vector<16xf32>
      %swap3A_1072 = vector.shape_cast %add3A_1067 : vector<16xf32> to vector<1x16xf32>
      tpu.vector_store %arg8[%swap3A_1068, %swap3A_1069], %swap3A_1072 {strides = array<i32>} : memref<32x1024xf32, #tpu.memory_space<vmem>>, vector<1x16xf32>,
    }
    %scan3A_17 = arith.constant 32 : i32
    %add3A_18 = arith.constant 0 : i32
    %add3A_19 = arith.addi %mul3A_2, %add3A_18 : i32
    "tpu.region"() ({
      %run_scoped3A = tpu.sem_alloc : memref<!tpu.dma_semaphore, #tpu.memory_space<semaphore_mem>>
      %dma_start3A_40 = arith.constant 0 : i32
      %dma_start3A_41 = tpu.memref_slice %arg7[%add3A_19, %dma_start3A_40] : memref<2048x1024xf32, #tpu.memory_space<hbm>> -> memref<32x1024xf32, #tpu.memory_space<hbm>>
      %dma_start3A_42 = arith.constant 0 : i32
      %dma_start3A_43 = tpu.memref_slice %arg7[%add3A_19, %dma_start3A_42] : memref<2048x1024xf32, #tpu.memory_space<hbm>> -> memref<32x1024xf32, #tpu.memory_space<hbm>>
      tpu.enqueue_dma source(%arg8 : memref<32x1024xf32, #tpu.memory_space<vmem>>) target(%dma_start3A_43 : memref<32x1024xf32, #tpu.memory_space<hbm>>) target_semaphore(%run_scoped3A : memref<!tpu.dma_semaphore, #tpu.memory_space<semaphore_mem>>)
      %dma_wait3A_44 = arith.constant 0 : i32
      %dma_wait3A_45 = tpu.memref_slice %arg7[%add3A_19, %dma_wait3A_44] : memref<2048x1024xf32, #tpu.memory_space<hbm>> -> memref<32x1024xf32, #tpu.memory_space<hbm>>
      %dma_wait3A_46 = arith.constant 0 : i32
      %dma_wait3A_47 = tpu.memref_slice %arg7[%add3A_19, %dma_wait3A_46] : memref<2048x1024xf32, #tpu.memory_space<hbm>> -> memref<32x1024xf32, #tpu.memory_space<hbm>>
      tpu.wait_dma2 semaphore(%run_scoped3A : memref<!tpu.dma_semaphore, #tpu.memory_space<semaphore_mem>>) src(%arg8 : memref<32x1024xf32, #tpu.memory_space<vmem>>) dst(%dma_wait3A_47 : memref<32x1024xf32, #tpu.memory_space<hbm>>)
      tpu.yield
    }) : () -> ()
    "tpu.region"() ({
      %run_scoped3A = tpu.sem_alloc : memref<!tpu.dma_semaphore, #tpu.memory_space<semaphore_mem>>
      %dma_start3A_40 = arith.constant 32 : i32
      %dma_start3A_41 = tpu.memref_slice %arg3[%add3A, %dma_start3A_40] : memref<32x64xi32, #tpu.memory_space<hbm>> -> memref<1x32xi32, #tpu.memory_space<hbm>>
      %dma_start3A_42 = tpu.memref_squeeze %dma_start3A_41 : memref<1x32xi32, #tpu.memory_space<hbm>> -> memref<32xi32, #tpu.memory_space<hbm>>
      %dma_start3A_43 = arith.constant 32 : i32
      %dma_start3A_44 = tpu.memref_slice %arg3[%add3A, %dma_start3A_43] : memref<32x64xi32, #tpu.memory_space<hbm>> -> memref<1x32xi32, #tpu.memory_space<hbm>>
      %dma_start3A_45 = tpu.memref_squeeze %dma_start3A_44 : memref<1x32xi32, #tpu.memory_space<hbm>> -> memref<32xi32, #tpu.memory_space<hbm>>
      tpu.enqueue_dma source(%dma_start3A_45 : memref<32xi32, #tpu.memory_space<hbm>>) target(%arg10 : memref<32xi32, #tpu.memory_space<vmem>>) target_semaphore(%run_scoped3A : memref<!tpu.dma_semaphore, #tpu.memory_space<semaphore_mem>>)
      %dma_wait3A_46 = arith.constant 32 : i32
      %dma_wait3A_47 = tpu.memref_slice %arg3[%add3A, %dma_wait3A_46] : memref<32x64xi32, #tpu.memory_space<hbm>> -> memref<1x32xi32, #tpu.memory_space<hbm>>
      %dma_wait3A_48 = tpu.memref_squeeze %dma_wait3A_47 : memref<1x32xi32, #tpu.memory_space<hbm>> -> memref<32xi32, #tpu.memory_space<hbm>>
      %dma_wait3A_49 = arith.constant 32 : i32
      %dma_wait3A_50 = tpu.memref_slice %arg3[%add3A, %dma_wait3A_49] : memref<32x64xi32, #tpu.memory_space<hbm>> -> memref<1x32xi32, #tpu.memory_space<hbm>>
      %dma_wait3A_51 = tpu.memref_squeeze %dma_wait3A_50 : memref<1x32xi32, #tpu.memory_space<hbm>> -> memref<32xi32, #tpu.memory_space<hbm>>
      tpu.wait_dma2 semaphore(%run_scoped3A : memref<!tpu.dma_semaphore, #tpu.memory_space<semaphore_mem>>) src(%dma_wait3A_51 : memref<32xi32, #tpu.memory_space<hbm>>) dst(%arg10 : memref<32xi32, #tpu.memory_space<vmem>>)
      tpu.yield
    }) : () -> ()
    "tpu.region"() ({
      %run_scoped3A = tpu.sem_alloc : memref<!tpu.dma_semaphore, #tpu.memory_space<semaphore_mem>>
      %dma_start3A_40 = arith.constant 32 : i32
      %dma_start3A_41 = tpu.memref_slice %arg4[%add3A, %dma_start3A_40] : memref<32x64xi32, #tpu.memory_space<hbm>> -> memref<1x32xi32, #tpu.memory_space<hbm>>
      %dma_start3A_42 = tpu.memref_squeeze %dma_start3A_41 : memref<1x32xi32, #tpu.memory_space<hbm>> -> memref<32xi32, #tpu.memory_space<hbm>>
      %dma_start3A_43 = arith.constant 32 : i32
      %dma_start3A_44 = tpu.memref_slice %arg4[%add3A, %dma_start3A_43] : memref<32x64xi32, #tpu.memory_space<hbm>> -> memref<1x32xi32, #tpu.memory_space<hbm>>
      %dma_start3A_45 = tpu.memref_squeeze %dma_start3A_44 : memref<1x32xi32, #tpu.memory_space<hbm>> -> memref<32xi32, #tpu.memory_space<hbm>>
      tpu.enqueue_dma source(%dma_start3A_45 : memref<32xi32, #tpu.memory_space<hbm>>) target(%arg11 : memref<32xi32, #tpu.memory_space<vmem>>) target_semaphore(%run_scoped3A : memref<!tpu.dma_semaphore, #tpu.memory_space<semaphore_mem>>)
      %dma_wait3A_46 = arith.constant 32 : i32
      %dma_wait3A_47 = tpu.memref_slice %arg4[%add3A, %dma_wait3A_46] : memref<32x64xi32, #tpu.memory_space<hbm>> -> memref<1x32xi32, #tpu.memory_space<hbm>>
      %dma_wait3A_48 = tpu.memref_squeeze %dma_wait3A_47 : memref<1x32xi32, #tpu.memory_space<hbm>> -> memref<32xi32, #tpu.memory_space<hbm>>
      %dma_wait3A_49 = arith.constant 32 : i32
      %dma_wait3A_50 = tpu.memref_slice %arg4[%add3A, %dma_wait3A_49] : memref<32x64xi32, #tpu.memory_space<hbm>> -> memref<1x32xi32, #tpu.memory_space<hbm>>
      %dma_wait3A_51 = tpu.memref_squeeze %dma_wait3A_50 : memref<1x32xi32, #tpu.memory_space<hbm>> -> memref<32xi32, #tpu.memory_space<hbm>>
      tpu.wait_dma2 semaphore(%run_scoped3A : memref<!tpu.dma_semaphore, #tpu.memory_space<semaphore_mem>>) src(%dma_wait3A_51 : memref<32xi32, #tpu.memory_space<hbm>>) dst(%arg11 : memref<32xi32, #tpu.memory_space<vmem>>)
      tpu.yield
    }) : () -> ()
    %dma_start3A_20 = arith.constant 0 : i32
    %dma_start3A_21 = arith.constant 0 : i32
    %dma_start3A_22 = tpu.memref_slice %arg2[%dma_start3A_20, %dma_start3A_21] : memref<8192x1024xf32, #tpu.memory_space<hbm>> -> memref<8192x1024xf32, #tpu.memory_space<hbm>>
    tpu.enqueue_indirect_dma source(%dma_start3A_22 : memref<8192x1024xf32, #tpu.memory_space<hbm>>) target(%arg8 : memref<32x1024xf32, #tpu.memory_space<vmem>>) offsets(%arg10 : memref<32xi32, #tpu.memory_space<vmem>>) semaphore(%arg14 : memref<!tpu.dma_semaphore, #tpu.memory_space<semaphore_mem>>)
    %dma_start3A_23 = arith.constant 0 : i32
    %dma_start3A_24 = arith.constant 0 : i32
    %dma_start3A_25 = tpu.memref_slice %arg2[%dma_start3A_23, %dma_start3A_24] : memref<8192x1024xf32, #tpu.memory_space<hbm>> -> memref<8192x1024xf32, #tpu.memory_space<hbm>>
    tpu.enqueue_indirect_dma source(%dma_start3A_25 : memref<8192x1024xf32, #tpu.memory_space<hbm>>) target(%arg9 : memref<32x1024xf32, #tpu.memory_space<vmem>>) offsets(%arg11 : memref<32xi32, #tpu.memory_space<vmem>>) semaphore(%arg15 : memref<!tpu.dma_semaphore, #tpu.memory_space<semaphore_mem>>)
    %dma_wait3A_26 = arith.constant 0 : i32
    %dma_wait3A_27 = arith.constant 0 : i32
    %dma_wait3A_28 = tpu.memref_slice %arg2[%dma_wait3A_26, %dma_wait3A_27] : memref<8192x1024xf32, #tpu.memory_space<hbm>> -> memref<8192x1024xf32, #tpu.memory_space<hbm>>
    tpu.wait_indirect_dma semaphore(%arg14 : memref<!tpu.dma_semaphore, #tpu.memory_space<semaphore_mem>>) src(%dma_wait3A_28 : memref<8192x1024xf32, #tpu.memory_space<hbm>>) dst(%arg8 : memref<32x1024xf32, #tpu.memory_space<vmem>>)
    %dma_wait3A_29 = arith.constant 0 : i32
    %dma_wait3A_30 = arith.constant 0 : i32
    %dma_wait3A_31 = tpu.memref_slice %arg2[%dma_wait3A_29, %dma_wait3A_30] : memref<8192x1024xf32, #tpu.memory_space<hbm>> -> memref<8192x1024xf32, #tpu.memory_space<hbm>>
    tpu.wait_indirect_dma semaphore(%arg15 : memref<!tpu.dma_semaphore, #tpu.memory_space<semaphore_mem>>) src(%dma_wait3A_31 : memref<8192x1024xf32, #tpu.memory_space<hbm>>) dst(%arg9 : memref<32x1024xf32, #tpu.memory_space<vmem>>)
    %scan3A_32 = arith.constant 0 : i32
    %scan3A_33 = arith.constant 0 : i32
    %scan3A_34 = arith.constant 32 : i32
    %scan3A_35 = arith.addi %scan3A_33, %scan3A_34 : i32
    %scan3A_36 = arith.constant 1 : i32
    scf.for %scan3A_40 = %scan3A_33 to %scan3A_35 step %scan3A_36  : i32 {
      %add3A_41 = arith.constant 32 : i32
      %add3A_42 = arith.addi %add3A_41, %scan3A_40 : i32
      %get3A = arith.index_cast %add3A_42 : i32 to index
      %get3A_43 = arith.constant 0 : index
      %get3A_44 = tpu.vector_load %arg12[%get3A, %get3A_43] {strides = array<i32>} : memref<64x16xf32, #tpu.memory_space<vmem>>, vector<1x16xf32>,
      %get3A_45 = vector.shape_cast %get3A_44 : vector<1x16xf32> to vector<16xf32>
      %get3A_46 = arith.index_cast %add3A_42 : i32 to index
      %get3A_47 = arith.constant 0 : index
      %get3A_48 = tpu.vector_load %arg13[%get3A_46, %get3A_47] {strides = array<i32>} : memref<64x16xf32, #tpu.memory_space<vmem>>, vector<1x16xf32>,
      %get3A_49 = vector.shape_cast %get3A_48 : vector<1x16xf32> to vector<16xf32>
      %get3A_50 = arith.index_cast %scan3A_40 : i32 to index
      %get3A_51 = arith.constant 0 : index
      %get3A_52 = tpu.vector_load %arg8[%get3A_50, %get3A_51] {strides = array<i32>} : memref<32x1024xf32, #tpu.memory_space<vmem>>, vector<1x16xf32>,
      %get3A_53 = vector.shape_cast %get3A_52 : vector<1x16xf32> to vector<16xf32>
      %mul3A_54 = arith.mulf %get3A_53, %get3A_45 : vector<16xf32>
      %get3A_55 = arith.index_cast %scan3A_40 : i32 to index
      %get3A_56 = arith.constant 0 : index
      %get3A_57 = tpu.vector_load %arg9[%get3A_55, %get3A_56] {strides = array<i32>} : memref<32x1024xf32, #tpu.memory_space<vmem>>, vector<1x16xf32>,
      %get3A_58 = vector.shape_cast %get3A_57 : vector<1x16xf32> to vector<16xf32>
      %mul3A_59 = arith.mulf %get3A_58, %get3A_49 : vector<16xf32>
      %add3A_60 = arith.addf %mul3A_54, %mul3A_59 : vector<16xf32>
      %swap3A = arith.index_cast %scan3A_40 : i32 to index
      %swap3A_61 = arith.constant 0 : index
      %swap3A_62 = tpu.vector_load %arg8[%swap3A, %swap3A_61] {strides = array<i32>} : memref<32x1024xf32, #tpu.memory_space<vmem>>, vector<1x16xf32>,
      %swap3A_63 = vector.shape_cast %swap3A_62 : vector<1x16xf32> to vector<16xf32>
      %swap3A_64 = vector.shape_cast %add3A_60 : vector<16xf32> to vector<1x16xf32>
      tpu.vector_store %arg8[%swap3A, %swap3A_61], %swap3A_64 {strides = array<i32>} : memref<32x1024xf32, #tpu.memory_space<vmem>>, vector<1x16xf32>,
      %get3A_65 = arith.index_cast %scan3A_40 : i32 to index
      %get3A_66 = arith.constant 16 : index
      %get3A_67 = tpu.vector_load %arg8[%get3A_65, %get3A_66] {strides = array<i32>} : memref<32x1024xf32, #tpu.memory_space<vmem>>, vector<1x16xf32>,
      %get3A_68 = vector.shape_cast %get3A_67 : vector<1x16xf32> to vector<16xf32>
      %mul3A_69 = arith.mulf %get3A_68, %get3A_45 : vector<16xf32>
      %get3A_70 = arith.index_cast %scan3A_40 : i32 to index
      %get3A_71 = arith.constant 16 : index
      %get3A_72 = tpu.vector_load %arg9[%get3A_70, %get3A_71] {strides = array<i32>} : memref<32x1024xf32, #tpu.memory_space<vmem>>, vector<1x16xf32>,
      %get3A_73 = vector.shape_cast %get3A_72 : vector<1x16xf32> to vector<16xf32>
      %mul3A_74 = arith.mulf %get3A_73, %get3A_49 : vector<16xf32>
      %add3A_75 = arith.addf %mul3A_69, %mul3A_74 : vector<16xf32>
      %swap3A_76 = arith.index_cast %scan3A_40 : i32 to index
      %swap3A_77 = arith.constant 16 : index
      %swap3A_78 = tpu.vector_load %arg8[%swap3A_76, %swap3A_77] {strides = array<i32>} : memref<32x1024xf32, #tpu.memory_space<vmem>>, vector<1x16xf32>,
      %swap3A_79 = vector.shape_cast %swap3A_78 : vector<1x16xf32> to vector<16xf32>
      %swap3A_80 = vector.shape_cast %add3A_75 : vector<16xf32> to vector<1x16xf32>
      tpu.vector_store %arg8[%swap3A_76, %swap3A_77], %swap3A_80 {strides = array<i32>} : memref<32x1024xf32, #tpu.memory_space<vmem>>, vector<1x16xf32>,
      %get3A_81 = arith.index_cast %scan3A_40 : i32 to index
      %get3A_82 = arith.constant 32 : index
      %get3A_83 = tpu.vector_load %arg8[%get3A_81, %get3A_82] {strides = array<i32>} : memref<32x1024xf32, #tpu.memory_space<vmem>>, vector<1x16xf32>,
      %get3A_84 = vector.shape_cast %get3A_83 : vector<1x16xf32> to vector<16xf32>
      %mul3A_85 = arith.mulf %get3A_84, %get3A_45 : vector<16xf32>
      %get3A_86 = arith.index_cast %scan3A_40 : i32 to index
      %get3A_87 = arith.constant 32 : index
      %get3A_88 = tpu.vector_load %arg9[%get3A_86, %get3A_87] {strides = array<i32>} : memref<32x1024xf32, #tpu.memory_space<vmem>>, vector<1x16xf32>,
      %get3A_89 = vector.shape_cast %get3A_88 : vector<1x16xf32> to vector<16xf32>
      %mul3A_90 = arith.mulf %get3A_89, %get3A_49 : vector<16xf32>
      %add3A_91 = arith.addf %mul3A_85, %mul3A_90 : vector<16xf32>
      %swap3A_92 = arith.index_cast %scan3A_40 : i32 to index
      %swap3A_93 = arith.constant 32 : index
      %swap3A_94 = tpu.vector_load %arg8[%swap3A_92, %swap3A_93] {strides = array<i32>} : memref<32x1024xf32, #tpu.memory_space<vmem>>, vector<1x16xf32>,
      %swap3A_95 = vector.shape_cast %swap3A_94 : vector<1x16xf32> to vector<16xf32>
      %swap3A_96 = vector.shape_cast %add3A_91 : vector<16xf32> to vector<1x16xf32>
      tpu.vector_store %arg8[%swap3A_92, %swap3A_93], %swap3A_96 {strides = array<i32>} : memref<32x1024xf32, #tpu.memory_space<vmem>>, vector<1x16xf32>,
      %get3A_97 = arith.index_cast %scan3A_40 : i32 to index
      %get3A_98 = arith.constant 48 : index
      %get3A_99 = tpu.vector_load %arg8[%get3A_97, %get3A_98] {strides = array<i32>} : memref<32x1024xf32, #tpu.memory_space<vmem>>, vector<1x16xf32>,
      %get3A_100 = vector.shape_cast %get3A_99 : vector<1x16xf32> to vector<16xf32>
      %mul3A_101 = arith.mulf %get3A_100, %get3A_45 : vector<16xf32>
      %get3A_102 = arith.index_cast %scan3A_40 : i32 to index
      %get3A_103 = arith.constant 48 : index
      %get3A_104 = tpu.vector_load %arg9[%get3A_102, %get3A_103] {strides = array<i32>} : memref<32x1024xf32, #tpu.memory_space<vmem>>, vector<1x16xf32>,
      %get3A_105 = vector.shape_cast %get3A_104 : vector<1x16xf32> to vector<16xf32>
      %mul3A_106 = arith.mulf %get3A_105, %get3A_49 : vector<16xf32>
      %add3A_107 = arith.addf %mul3A_101, %mul3A_106 : vector<16xf32>
      %swap3A_108 = arith.index_cast %scan3A_40 : i32 to index
      %swap3A_109 = arith.constant 48 : index
      %swap3A_110 = tpu.vector_load %arg8[%swap3A_108, %swap3A_109] {strides = array<i32>} : memref<32x1024xf32, #tpu.memory_space<vmem>>, vector<1x16xf32>,
      %swap3A_111 = vector.shape_cast %swap3A_110 : vector<1x16xf32> to vector<16xf32>
      %swap3A_112 = vector.shape_cast %add3A_107 : vector<16xf32> to vector<1x16xf32>
      tpu.vector_store %arg8[%swap3A_108, %swap3A_109], %swap3A_112 {strides = array<i32>} : memref<32x1024xf32, #tpu.memory_space<vmem>>, vector<1x16xf32>,
      %get3A_113 = arith.index_cast %scan3A_40 : i32 to index
      %get3A_114 = arith.constant 64 : index
      %get3A_115 = tpu.vector_load %arg8[%get3A_113, %get3A_114] {strides = array<i32>} : memref<32x1024xf32, #tpu.memory_space<vmem>>, vector<1x16xf32>,
      %get3A_116 = vector.shape_cast %get3A_115 : vector<1x16xf32> to vector<16xf32>
      %mul3A_117 = arith.mulf %get3A_116, %get3A_45 : vector<16xf32>
      %get3A_118 = arith.index_cast %scan3A_40 : i32 to index
      %get3A_119 = arith.constant 64 : index
      %get3A_120 = tpu.vector_load %arg9[%get3A_118, %get3A_119] {strides = array<i32>} : memref<32x1024xf32, #tpu.memory_space<vmem>>, vector<1x16xf32>,
      %get3A_121 = vector.shape_cast %get3A_120 : vector<1x16xf32> to vector<16xf32>
      %mul3A_122 = arith.mulf %get3A_121, %get3A_49 : vector<16xf32>
      %add3A_123 = arith.addf %mul3A_117, %mul3A_122 : vector<16xf32>
      %swap3A_124 = arith.index_cast %scan3A_40 : i32 to index
      %swap3A_125 = arith.constant 64 : index
      %swap3A_126 = tpu.vector_load %arg8[%swap3A_124, %swap3A_125] {strides = array<i32>} : memref<32x1024xf32, #tpu.memory_space<vmem>>, vector<1x16xf32>,
      %swap3A_127 = vector.shape_cast %swap3A_126 : vector<1x16xf32> to vector<16xf32>
      %swap3A_128 = vector.shape_cast %add3A_123 : vector<16xf32> to vector<1x16xf32>
      tpu.vector_store %arg8[%swap3A_124, %swap3A_125], %swap3A_128 {strides = array<i32>} : memref<32x1024xf32, #tpu.memory_space<vmem>>, vector<1x16xf32>,
      %get3A_129 = arith.index_cast %scan3A_40 : i32 to index
      %get3A_130 = arith.constant 80 : index
      %get3A_131 = tpu.vector_load %arg8[%get3A_129, %get3A_130] {strides = array<i32>} : memref<32x1024xf32, #tpu.memory_space<vmem>>, vector<1x16xf32>,
      %get3A_132 = vector.shape_cast %get3A_131 : vector<1x16xf32> to vector<16xf32>
      %mul3A_133 = arith.mulf %get3A_132, %get3A_45 : vector<16xf32>
      %get3A_134 = arith.index_cast %scan3A_40 : i32 to index
      %get3A_135 = arith.constant 80 : index
      %get3A_136 = tpu.vector_load %arg9[%get3A_134, %get3A_135] {strides = array<i32>} : memref<32x1024xf32, #tpu.memory_space<vmem>>, vector<1x16xf32>,
      %get3A_137 = vector.shape_cast %get3A_136 : vector<1x16xf32> to vector<16xf32>
      %mul3A_138 = arith.mulf %get3A_137, %get3A_49 : vector<16xf32>
      %add3A_139 = arith.addf %mul3A_133, %mul3A_138 : vector<16xf32>
      %swap3A_140 = arith.index_cast %scan3A_40 : i32 to index
      %swap3A_141 = arith.constant 80 : index
      %swap3A_142 = tpu.vector_load %arg8[%swap3A_140, %swap3A_141] {strides = array<i32>} : memref<32x1024xf32, #tpu.memory_space<vmem>>, vector<1x16xf32>,
      %swap3A_143 = vector.shape_cast %swap3A_142 : vector<1x16xf32> to vector<16xf32>
      %swap3A_144 = vector.shape_cast %add3A_139 : vector<16xf32> to vector<1x16xf32>
      tpu.vector_store %arg8[%swap3A_140, %swap3A_141], %swap3A_144 {strides = array<i32>} : memref<32x1024xf32, #tpu.memory_space<vmem>>, vector<1x16xf32>,
      %get3A_145 = arith.index_cast %scan3A_40 : i32 to index
      %get3A_146 = arith.constant 96 : index
      %get3A_147 = tpu.vector_load %arg8[%get3A_145, %get3A_146] {strides = array<i32>} : memref<32x1024xf32, #tpu.memory_space<vmem>>, vector<1x16xf32>,
      %get3A_148 = vector.shape_cast %get3A_147 : vector<1x16xf32> to vector<16xf32>
      %mul3A_149 = arith.mulf %get3A_148, %get3A_45 : vector<16xf32>
      %get3A_150 = arith.index_cast %scan3A_40 : i32 to index
      %get3A_151 = arith.constant 96 : index
      %get3A_152 = tpu.vector_load %arg9[%get3A_150, %get3A_151] {strides = array<i32>} : memref<32x1024xf32, #tpu.memory_space<vmem>>, vector<1x16xf32>,
      %get3A_153 = vector.shape_cast %get3A_152 : vector<1x16xf32> to vector<16xf32>
      %mul3A_154 = arith.mulf %get3A_153, %get3A_49 : vector<16xf32>
      %add3A_155 = arith.addf %mul3A_149, %mul3A_154 : vector<16xf32>
      %swap3A_156 = arith.index_cast %scan3A_40 : i32 to index
      %swap3A_157 = arith.constant 96 : index
      %swap3A_158 = tpu.vector_load %arg8[%swap3A_156, %swap3A_157] {strides = array<i32>} : memref<32x1024xf32, #tpu.memory_space<vmem>>, vector<1x16xf32>,
      %swap3A_159 = vector.shape_cast %swap3A_158 : vector<1x16xf32> to vector<16xf32>
      %swap3A_160 = vector.shape_cast %add3A_155 : vector<16xf32> to vector<1x16xf32>
      tpu.vector_store %arg8[%swap3A_156, %swap3A_157], %swap3A_160 {strides = array<i32>} : memref<32x1024xf32, #tpu.memory_space<vmem>>, vector<1x16xf32>,
      %get3A_161 = arith.index_cast %scan3A_40 : i32 to index
      %get3A_162 = arith.constant 112 : index
      %get3A_163 = tpu.vector_load %arg8[%get3A_161, %get3A_162] {strides = array<i32>} : memref<32x1024xf32, #tpu.memory_space<vmem>>, vector<1x16xf32>,
      %get3A_164 = vector.shape_cast %get3A_163 : vector<1x16xf32> to vector<16xf32>
      %mul3A_165 = arith.mulf %get3A_164, %get3A_45 : vector<16xf32>
      %get3A_166 = arith.index_cast %scan3A_40 : i32 to index
      %get3A_167 = arith.constant 112 : index
      %get3A_168 = tpu.vector_load %arg9[%get3A_166, %get3A_167] {strides = array<i32>} : memref<32x1024xf32, #tpu.memory_space<vmem>>, vector<1x16xf32>,
      %get3A_169 = vector.shape_cast %get3A_168 : vector<1x16xf32> to vector<16xf32>
      %mul3A_170 = arith.mulf %get3A_169, %get3A_49 : vector<16xf32>
      %add3A_171 = arith.addf %mul3A_165, %mul3A_170 : vector<16xf32>
      %swap3A_172 = arith.index_cast %scan3A_40 : i32 to index
      %swap3A_173 = arith.constant 112 : index
      %swap3A_174 = tpu.vector_load %arg8[%swap3A_172, %swap3A_173] {strides = array<i32>} : memref<32x1024xf32, #tpu.memory_space<vmem>>, vector<1x16xf32>,
      %swap3A_175 = vector.shape_cast %swap3A_174 : vector<1x16xf32> to vector<16xf32>
      %swap3A_176 = vector.shape_cast %add3A_171 : vector<16xf32> to vector<1x16xf32>
      tpu.vector_store %arg8[%swap3A_172, %swap3A_173], %swap3A_176 {strides = array<i32>} : memref<32x1024xf32, #tpu.memory_space<vmem>>, vector<1x16xf32>,
      %get3A_177 = arith.index_cast %scan3A_40 : i32 to index
      %get3A_178 = arith.constant 128 : index
      %get3A_179 = tpu.vector_load %arg8[%get3A_177, %get3A_178] {strides = array<i32>} : memref<32x1024xf32, #tpu.memory_space<vmem>>, vector<1x16xf32>,
      %get3A_180 = vector.shape_cast %get3A_179 : vector<1x16xf32> to vector<16xf32>
      %mul3A_181 = arith.mulf %get3A_180, %get3A_45 : vector<16xf32>
      %get3A_182 = arith.index_cast %scan3A_40 : i32 to index
      %get3A_183 = arith.constant 128 : index
      %get3A_184 = tpu.vector_load %arg9[%get3A_182, %get3A_183] {strides = array<i32>} : memref<32x1024xf32, #tpu.memory_space<vmem>>, vector<1x16xf32>,
      %get3A_185 = vector.shape_cast %get3A_184 : vector<1x16xf32> to vector<16xf32>
      %mul3A_186 = arith.mulf %get3A_185, %get3A_49 : vector<16xf32>
      %add3A_187 = arith.addf %mul3A_181, %mul3A_186 : vector<16xf32>
      %swap3A_188 = arith.index_cast %scan3A_40 : i32 to index
      %swap3A_189 = arith.constant 128 : index
      %swap3A_190 = tpu.vector_load %arg8[%swap3A_188, %swap3A_189] {strides = array<i32>} : memref<32x1024xf32, #tpu.memory_space<vmem>>, vector<1x16xf32>,
      %swap3A_191 = vector.shape_cast %swap3A_190 : vector<1x16xf32> to vector<16xf32>
      %swap3A_192 = vector.shape_cast %add3A_187 : vector<16xf32> to vector<1x16xf32>
      tpu.vector_store %arg8[%swap3A_188, %swap3A_189], %swap3A_192 {strides = array<i32>} : memref<32x1024xf32, #tpu.memory_space<vmem>>, vector<1x16xf32>,
      %get3A_193 = arith.index_cast %scan3A_40 : i32 to index
      %get3A_194 = arith.constant 144 : index
      %get3A_195 = tpu.vector_load %arg8[%get3A_193, %get3A_194] {strides = array<i32>} : memref<32x1024xf32, #tpu.memory_space<vmem>>, vector<1x16xf32>,
      %get3A_196 = vector.shape_cast %get3A_195 : vector<1x16xf32> to vector<16xf32>
      %mul3A_197 = arith.mulf %get3A_196, %get3A_45 : vector<16xf32>
      %get3A_198 = arith.index_cast %scan3A_40 : i32 to index
      %get3A_199 = arith.constant 144 : index
      %get3A_200 = tpu.vector_load %arg9[%get3A_198, %get3A_199] {strides = array<i32>} : memref<32x1024xf32, #tpu.memory_space<vmem>>, vector<1x16xf32>,
      %get3A_201 = vector.shape_cast %get3A_200 : vector<1x16xf32> to vector<16xf32>
      %mul3A_202 = arith.mulf %get3A_201, %get3A_49 : vector<16xf32>
      %add3A_203 = arith.addf %mul3A_197, %mul3A_202 : vector<16xf32>
      %swap3A_204 = arith.index_cast %scan3A_40 : i32 to index
      %swap3A_205 = arith.constant 144 : index
      %swap3A_206 = tpu.vector_load %arg8[%swap3A_204, %swap3A_205] {strides = array<i32>} : memref<32x1024xf32, #tpu.memory_space<vmem>>, vector<1x16xf32>,
      %swap3A_207 = vector.shape_cast %swap3A_206 : vector<1x16xf32> to vector<16xf32>
      %swap3A_208 = vector.shape_cast %add3A_203 : vector<16xf32> to vector<1x16xf32>
      tpu.vector_store %arg8[%swap3A_204, %swap3A_205], %swap3A_208 {strides = array<i32>} : memref<32x1024xf32, #tpu.memory_space<vmem>>, vector<1x16xf32>,
      %get3A_209 = arith.index_cast %scan3A_40 : i32 to index
      %get3A_210 = arith.constant 160 : index
      %get3A_211 = tpu.vector_load %arg8[%get3A_209, %get3A_210] {strides = array<i32>} : memref<32x1024xf32, #tpu.memory_space<vmem>>, vector<1x16xf32>,
      %get3A_212 = vector.shape_cast %get3A_211 : vector<1x16xf32> to vector<16xf32>
      %mul3A_213 = arith.mulf %get3A_212, %get3A_45 : vector<16xf32>
      %get3A_214 = arith.index_cast %scan3A_40 : i32 to index
      %get3A_215 = arith.constant 160 : index
      %get3A_216 = tpu.vector_load %arg9[%get3A_214, %get3A_215] {strides = array<i32>} : memref<32x1024xf32, #tpu.memory_space<vmem>>, vector<1x16xf32>,
      %get3A_217 = vector.shape_cast %get3A_216 : vector<1x16xf32> to vector<16xf32>
      %mul3A_218 = arith.mulf %get3A_217, %get3A_49 : vector<16xf32>
      %add3A_219 = arith.addf %mul3A_213, %mul3A_218 : vector<16xf32>
      %swap3A_220 = arith.index_cast %scan3A_40 : i32 to index
      %swap3A_221 = arith.constant 160 : index
      %swap3A_222 = tpu.vector_load %arg8[%swap3A_220, %swap3A_221] {strides = array<i32>} : memref<32x1024xf32, #tpu.memory_space<vmem>>, vector<1x16xf32>,
      %swap3A_223 = vector.shape_cast %swap3A_222 : vector<1x16xf32> to vector<16xf32>
      %swap3A_224 = vector.shape_cast %add3A_219 : vector<16xf32> to vector<1x16xf32>
      tpu.vector_store %arg8[%swap3A_220, %swap3A_221], %swap3A_224 {strides = array<i32>} : memref<32x1024xf32, #tpu.memory_space<vmem>>, vector<1x16xf32>,
      %get3A_225 = arith.index_cast %scan3A_40 : i32 to index
      %get3A_226 = arith.constant 176 : index
      %get3A_227 = tpu.vector_load %arg8[%get3A_225, %get3A_226] {strides = array<i32>} : memref<32x1024xf32, #tpu.memory_space<vmem>>, vector<1x16xf32>,
      %get3A_228 = vector.shape_cast %get3A_227 : vector<1x16xf32> to vector<16xf32>
      %mul3A_229 = arith.mulf %get3A_228, %get3A_45 : vector<16xf32>
      %get3A_230 = arith.index_cast %scan3A_40 : i32 to index
      %get3A_231 = arith.constant 176 : index
      %get3A_232 = tpu.vector_load %arg9[%get3A_230, %get3A_231] {strides = array<i32>} : memref<32x1024xf32, #tpu.memory_space<vmem>>, vector<1x16xf32>,
      %get3A_233 = vector.shape_cast %get3A_232 : vector<1x16xf32> to vector<16xf32>
      %mul3A_234 = arith.mulf %get3A_233, %get3A_49 : vector<16xf32>
      %add3A_235 = arith.addf %mul3A_229, %mul3A_234 : vector<16xf32>
      %swap3A_236 = arith.index_cast %scan3A_40 : i32 to index
      %swap3A_237 = arith.constant 176 : index
      %swap3A_238 = tpu.vector_load %arg8[%swap3A_236, %swap3A_237] {strides = array<i32>} : memref<32x1024xf32, #tpu.memory_space<vmem>>, vector<1x16xf32>,
      %swap3A_239 = vector.shape_cast %swap3A_238 : vector<1x16xf32> to vector<16xf32>
      %swap3A_240 = vector.shape_cast %add3A_235 : vector<16xf32> to vector<1x16xf32>
      tpu.vector_store %arg8[%swap3A_236, %swap3A_237], %swap3A_240 {strides = array<i32>} : memref<32x1024xf32, #tpu.memory_space<vmem>>, vector<1x16xf32>,
      %get3A_241 = arith.index_cast %scan3A_40 : i32 to index
      %get3A_242 = arith.constant 192 : index
      %get3A_243 = tpu.vector_load %arg8[%get3A_241, %get3A_242] {strides = array<i32>} : memref<32x1024xf32, #tpu.memory_space<vmem>>, vector<1x16xf32>,
      %get3A_244 = vector.shape_cast %get3A_243 : vector<1x16xf32> to vector<16xf32>
      %mul3A_245 = arith.mulf %get3A_244, %get3A_45 : vector<16xf32>
      %get3A_246 = arith.index_cast %scan3A_40 : i32 to index
      %get3A_247 = arith.constant 192 : index
      %get3A_248 = tpu.vector_load %arg9[%get3A_246, %get3A_247] {strides = array<i32>} : memref<32x1024xf32, #tpu.memory_space<vmem>>, vector<1x16xf32>,
      %get3A_249 = vector.shape_cast %get3A_248 : vector<1x16xf32> to vector<16xf32>
      %mul3A_250 = arith.mulf %get3A_249, %get3A_49 : vector<16xf32>
      %add3A_251 = arith.addf %mul3A_245, %mul3A_250 : vector<16xf32>
      %swap3A_252 = arith.index_cast %scan3A_40 : i32 to index
      %swap3A_253 = arith.constant 192 : index
      %swap3A_254 = tpu.vector_load %arg8[%swap3A_252, %swap3A_253] {strides = array<i32>} : memref<32x1024xf32, #tpu.memory_space<vmem>>, vector<1x16xf32>,
      %swap3A_255 = vector.shape_cast %swap3A_254 : vector<1x16xf32> to vector<16xf32>
      %swap3A_256 = vector.shape_cast %add3A_251 : vector<16xf32> to vector<1x16xf32>
      tpu.vector_store %arg8[%swap3A_252, %swap3A_253], %swap3A_256 {strides = array<i32>} : memref<32x1024xf32, #tpu.memory_space<vmem>>, vector<1x16xf32>,
      %get3A_257 = arith.index_cast %scan3A_40 : i32 to index
      %get3A_258 = arith.constant 208 : index
      %get3A_259 = tpu.vector_load %arg8[%get3A_257, %get3A_258] {strides = array<i32>} : memref<32x1024xf32, #tpu.memory_space<vmem>>, vector<1x16xf32>,
      %get3A_260 = vector.shape_cast %get3A_259 : vector<1x16xf32> to vector<16xf32>
      %mul3A_261 = arith.mulf %get3A_260, %get3A_45 : vector<16xf32>
      %get3A_262 = arith.index_cast %scan3A_40 : i32 to index
      %get3A_263 = arith.constant 208 : index
      %get3A_264 = tpu.vector_load %arg9[%get3A_262, %get3A_263] {strides = array<i32>} : memref<32x1024xf32, #tpu.memory_space<vmem>>, vector<1x16xf32>,
      %get3A_265 = vector.shape_cast %get3A_264 : vector<1x16xf32> to vector<16xf32>
      %mul3A_266 = arith.mulf %get3A_265, %get3A_49 : vector<16xf32>
      %add3A_267 = arith.addf %mul3A_261, %mul3A_266 : vector<16xf32>
      %swap3A_268 = arith.index_cast %scan3A_40 : i32 to index
      %swap3A_269 = arith.constant 208 : index
      %swap3A_270 = tpu.vector_load %arg8[%swap3A_268, %swap3A_269] {strides = array<i32>} : memref<32x1024xf32, #tpu.memory_space<vmem>>, vector<1x16xf32>,
      %swap3A_271 = vector.shape_cast %swap3A_270 : vector<1x16xf32> to vector<16xf32>
      %swap3A_272 = vector.shape_cast %add3A_267 : vector<16xf32> to vector<1x16xf32>
      tpu.vector_store %arg8[%swap3A_268, %swap3A_269], %swap3A_272 {strides = array<i32>} : memref<32x1024xf32, #tpu.memory_space<vmem>>, vector<1x16xf32>,
      %get3A_273 = arith.index_cast %scan3A_40 : i32 to index
      %get3A_274 = arith.constant 224 : index
      %get3A_275 = tpu.vector_load %arg8[%get3A_273, %get3A_274] {strides = array<i32>} : memref<32x1024xf32, #tpu.memory_space<vmem>>, vector<1x16xf32>,
      %get3A_276 = vector.shape_cast %get3A_275 : vector<1x16xf32> to vector<16xf32>
      %mul3A_277 = arith.mulf %get3A_276, %get3A_45 : vector<16xf32>
      %get3A_278 = arith.index_cast %scan3A_40 : i32 to index
      %get3A_279 = arith.constant 224 : index
      %get3A_280 = tpu.vector_load %arg9[%get3A_278, %get3A_279] {strides = array<i32>} : memref<32x1024xf32, #tpu.memory_space<vmem>>, vector<1x16xf32>,
      %get3A_281 = vector.shape_cast %get3A_280 : vector<1x16xf32> to vector<16xf32>
      %mul3A_282 = arith.mulf %get3A_281, %get3A_49 : vector<16xf32>
      %add3A_283 = arith.addf %mul3A_277, %mul3A_282 : vector<16xf32>
      %swap3A_284 = arith.index_cast %scan3A_40 : i32 to index
      %swap3A_285 = arith.constant 224 : index
      %swap3A_286 = tpu.vector_load %arg8[%swap3A_284, %swap3A_285] {strides = array<i32>} : memref<32x1024xf32, #tpu.memory_space<vmem>>, vector<1x16xf32>,
      %swap3A_287 = vector.shape_cast %swap3A_286 : vector<1x16xf32> to vector<16xf32>
      %swap3A_288 = vector.shape_cast %add3A_283 : vector<16xf32> to vector<1x16xf32>
      tpu.vector_store %arg8[%swap3A_284, %swap3A_285], %swap3A_288 {strides = array<i32>} : memref<32x1024xf32, #tpu.memory_space<vmem>>, vector<1x16xf32>,
      %get3A_289 = arith.index_cast %scan3A_40 : i32 to index
      %get3A_290 = arith.constant 240 : index
      %get3A_291 = tpu.vector_load %arg8[%get3A_289, %get3A_290] {strides = array<i32>} : memref<32x1024xf32, #tpu.memory_space<vmem>>, vector<1x16xf32>,
      %get3A_292 = vector.shape_cast %get3A_291 : vector<1x16xf32> to vector<16xf32>
      %mul3A_293 = arith.mulf %get3A_292, %get3A_45 : vector<16xf32>
      %get3A_294 = arith.index_cast %scan3A_40 : i32 to index
      %get3A_295 = arith.constant 240 : index
      %get3A_296 = tpu.vector_load %arg9[%get3A_294, %get3A_295] {strides = array<i32>} : memref<32x1024xf32, #tpu.memory_space<vmem>>, vector<1x16xf32>,
      %get3A_297 = vector.shape_cast %get3A_296 : vector<1x16xf32> to vector<16xf32>
      %mul3A_298 = arith.mulf %get3A_297, %get3A_49 : vector<16xf32>
      %add3A_299 = arith.addf %mul3A_293, %mul3A_298 : vector<16xf32>
      %swap3A_300 = arith.index_cast %scan3A_40 : i32 to index
      %swap3A_301 = arith.constant 240 : index
      %swap3A_302 = tpu.vector_load %arg8[%swap3A_300, %swap3A_301] {strides = array<i32>} : memref<32x1024xf32, #tpu.memory_space<vmem>>, vector<1x16xf32>,
      %swap3A_303 = vector.shape_cast %swap3A_302 : vector<1x16xf32> to vector<16xf32>
      %swap3A_304 = vector.shape_cast %add3A_299 : vector<16xf32> to vector<1x16xf32>
      tpu.vector_store %arg8[%swap3A_300, %swap3A_301], %swap3A_304 {strides = array<i32>} : memref<32x1024xf32, #tpu.memory_space<vmem>>, vector<1x16xf32>,
      %get3A_305 = arith.index_cast %scan3A_40 : i32 to index
      %get3A_306 = arith.constant 256 : index
      %get3A_307 = tpu.vector_load %arg8[%get3A_305, %get3A_306] {strides = array<i32>} : memref<32x1024xf32, #tpu.memory_space<vmem>>, vector<1x16xf32>,
      %get3A_308 = vector.shape_cast %get3A_307 : vector<1x16xf32> to vector<16xf32>
      %mul3A_309 = arith.mulf %get3A_308, %get3A_45 : vector<16xf32>
      %get3A_310 = arith.index_cast %scan3A_40 : i32 to index
      %get3A_311 = arith.constant 256 : index
      %get3A_312 = tpu.vector_load %arg9[%get3A_310, %get3A_311] {strides = array<i32>} : memref<32x1024xf32, #tpu.memory_space<vmem>>, vector<1x16xf32>,
      %get3A_313 = vector.shape_cast %get3A_312 : vector<1x16xf32> to vector<16xf32>
      %mul3A_314 = arith.mulf %get3A_313, %get3A_49 : vector<16xf32>
      %add3A_315 = arith.addf %mul3A_309, %mul3A_314 : vector<16xf32>
      %swap3A_316 = arith.index_cast %scan3A_40 : i32 to index
      %swap3A_317 = arith.constant 256 : index
      %swap3A_318 = tpu.vector_load %arg8[%swap3A_316, %swap3A_317] {strides = array<i32>} : memref<32x1024xf32, #tpu.memory_space<vmem>>, vector<1x16xf32>,
      %swap3A_319 = vector.shape_cast %swap3A_318 : vector<1x16xf32> to vector<16xf32>
      %swap3A_320 = vector.shape_cast %add3A_315 : vector<16xf32> to vector<1x16xf32>
      tpu.vector_store %arg8[%swap3A_316, %swap3A_317], %swap3A_320 {strides = array<i32>} : memref<32x1024xf32, #tpu.memory_space<vmem>>, vector<1x16xf32>,
      %get3A_321 = arith.index_cast %scan3A_40 : i32 to index
      %get3A_322 = arith.constant 272 : index
      %get3A_323 = tpu.vector_load %arg8[%get3A_321, %get3A_322] {strides = array<i32>} : memref<32x1024xf32, #tpu.memory_space<vmem>>, vector<1x16xf32>,
      %get3A_324 = vector.shape_cast %get3A_323 : vector<1x16xf32> to vector<16xf32>
      %mul3A_325 = arith.mulf %get3A_324, %get3A_45 : vector<16xf32>
      %get3A_326 = arith.index_cast %scan3A_40 : i32 to index
      %get3A_327 = arith.constant 272 : index
      %get3A_328 = tpu.vector_load %arg9[%get3A_326, %get3A_327] {strides = array<i32>} : memref<32x1024xf32, #tpu.memory_space<vmem>>, vector<1x16xf32>,
      %get3A_329 = vector.shape_cast %get3A_328 : vector<1x16xf32> to vector<16xf32>
      %mul3A_330 = arith.mulf %get3A_329, %get3A_49 : vector<16xf32>
      %add3A_331 = arith.addf %mul3A_325, %mul3A_330 : vector<16xf32>
      %swap3A_332 = arith.index_cast %scan3A_40 : i32 to index
      %swap3A_333 = arith.constant 272 : index
      %swap3A_334 = tpu.vector_load %arg8[%swap3A_332, %swap3A_333] {strides = array<i32>} : memref<32x1024xf32, #tpu.memory_space<vmem>>, vector<1x16xf32>,
      %swap3A_335 = vector.shape_cast %swap3A_334 : vector<1x16xf32> to vector<16xf32>
      %swap3A_336 = vector.shape_cast %add3A_331 : vector<16xf32> to vector<1x16xf32>
      tpu.vector_store %arg8[%swap3A_332, %swap3A_333], %swap3A_336 {strides = array<i32>} : memref<32x1024xf32, #tpu.memory_space<vmem>>, vector<1x16xf32>,
      %get3A_337 = arith.index_cast %scan3A_40 : i32 to index
      %get3A_338 = arith.constant 288 : index
      %get3A_339 = tpu.vector_load %arg8[%get3A_337, %get3A_338] {strides = array<i32>} : memref<32x1024xf32, #tpu.memory_space<vmem>>, vector<1x16xf32>,
      %get3A_340 = vector.shape_cast %get3A_339 : vector<1x16xf32> to vector<16xf32>
      %mul3A_341 = arith.mulf %get3A_340, %get3A_45 : vector<16xf32>
      %get3A_342 = arith.index_cast %scan3A_40 : i32 to index
      %get3A_343 = arith.constant 288 : index
      %get3A_344 = tpu.vector_load %arg9[%get3A_342, %get3A_343] {strides = array<i32>} : memref<32x1024xf32, #tpu.memory_space<vmem>>, vector<1x16xf32>,
      %get3A_345 = vector.shape_cast %get3A_344 : vector<1x16xf32> to vector<16xf32>
      %mul3A_346 = arith.mulf %get3A_345, %get3A_49 : vector<16xf32>
      %add3A_347 = arith.addf %mul3A_341, %mul3A_346 : vector<16xf32>
      %swap3A_348 = arith.index_cast %scan3A_40 : i32 to index
      %swap3A_349 = arith.constant 288 : index
      %swap3A_350 = tpu.vector_load %arg8[%swap3A_348, %swap3A_349] {strides = array<i32>} : memref<32x1024xf32, #tpu.memory_space<vmem>>, vector<1x16xf32>,
      %swap3A_351 = vector.shape_cast %swap3A_350 : vector<1x16xf32> to vector<16xf32>
      %swap3A_352 = vector.shape_cast %add3A_347 : vector<16xf32> to vector<1x16xf32>
      tpu.vector_store %arg8[%swap3A_348, %swap3A_349], %swap3A_352 {strides = array<i32>} : memref<32x1024xf32, #tpu.memory_space<vmem>>, vector<1x16xf32>,
      %get3A_353 = arith.index_cast %scan3A_40 : i32 to index
      %get3A_354 = arith.constant 304 : index
      %get3A_355 = tpu.vector_load %arg8[%get3A_353, %get3A_354] {strides = array<i32>} : memref<32x1024xf32, #tpu.memory_space<vmem>>, vector<1x16xf32>,
      %get3A_356 = vector.shape_cast %get3A_355 : vector<1x16xf32> to vector<16xf32>
      %mul3A_357 = arith.mulf %get3A_356, %get3A_45 : vector<16xf32>
      %get3A_358 = arith.index_cast %scan3A_40 : i32 to index
      %get3A_359 = arith.constant 304 : index
      %get3A_360 = tpu.vector_load %arg9[%get3A_358, %get3A_359] {strides = array<i32>} : memref<32x1024xf32, #tpu.memory_space<vmem>>, vector<1x16xf32>,
      %get3A_361 = vector.shape_cast %get3A_360 : vector<1x16xf32> to vector<16xf32>
      %mul3A_362 = arith.mulf %get3A_361, %get3A_49 : vector<16xf32>
      %add3A_363 = arith.addf %mul3A_357, %mul3A_362 : vector<16xf32>
      %swap3A_364 = arith.index_cast %scan3A_40 : i32 to index
      %swap3A_365 = arith.constant 304 : index
      %swap3A_366 = tpu.vector_load %arg8[%swap3A_364, %swap3A_365] {strides = array<i32>} : memref<32x1024xf32, #tpu.memory_space<vmem>>, vector<1x16xf32>,
      %swap3A_367 = vector.shape_cast %swap3A_366 : vector<1x16xf32> to vector<16xf32>
      %swap3A_368 = vector.shape_cast %add3A_363 : vector<16xf32> to vector<1x16xf32>
      tpu.vector_store %arg8[%swap3A_364, %swap3A_365], %swap3A_368 {strides = array<i32>} : memref<32x1024xf32, #tpu.memory_space<vmem>>, vector<1x16xf32>,
      %get3A_369 = arith.index_cast %scan3A_40 : i32 to index
      %get3A_370 = arith.constant 320 : index
      %get3A_371 = tpu.vector_load %arg8[%get3A_369, %get3A_370] {strides = array<i32>} : memref<32x1024xf32, #tpu.memory_space<vmem>>, vector<1x16xf32>,
      %get3A_372 = vector.shape_cast %get3A_371 : vector<1x16xf32> to vector<16xf32>
      %mul3A_373 = arith.mulf %get3A_372, %get3A_45 : vector<16xf32>
      %get3A_374 = arith.index_cast %scan3A_40 : i32 to index
      %get3A_375 = arith.constant 320 : index
      %get3A_376 = tpu.vector_load %arg9[%get3A_374, %get3A_375] {strides = array<i32>} : memref<32x1024xf32, #tpu.memory_space<vmem>>, vector<1x16xf32>,
      %get3A_377 = vector.shape_cast %get3A_376 : vector<1x16xf32> to vector<16xf32>
      %mul3A_378 = arith.mulf %get3A_377, %get3A_49 : vector<16xf32>
      %add3A_379 = arith.addf %mul3A_373, %mul3A_378 : vector<16xf32>
      %swap3A_380 = arith.index_cast %scan3A_40 : i32 to index
      %swap3A_381 = arith.constant 320 : index
      %swap3A_382 = tpu.vector_load %arg8[%swap3A_380, %swap3A_381] {strides = array<i32>} : memref<32x1024xf32, #tpu.memory_space<vmem>>, vector<1x16xf32>,
      %swap3A_383 = vector.shape_cast %swap3A_382 : vector<1x16xf32> to vector<16xf32>
      %swap3A_384 = vector.shape_cast %add3A_379 : vector<16xf32> to vector<1x16xf32>
      tpu.vector_store %arg8[%swap3A_380, %swap3A_381], %swap3A_384 {strides = array<i32>} : memref<32x1024xf32, #tpu.memory_space<vmem>>, vector<1x16xf32>,
      %get3A_385 = arith.index_cast %scan3A_40 : i32 to index
      %get3A_386 = arith.constant 336 : index
      %get3A_387 = tpu.vector_load %arg8[%get3A_385, %get3A_386] {strides = array<i32>} : memref<32x1024xf32, #tpu.memory_space<vmem>>, vector<1x16xf32>,
      %get3A_388 = vector.shape_cast %get3A_387 : vector<1x16xf32> to vector<16xf32>
      %mul3A_389 = arith.mulf %get3A_388, %get3A_45 : vector<16xf32>
      %get3A_390 = arith.index_cast %scan3A_40 : i32 to index
      %get3A_391 = arith.constant 336 : index
      %get3A_392 = tpu.vector_load %arg9[%get3A_390, %get3A_391] {strides = array<i32>} : memref<32x1024xf32, #tpu.memory_space<vmem>>, vector<1x16xf32>,
      %get3A_393 = vector.shape_cast %get3A_392 : vector<1x16xf32> to vector<16xf32>
      %mul3A_394 = arith.mulf %get3A_393, %get3A_49 : vector<16xf32>
      %add3A_395 = arith.addf %mul3A_389, %mul3A_394 : vector<16xf32>
      %swap3A_396 = arith.index_cast %scan3A_40 : i32 to index
      %swap3A_397 = arith.constant 336 : index
      %swap3A_398 = tpu.vector_load %arg8[%swap3A_396, %swap3A_397] {strides = array<i32>} : memref<32x1024xf32, #tpu.memory_space<vmem>>, vector<1x16xf32>,
      %swap3A_399 = vector.shape_cast %swap3A_398 : vector<1x16xf32> to vector<16xf32>
      %swap3A_400 = vector.shape_cast %add3A_395 : vector<16xf32> to vector<1x16xf32>
      tpu.vector_store %arg8[%swap3A_396, %swap3A_397], %swap3A_400 {strides = array<i32>} : memref<32x1024xf32, #tpu.memory_space<vmem>>, vector<1x16xf32>,
      %get3A_401 = arith.index_cast %scan3A_40 : i32 to index
      %get3A_402 = arith.constant 352 : index
      %get3A_403 = tpu.vector_load %arg8[%get3A_401, %get3A_402] {strides = array<i32>} : memref<32x1024xf32, #tpu.memory_space<vmem>>, vector<1x16xf32>,
      %get3A_404 = vector.shape_cast %get3A_403 : vector<1x16xf32> to vector<16xf32>
      %mul3A_405 = arith.mulf %get3A_404, %get3A_45 : vector<16xf32>
      %get3A_406 = arith.index_cast %scan3A_40 : i32 to index
      %get3A_407 = arith.constant 352 : index
      %get3A_408 = tpu.vector_load %arg9[%get3A_406, %get3A_407] {strides = array<i32>} : memref<32x1024xf32, #tpu.memory_space<vmem>>, vector<1x16xf32>,
      %get3A_409 = vector.shape_cast %get3A_408 : vector<1x16xf32> to vector<16xf32>
      %mul3A_410 = arith.mulf %get3A_409, %get3A_49 : vector<16xf32>
      %add3A_411 = arith.addf %mul3A_405, %mul3A_410 : vector<16xf32>
      %swap3A_412 = arith.index_cast %scan3A_40 : i32 to index
      %swap3A_413 = arith.constant 352 : index
      %swap3A_414 = tpu.vector_load %arg8[%swap3A_412, %swap3A_413] {strides = array<i32>} : memref<32x1024xf32, #tpu.memory_space<vmem>>, vector<1x16xf32>,
      %swap3A_415 = vector.shape_cast %swap3A_414 : vector<1x16xf32> to vector<16xf32>
      %swap3A_416 = vector.shape_cast %add3A_411 : vector<16xf32> to vector<1x16xf32>
      tpu.vector_store %arg8[%swap3A_412, %swap3A_413], %swap3A_416 {strides = array<i32>} : memref<32x1024xf32, #tpu.memory_space<vmem>>, vector<1x16xf32>,
      %get3A_417 = arith.index_cast %scan3A_40 : i32 to index
      %get3A_418 = arith.constant 368 : index
      %get3A_419 = tpu.vector_load %arg8[%get3A_417, %get3A_418] {strides = array<i32>} : memref<32x1024xf32, #tpu.memory_space<vmem>>, vector<1x16xf32>,
      %get3A_420 = vector.shape_cast %get3A_419 : vector<1x16xf32> to vector<16xf32>
      %mul3A_421 = arith.mulf %get3A_420, %get3A_45 : vector<16xf32>
      %get3A_422 = arith.index_cast %scan3A_40 : i32 to index
      %get3A_423 = arith.constant 368 : index
      %get3A_424 = tpu.vector_load %arg9[%get3A_422, %get3A_423] {strides = array<i32>} : memref<32x1024xf32, #tpu.memory_space<vmem>>, vector<1x16xf32>,
      %get3A_425 = vector.shape_cast %get3A_424 : vector<1x16xf32> to vector<16xf32>
      %mul3A_426 = arith.mulf %get3A_425, %get3A_49 : vector<16xf32>
      %add3A_427 = arith.addf %mul3A_421, %mul3A_426 : vector<16xf32>
      %swap3A_428 = arith.index_cast %scan3A_40 : i32 to index
      %swap3A_429 = arith.constant 368 : index
      %swap3A_430 = tpu.vector_load %arg8[%swap3A_428, %swap3A_429] {strides = array<i32>} : memref<32x1024xf32, #tpu.memory_space<vmem>>, vector<1x16xf32>,
      %swap3A_431 = vector.shape_cast %swap3A_430 : vector<1x16xf32> to vector<16xf32>
      %swap3A_432 = vector.shape_cast %add3A_427 : vector<16xf32> to vector<1x16xf32>
      tpu.vector_store %arg8[%swap3A_428, %swap3A_429], %swap3A_432 {strides = array<i32>} : memref<32x1024xf32, #tpu.memory_space<vmem>>, vector<1x16xf32>,
      %get3A_433 = arith.index_cast %scan3A_40 : i32 to index
      %get3A_434 = arith.constant 384 : index
      %get3A_435 = tpu.vector_load %arg8[%get3A_433, %get3A_434] {strides = array<i32>} : memref<32x1024xf32, #tpu.memory_space<vmem>>, vector<1x16xf32>,
      %get3A_436 = vector.shape_cast %get3A_435 : vector<1x16xf32> to vector<16xf32>
      %mul3A_437 = arith.mulf %get3A_436, %get3A_45 : vector<16xf32>
      %get3A_438 = arith.index_cast %scan3A_40 : i32 to index
      %get3A_439 = arith.constant 384 : index
      %get3A_440 = tpu.vector_load %arg9[%get3A_438, %get3A_439] {strides = array<i32>} : memref<32x1024xf32, #tpu.memory_space<vmem>>, vector<1x16xf32>,
      %get3A_441 = vector.shape_cast %get3A_440 : vector<1x16xf32> to vector<16xf32>
      %mul3A_442 = arith.mulf %get3A_441, %get3A_49 : vector<16xf32>
      %add3A_443 = arith.addf %mul3A_437, %mul3A_442 : vector<16xf32>
      %swap3A_444 = arith.index_cast %scan3A_40 : i32 to index
      %swap3A_445 = arith.constant 384 : index
      %swap3A_446 = tpu.vector_load %arg8[%swap3A_444, %swap3A_445] {strides = array<i32>} : memref<32x1024xf32, #tpu.memory_space<vmem>>, vector<1x16xf32>,
      %swap3A_447 = vector.shape_cast %swap3A_446 : vector<1x16xf32> to vector<16xf32>
      %swap3A_448 = vector.shape_cast %add3A_443 : vector<16xf32> to vector<1x16xf32>
      tpu.vector_store %arg8[%swap3A_444, %swap3A_445], %swap3A_448 {strides = array<i32>} : memref<32x1024xf32, #tpu.memory_space<vmem>>, vector<1x16xf32>,
      %get3A_449 = arith.index_cast %scan3A_40 : i32 to index
      %get3A_450 = arith.constant 400 : index
      %get3A_451 = tpu.vector_load %arg8[%get3A_449, %get3A_450] {strides = array<i32>} : memref<32x1024xf32, #tpu.memory_space<vmem>>, vector<1x16xf32>,
      %get3A_452 = vector.shape_cast %get3A_451 : vector<1x16xf32> to vector<16xf32>
      %mul3A_453 = arith.mulf %get3A_452, %get3A_45 : vector<16xf32>
      %get3A_454 = arith.index_cast %scan3A_40 : i32 to index
      %get3A_455 = arith.constant 400 : index
      %get3A_456 = tpu.vector_load %arg9[%get3A_454, %get3A_455] {strides = array<i32>} : memref<32x1024xf32, #tpu.memory_space<vmem>>, vector<1x16xf32>,
      %get3A_457 = vector.shape_cast %get3A_456 : vector<1x16xf32> to vector<16xf32>
      %mul3A_458 = arith.mulf %get3A_457, %get3A_49 : vector<16xf32>
      %add3A_459 = arith.addf %mul3A_453, %mul3A_458 : vector<16xf32>
      %swap3A_460 = arith.index_cast %scan3A_40 : i32 to index
      %swap3A_461 = arith.constant 400 : index
      %swap3A_462 = tpu.vector_load %arg8[%swap3A_460, %swap3A_461] {strides = array<i32>} : memref<32x1024xf32, #tpu.memory_space<vmem>>, vector<1x16xf32>,
      %swap3A_463 = vector.shape_cast %swap3A_462 : vector<1x16xf32> to vector<16xf32>
      %swap3A_464 = vector.shape_cast %add3A_459 : vector<16xf32> to vector<1x16xf32>
      tpu.vector_store %arg8[%swap3A_460, %swap3A_461], %swap3A_464 {strides = array<i32>} : memref<32x1024xf32, #tpu.memory_space<vmem>>, vector<1x16xf32>,
      %get3A_465 = arith.index_cast %scan3A_40 : i32 to index
      %get3A_466 = arith.constant 416 : index
      %get3A_467 = tpu.vector_load %arg8[%get3A_465, %get3A_466] {strides = array<i32>} : memref<32x1024xf32, #tpu.memory_space<vmem>>, vector<1x16xf32>,
      %get3A_468 = vector.shape_cast %get3A_467 : vector<1x16xf32> to vector<16xf32>
      %mul3A_469 = arith.mulf %get3A_468, %get3A_45 : vector<16xf32>
      %get3A_470 = arith.index_cast %scan3A_40 : i32 to index
      %get3A_471 = arith.constant 416 : index
      %get3A_472 = tpu.vector_load %arg9[%get3A_470, %get3A_471] {strides = array<i32>} : memref<32x1024xf32, #tpu.memory_space<vmem>>, vector<1x16xf32>,
      %get3A_473 = vector.shape_cast %get3A_472 : vector<1x16xf32> to vector<16xf32>
      %mul3A_474 = arith.mulf %get3A_473, %get3A_49 : vector<16xf32>
      %add3A_475 = arith.addf %mul3A_469, %mul3A_474 : vector<16xf32>
      %swap3A_476 = arith.index_cast %scan3A_40 : i32 to index
      %swap3A_477 = arith.constant 416 : index
      %swap3A_478 = tpu.vector_load %arg8[%swap3A_476, %swap3A_477] {strides = array<i32>} : memref<32x1024xf32, #tpu.memory_space<vmem>>, vector<1x16xf32>,
      %swap3A_479 = vector.shape_cast %swap3A_478 : vector<1x16xf32> to vector<16xf32>
      %swap3A_480 = vector.shape_cast %add3A_475 : vector<16xf32> to vector<1x16xf32>
      tpu.vector_store %arg8[%swap3A_476, %swap3A_477], %swap3A_480 {strides = array<i32>} : memref<32x1024xf32, #tpu.memory_space<vmem>>, vector<1x16xf32>,
      %get3A_481 = arith.index_cast %scan3A_40 : i32 to index
      %get3A_482 = arith.constant 432 : index
      %get3A_483 = tpu.vector_load %arg8[%get3A_481, %get3A_482] {strides = array<i32>} : memref<32x1024xf32, #tpu.memory_space<vmem>>, vector<1x16xf32>,
      %get3A_484 = vector.shape_cast %get3A_483 : vector<1x16xf32> to vector<16xf32>
      %mul3A_485 = arith.mulf %get3A_484, %get3A_45 : vector<16xf32>
      %get3A_486 = arith.index_cast %scan3A_40 : i32 to index
      %get3A_487 = arith.constant 432 : index
      %get3A_488 = tpu.vector_load %arg9[%get3A_486, %get3A_487] {strides = array<i32>} : memref<32x1024xf32, #tpu.memory_space<vmem>>, vector<1x16xf32>,
      %get3A_489 = vector.shape_cast %get3A_488 : vector<1x16xf32> to vector<16xf32>
      %mul3A_490 = arith.mulf %get3A_489, %get3A_49 : vector<16xf32>
      %add3A_491 = arith.addf %mul3A_485, %mul3A_490 : vector<16xf32>
      %swap3A_492 = arith.index_cast %scan3A_40 : i32 to index
      %swap3A_493 = arith.constant 432 : index
      %swap3A_494 = tpu.vector_load %arg8[%swap3A_492, %swap3A_493] {strides = array<i32>} : memref<32x1024xf32, #tpu.memory_space<vmem>>, vector<1x16xf32>,
      %swap3A_495 = vector.shape_cast %swap3A_494 : vector<1x16xf32> to vector<16xf32>
      %swap3A_496 = vector.shape_cast %add3A_491 : vector<16xf32> to vector<1x16xf32>
      tpu.vector_store %arg8[%swap3A_492, %swap3A_493], %swap3A_496 {strides = array<i32>} : memref<32x1024xf32, #tpu.memory_space<vmem>>, vector<1x16xf32>,
      %get3A_497 = arith.index_cast %scan3A_40 : i32 to index
      %get3A_498 = arith.constant 448 : index
      %get3A_499 = tpu.vector_load %arg8[%get3A_497, %get3A_498] {strides = array<i32>} : memref<32x1024xf32, #tpu.memory_space<vmem>>, vector<1x16xf32>,
      %get3A_500 = vector.shape_cast %get3A_499 : vector<1x16xf32> to vector<16xf32>
      %mul3A_501 = arith.mulf %get3A_500, %get3A_45 : vector<16xf32>
      %get3A_502 = arith.index_cast %scan3A_40 : i32 to index
      %get3A_503 = arith.constant 448 : index
      %get3A_504 = tpu.vector_load %arg9[%get3A_502, %get3A_503] {strides = array<i32>} : memref<32x1024xf32, #tpu.memory_space<vmem>>, vector<1x16xf32>,
      %get3A_505 = vector.shape_cast %get3A_504 : vector<1x16xf32> to vector<16xf32>
      %mul3A_506 = arith.mulf %get3A_505, %get3A_49 : vector<16xf32>
      %add3A_507 = arith.addf %mul3A_501, %mul3A_506 : vector<16xf32>
      %swap3A_508 = arith.index_cast %scan3A_40 : i32 to index
      %swap3A_509 = arith.constant 448 : index
      %swap3A_510 = tpu.vector_load %arg8[%swap3A_508, %swap3A_509] {strides = array<i32>} : memref<32x1024xf32, #tpu.memory_space<vmem>>, vector<1x16xf32>,
      %swap3A_511 = vector.shape_cast %swap3A_510 : vector<1x16xf32> to vector<16xf32>
      %swap3A_512 = vector.shape_cast %add3A_507 : vector<16xf32> to vector<1x16xf32>
      tpu.vector_store %arg8[%swap3A_508, %swap3A_509], %swap3A_512 {strides = array<i32>} : memref<32x1024xf32, #tpu.memory_space<vmem>>, vector<1x16xf32>,
      %get3A_513 = arith.index_cast %scan3A_40 : i32 to index
      %get3A_514 = arith.constant 464 : index
      %get3A_515 = tpu.vector_load %arg8[%get3A_513, %get3A_514] {strides = array<i32>} : memref<32x1024xf32, #tpu.memory_space<vmem>>, vector<1x16xf32>,
      %get3A_516 = vector.shape_cast %get3A_515 : vector<1x16xf32> to vector<16xf32>
      %mul3A_517 = arith.mulf %get3A_516, %get3A_45 : vector<16xf32>
      %get3A_518 = arith.index_cast %scan3A_40 : i32 to index
      %get3A_519 = arith.constant 464 : index
      %get3A_520 = tpu.vector_load %arg9[%get3A_518, %get3A_519] {strides = array<i32>} : memref<32x1024xf32, #tpu.memory_space<vmem>>, vector<1x16xf32>,
      %get3A_521 = vector.shape_cast %get3A_520 : vector<1x16xf32> to vector<16xf32>
      %mul3A_522 = arith.mulf %get3A_521, %get3A_49 : vector<16xf32>
      %add3A_523 = arith.addf %mul3A_517, %mul3A_522 : vector<16xf32>
      %swap3A_524 = arith.index_cast %scan3A_40 : i32 to index
      %swap3A_525 = arith.constant 464 : index
      %swap3A_526 = tpu.vector_load %arg8[%swap3A_524, %swap3A_525] {strides = array<i32>} : memref<32x1024xf32, #tpu.memory_space<vmem>>, vector<1x16xf32>,
      %swap3A_527 = vector.shape_cast %swap3A_526 : vector<1x16xf32> to vector<16xf32>
      %swap3A_528 = vector.shape_cast %add3A_523 : vector<16xf32> to vector<1x16xf32>
      tpu.vector_store %arg8[%swap3A_524, %swap3A_525], %swap3A_528 {strides = array<i32>} : memref<32x1024xf32, #tpu.memory_space<vmem>>, vector<1x16xf32>,
      %get3A_529 = arith.index_cast %scan3A_40 : i32 to index
      %get3A_530 = arith.constant 480 : index
      %get3A_531 = tpu.vector_load %arg8[%get3A_529, %get3A_530] {strides = array<i32>} : memref<32x1024xf32, #tpu.memory_space<vmem>>, vector<1x16xf32>,
      %get3A_532 = vector.shape_cast %get3A_531 : vector<1x16xf32> to vector<16xf32>
      %mul3A_533 = arith.mulf %get3A_532, %get3A_45 : vector<16xf32>
      %get3A_534 = arith.index_cast %scan3A_40 : i32 to index
      %get3A_535 = arith.constant 480 : index
      %get3A_536 = tpu.vector_load %arg9[%get3A_534, %get3A_535] {strides = array<i32>} : memref<32x1024xf32, #tpu.memory_space<vmem>>, vector<1x16xf32>,
      %get3A_537 = vector.shape_cast %get3A_536 : vector<1x16xf32> to vector<16xf32>
      %mul3A_538 = arith.mulf %get3A_537, %get3A_49 : vector<16xf32>
      %add3A_539 = arith.addf %mul3A_533, %mul3A_538 : vector<16xf32>
      %swap3A_540 = arith.index_cast %scan3A_40 : i32 to index
      %swap3A_541 = arith.constant 480 : index
      %swap3A_542 = tpu.vector_load %arg8[%swap3A_540, %swap3A_541] {strides = array<i32>} : memref<32x1024xf32, #tpu.memory_space<vmem>>, vector<1x16xf32>,
      %swap3A_543 = vector.shape_cast %swap3A_542 : vector<1x16xf32> to vector<16xf32>
      %swap3A_544 = vector.shape_cast %add3A_539 : vector<16xf32> to vector<1x16xf32>
      tpu.vector_store %arg8[%swap3A_540, %swap3A_541], %swap3A_544 {strides = array<i32>} : memref<32x1024xf32, #tpu.memory_space<vmem>>, vector<1x16xf32>,
      %get3A_545 = arith.index_cast %scan3A_40 : i32 to index
      %get3A_546 = arith.constant 496 : index
      %get3A_547 = tpu.vector_load %arg8[%get3A_545, %get3A_546] {strides = array<i32>} : memref<32x1024xf32, #tpu.memory_space<vmem>>, vector<1x16xf32>,
      %get3A_548 = vector.shape_cast %get3A_547 : vector<1x16xf32> to vector<16xf32>
      %mul3A_549 = arith.mulf %get3A_548, %get3A_45 : vector<16xf32>
      %get3A_550 = arith.index_cast %scan3A_40 : i32 to index
      %get3A_551 = arith.constant 496 : index
      %get3A_552 = tpu.vector_load %arg9[%get3A_550, %get3A_551] {strides = array<i32>} : memref<32x1024xf32, #tpu.memory_space<vmem>>, vector<1x16xf32>,
      %get3A_553 = vector.shape_cast %get3A_552 : vector<1x16xf32> to vector<16xf32>
      %mul3A_554 = arith.mulf %get3A_553, %get3A_49 : vector<16xf32>
      %add3A_555 = arith.addf %mul3A_549, %mul3A_554 : vector<16xf32>
      %swap3A_556 = arith.index_cast %scan3A_40 : i32 to index
      %swap3A_557 = arith.constant 496 : index
      %swap3A_558 = tpu.vector_load %arg8[%swap3A_556, %swap3A_557] {strides = array<i32>} : memref<32x1024xf32, #tpu.memory_space<vmem>>, vector<1x16xf32>,
      %swap3A_559 = vector.shape_cast %swap3A_558 : vector<1x16xf32> to vector<16xf32>
      %swap3A_560 = vector.shape_cast %add3A_555 : vector<16xf32> to vector<1x16xf32>
      tpu.vector_store %arg8[%swap3A_556, %swap3A_557], %swap3A_560 {strides = array<i32>} : memref<32x1024xf32, #tpu.memory_space<vmem>>, vector<1x16xf32>,
      %get3A_561 = arith.index_cast %scan3A_40 : i32 to index
      %get3A_562 = arith.constant 512 : index
      %get3A_563 = tpu.vector_load %arg8[%get3A_561, %get3A_562] {strides = array<i32>} : memref<32x1024xf32, #tpu.memory_space<vmem>>, vector<1x16xf32>,
      %get3A_564 = vector.shape_cast %get3A_563 : vector<1x16xf32> to vector<16xf32>
      %mul3A_565 = arith.mulf %get3A_564, %get3A_45 : vector<16xf32>
      %get3A_566 = arith.index_cast %scan3A_40 : i32 to index
      %get3A_567 = arith.constant 512 : index
      %get3A_568 = tpu.vector_load %arg9[%get3A_566, %get3A_567] {strides = array<i32>} : memref<32x1024xf32, #tpu.memory_space<vmem>>, vector<1x16xf32>,
      %get3A_569 = vector.shape_cast %get3A_568 : vector<1x16xf32> to vector<16xf32>
      %mul3A_570 = arith.mulf %get3A_569, %get3A_49 : vector<16xf32>
      %add3A_571 = arith.addf %mul3A_565, %mul3A_570 : vector<16xf32>
      %swap3A_572 = arith.index_cast %scan3A_40 : i32 to index
      %swap3A_573 = arith.constant 512 : index
      %swap3A_574 = tpu.vector_load %arg8[%swap3A_572, %swap3A_573] {strides = array<i32>} : memref<32x1024xf32, #tpu.memory_space<vmem>>, vector<1x16xf32>,
      %swap3A_575 = vector.shape_cast %swap3A_574 : vector<1x16xf32> to vector<16xf32>
      %swap3A_576 = vector.shape_cast %add3A_571 : vector<16xf32> to vector<1x16xf32>
      tpu.vector_store %arg8[%swap3A_572, %swap3A_573], %swap3A_576 {strides = array<i32>} : memref<32x1024xf32, #tpu.memory_space<vmem>>, vector<1x16xf32>,
      %get3A_577 = arith.index_cast %scan3A_40 : i32 to index
      %get3A_578 = arith.constant 528 : index
      %get3A_579 = tpu.vector_load %arg8[%get3A_577, %get3A_578] {strides = array<i32>} : memref<32x1024xf32, #tpu.memory_space<vmem>>, vector<1x16xf32>,
      %get3A_580 = vector.shape_cast %get3A_579 : vector<1x16xf32> to vector<16xf32>
      %mul3A_581 = arith.mulf %get3A_580, %get3A_45 : vector<16xf32>
      %get3A_582 = arith.index_cast %scan3A_40 : i32 to index
      %get3A_583 = arith.constant 528 : index
      %get3A_584 = tpu.vector_load %arg9[%get3A_582, %get3A_583] {strides = array<i32>} : memref<32x1024xf32, #tpu.memory_space<vmem>>, vector<1x16xf32>,
      %get3A_585 = vector.shape_cast %get3A_584 : vector<1x16xf32> to vector<16xf32>
      %mul3A_586 = arith.mulf %get3A_585, %get3A_49 : vector<16xf32>
      %add3A_587 = arith.addf %mul3A_581, %mul3A_586 : vector<16xf32>
      %swap3A_588 = arith.index_cast %scan3A_40 : i32 to index
      %swap3A_589 = arith.constant 528 : index
      %swap3A_590 = tpu.vector_load %arg8[%swap3A_588, %swap3A_589] {strides = array<i32>} : memref<32x1024xf32, #tpu.memory_space<vmem>>, vector<1x16xf32>,
      %swap3A_591 = vector.shape_cast %swap3A_590 : vector<1x16xf32> to vector<16xf32>
      %swap3A_592 = vector.shape_cast %add3A_587 : vector<16xf32> to vector<1x16xf32>
      tpu.vector_store %arg8[%swap3A_588, %swap3A_589], %swap3A_592 {strides = array<i32>} : memref<32x1024xf32, #tpu.memory_space<vmem>>, vector<1x16xf32>,
      %get3A_593 = arith.index_cast %scan3A_40 : i32 to index
      %get3A_594 = arith.constant 544 : index
      %get3A_595 = tpu.vector_load %arg8[%get3A_593, %get3A_594] {strides = array<i32>} : memref<32x1024xf32, #tpu.memory_space<vmem>>, vector<1x16xf32>,
      %get3A_596 = vector.shape_cast %get3A_595 : vector<1x16xf32> to vector<16xf32>
      %mul3A_597 = arith.mulf %get3A_596, %get3A_45 : vector<16xf32>
      %get3A_598 = arith.index_cast %scan3A_40 : i32 to index
      %get3A_599 = arith.constant 544 : index
      %get3A_600 = tpu.vector_load %arg9[%get3A_598, %get3A_599] {strides = array<i32>} : memref<32x1024xf32, #tpu.memory_space<vmem>>, vector<1x16xf32>,
      %get3A_601 = vector.shape_cast %get3A_600 : vector<1x16xf32> to vector<16xf32>
      %mul3A_602 = arith.mulf %get3A_601, %get3A_49 : vector<16xf32>
      %add3A_603 = arith.addf %mul3A_597, %mul3A_602 : vector<16xf32>
      %swap3A_604 = arith.index_cast %scan3A_40 : i32 to index
      %swap3A_605 = arith.constant 544 : index
      %swap3A_606 = tpu.vector_load %arg8[%swap3A_604, %swap3A_605] {strides = array<i32>} : memref<32x1024xf32, #tpu.memory_space<vmem>>, vector<1x16xf32>,
      %swap3A_607 = vector.shape_cast %swap3A_606 : vector<1x16xf32> to vector<16xf32>
      %swap3A_608 = vector.shape_cast %add3A_603 : vector<16xf32> to vector<1x16xf32>
      tpu.vector_store %arg8[%swap3A_604, %swap3A_605], %swap3A_608 {strides = array<i32>} : memref<32x1024xf32, #tpu.memory_space<vmem>>, vector<1x16xf32>,
      %get3A_609 = arith.index_cast %scan3A_40 : i32 to index
      %get3A_610 = arith.constant 560 : index
      %get3A_611 = tpu.vector_load %arg8[%get3A_609, %get3A_610] {strides = array<i32>} : memref<32x1024xf32, #tpu.memory_space<vmem>>, vector<1x16xf32>,
      %get3A_612 = vector.shape_cast %get3A_611 : vector<1x16xf32> to vector<16xf32>
      %mul3A_613 = arith.mulf %get3A_612, %get3A_45 : vector<16xf32>
      %get3A_614 = arith.index_cast %scan3A_40 : i32 to index
      %get3A_615 = arith.constant 560 : index
      %get3A_616 = tpu.vector_load %arg9[%get3A_614, %get3A_615] {strides = array<i32>} : memref<32x1024xf32, #tpu.memory_space<vmem>>, vector<1x16xf32>,
      %get3A_617 = vector.shape_cast %get3A_616 : vector<1x16xf32> to vector<16xf32>
      %mul3A_618 = arith.mulf %get3A_617, %get3A_49 : vector<16xf32>
      %add3A_619 = arith.addf %mul3A_613, %mul3A_618 : vector<16xf32>
      %swap3A_620 = arith.index_cast %scan3A_40 : i32 to index
      %swap3A_621 = arith.constant 560 : index
      %swap3A_622 = tpu.vector_load %arg8[%swap3A_620, %swap3A_621] {strides = array<i32>} : memref<32x1024xf32, #tpu.memory_space<vmem>>, vector<1x16xf32>,
      %swap3A_623 = vector.shape_cast %swap3A_622 : vector<1x16xf32> to vector<16xf32>
      %swap3A_624 = vector.shape_cast %add3A_619 : vector<16xf32> to vector<1x16xf32>
      tpu.vector_store %arg8[%swap3A_620, %swap3A_621], %swap3A_624 {strides = array<i32>} : memref<32x1024xf32, #tpu.memory_space<vmem>>, vector<1x16xf32>,
      %get3A_625 = arith.index_cast %scan3A_40 : i32 to index
      %get3A_626 = arith.constant 576 : index
      %get3A_627 = tpu.vector_load %arg8[%get3A_625, %get3A_626] {strides = array<i32>} : memref<32x1024xf32, #tpu.memory_space<vmem>>, vector<1x16xf32>,
      %get3A_628 = vector.shape_cast %get3A_627 : vector<1x16xf32> to vector<16xf32>
      %mul3A_629 = arith.mulf %get3A_628, %get3A_45 : vector<16xf32>
      %get3A_630 = arith.index_cast %scan3A_40 : i32 to index
      %get3A_631 = arith.constant 576 : index
      %get3A_632 = tpu.vector_load %arg9[%get3A_630, %get3A_631] {strides = array<i32>} : memref<32x1024xf32, #tpu.memory_space<vmem>>, vector<1x16xf32>,
      %get3A_633 = vector.shape_cast %get3A_632 : vector<1x16xf32> to vector<16xf32>
      %mul3A_634 = arith.mulf %get3A_633, %get3A_49 : vector<16xf32>
      %add3A_635 = arith.addf %mul3A_629, %mul3A_634 : vector<16xf32>
      %swap3A_636 = arith.index_cast %scan3A_40 : i32 to index
      %swap3A_637 = arith.constant 576 : index
      %swap3A_638 = tpu.vector_load %arg8[%swap3A_636, %swap3A_637] {strides = array<i32>} : memref<32x1024xf32, #tpu.memory_space<vmem>>, vector<1x16xf32>,
      %swap3A_639 = vector.shape_cast %swap3A_638 : vector<1x16xf32> to vector<16xf32>
      %swap3A_640 = vector.shape_cast %add3A_635 : vector<16xf32> to vector<1x16xf32>
      tpu.vector_store %arg8[%swap3A_636, %swap3A_637], %swap3A_640 {strides = array<i32>} : memref<32x1024xf32, #tpu.memory_space<vmem>>, vector<1x16xf32>,
      %get3A_641 = arith.index_cast %scan3A_40 : i32 to index
      %get3A_642 = arith.constant 592 : index
      %get3A_643 = tpu.vector_load %arg8[%get3A_641, %get3A_642] {strides = array<i32>} : memref<32x1024xf32, #tpu.memory_space<vmem>>, vector<1x16xf32>,
      %get3A_644 = vector.shape_cast %get3A_643 : vector<1x16xf32> to vector<16xf32>
      %mul3A_645 = arith.mulf %get3A_644, %get3A_45 : vector<16xf32>
      %get3A_646 = arith.index_cast %scan3A_40 : i32 to index
      %get3A_647 = arith.constant 592 : index
      %get3A_648 = tpu.vector_load %arg9[%get3A_646, %get3A_647] {strides = array<i32>} : memref<32x1024xf32, #tpu.memory_space<vmem>>, vector<1x16xf32>,
      %get3A_649 = vector.shape_cast %get3A_648 : vector<1x16xf32> to vector<16xf32>
      %mul3A_650 = arith.mulf %get3A_649, %get3A_49 : vector<16xf32>
      %add3A_651 = arith.addf %mul3A_645, %mul3A_650 : vector<16xf32>
      %swap3A_652 = arith.index_cast %scan3A_40 : i32 to index
      %swap3A_653 = arith.constant 592 : index
      %swap3A_654 = tpu.vector_load %arg8[%swap3A_652, %swap3A_653] {strides = array<i32>} : memref<32x1024xf32, #tpu.memory_space<vmem>>, vector<1x16xf32>,
      %swap3A_655 = vector.shape_cast %swap3A_654 : vector<1x16xf32> to vector<16xf32>
      %swap3A_656 = vector.shape_cast %add3A_651 : vector<16xf32> to vector<1x16xf32>
      tpu.vector_store %arg8[%swap3A_652, %swap3A_653], %swap3A_656 {strides = array<i32>} : memref<32x1024xf32, #tpu.memory_space<vmem>>, vector<1x16xf32>,
      %get3A_657 = arith.index_cast %scan3A_40 : i32 to index
      %get3A_658 = arith.constant 608 : index
      %get3A_659 = tpu.vector_load %arg8[%get3A_657, %get3A_658] {strides = array<i32>} : memref<32x1024xf32, #tpu.memory_space<vmem>>, vector<1x16xf32>,
      %get3A_660 = vector.shape_cast %get3A_659 : vector<1x16xf32> to vector<16xf32>
      %mul3A_661 = arith.mulf %get3A_660, %get3A_45 : vector<16xf32>
      %get3A_662 = arith.index_cast %scan3A_40 : i32 to index
      %get3A_663 = arith.constant 608 : index
      %get3A_664 = tpu.vector_load %arg9[%get3A_662, %get3A_663] {strides = array<i32>} : memref<32x1024xf32, #tpu.memory_space<vmem>>, vector<1x16xf32>,
      %get3A_665 = vector.shape_cast %get3A_664 : vector<1x16xf32> to vector<16xf32>
      %mul3A_666 = arith.mulf %get3A_665, %get3A_49 : vector<16xf32>
      %add3A_667 = arith.addf %mul3A_661, %mul3A_666 : vector<16xf32>
      %swap3A_668 = arith.index_cast %scan3A_40 : i32 to index
      %swap3A_669 = arith.constant 608 : index
      %swap3A_670 = tpu.vector_load %arg8[%swap3A_668, %swap3A_669] {strides = array<i32>} : memref<32x1024xf32, #tpu.memory_space<vmem>>, vector<1x16xf32>,
      %swap3A_671 = vector.shape_cast %swap3A_670 : vector<1x16xf32> to vector<16xf32>
      %swap3A_672 = vector.shape_cast %add3A_667 : vector<16xf32> to vector<1x16xf32>
      tpu.vector_store %arg8[%swap3A_668, %swap3A_669], %swap3A_672 {strides = array<i32>} : memref<32x1024xf32, #tpu.memory_space<vmem>>, vector<1x16xf32>,
      %get3A_673 = arith.index_cast %scan3A_40 : i32 to index
      %get3A_674 = arith.constant 624 : index
      %get3A_675 = tpu.vector_load %arg8[%get3A_673, %get3A_674] {strides = array<i32>} : memref<32x1024xf32, #tpu.memory_space<vmem>>, vector<1x16xf32>,
      %get3A_676 = vector.shape_cast %get3A_675 : vector<1x16xf32> to vector<16xf32>
      %mul3A_677 = arith.mulf %get3A_676, %get3A_45 : vector<16xf32>
      %get3A_678 = arith.index_cast %scan3A_40 : i32 to index
      %get3A_679 = arith.constant 624 : index
      %get3A_680 = tpu.vector_load %arg9[%get3A_678, %get3A_679] {strides = array<i32>} : memref<32x1024xf32, #tpu.memory_space<vmem>>, vector<1x16xf32>,
      %get3A_681 = vector.shape_cast %get3A_680 : vector<1x16xf32> to vector<16xf32>
      %mul3A_682 = arith.mulf %get3A_681, %get3A_49 : vector<16xf32>
      %add3A_683 = arith.addf %mul3A_677, %mul3A_682 : vector<16xf32>
      %swap3A_684 = arith.index_cast %scan3A_40 : i32 to index
      %swap3A_685 = arith.constant 624 : index
      %swap3A_686 = tpu.vector_load %arg8[%swap3A_684, %swap3A_685] {strides = array<i32>} : memref<32x1024xf32, #tpu.memory_space<vmem>>, vector<1x16xf32>,
      %swap3A_687 = vector.shape_cast %swap3A_686 : vector<1x16xf32> to vector<16xf32>
      %swap3A_688 = vector.shape_cast %add3A_683 : vector<16xf32> to vector<1x16xf32>
      tpu.vector_store %arg8[%swap3A_684, %swap3A_685], %swap3A_688 {strides = array<i32>} : memref<32x1024xf32, #tpu.memory_space<vmem>>, vector<1x16xf32>,
      %get3A_689 = arith.index_cast %scan3A_40 : i32 to index
      %get3A_690 = arith.constant 640 : index
      %get3A_691 = tpu.vector_load %arg8[%get3A_689, %get3A_690] {strides = array<i32>} : memref<32x1024xf32, #tpu.memory_space<vmem>>, vector<1x16xf32>,
      %get3A_692 = vector.shape_cast %get3A_691 : vector<1x16xf32> to vector<16xf32>
      %mul3A_693 = arith.mulf %get3A_692, %get3A_45 : vector<16xf32>
      %get3A_694 = arith.index_cast %scan3A_40 : i32 to index
      %get3A_695 = arith.constant 640 : index
      %get3A_696 = tpu.vector_load %arg9[%get3A_694, %get3A_695] {strides = array<i32>} : memref<32x1024xf32, #tpu.memory_space<vmem>>, vector<1x16xf32>,
      %get3A_697 = vector.shape_cast %get3A_696 : vector<1x16xf32> to vector<16xf32>
      %mul3A_698 = arith.mulf %get3A_697, %get3A_49 : vector<16xf32>
      %add3A_699 = arith.addf %mul3A_693, %mul3A_698 : vector<16xf32>
      %swap3A_700 = arith.index_cast %scan3A_40 : i32 to index
      %swap3A_701 = arith.constant 640 : index
      %swap3A_702 = tpu.vector_load %arg8[%swap3A_700, %swap3A_701] {strides = array<i32>} : memref<32x1024xf32, #tpu.memory_space<vmem>>, vector<1x16xf32>,
      %swap3A_703 = vector.shape_cast %swap3A_702 : vector<1x16xf32> to vector<16xf32>
      %swap3A_704 = vector.shape_cast %add3A_699 : vector<16xf32> to vector<1x16xf32>
      tpu.vector_store %arg8[%swap3A_700, %swap3A_701], %swap3A_704 {strides = array<i32>} : memref<32x1024xf32, #tpu.memory_space<vmem>>, vector<1x16xf32>,
      %get3A_705 = arith.index_cast %scan3A_40 : i32 to index
      %get3A_706 = arith.constant 656 : index
      %get3A_707 = tpu.vector_load %arg8[%get3A_705, %get3A_706] {strides = array<i32>} : memref<32x1024xf32, #tpu.memory_space<vmem>>, vector<1x16xf32>,
      %get3A_708 = vector.shape_cast %get3A_707 : vector<1x16xf32> to vector<16xf32>
      %mul3A_709 = arith.mulf %get3A_708, %get3A_45 : vector<16xf32>
      %get3A_710 = arith.index_cast %scan3A_40 : i32 to index
      %get3A_711 = arith.constant 656 : index
      %get3A_712 = tpu.vector_load %arg9[%get3A_710, %get3A_711] {strides = array<i32>} : memref<32x1024xf32, #tpu.memory_space<vmem>>, vector<1x16xf32>,
      %get3A_713 = vector.shape_cast %get3A_712 : vector<1x16xf32> to vector<16xf32>
      %mul3A_714 = arith.mulf %get3A_713, %get3A_49 : vector<16xf32>
      %add3A_715 = arith.addf %mul3A_709, %mul3A_714 : vector<16xf32>
      %swap3A_716 = arith.index_cast %scan3A_40 : i32 to index
      %swap3A_717 = arith.constant 656 : index
      %swap3A_718 = tpu.vector_load %arg8[%swap3A_716, %swap3A_717] {strides = array<i32>} : memref<32x1024xf32, #tpu.memory_space<vmem>>, vector<1x16xf32>,
      %swap3A_719 = vector.shape_cast %swap3A_718 : vector<1x16xf32> to vector<16xf32>
      %swap3A_720 = vector.shape_cast %add3A_715 : vector<16xf32> to vector<1x16xf32>
      tpu.vector_store %arg8[%swap3A_716, %swap3A_717], %swap3A_720 {strides = array<i32>} : memref<32x1024xf32, #tpu.memory_space<vmem>>, vector<1x16xf32>,
      %get3A_721 = arith.index_cast %scan3A_40 : i32 to index
      %get3A_722 = arith.constant 672 : index
      %get3A_723 = tpu.vector_load %arg8[%get3A_721, %get3A_722] {strides = array<i32>} : memref<32x1024xf32, #tpu.memory_space<vmem>>, vector<1x16xf32>,
      %get3A_724 = vector.shape_cast %get3A_723 : vector<1x16xf32> to vector<16xf32>
      %mul3A_725 = arith.mulf %get3A_724, %get3A_45 : vector<16xf32>
      %get3A_726 = arith.index_cast %scan3A_40 : i32 to index
      %get3A_727 = arith.constant 672 : index
      %get3A_728 = tpu.vector_load %arg9[%get3A_726, %get3A_727] {strides = array<i32>} : memref<32x1024xf32, #tpu.memory_space<vmem>>, vector<1x16xf32>,
      %get3A_729 = vector.shape_cast %get3A_728 : vector<1x16xf32> to vector<16xf32>
      %mul3A_730 = arith.mulf %get3A_729, %get3A_49 : vector<16xf32>
      %add3A_731 = arith.addf %mul3A_725, %mul3A_730 : vector<16xf32>
      %swap3A_732 = arith.index_cast %scan3A_40 : i32 to index
      %swap3A_733 = arith.constant 672 : index
      %swap3A_734 = tpu.vector_load %arg8[%swap3A_732, %swap3A_733] {strides = array<i32>} : memref<32x1024xf32, #tpu.memory_space<vmem>>, vector<1x16xf32>,
      %swap3A_735 = vector.shape_cast %swap3A_734 : vector<1x16xf32> to vector<16xf32>
      %swap3A_736 = vector.shape_cast %add3A_731 : vector<16xf32> to vector<1x16xf32>
      tpu.vector_store %arg8[%swap3A_732, %swap3A_733], %swap3A_736 {strides = array<i32>} : memref<32x1024xf32, #tpu.memory_space<vmem>>, vector<1x16xf32>,
      %get3A_737 = arith.index_cast %scan3A_40 : i32 to index
      %get3A_738 = arith.constant 688 : index
      %get3A_739 = tpu.vector_load %arg8[%get3A_737, %get3A_738] {strides = array<i32>} : memref<32x1024xf32, #tpu.memory_space<vmem>>, vector<1x16xf32>,
      %get3A_740 = vector.shape_cast %get3A_739 : vector<1x16xf32> to vector<16xf32>
      %mul3A_741 = arith.mulf %get3A_740, %get3A_45 : vector<16xf32>
      %get3A_742 = arith.index_cast %scan3A_40 : i32 to index
      %get3A_743 = arith.constant 688 : index
      %get3A_744 = tpu.vector_load %arg9[%get3A_742, %get3A_743] {strides = array<i32>} : memref<32x1024xf32, #tpu.memory_space<vmem>>, vector<1x16xf32>,
      %get3A_745 = vector.shape_cast %get3A_744 : vector<1x16xf32> to vector<16xf32>
      %mul3A_746 = arith.mulf %get3A_745, %get3A_49 : vector<16xf32>
      %add3A_747 = arith.addf %mul3A_741, %mul3A_746 : vector<16xf32>
      %swap3A_748 = arith.index_cast %scan3A_40 : i32 to index
      %swap3A_749 = arith.constant 688 : index
      %swap3A_750 = tpu.vector_load %arg8[%swap3A_748, %swap3A_749] {strides = array<i32>} : memref<32x1024xf32, #tpu.memory_space<vmem>>, vector<1x16xf32>,
      %swap3A_751 = vector.shape_cast %swap3A_750 : vector<1x16xf32> to vector<16xf32>
      %swap3A_752 = vector.shape_cast %add3A_747 : vector<16xf32> to vector<1x16xf32>
      tpu.vector_store %arg8[%swap3A_748, %swap3A_749], %swap3A_752 {strides = array<i32>} : memref<32x1024xf32, #tpu.memory_space<vmem>>, vector<1x16xf32>,
      %get3A_753 = arith.index_cast %scan3A_40 : i32 to index
      %get3A_754 = arith.constant 704 : index
      %get3A_755 = tpu.vector_load %arg8[%get3A_753, %get3A_754] {strides = array<i32>} : memref<32x1024xf32, #tpu.memory_space<vmem>>, vector<1x16xf32>,
      %get3A_756 = vector.shape_cast %get3A_755 : vector<1x16xf32> to vector<16xf32>
      %mul3A_757 = arith.mulf %get3A_756, %get3A_45 : vector<16xf32>
      %get3A_758 = arith.index_cast %scan3A_40 : i32 to index
      %get3A_759 = arith.constant 704 : index
      %get3A_760 = tpu.vector_load %arg9[%get3A_758, %get3A_759] {strides = array<i32>} : memref<32x1024xf32, #tpu.memory_space<vmem>>, vector<1x16xf32>,
      %get3A_761 = vector.shape_cast %get3A_760 : vector<1x16xf32> to vector<16xf32>
      %mul3A_762 = arith.mulf %get3A_761, %get3A_49 : vector<16xf32>
      %add3A_763 = arith.addf %mul3A_757, %mul3A_762 : vector<16xf32>
      %swap3A_764 = arith.index_cast %scan3A_40 : i32 to index
      %swap3A_765 = arith.constant 704 : index
      %swap3A_766 = tpu.vector_load %arg8[%swap3A_764, %swap3A_765] {strides = array<i32>} : memref<32x1024xf32, #tpu.memory_space<vmem>>, vector<1x16xf32>,
      %swap3A_767 = vector.shape_cast %swap3A_766 : vector<1x16xf32> to vector<16xf32>
      %swap3A_768 = vector.shape_cast %add3A_763 : vector<16xf32> to vector<1x16xf32>
      tpu.vector_store %arg8[%swap3A_764, %swap3A_765], %swap3A_768 {strides = array<i32>} : memref<32x1024xf32, #tpu.memory_space<vmem>>, vector<1x16xf32>,
      %get3A_769 = arith.index_cast %scan3A_40 : i32 to index
      %get3A_770 = arith.constant 720 : index
      %get3A_771 = tpu.vector_load %arg8[%get3A_769, %get3A_770] {strides = array<i32>} : memref<32x1024xf32, #tpu.memory_space<vmem>>, vector<1x16xf32>,
      %get3A_772 = vector.shape_cast %get3A_771 : vector<1x16xf32> to vector<16xf32>
      %mul3A_773 = arith.mulf %get3A_772, %get3A_45 : vector<16xf32>
      %get3A_774 = arith.index_cast %scan3A_40 : i32 to index
      %get3A_775 = arith.constant 720 : index
      %get3A_776 = tpu.vector_load %arg9[%get3A_774, %get3A_775] {strides = array<i32>} : memref<32x1024xf32, #tpu.memory_space<vmem>>, vector<1x16xf32>,
      %get3A_777 = vector.shape_cast %get3A_776 : vector<1x16xf32> to vector<16xf32>
      %mul3A_778 = arith.mulf %get3A_777, %get3A_49 : vector<16xf32>
      %add3A_779 = arith.addf %mul3A_773, %mul3A_778 : vector<16xf32>
      %swap3A_780 = arith.index_cast %scan3A_40 : i32 to index
      %swap3A_781 = arith.constant 720 : index
      %swap3A_782 = tpu.vector_load %arg8[%swap3A_780, %swap3A_781] {strides = array<i32>} : memref<32x1024xf32, #tpu.memory_space<vmem>>, vector<1x16xf32>,
      %swap3A_783 = vector.shape_cast %swap3A_782 : vector<1x16xf32> to vector<16xf32>
      %swap3A_784 = vector.shape_cast %add3A_779 : vector<16xf32> to vector<1x16xf32>
      tpu.vector_store %arg8[%swap3A_780, %swap3A_781], %swap3A_784 {strides = array<i32>} : memref<32x1024xf32, #tpu.memory_space<vmem>>, vector<1x16xf32>,
      %get3A_785 = arith.index_cast %scan3A_40 : i32 to index
      %get3A_786 = arith.constant 736 : index
      %get3A_787 = tpu.vector_load %arg8[%get3A_785, %get3A_786] {strides = array<i32>} : memref<32x1024xf32, #tpu.memory_space<vmem>>, vector<1x16xf32>,
      %get3A_788 = vector.shape_cast %get3A_787 : vector<1x16xf32> to vector<16xf32>
      %mul3A_789 = arith.mulf %get3A_788, %get3A_45 : vector<16xf32>
      %get3A_790 = arith.index_cast %scan3A_40 : i32 to index
      %get3A_791 = arith.constant 736 : index
      %get3A_792 = tpu.vector_load %arg9[%get3A_790, %get3A_791] {strides = array<i32>} : memref<32x1024xf32, #tpu.memory_space<vmem>>, vector<1x16xf32>,
      %get3A_793 = vector.shape_cast %get3A_792 : vector<1x16xf32> to vector<16xf32>
      %mul3A_794 = arith.mulf %get3A_793, %get3A_49 : vector<16xf32>
      %add3A_795 = arith.addf %mul3A_789, %mul3A_794 : vector<16xf32>
      %swap3A_796 = arith.index_cast %scan3A_40 : i32 to index
      %swap3A_797 = arith.constant 736 : index
      %swap3A_798 = tpu.vector_load %arg8[%swap3A_796, %swap3A_797] {strides = array<i32>} : memref<32x1024xf32, #tpu.memory_space<vmem>>, vector<1x16xf32>,
      %swap3A_799 = vector.shape_cast %swap3A_798 : vector<1x16xf32> to vector<16xf32>
      %swap3A_800 = vector.shape_cast %add3A_795 : vector<16xf32> to vector<1x16xf32>
      tpu.vector_store %arg8[%swap3A_796, %swap3A_797], %swap3A_800 {strides = array<i32>} : memref<32x1024xf32, #tpu.memory_space<vmem>>, vector<1x16xf32>,
      %get3A_801 = arith.index_cast %scan3A_40 : i32 to index
      %get3A_802 = arith.constant 752 : index
      %get3A_803 = tpu.vector_load %arg8[%get3A_801, %get3A_802] {strides = array<i32>} : memref<32x1024xf32, #tpu.memory_space<vmem>>, vector<1x16xf32>,
      %get3A_804 = vector.shape_cast %get3A_803 : vector<1x16xf32> to vector<16xf32>
      %mul3A_805 = arith.mulf %get3A_804, %get3A_45 : vector<16xf32>
      %get3A_806 = arith.index_cast %scan3A_40 : i32 to index
      %get3A_807 = arith.constant 752 : index
      %get3A_808 = tpu.vector_load %arg9[%get3A_806, %get3A_807] {strides = array<i32>} : memref<32x1024xf32, #tpu.memory_space<vmem>>, vector<1x16xf32>,
      %get3A_809 = vector.shape_cast %get3A_808 : vector<1x16xf32> to vector<16xf32>
      %mul3A_810 = arith.mulf %get3A_809, %get3A_49 : vector<16xf32>
      %add3A_811 = arith.addf %mul3A_805, %mul3A_810 : vector<16xf32>
      %swap3A_812 = arith.index_cast %scan3A_40 : i32 to index
      %swap3A_813 = arith.constant 752 : index
      %swap3A_814 = tpu.vector_load %arg8[%swap3A_812, %swap3A_813] {strides = array<i32>} : memref<32x1024xf32, #tpu.memory_space<vmem>>, vector<1x16xf32>,
      %swap3A_815 = vector.shape_cast %swap3A_814 : vector<1x16xf32> to vector<16xf32>
      %swap3A_816 = vector.shape_cast %add3A_811 : vector<16xf32> to vector<1x16xf32>
      tpu.vector_store %arg8[%swap3A_812, %swap3A_813], %swap3A_816 {strides = array<i32>} : memref<32x1024xf32, #tpu.memory_space<vmem>>, vector<1x16xf32>,
      %get3A_817 = arith.index_cast %scan3A_40 : i32 to index
      %get3A_818 = arith.constant 768 : index
      %get3A_819 = tpu.vector_load %arg8[%get3A_817, %get3A_818] {strides = array<i32>} : memref<32x1024xf32, #tpu.memory_space<vmem>>, vector<1x16xf32>,
      %get3A_820 = vector.shape_cast %get3A_819 : vector<1x16xf32> to vector<16xf32>
      %mul3A_821 = arith.mulf %get3A_820, %get3A_45 : vector<16xf32>
      %get3A_822 = arith.index_cast %scan3A_40 : i32 to index
      %get3A_823 = arith.constant 768 : index
      %get3A_824 = tpu.vector_load %arg9[%get3A_822, %get3A_823] {strides = array<i32>} : memref<32x1024xf32, #tpu.memory_space<vmem>>, vector<1x16xf32>,
      %get3A_825 = vector.shape_cast %get3A_824 : vector<1x16xf32> to vector<16xf32>
      %mul3A_826 = arith.mulf %get3A_825, %get3A_49 : vector<16xf32>
      %add3A_827 = arith.addf %mul3A_821, %mul3A_826 : vector<16xf32>
      %swap3A_828 = arith.index_cast %scan3A_40 : i32 to index
      %swap3A_829 = arith.constant 768 : index
      %swap3A_830 = tpu.vector_load %arg8[%swap3A_828, %swap3A_829] {strides = array<i32>} : memref<32x1024xf32, #tpu.memory_space<vmem>>, vector<1x16xf32>,
      %swap3A_831 = vector.shape_cast %swap3A_830 : vector<1x16xf32> to vector<16xf32>
      %swap3A_832 = vector.shape_cast %add3A_827 : vector<16xf32> to vector<1x16xf32>
      tpu.vector_store %arg8[%swap3A_828, %swap3A_829], %swap3A_832 {strides = array<i32>} : memref<32x1024xf32, #tpu.memory_space<vmem>>, vector<1x16xf32>,
      %get3A_833 = arith.index_cast %scan3A_40 : i32 to index
      %get3A_834 = arith.constant 784 : index
      %get3A_835 = tpu.vector_load %arg8[%get3A_833, %get3A_834] {strides = array<i32>} : memref<32x1024xf32, #tpu.memory_space<vmem>>, vector<1x16xf32>,
      %get3A_836 = vector.shape_cast %get3A_835 : vector<1x16xf32> to vector<16xf32>
      %mul3A_837 = arith.mulf %get3A_836, %get3A_45 : vector<16xf32>
      %get3A_838 = arith.index_cast %scan3A_40 : i32 to index
      %get3A_839 = arith.constant 784 : index
      %get3A_840 = tpu.vector_load %arg9[%get3A_838, %get3A_839] {strides = array<i32>} : memref<32x1024xf32, #tpu.memory_space<vmem>>, vector<1x16xf32>,
      %get3A_841 = vector.shape_cast %get3A_840 : vector<1x16xf32> to vector<16xf32>
      %mul3A_842 = arith.mulf %get3A_841, %get3A_49 : vector<16xf32>
      %add3A_843 = arith.addf %mul3A_837, %mul3A_842 : vector<16xf32>
      %swap3A_844 = arith.index_cast %scan3A_40 : i32 to index
      %swap3A_845 = arith.constant 784 : index
      %swap3A_846 = tpu.vector_load %arg8[%swap3A_844, %swap3A_845] {strides = array<i32>} : memref<32x1024xf32, #tpu.memory_space<vmem>>, vector<1x16xf32>,
      %swap3A_847 = vector.shape_cast %swap3A_846 : vector<1x16xf32> to vector<16xf32>
      %swap3A_848 = vector.shape_cast %add3A_843 : vector<16xf32> to vector<1x16xf32>
      tpu.vector_store %arg8[%swap3A_844, %swap3A_845], %swap3A_848 {strides = array<i32>} : memref<32x1024xf32, #tpu.memory_space<vmem>>, vector<1x16xf32>,
      %get3A_849 = arith.index_cast %scan3A_40 : i32 to index
      %get3A_850 = arith.constant 800 : index
      %get3A_851 = tpu.vector_load %arg8[%get3A_849, %get3A_850] {strides = array<i32>} : memref<32x1024xf32, #tpu.memory_space<vmem>>, vector<1x16xf32>,
      %get3A_852 = vector.shape_cast %get3A_851 : vector<1x16xf32> to vector<16xf32>
      %mul3A_853 = arith.mulf %get3A_852, %get3A_45 : vector<16xf32>
      %get3A_854 = arith.index_cast %scan3A_40 : i32 to index
      %get3A_855 = arith.constant 800 : index
      %get3A_856 = tpu.vector_load %arg9[%get3A_854, %get3A_855] {strides = array<i32>} : memref<32x1024xf32, #tpu.memory_space<vmem>>, vector<1x16xf32>,
      %get3A_857 = vector.shape_cast %get3A_856 : vector<1x16xf32> to vector<16xf32>
      %mul3A_858 = arith.mulf %get3A_857, %get3A_49 : vector<16xf32>
      %add3A_859 = arith.addf %mul3A_853, %mul3A_858 : vector<16xf32>
      %swap3A_860 = arith.index_cast %scan3A_40 : i32 to index
      %swap3A_861 = arith.constant 800 : index
      %swap3A_862 = tpu.vector_load %arg8[%swap3A_860, %swap3A_861] {strides = array<i32>} : memref<32x1024xf32, #tpu.memory_space<vmem>>, vector<1x16xf32>,
      %swap3A_863 = vector.shape_cast %swap3A_862 : vector<1x16xf32> to vector<16xf32>
      %swap3A_864 = vector.shape_cast %add3A_859 : vector<16xf32> to vector<1x16xf32>
      tpu.vector_store %arg8[%swap3A_860, %swap3A_861], %swap3A_864 {strides = array<i32>} : memref<32x1024xf32, #tpu.memory_space<vmem>>, vector<1x16xf32>,
      %get3A_865 = arith.index_cast %scan3A_40 : i32 to index
      %get3A_866 = arith.constant 816 : index
      %get3A_867 = tpu.vector_load %arg8[%get3A_865, %get3A_866] {strides = array<i32>} : memref<32x1024xf32, #tpu.memory_space<vmem>>, vector<1x16xf32>,
      %get3A_868 = vector.shape_cast %get3A_867 : vector<1x16xf32> to vector<16xf32>
      %mul3A_869 = arith.mulf %get3A_868, %get3A_45 : vector<16xf32>
      %get3A_870 = arith.index_cast %scan3A_40 : i32 to index
      %get3A_871 = arith.constant 816 : index
      %get3A_872 = tpu.vector_load %arg9[%get3A_870, %get3A_871] {strides = array<i32>} : memref<32x1024xf32, #tpu.memory_space<vmem>>, vector<1x16xf32>,
      %get3A_873 = vector.shape_cast %get3A_872 : vector<1x16xf32> to vector<16xf32>
      %mul3A_874 = arith.mulf %get3A_873, %get3A_49 : vector<16xf32>
      %add3A_875 = arith.addf %mul3A_869, %mul3A_874 : vector<16xf32>
      %swap3A_876 = arith.index_cast %scan3A_40 : i32 to index
      %swap3A_877 = arith.constant 816 : index
      %swap3A_878 = tpu.vector_load %arg8[%swap3A_876, %swap3A_877] {strides = array<i32>} : memref<32x1024xf32, #tpu.memory_space<vmem>>, vector<1x16xf32>,
      %swap3A_879 = vector.shape_cast %swap3A_878 : vector<1x16xf32> to vector<16xf32>
      %swap3A_880 = vector.shape_cast %add3A_875 : vector<16xf32> to vector<1x16xf32>
      tpu.vector_store %arg8[%swap3A_876, %swap3A_877], %swap3A_880 {strides = array<i32>} : memref<32x1024xf32, #tpu.memory_space<vmem>>, vector<1x16xf32>,
      %get3A_881 = arith.index_cast %scan3A_40 : i32 to index
      %get3A_882 = arith.constant 832 : index
      %get3A_883 = tpu.vector_load %arg8[%get3A_881, %get3A_882] {strides = array<i32>} : memref<32x1024xf32, #tpu.memory_space<vmem>>, vector<1x16xf32>,
      %get3A_884 = vector.shape_cast %get3A_883 : vector<1x16xf32> to vector<16xf32>
      %mul3A_885 = arith.mulf %get3A_884, %get3A_45 : vector<16xf32>
      %get3A_886 = arith.index_cast %scan3A_40 : i32 to index
      %get3A_887 = arith.constant 832 : index
      %get3A_888 = tpu.vector_load %arg9[%get3A_886, %get3A_887] {strides = array<i32>} : memref<32x1024xf32, #tpu.memory_space<vmem>>, vector<1x16xf32>,
      %get3A_889 = vector.shape_cast %get3A_888 : vector<1x16xf32> to vector<16xf32>
      %mul3A_890 = arith.mulf %get3A_889, %get3A_49 : vector<16xf32>
      %add3A_891 = arith.addf %mul3A_885, %mul3A_890 : vector<16xf32>
      %swap3A_892 = arith.index_cast %scan3A_40 : i32 to index
      %swap3A_893 = arith.constant 832 : index
      %swap3A_894 = tpu.vector_load %arg8[%swap3A_892, %swap3A_893] {strides = array<i32>} : memref<32x1024xf32, #tpu.memory_space<vmem>>, vector<1x16xf32>,
      %swap3A_895 = vector.shape_cast %swap3A_894 : vector<1x16xf32> to vector<16xf32>
      %swap3A_896 = vector.shape_cast %add3A_891 : vector<16xf32> to vector<1x16xf32>
      tpu.vector_store %arg8[%swap3A_892, %swap3A_893], %swap3A_896 {strides = array<i32>} : memref<32x1024xf32, #tpu.memory_space<vmem>>, vector<1x16xf32>,
      %get3A_897 = arith.index_cast %scan3A_40 : i32 to index
      %get3A_898 = arith.constant 848 : index
      %get3A_899 = tpu.vector_load %arg8[%get3A_897, %get3A_898] {strides = array<i32>} : memref<32x1024xf32, #tpu.memory_space<vmem>>, vector<1x16xf32>,
      %get3A_900 = vector.shape_cast %get3A_899 : vector<1x16xf32> to vector<16xf32>
      %mul3A_901 = arith.mulf %get3A_900, %get3A_45 : vector<16xf32>
      %get3A_902 = arith.index_cast %scan3A_40 : i32 to index
      %get3A_903 = arith.constant 848 : index
      %get3A_904 = tpu.vector_load %arg9[%get3A_902, %get3A_903] {strides = array<i32>} : memref<32x1024xf32, #tpu.memory_space<vmem>>, vector<1x16xf32>,
      %get3A_905 = vector.shape_cast %get3A_904 : vector<1x16xf32> to vector<16xf32>
      %mul3A_906 = arith.mulf %get3A_905, %get3A_49 : vector<16xf32>
      %add3A_907 = arith.addf %mul3A_901, %mul3A_906 : vector<16xf32>
      %swap3A_908 = arith.index_cast %scan3A_40 : i32 to index
      %swap3A_909 = arith.constant 848 : index
      %swap3A_910 = tpu.vector_load %arg8[%swap3A_908, %swap3A_909] {strides = array<i32>} : memref<32x1024xf32, #tpu.memory_space<vmem>>, vector<1x16xf32>,
      %swap3A_911 = vector.shape_cast %swap3A_910 : vector<1x16xf32> to vector<16xf32>
      %swap3A_912 = vector.shape_cast %add3A_907 : vector<16xf32> to vector<1x16xf32>
      tpu.vector_store %arg8[%swap3A_908, %swap3A_909], %swap3A_912 {strides = array<i32>} : memref<32x1024xf32, #tpu.memory_space<vmem>>, vector<1x16xf32>,
      %get3A_913 = arith.index_cast %scan3A_40 : i32 to index
      %get3A_914 = arith.constant 864 : index
      %get3A_915 = tpu.vector_load %arg8[%get3A_913, %get3A_914] {strides = array<i32>} : memref<32x1024xf32, #tpu.memory_space<vmem>>, vector<1x16xf32>,
      %get3A_916 = vector.shape_cast %get3A_915 : vector<1x16xf32> to vector<16xf32>
      %mul3A_917 = arith.mulf %get3A_916, %get3A_45 : vector<16xf32>
      %get3A_918 = arith.index_cast %scan3A_40 : i32 to index
      %get3A_919 = arith.constant 864 : index
      %get3A_920 = tpu.vector_load %arg9[%get3A_918, %get3A_919] {strides = array<i32>} : memref<32x1024xf32, #tpu.memory_space<vmem>>, vector<1x16xf32>,
      %get3A_921 = vector.shape_cast %get3A_920 : vector<1x16xf32> to vector<16xf32>
      %mul3A_922 = arith.mulf %get3A_921, %get3A_49 : vector<16xf32>
      %add3A_923 = arith.addf %mul3A_917, %mul3A_922 : vector<16xf32>
      %swap3A_924 = arith.index_cast %scan3A_40 : i32 to index
      %swap3A_925 = arith.constant 864 : index
      %swap3A_926 = tpu.vector_load %arg8[%swap3A_924, %swap3A_925] {strides = array<i32>} : memref<32x1024xf32, #tpu.memory_space<vmem>>, vector<1x16xf32>,
      %swap3A_927 = vector.shape_cast %swap3A_926 : vector<1x16xf32> to vector<16xf32>
      %swap3A_928 = vector.shape_cast %add3A_923 : vector<16xf32> to vector<1x16xf32>
      tpu.vector_store %arg8[%swap3A_924, %swap3A_925], %swap3A_928 {strides = array<i32>} : memref<32x1024xf32, #tpu.memory_space<vmem>>, vector<1x16xf32>,
      %get3A_929 = arith.index_cast %scan3A_40 : i32 to index
      %get3A_930 = arith.constant 880 : index
      %get3A_931 = tpu.vector_load %arg8[%get3A_929, %get3A_930] {strides = array<i32>} : memref<32x1024xf32, #tpu.memory_space<vmem>>, vector<1x16xf32>,
      %get3A_932 = vector.shape_cast %get3A_931 : vector<1x16xf32> to vector<16xf32>
      %mul3A_933 = arith.mulf %get3A_932, %get3A_45 : vector<16xf32>
      %get3A_934 = arith.index_cast %scan3A_40 : i32 to index
      %get3A_935 = arith.constant 880 : index
      %get3A_936 = tpu.vector_load %arg9[%get3A_934, %get3A_935] {strides = array<i32>} : memref<32x1024xf32, #tpu.memory_space<vmem>>, vector<1x16xf32>,
      %get3A_937 = vector.shape_cast %get3A_936 : vector<1x16xf32> to vector<16xf32>
      %mul3A_938 = arith.mulf %get3A_937, %get3A_49 : vector<16xf32>
      %add3A_939 = arith.addf %mul3A_933, %mul3A_938 : vector<16xf32>
      %swap3A_940 = arith.index_cast %scan3A_40 : i32 to index
      %swap3A_941 = arith.constant 880 : index
      %swap3A_942 = tpu.vector_load %arg8[%swap3A_940, %swap3A_941] {strides = array<i32>} : memref<32x1024xf32, #tpu.memory_space<vmem>>, vector<1x16xf32>,
      %swap3A_943 = vector.shape_cast %swap3A_942 : vector<1x16xf32> to vector<16xf32>
      %swap3A_944 = vector.shape_cast %add3A_939 : vector<16xf32> to vector<1x16xf32>
      tpu.vector_store %arg8[%swap3A_940, %swap3A_941], %swap3A_944 {strides = array<i32>} : memref<32x1024xf32, #tpu.memory_space<vmem>>, vector<1x16xf32>,
      %get3A_945 = arith.index_cast %scan3A_40 : i32 to index
      %get3A_946 = arith.constant 896 : index
      %get3A_947 = tpu.vector_load %arg8[%get3A_945, %get3A_946] {strides = array<i32>} : memref<32x1024xf32, #tpu.memory_space<vmem>>, vector<1x16xf32>,
      %get3A_948 = vector.shape_cast %get3A_947 : vector<1x16xf32> to vector<16xf32>
      %mul3A_949 = arith.mulf %get3A_948, %get3A_45 : vector<16xf32>
      %get3A_950 = arith.index_cast %scan3A_40 : i32 to index
      %get3A_951 = arith.constant 896 : index
      %get3A_952 = tpu.vector_load %arg9[%get3A_950, %get3A_951] {strides = array<i32>} : memref<32x1024xf32, #tpu.memory_space<vmem>>, vector<1x16xf32>,
      %get3A_953 = vector.shape_cast %get3A_952 : vector<1x16xf32> to vector<16xf32>
      %mul3A_954 = arith.mulf %get3A_953, %get3A_49 : vector<16xf32>
      %add3A_955 = arith.addf %mul3A_949, %mul3A_954 : vector<16xf32>
      %swap3A_956 = arith.index_cast %scan3A_40 : i32 to index
      %swap3A_957 = arith.constant 896 : index
      %swap3A_958 = tpu.vector_load %arg8[%swap3A_956, %swap3A_957] {strides = array<i32>} : memref<32x1024xf32, #tpu.memory_space<vmem>>, vector<1x16xf32>,
      %swap3A_959 = vector.shape_cast %swap3A_958 : vector<1x16xf32> to vector<16xf32>
      %swap3A_960 = vector.shape_cast %add3A_955 : vector<16xf32> to vector<1x16xf32>
      tpu.vector_store %arg8[%swap3A_956, %swap3A_957], %swap3A_960 {strides = array<i32>} : memref<32x1024xf32, #tpu.memory_space<vmem>>, vector<1x16xf32>,
      %get3A_961 = arith.index_cast %scan3A_40 : i32 to index
      %get3A_962 = arith.constant 912 : index
      %get3A_963 = tpu.vector_load %arg8[%get3A_961, %get3A_962] {strides = array<i32>} : memref<32x1024xf32, #tpu.memory_space<vmem>>, vector<1x16xf32>,
      %get3A_964 = vector.shape_cast %get3A_963 : vector<1x16xf32> to vector<16xf32>
      %mul3A_965 = arith.mulf %get3A_964, %get3A_45 : vector<16xf32>
      %get3A_966 = arith.index_cast %scan3A_40 : i32 to index
      %get3A_967 = arith.constant 912 : index
      %get3A_968 = tpu.vector_load %arg9[%get3A_966, %get3A_967] {strides = array<i32>} : memref<32x1024xf32, #tpu.memory_space<vmem>>, vector<1x16xf32>,
      %get3A_969 = vector.shape_cast %get3A_968 : vector<1x16xf32> to vector<16xf32>
      %mul3A_970 = arith.mulf %get3A_969, %get3A_49 : vector<16xf32>
      %add3A_971 = arith.addf %mul3A_965, %mul3A_970 : vector<16xf32>
      %swap3A_972 = arith.index_cast %scan3A_40 : i32 to index
      %swap3A_973 = arith.constant 912 : index
      %swap3A_974 = tpu.vector_load %arg8[%swap3A_972, %swap3A_973] {strides = array<i32>} : memref<32x1024xf32, #tpu.memory_space<vmem>>, vector<1x16xf32>,
      %swap3A_975 = vector.shape_cast %swap3A_974 : vector<1x16xf32> to vector<16xf32>
      %swap3A_976 = vector.shape_cast %add3A_971 : vector<16xf32> to vector<1x16xf32>
      tpu.vector_store %arg8[%swap3A_972, %swap3A_973], %swap3A_976 {strides = array<i32>} : memref<32x1024xf32, #tpu.memory_space<vmem>>, vector<1x16xf32>,
      %get3A_977 = arith.index_cast %scan3A_40 : i32 to index
      %get3A_978 = arith.constant 928 : index
      %get3A_979 = tpu.vector_load %arg8[%get3A_977, %get3A_978] {strides = array<i32>} : memref<32x1024xf32, #tpu.memory_space<vmem>>, vector<1x16xf32>,
      %get3A_980 = vector.shape_cast %get3A_979 : vector<1x16xf32> to vector<16xf32>
      %mul3A_981 = arith.mulf %get3A_980, %get3A_45 : vector<16xf32>
      %get3A_982 = arith.index_cast %scan3A_40 : i32 to index
      %get3A_983 = arith.constant 928 : index
      %get3A_984 = tpu.vector_load %arg9[%get3A_982, %get3A_983] {strides = array<i32>} : memref<32x1024xf32, #tpu.memory_space<vmem>>, vector<1x16xf32>,
      %get3A_985 = vector.shape_cast %get3A_984 : vector<1x16xf32> to vector<16xf32>
      %mul3A_986 = arith.mulf %get3A_985, %get3A_49 : vector<16xf32>
      %add3A_987 = arith.addf %mul3A_981, %mul3A_986 : vector<16xf32>
      %swap3A_988 = arith.index_cast %scan3A_40 : i32 to index
      %swap3A_989 = arith.constant 928 : index
      %swap3A_990 = tpu.vector_load %arg8[%swap3A_988, %swap3A_989] {strides = array<i32>} : memref<32x1024xf32, #tpu.memory_space<vmem>>, vector<1x16xf32>,
      %swap3A_991 = vector.shape_cast %swap3A_990 : vector<1x16xf32> to vector<16xf32>
      %swap3A_992 = vector.shape_cast %add3A_987 : vector<16xf32> to vector<1x16xf32>
      tpu.vector_store %arg8[%swap3A_988, %swap3A_989], %swap3A_992 {strides = array<i32>} : memref<32x1024xf32, #tpu.memory_space<vmem>>, vector<1x16xf32>,
      %get3A_993 = arith.index_cast %scan3A_40 : i32 to index
      %get3A_994 = arith.constant 944 : index
      %get3A_995 = tpu.vector_load %arg8[%get3A_993, %get3A_994] {strides = array<i32>} : memref<32x1024xf32, #tpu.memory_space<vmem>>, vector<1x16xf32>,
      %get3A_996 = vector.shape_cast %get3A_995 : vector<1x16xf32> to vector<16xf32>
      %mul3A_997 = arith.mulf %get3A_996, %get3A_45 : vector<16xf32>
      %get3A_998 = arith.index_cast %scan3A_40 : i32 to index
      %get3A_999 = arith.constant 944 : index
      %get3A_1000 = tpu.vector_load %arg9[%get3A_998, %get3A_999] {strides = array<i32>} : memref<32x1024xf32, #tpu.memory_space<vmem>>, vector<1x16xf32>,
      %get3A_1001 = vector.shape_cast %get3A_1000 : vector<1x16xf32> to vector<16xf32>
      %mul3A_1002 = arith.mulf %get3A_1001, %get3A_49 : vector<16xf32>
      %add3A_1003 = arith.addf %mul3A_997, %mul3A_1002 : vector<16xf32>
      %swap3A_1004 = arith.index_cast %scan3A_40 : i32 to index
      %swap3A_1005 = arith.constant 944 : index
      %swap3A_1006 = tpu.vector_load %arg8[%swap3A_1004, %swap3A_1005] {strides = array<i32>} : memref<32x1024xf32, #tpu.memory_space<vmem>>, vector<1x16xf32>,
      %swap3A_1007 = vector.shape_cast %swap3A_1006 : vector<1x16xf32> to vector<16xf32>
      %swap3A_1008 = vector.shape_cast %add3A_1003 : vector<16xf32> to vector<1x16xf32>
      tpu.vector_store %arg8[%swap3A_1004, %swap3A_1005], %swap3A_1008 {strides = array<i32>} : memref<32x1024xf32, #tpu.memory_space<vmem>>, vector<1x16xf32>,
      %get3A_1009 = arith.index_cast %scan3A_40 : i32 to index
      %get3A_1010 = arith.constant 960 : index
      %get3A_1011 = tpu.vector_load %arg8[%get3A_1009, %get3A_1010] {strides = array<i32>} : memref<32x1024xf32, #tpu.memory_space<vmem>>, vector<1x16xf32>,
      %get3A_1012 = vector.shape_cast %get3A_1011 : vector<1x16xf32> to vector<16xf32>
      %mul3A_1013 = arith.mulf %get3A_1012, %get3A_45 : vector<16xf32>
      %get3A_1014 = arith.index_cast %scan3A_40 : i32 to index
      %get3A_1015 = arith.constant 960 : index
      %get3A_1016 = tpu.vector_load %arg9[%get3A_1014, %get3A_1015] {strides = array<i32>} : memref<32x1024xf32, #tpu.memory_space<vmem>>, vector<1x16xf32>,
      %get3A_1017 = vector.shape_cast %get3A_1016 : vector<1x16xf32> to vector<16xf32>
      %mul3A_1018 = arith.mulf %get3A_1017, %get3A_49 : vector<16xf32>
      %add3A_1019 = arith.addf %mul3A_1013, %mul3A_1018 : vector<16xf32>
      %swap3A_1020 = arith.index_cast %scan3A_40 : i32 to index
      %swap3A_1021 = arith.constant 960 : index
      %swap3A_1022 = tpu.vector_load %arg8[%swap3A_1020, %swap3A_1021] {strides = array<i32>} : memref<32x1024xf32, #tpu.memory_space<vmem>>, vector<1x16xf32>,
      %swap3A_1023 = vector.shape_cast %swap3A_1022 : vector<1x16xf32> to vector<16xf32>
      %swap3A_1024 = vector.shape_cast %add3A_1019 : vector<16xf32> to vector<1x16xf32>
      tpu.vector_store %arg8[%swap3A_1020, %swap3A_1021], %swap3A_1024 {strides = array<i32>} : memref<32x1024xf32, #tpu.memory_space<vmem>>, vector<1x16xf32>,
      %get3A_1025 = arith.index_cast %scan3A_40 : i32 to index
      %get3A_1026 = arith.constant 976 : index
      %get3A_1027 = tpu.vector_load %arg8[%get3A_1025, %get3A_1026] {strides = array<i32>} : memref<32x1024xf32, #tpu.memory_space<vmem>>, vector<1x16xf32>,
      %get3A_1028 = vector.shape_cast %get3A_1027 : vector<1x16xf32> to vector<16xf32>
      %mul3A_1029 = arith.mulf %get3A_1028, %get3A_45 : vector<16xf32>
      %get3A_1030 = arith.index_cast %scan3A_40 : i32 to index
      %get3A_1031 = arith.constant 976 : index
      %get3A_1032 = tpu.vector_load %arg9[%get3A_1030, %get3A_1031] {strides = array<i32>} : memref<32x1024xf32, #tpu.memory_space<vmem>>, vector<1x16xf32>,
      %get3A_1033 = vector.shape_cast %get3A_1032 : vector<1x16xf32> to vector<16xf32>
      %mul3A_1034 = arith.mulf %get3A_1033, %get3A_49 : vector<16xf32>
      %add3A_1035 = arith.addf %mul3A_1029, %mul3A_1034 : vector<16xf32>
      %swap3A_1036 = arith.index_cast %scan3A_40 : i32 to index
      %swap3A_1037 = arith.constant 976 : index
      %swap3A_1038 = tpu.vector_load %arg8[%swap3A_1036, %swap3A_1037] {strides = array<i32>} : memref<32x1024xf32, #tpu.memory_space<vmem>>, vector<1x16xf32>,
      %swap3A_1039 = vector.shape_cast %swap3A_1038 : vector<1x16xf32> to vector<16xf32>
      %swap3A_1040 = vector.shape_cast %add3A_1035 : vector<16xf32> to vector<1x16xf32>
      tpu.vector_store %arg8[%swap3A_1036, %swap3A_1037], %swap3A_1040 {strides = array<i32>} : memref<32x1024xf32, #tpu.memory_space<vmem>>, vector<1x16xf32>,
      %get3A_1041 = arith.index_cast %scan3A_40 : i32 to index
      %get3A_1042 = arith.constant 992 : index
      %get3A_1043 = tpu.vector_load %arg8[%get3A_1041, %get3A_1042] {strides = array<i32>} : memref<32x1024xf32, #tpu.memory_space<vmem>>, vector<1x16xf32>,
      %get3A_1044 = vector.shape_cast %get3A_1043 : vector<1x16xf32> to vector<16xf32>
      %mul3A_1045 = arith.mulf %get3A_1044, %get3A_45 : vector<16xf32>
      %get3A_1046 = arith.index_cast %scan3A_40 : i32 to index
      %get3A_1047 = arith.constant 992 : index
      %get3A_1048 = tpu.vector_load %arg9[%get3A_1046, %get3A_1047] {strides = array<i32>} : memref<32x1024xf32, #tpu.memory_space<vmem>>, vector<1x16xf32>,
      %get3A_1049 = vector.shape_cast %get3A_1048 : vector<1x16xf32> to vector<16xf32>
      %mul3A_1050 = arith.mulf %get3A_1049, %get3A_49 : vector<16xf32>
      %add3A_1051 = arith.addf %mul3A_1045, %mul3A_1050 : vector<16xf32>
      %swap3A_1052 = arith.index_cast %scan3A_40 : i32 to index
      %swap3A_1053 = arith.constant 992 : index
      %swap3A_1054 = tpu.vector_load %arg8[%swap3A_1052, %swap3A_1053] {strides = array<i32>} : memref<32x1024xf32, #tpu.memory_space<vmem>>, vector<1x16xf32>,
      %swap3A_1055 = vector.shape_cast %swap3A_1054 : vector<1x16xf32> to vector<16xf32>
      %swap3A_1056 = vector.shape_cast %add3A_1051 : vector<16xf32> to vector<1x16xf32>
      tpu.vector_store %arg8[%swap3A_1052, %swap3A_1053], %swap3A_1056 {strides = array<i32>} : memref<32x1024xf32, #tpu.memory_space<vmem>>, vector<1x16xf32>,
      %get3A_1057 = arith.index_cast %scan3A_40 : i32 to index
      %get3A_1058 = arith.constant 1008 : index
      %get3A_1059 = tpu.vector_load %arg8[%get3A_1057, %get3A_1058] {strides = array<i32>} : memref<32x1024xf32, #tpu.memory_space<vmem>>, vector<1x16xf32>,
      %get3A_1060 = vector.shape_cast %get3A_1059 : vector<1x16xf32> to vector<16xf32>
      %mul3A_1061 = arith.mulf %get3A_1060, %get3A_45 : vector<16xf32>
      %get3A_1062 = arith.index_cast %scan3A_40 : i32 to index
      %get3A_1063 = arith.constant 1008 : index
      %get3A_1064 = tpu.vector_load %arg9[%get3A_1062, %get3A_1063] {strides = array<i32>} : memref<32x1024xf32, #tpu.memory_space<vmem>>, vector<1x16xf32>,
      %get3A_1065 = vector.shape_cast %get3A_1064 : vector<1x16xf32> to vector<16xf32>
      %mul3A_1066 = arith.mulf %get3A_1065, %get3A_49 : vector<16xf32>
      %add3A_1067 = arith.addf %mul3A_1061, %mul3A_1066 : vector<16xf32>
      %swap3A_1068 = arith.index_cast %scan3A_40 : i32 to index
      %swap3A_1069 = arith.constant 1008 : index
      %swap3A_1070 = tpu.vector_load %arg8[%swap3A_1068, %swap3A_1069] {strides = array<i32>} : memref<32x1024xf32, #tpu.memory_space<vmem>>, vector<1x16xf32>,
      %swap3A_1071 = vector.shape_cast %swap3A_1070 : vector<1x16xf32> to vector<16xf32>
      %swap3A_1072 = vector.shape_cast %add3A_1067 : vector<16xf32> to vector<1x16xf32>
      tpu.vector_store %arg8[%swap3A_1068, %swap3A_1069], %swap3A_1072 {strides = array<i32>} : memref<32x1024xf32, #tpu.memory_space<vmem>>, vector<1x16xf32>,
    }
    %scan3A_37 = arith.constant 32 : i32
    %add3A_38 = arith.constant 32 : i32
    %add3A_39 = arith.addi %mul3A_2, %add3A_38 : i32
    "tpu.region"() ({
      %run_scoped3A = tpu.sem_alloc : memref<!tpu.dma_semaphore, #tpu.memory_space<semaphore_mem>>
      %dma_start3A_40 = arith.constant 0 : i32
      %dma_start3A_41 = tpu.memref_slice %arg7[%add3A_39, %dma_start3A_40] : memref<2048x1024xf32, #tpu.memory_space<hbm>> -> memref<32x1024xf32, #tpu.memory_space<hbm>>
      %dma_start3A_42 = arith.constant 0 : i32
      %dma_start3A_43 = tpu.memref_slice %arg7[%add3A_39, %dma_start3A_42] : memref<2048x1024xf32, #tpu.memory_space<hbm>> -> memref<32x1024xf32, #tpu.memory_space<hbm>>
      tpu.enqueue_dma source(%arg8 : memref<32x1024xf32, #tpu.memory_space<vmem>>) target(%dma_start3A_43 : memref<32x1024xf32, #tpu.memory_space<hbm>>) target_semaphore(%run_scoped3A : memref<!tpu.dma_semaphore, #tpu.memory_space<semaphore_mem>>)
      %dma_wait3A_44 = arith.constant 0 : i32
      %dma_wait3A_45 = tpu.memref_slice %arg7[%add3A_39, %dma_wait3A_44] : memref<2048x1024xf32, #tpu.memory_space<hbm>> -> memref<32x1024xf32, #tpu.memory_space<hbm>>
      %dma_wait3A_46 = arith.constant 0 : i32
      %dma_wait3A_47 = tpu.memref_slice %arg7[%add3A_39, %dma_wait3A_46] : memref<2048x1024xf32, #tpu.memory_space<hbm>> -> memref<32x1024xf32, #tpu.memory_space<hbm>>
      tpu.wait_dma2 semaphore(%run_scoped3A : memref<!tpu.dma_semaphore, #tpu.memory_space<semaphore_mem>>) src(%arg8 : memref<32x1024xf32, #tpu.memory_space<vmem>>) dst(%dma_wait3A_47 : memref<32x1024xf32, #tpu.memory_space<hbm>>)
      tpu.yield
    }) : () -> ()
    return
  }
}

module attributes {stable_mosaic.version = 14 : i64} {
  func.func @_router_body(%arg0: i32, %arg1: memref<512x1024xf32, #tpu.memory_space<vmem>>, %arg2: memref<1024x8xf32, #tpu.memory_space<vmem>>, %arg3: memref<1x8xf32, #tpu.memory_space<vmem>>, %arg4: memref<1024x1024xbf16, #tpu.memory_space<vmem>>, %arg5: memref<512x1xi32, #tpu.memory_space<vmem>>, %arg6: memref<512x1xi32, #tpu.memory_space<vmem>>, %arg7: memref<512x16xf32, #tpu.memory_space<vmem>>, %arg8: memref<512x16xf32, #tpu.memory_space<vmem>>, %arg9: memref<512x1xi32, #tpu.memory_space<vmem>>, %arg10: memref<512x1xi32, #tpu.memory_space<vmem>>, %arg11: memref<1x8xi32, #tpu.memory_space<vmem>>, %arg12: memref<1x8xf32, #tpu.memory_space<vmem>>) attributes {dimension_semantics = [#tpu.dimension_semantics<arbitrary>], iteration_bounds = array<i64: 4>, scalar_prefetch = 0 : i64, scratch_operands = 1 : i64, tpu.core_type = #tpu.core_type<tc>, window_params = [{transform_indices = @transform_0, window_bounds = array<i64: 512, 1024>}, {pipeline_mode = #tpu.pipeline_mode<synchronous>, transform_indices = @transform_1, window_bounds = array<i64: 1024, 8>}, {pipeline_mode = #tpu.pipeline_mode<synchronous>, transform_indices = @transform_2, window_bounds = array<i64: 1, 8>}, {pipeline_mode = #tpu.pipeline_mode<synchronous>, transform_indices = @transform_3, window_bounds = array<i64: 1024, 1024>}, {transform_indices = @transform_4, window_bounds = array<i64: 512, 1>}, {transform_indices = @transform_5, window_bounds = array<i64: 512, 1>}, {transform_indices = @transform_6, window_bounds = array<i64: 512, 16>}, {transform_indices = @transform_7, window_bounds = array<i64: 512, 16>}, {transform_indices = @transform_8, window_bounds = array<i64: 512, 1>}, {transform_indices = @transform_9, window_bounds = array<i64: 512, 1>}, {pipeline_mode = #tpu.pipeline_mode<synchronous>, transform_indices = @transform_10, window_bounds = array<i64: 1, 8>}]} {
    %eq3A = arith.constant 0 : i32
    %eq3A_0 = arith.cmpi eq, %arg0, %eq3A : i32
    %convert_element_type3A = arith.extui %eq3A_0 : i1 to i32
    %cond3A = arith.constant 0 : i32
    %cond3A_1 = arith.cmpi ne, %convert_element_type3A, %cond3A : i32
    scf.if %cond3A_1 {
      %broadcast_in_dim3A_102 = arith.constant 0.000000e+00 : f32
      %broadcast_in_dim3A_103 = vector.broadcast %broadcast_in_dim3A_102 : f32 to vector<1x8xf32>
      %swap3A_104 = arith.constant 0 : index
      %swap3A_105 = arith.constant 0 : index
      %swap3A_106 = vector.load %arg12[%swap3A_104, %swap3A_105] : memref<1x8xf32, #tpu.memory_space<vmem>>, vector<1x8xf32>
      tpu.vector_store %arg12[%swap3A_104, %swap3A_105], %broadcast_in_dim3A_103 {strides = array<i32>} : memref<1x8xf32, #tpu.memory_space<vmem>>, vector<1x8xf32>,
    } else {
    }
    %get3A = arith.constant 0 : index
    %get3A_2 = arith.constant 0 : index
    %get3A_3 = vector.load %arg1[%get3A, %get3A_2] : memref<512x1024xf32, #tpu.memory_space<vmem>>, vector<512x1024xf32>
    %get3A_4 = arith.constant 0 : index
    %get3A_5 = arith.constant 0 : index
    %get3A_6 = vector.load %arg2[%get3A_4, %get3A_5] : memref<1024x8xf32, #tpu.memory_space<vmem>>, vector<1024x8xf32>
    %dot_general3A = arith.constant dense<0.000000e+00> : vector<512x8xf32>
    %dot_general3A_7 = tpu.matmul %get3A_3, %get3A_6, %dot_general3A {dimension_numbers = #tpu.dot_dimension_numbers<[1], [0], [0], [1], [0, 0, 1, 1], [], []>, transpose_lhs_hint = false} : vector<512x1024xf32>, vector<1024x8xf32>, vector<512x8xf32> -> vector<512x8xf32>
    %get3A_8 = arith.constant 0 : index
    %get3A_9 = arith.constant 0 : index
    %get3A_10 = vector.load %arg3[%get3A_8, %get3A_9] : memref<1x8xf32, #tpu.memory_space<vmem>>, vector<1x8xf32>
    %add3A = vector.broadcast %get3A_10 : vector<1x8xf32> to vector<512x8xf32>
    %add3A_11 = arith.addf %dot_general3A_7, %add3A : vector<512x8xf32>
    %iota3A = tpu.iota {dimensions = array<i32: 1>} : vector<512x8xi32>
    %reduce_max3A = arith.constant dense<0xFF800000> : vector<512xf32>
    %reduce_max3A_12 = vector.multi_reduction <maximumf>, %add3A_11, %reduce_max3A [1] : vector<512x8xf32> to vector<512xf32>
    %broadcast_in_dim3A = vector.shape_cast %reduce_max3A_12 : vector<512xf32> to vector<512x1xf32>
    %eq3A_13 = vector.broadcast %broadcast_in_dim3A : vector<512x1xf32> to vector<512x8xf32>
    %eq3A_14 = arith.cmpf oeq, %add3A_11, %eq3A_13 : vector<512x8xf32>
    %jit3A = arith.constant 8 : i32
    %broadcast_in_dim3A_15 = vector.broadcast %jit3A : i32 to vector<512x8xi32>
    %select_n3A = arith.select %eq3A_14, %iota3A, %broadcast_in_dim3A_15 : vector<512x8xi1>, vector<512x8xi32>
    %reduce_min3A = arith.constant dense<2147483647> : vector<512xi32>
    %reduce_min3A_16 = vector.multi_reduction <minsi>, %select_n3A, %reduce_min3A [1] : vector<512x8xi32> to vector<512xi32>
    %broadcast_in_dim3A_17 = vector.shape_cast %reduce_min3A_16 : vector<512xi32> to vector<512x1xi32>
    %eq3A_18 = vector.broadcast %broadcast_in_dim3A_17 : vector<512x1xi32> to vector<512x8xi32>
    %eq3A_19 = arith.cmpi eq, %iota3A, %eq3A_18 : vector<512x8xi32>
    %jit3A_20 = arith.constant 0xFF800000 : f32
    %broadcast_in_dim3A_21 = vector.broadcast %jit3A_20 : f32 to vector<512x8xf32>
    %select_n3A_22 = arith.select %eq3A_19, %broadcast_in_dim3A_21, %add3A_11 : vector<512x8xi1>, vector<512x8xf32>
    %reduce_max3A_23 = arith.constant dense<0xFF800000> : vector<512xf32>
    %reduce_max3A_24 = vector.multi_reduction <maximumf>, %select_n3A_22, %reduce_max3A_23 [1] : vector<512x8xf32> to vector<512xf32>
    %broadcast_in_dim3A_25 = vector.shape_cast %reduce_max3A_24 : vector<512xf32> to vector<512x1xf32>
    %eq3A_26 = vector.broadcast %broadcast_in_dim3A_25 : vector<512x1xf32> to vector<512x8xf32>
    %eq3A_27 = arith.cmpf oeq, %select_n3A_22, %eq3A_26 : vector<512x8xf32>
    %jit3A_28 = arith.constant 8 : i32
    %broadcast_in_dim3A_29 = vector.broadcast %jit3A_28 : i32 to vector<512x8xi32>
    %select_n3A_30 = arith.select %eq3A_27, %iota3A, %broadcast_in_dim3A_29 : vector<512x8xi1>, vector<512x8xi32>
    %reduce_min3A_31 = arith.constant dense<2147483647> : vector<512xi32>
    %reduce_min3A_32 = vector.multi_reduction <minsi>, %select_n3A_30, %reduce_min3A_31 [1] : vector<512x8xi32> to vector<512xi32>
    %broadcast_in_dim3A_33 = vector.shape_cast %reduce_min3A_32 : vector<512xi32> to vector<512x1xi32>
    %sub3A = arith.subf %broadcast_in_dim3A_25, %broadcast_in_dim3A : vector<512x1xf32>
    %exp3A = math.exp %sub3A : vector<512x1xf32>
    %add3A_34 = arith.constant 1.000000e+00 : f32
    %add3A_35 = vector.broadcast %add3A_34 : f32 to vector<512x1xf32>
    %add3A_36 = arith.addf %add3A_35, %exp3A : vector<512x1xf32>
    %div3A = arith.constant 1.000000e+00 : f32
    %div3A_37 = vector.broadcast %div3A : f32 to vector<512x1xf32>
    %div3A_38 = arith.divf %div3A_37, %add3A_36 : vector<512x1xf32>
    %swap3A = arith.constant 0 : index
    %swap3A_39 = arith.constant 0 : index
    %swap3A_40 = vector.load %arg5[%swap3A, %swap3A_39] : memref<512x1xi32, #tpu.memory_space<vmem>>, vector<512x1xi32>
    tpu.vector_store %arg5[%swap3A, %swap3A_39], %broadcast_in_dim3A_17 {strides = array<i32>} : memref<512x1xi32, #tpu.memory_space<vmem>>, vector<512x1xi32>,
    %swap3A_41 = arith.constant 0 : index
    %swap3A_42 = arith.constant 0 : index
    %swap3A_43 = vector.load %arg6[%swap3A_41, %swap3A_42] : memref<512x1xi32, #tpu.memory_space<vmem>>, vector<512x1xi32>
    tpu.vector_store %arg6[%swap3A_41, %swap3A_42], %broadcast_in_dim3A_33 {strides = array<i32>} : memref<512x1xi32, #tpu.memory_space<vmem>>, vector<512x1xi32>,
    %broadcast_in_dim3A_44 = arith.constant 1.000000e+00 : f32
    %broadcast_in_dim3A_45 = vector.broadcast %broadcast_in_dim3A_44 : f32 to vector<1x16xf32>
    %mul3A = vector.broadcast %div3A_38 : vector<512x1xf32> to vector<512x16xf32>
    %mul3A_46 = vector.broadcast %broadcast_in_dim3A_45 : vector<1x16xf32> to vector<512x16xf32>
    %mul3A_47 = arith.mulf %mul3A, %mul3A_46 : vector<512x16xf32>
    %swap3A_48 = arith.constant 0 : index
    %swap3A_49 = arith.constant 0 : index
    %swap3A_50 = vector.load %arg7[%swap3A_48, %swap3A_49] : memref<512x16xf32, #tpu.memory_space<vmem>>, vector<512x16xf32>
    tpu.vector_store %arg7[%swap3A_48, %swap3A_49], %mul3A_47 {strides = array<i32>} : memref<512x16xf32, #tpu.memory_space<vmem>>, vector<512x16xf32>,
    %sub3A_51 = arith.constant 1.000000e+00 : f32
    %sub3A_52 = vector.broadcast %sub3A_51 : f32 to vector<512x1xf32>
    %sub3A_53 = arith.subf %sub3A_52, %div3A_38 : vector<512x1xf32>
    %mul3A_54 = vector.broadcast %sub3A_53 : vector<512x1xf32> to vector<512x16xf32>
    %mul3A_55 = vector.broadcast %broadcast_in_dim3A_45 : vector<1x16xf32> to vector<512x16xf32>
    %mul3A_56 = arith.mulf %mul3A_54, %mul3A_55 : vector<512x16xf32>
    %swap3A_57 = arith.constant 0 : index
    %swap3A_58 = arith.constant 0 : index
    %swap3A_59 = vector.load %arg8[%swap3A_57, %swap3A_58] : memref<512x16xf32, #tpu.memory_space<vmem>>, vector<512x16xf32>
    tpu.vector_store %arg8[%swap3A_57, %swap3A_58], %mul3A_56 {strides = array<i32>} : memref<512x16xf32, #tpu.memory_space<vmem>>, vector<512x16xf32>,
    %eq3A_60 = vector.broadcast %broadcast_in_dim3A_17 : vector<512x1xi32> to vector<512x8xi32>
    %eq3A_61 = arith.cmpi eq, %iota3A, %eq3A_60 : vector<512x8xi32>
    %convert_element_type3A_62 = arith.extui %eq3A_61 : vector<512x8xi1> to vector<512x8xi32>
    %convert_element_type3A_63 = arith.sitofp %convert_element_type3A_62 : vector<512x8xi32> to vector<512x8xf32>
    %eq3A_64 = vector.broadcast %broadcast_in_dim3A_33 : vector<512x1xi32> to vector<512x8xi32>
    %eq3A_65 = arith.cmpi eq, %iota3A, %eq3A_64 : vector<512x8xi32>
    %convert_element_type3A_66 = arith.extui %eq3A_65 : vector<512x8xi1> to vector<512x8xi32>
    %convert_element_type3A_67 = arith.sitofp %convert_element_type3A_66 : vector<512x8xi32> to vector<512x8xf32>
    %concatenate3A = tpu.concatenate %convert_element_type3A_63, %convert_element_type3A_67 in 0 : vector<512x8xf32>, vector<512x8xf32> -> vector<1024x8xf32>
    %get3A_68 = arith.constant 0 : index
    %get3A_69 = arith.constant 0 : index
    %get3A_70 = vector.load %arg4[%get3A_68, %get3A_69] : memref<1024x1024xbf16, #tpu.memory_space<vmem>>, vector<1024x1024xbf16>
    %convert_element_type3A_71 = arith.truncf %concatenate3A : vector<1024x8xf32> to vector<1024x8xbf16>
    %dot_general3A_72 = arith.constant dense<0.000000e+00> : vector<1024x8xf32>
    %dot_general3A_73 = tpu.matmul %get3A_70, %convert_element_type3A_71, %dot_general3A_72 {dimension_numbers = #tpu.dot_dimension_numbers<[1], [0], [0], [1], [0, 0, 1, 1], [], []>, transpose_lhs_hint = false} : vector<1024x1024xbf16>, vector<1024x8xbf16>, vector<1024x8xf32> -> vector<1024x8xf32>
    %get3A_74 = arith.constant 0 : index
    %get3A_75 = arith.constant 0 : index
    %get3A_76 = vector.load %arg12[%get3A_74, %get3A_75] : memref<1x8xf32, #tpu.memory_space<vmem>>, vector<1x8xf32>
    %add3A_77 = vector.broadcast %get3A_76 : vector<1x8xf32> to vector<1024x8xf32>
    %add3A_78 = arith.addf %dot_general3A_73, %add3A_77 : vector<1024x8xf32>
    %mul3A_79 = arith.mulf %add3A_78, %concatenate3A : vector<1024x8xf32>
    %reduce_sum3A = arith.constant dense<0.000000e+00> : vector<1024xf32>
    %reduce_sum3A_80 = vector.multi_reduction <add>, %mul3A_79, %reduce_sum3A [1] : vector<1024x8xf32> to vector<1024xf32>
    %broadcast_in_dim3A_81 = vector.shape_cast %reduce_sum3A_80 : vector<1024xf32> to vector<1024x1xf32>
    %slice3A = vector.extract_strided_slice %broadcast_in_dim3A_81 {offsets = [0, 0], sizes = [512, 1], strides = [1, 1]} : vector<1024x1xf32> to vector<512x1xf32>
    %convert_element_type3A_82 = arith.fptosi %slice3A : vector<512x1xf32> to vector<512x1xi32>
    %swap3A_83 = arith.constant 0 : index
    %swap3A_84 = arith.constant 0 : index
    %swap3A_85 = vector.load %arg9[%swap3A_83, %swap3A_84] : memref<512x1xi32, #tpu.memory_space<vmem>>, vector<512x1xi32>
    tpu.vector_store %arg9[%swap3A_83, %swap3A_84], %convert_element_type3A_82 {strides = array<i32>} : memref<512x1xi32, #tpu.memory_space<vmem>>, vector<512x1xi32>,
    %slice3A_86 = vector.extract_strided_slice %broadcast_in_dim3A_81 {offsets = [512, 0], sizes = [512, 1], strides = [1, 1]} : vector<1024x1xf32> to vector<512x1xf32>
    %convert_element_type3A_87 = arith.fptosi %slice3A_86 : vector<512x1xf32> to vector<512x1xi32>
    %swap3A_88 = arith.constant 0 : index
    %swap3A_89 = arith.constant 0 : index
    %swap3A_90 = vector.load %arg10[%swap3A_88, %swap3A_89] : memref<512x1xi32, #tpu.memory_space<vmem>>, vector<512x1xi32>
    tpu.vector_store %arg10[%swap3A_88, %swap3A_89], %convert_element_type3A_87 {strides = array<i32>} : memref<512x1xi32, #tpu.memory_space<vmem>>, vector<512x1xi32>,
    %reduce_sum3A_91 = arith.constant dense<0.000000e+00> : vector<8xf32>
    %reduce_sum3A_92 = vector.multi_reduction <add>, %concatenate3A, %reduce_sum3A_91 [0] : vector<1024x8xf32> to vector<8xf32>
    %broadcast_in_dim3A_93 = vector.shape_cast %reduce_sum3A_92 : vector<8xf32> to vector<1x8xf32>
    %add3A_94 = arith.addf %get3A_76, %broadcast_in_dim3A_93 : vector<1x8xf32>
    %swap3A_95 = arith.constant 0 : index
    %swap3A_96 = arith.constant 0 : index
    %swap3A_97 = vector.load %arg12[%swap3A_95, %swap3A_96] : memref<1x8xf32, #tpu.memory_space<vmem>>, vector<1x8xf32>
    tpu.vector_store %arg12[%swap3A_95, %swap3A_96], %add3A_94 {strides = array<i32>} : memref<1x8xf32, #tpu.memory_space<vmem>>, vector<1x8xf32>,
    %convert_element_type3A_98 = arith.fptosi %add3A_94 : vector<1x8xf32> to vector<1x8xi32>
    %swap3A_99 = arith.constant 0 : index
    %swap3A_100 = arith.constant 0 : index
    %swap3A_101 = vector.load %arg11[%swap3A_99, %swap3A_100] : memref<1x8xi32, #tpu.memory_space<vmem>>, vector<1x8xi32>
    tpu.vector_store %arg11[%swap3A_99, %swap3A_100], %convert_element_type3A_98 {strides = array<i32>} : memref<1x8xi32, #tpu.memory_space<vmem>>, vector<1x8xi32>,
    return
  }
  func.func @transform_0(%arg0: i32) -> (i32, i32) {
    %c0_i32 = arith.constant 0 : i32
    %c0_i32_0 = arith.constant 0 : i32
    return %arg0, %c0_i32 : i32, i32
  }
  func.func @transform_1(%arg0: i32) -> (i32, i32) {
    %c0_i32 = arith.constant 0 : i32
    %c0_i32_0 = arith.constant 0 : i32
    %c0_i32_1 = arith.constant 0 : i32
    return %c0_i32, %c0_i32_0 : i32, i32
  }
  func.func @transform_2(%arg0: i32) -> (i32, i32) {
    %c0_i32 = arith.constant 0 : i32
    %c0_i32_0 = arith.constant 0 : i32
    %c0_i32_1 = arith.constant 0 : i32
    return %c0_i32, %c0_i32_0 : i32, i32
  }
  func.func @transform_3(%arg0: i32) -> (i32, i32) {
    %c0_i32 = arith.constant 0 : i32
    %c0_i32_0 = arith.constant 0 : i32
    %c0_i32_1 = arith.constant 0 : i32
    return %c0_i32, %c0_i32_0 : i32, i32
  }
  func.func @transform_4(%arg0: i32) -> (i32, i32) {
    %c0_i32 = arith.constant 0 : i32
    %c0_i32_0 = arith.constant 0 : i32
    return %arg0, %c0_i32 : i32, i32
  }
  func.func @transform_5(%arg0: i32) -> (i32, i32) {
    %c0_i32 = arith.constant 0 : i32
    %c0_i32_0 = arith.constant 0 : i32
    return %arg0, %c0_i32 : i32, i32
  }
  func.func @transform_6(%arg0: i32) -> (i32, i32) {
    %c0_i32 = arith.constant 0 : i32
    %c0_i32_0 = arith.constant 0 : i32
    return %arg0, %c0_i32 : i32, i32
  }
  func.func @transform_7(%arg0: i32) -> (i32, i32) {
    %c0_i32 = arith.constant 0 : i32
    %c0_i32_0 = arith.constant 0 : i32
    return %arg0, %c0_i32 : i32, i32
  }
  func.func @transform_8(%arg0: i32) -> (i32, i32) {
    %c0_i32 = arith.constant 0 : i32
    %c0_i32_0 = arith.constant 0 : i32
    return %arg0, %c0_i32 : i32, i32
  }
  func.func @transform_9(%arg0: i32) -> (i32, i32) {
    %c0_i32 = arith.constant 0 : i32
    %c0_i32_0 = arith.constant 0 : i32
    return %arg0, %c0_i32 : i32, i32
  }
  func.func @transform_10(%arg0: i32) -> (i32, i32) {
    %c0_i32 = arith.constant 0 : i32
    %c0_i32_0 = arith.constant 0 : i32
    %c0_i32_1 = arith.constant 0 : i32
    return %c0_i32, %c0_i32_0 : i32, i32
  }
}

module attributes {stable_mosaic.version = 14 : i64} {
  func.func @_gmm_body(%arg0: i32, %arg1: memref<16xi32, #tpu.memory_space<smem>>, %arg2: memref<1xi32, #tpu.memory_space<smem>>, %arg3: memref<512x1024xf32, #tpu.memory_space<vmem>>, %arg4: memref<1x1024x2048xbf16, #tpu.memory_space<vmem>>, %arg5: memref<1x1x2048xf32, #tpu.memory_space<vmem>>, %arg6: memref<1x1024x1024xbf16, #tpu.memory_space<vmem>>, %arg7: memref<1x1x1024xf32, #tpu.memory_space<vmem>>, %arg8: memref<512x1024xf32, #tpu.memory_space<vmem>>) attributes {dimension_semantics = [#tpu.dimension_semantics<arbitrary>], iteration_bounds = array<i64: 16>, scalar_prefetch = 2 : i64, scratch_operands = 0 : i64, tpu.core_type = #tpu.core_type<tc>, window_params = [{transform_indices = @transform_0, window_bounds = array<i64: 512, 1024>}, {transform_indices = @transform_1, window_bounds = array<i64: 1, 1024, 2048>}, {transform_indices = @transform_2, window_bounds = array<i64: 1, 1, 2048>}, {transform_indices = @transform_3, window_bounds = array<i64: 1, 1024, 1024>}, {transform_indices = @transform_4, window_bounds = array<i64: 1, 1, 1024>}, {transform_indices = @transform_5, window_bounds = array<i64: 512, 1024>}]} {
    %get3A = arith.constant 0 : index
    %get3A_0 = memref.load %arg2[%get3A] : memref<1xi32, #tpu.memory_space<smem>>
    %lt3A = arith.cmpi slt, %arg0, %get3A_0 : i32
    %convert_element_type3A = arith.extui %lt3A : i1 to i32
    %cond3A = arith.constant 0 : i32
    %cond3A_1 = arith.cmpi ne, %convert_element_type3A, %cond3A : i32
    scf.if %cond3A_1 {
      %get3A_2 = arith.constant 0 : index
      %get3A_3 = arith.constant 0 : index
      %get3A_4 = vector.load %arg3[%get3A_2, %get3A_3] : memref<512x1024xf32, #tpu.memory_space<vmem>>, vector<512x1024xf32>
      %convert_element_type3A_5 = arith.truncf %get3A_4 : vector<512x1024xf32> to vector<512x1024xbf16>
      %get3A_6 = arith.constant 0 : index
      %get3A_7 = arith.constant 0 : index
      %get3A_8 = arith.constant 0 : index
      %get3A_9 = vector.load %arg4[%get3A_6, %get3A_7, %get3A_8] : memref<1x1024x2048xbf16, #tpu.memory_space<vmem>>, vector<1x1024x2048xbf16>
      %get3A_10 = vector.shape_cast %get3A_9 : vector<1x1024x2048xbf16> to vector<1024x2048xbf16>
      %slice3A = vector.extract_strided_slice %get3A_10 {offsets = [0, 0], sizes = [1024, 1024], strides = [1, 1]} : vector<1024x2048xbf16> to vector<1024x1024xbf16>
      %dot_general3A = arith.constant dense<0.000000e+00> : vector<512x1024xf32>
      %dot_general3A_11 = tpu.matmul %convert_element_type3A_5, %slice3A, %dot_general3A {dimension_numbers = #tpu.dot_dimension_numbers<[1], [0], [0], [1], [0, 0, 1, 1], [], []>, transpose_lhs_hint = false} : vector<512x1024xbf16>, vector<1024x1024xbf16>, vector<512x1024xf32> -> vector<512x1024xf32>
      %get3A_12 = arith.constant 0 : index
      %get3A_13 = arith.constant 0 : index
      %get3A_14 = arith.constant 0 : index
      %get3A_15 = vector.load %arg5[%get3A_12, %get3A_13, %get3A_14] : memref<1x1x2048xf32, #tpu.memory_space<vmem>>, vector<1x1x2048xf32>
      %get3A_16 = vector.shape_cast %get3A_15 : vector<1x1x2048xf32> to vector<1x2048xf32>
      %slice3A_17 = vector.extract_strided_slice %get3A_16 {offsets = [0, 0], sizes = [1, 1024], strides = [1, 1]} : vector<1x2048xf32> to vector<1x1024xf32>
      %add3A = vector.broadcast %slice3A_17 : vector<1x1024xf32> to vector<512x1024xf32>
      %add3A_18 = arith.addf %dot_general3A_11, %add3A : vector<512x1024xf32>
      %get3A_19 = arith.constant 0 : index
      %get3A_20 = arith.constant 0 : index
      %get3A_21 = arith.constant 0 : index
      %get3A_22 = vector.load %arg4[%get3A_19, %get3A_20, %get3A_21] : memref<1x1024x2048xbf16, #tpu.memory_space<vmem>>, vector<1x1024x2048xbf16>
      %get3A_23 = vector.shape_cast %get3A_22 : vector<1x1024x2048xbf16> to vector<1024x2048xbf16>
      %slice3A_24 = vector.extract_strided_slice %get3A_23 {offsets = [0, 1024], sizes = [1024, 1024], strides = [1, 1]} : vector<1024x2048xbf16> to vector<1024x1024xbf16>
      %dot_general3A_25 = arith.constant dense<0.000000e+00> : vector<512x1024xf32>
      %dot_general3A_26 = tpu.matmul %convert_element_type3A_5, %slice3A_24, %dot_general3A_25 {dimension_numbers = #tpu.dot_dimension_numbers<[1], [0], [0], [1], [0, 0, 1, 1], [], []>, transpose_lhs_hint = false} : vector<512x1024xbf16>, vector<1024x1024xbf16>, vector<512x1024xf32> -> vector<512x1024xf32>
      %get3A_27 = arith.constant 0 : index
      %get3A_28 = arith.constant 0 : index
      %get3A_29 = arith.constant 0 : index
      %get3A_30 = vector.load %arg5[%get3A_27, %get3A_28, %get3A_29] : memref<1x1x2048xf32, #tpu.memory_space<vmem>>, vector<1x1x2048xf32>
      %get3A_31 = vector.shape_cast %get3A_30 : vector<1x1x2048xf32> to vector<1x2048xf32>
      %slice3A_32 = vector.extract_strided_slice %get3A_31 {offsets = [0, 1024], sizes = [1, 1024], strides = [1, 1]} : vector<1x2048xf32> to vector<1x1024xf32>
      %add3A_33 = vector.broadcast %slice3A_32 : vector<1x1024xf32> to vector<512x1024xf32>
      %add3A_34 = arith.addf %dot_general3A_26, %add3A_33 : vector<512x1024xf32>
      %min3A = arith.constant 7.000000e+00 : f32
      %min3A_35 = vector.broadcast %min3A : f32 to vector<512x1024xf32>
      %min3A_36 = arith.minimumf %add3A_18, %min3A_35 : vector<512x1024xf32>
      %jit3A = arith.constant -7.000000e+00 : f32
      %jit3A_37 = arith.constant 7.000000e+00 : f32
      %max3A = vector.broadcast %jit3A : f32 to vector<512x1024xf32>
      %max3A_38 = arith.maximumf %max3A, %add3A_34 : vector<512x1024xf32>
      %min3A_39 = vector.broadcast %jit3A_37 : f32 to vector<512x1024xf32>
      %min3A_40 = arith.minimumf %min3A_39, %max3A_38 : vector<512x1024xf32>
      %mul3A = arith.constant 1.702000e+00 : f32
      %mul3A_41 = vector.broadcast %mul3A : f32 to vector<512x1024xf32>
      %mul3A_42 = arith.mulf %mul3A_41, %min3A_36 : vector<512x1024xf32>
      %logistic3A = arith.negf %mul3A_42 : vector<512x1024xf32>
      %logistic3A_43 = math.exp %logistic3A : vector<512x1024xf32>
      %logistic3A_44 = arith.constant 1.000000e+00 : f32
      %logistic3A_45 = vector.broadcast %logistic3A_44 : f32 to vector<512x1024xf32>
      %logistic3A_46 = arith.addf %logistic3A_45, %logistic3A_43 : vector<512x1024xf32>
      %logistic3A_47 = arith.divf %logistic3A_45, %logistic3A_46 : vector<512x1024xf32>
      %mul3A_48 = arith.mulf %min3A_36, %logistic3A_47 : vector<512x1024xf32>
      %add3A_49 = arith.constant 1.000000e+00 : f32
      %add3A_50 = vector.broadcast %add3A_49 : f32 to vector<512x1024xf32>
      %add3A_51 = arith.addf %min3A_40, %add3A_50 : vector<512x1024xf32>
      %mul3A_52 = arith.mulf %mul3A_48, %add3A_51 : vector<512x1024xf32>
      %convert_element_type3A_53 = arith.truncf %mul3A_52 : vector<512x1024xf32> to vector<512x1024xbf16>
      %get3A_54 = arith.constant 0 : index
      %get3A_55 = arith.constant 0 : index
      %get3A_56 = arith.constant 0 : index
      %get3A_57 = vector.load %arg6[%get3A_54, %get3A_55, %get3A_56] : memref<1x1024x1024xbf16, #tpu.memory_space<vmem>>, vector<1x1024x1024xbf16>
      %get3A_58 = vector.shape_cast %get3A_57 : vector<1x1024x1024xbf16> to vector<1024x1024xbf16>
      %dot_general3A_59 = arith.constant dense<0.000000e+00> : vector<512x1024xf32>
      %dot_general3A_60 = tpu.matmul %convert_element_type3A_53, %get3A_58, %dot_general3A_59 {dimension_numbers = #tpu.dot_dimension_numbers<[1], [0], [0], [1], [0, 0, 1, 1], [], []>, transpose_lhs_hint = false} : vector<512x1024xbf16>, vector<1024x1024xbf16>, vector<512x1024xf32> -> vector<512x1024xf32>
      %get3A_61 = arith.constant 0 : index
      %get3A_62 = arith.constant 0 : index
      %get3A_63 = arith.constant 0 : index
      %get3A_64 = vector.load %arg7[%get3A_61, %get3A_62, %get3A_63] : memref<1x1x1024xf32, #tpu.memory_space<vmem>>, vector<1x1x1024xf32>
      %get3A_65 = vector.shape_cast %get3A_64 : vector<1x1x1024xf32> to vector<1x1024xf32>
      %add3A_66 = vector.broadcast %get3A_65 : vector<1x1024xf32> to vector<512x1024xf32>
      %add3A_67 = arith.addf %dot_general3A_60, %add3A_66 : vector<512x1024xf32>
      %swap3A = arith.constant 0 : index
      %swap3A_68 = arith.constant 0 : index
      %swap3A_69 = vector.load %arg8[%swap3A, %swap3A_68] : memref<512x1024xf32, #tpu.memory_space<vmem>>, vector<512x1024xf32>
      tpu.vector_store %arg8[%swap3A, %swap3A_68], %add3A_67 {strides = array<i32>} : memref<512x1024xf32, #tpu.memory_space<vmem>>, vector<512x1024xf32>,
    } else {
    }
    return
  }
  func.func @transform_0(%arg0: i32, %arg1: memref<16xi32, #tpu.memory_space<smem>>, %arg2: memref<1xi32, #tpu.memory_space<smem>>) -> (i32, i32) {
    %c0_i32 = arith.constant 0 : i32
    %c0_i32_0 = arith.constant 0 : i32
    return %arg0, %c0_i32 : i32, i32
  }
  func.func @transform_1(%arg0: i32, %arg1: memref<16xi32, #tpu.memory_space<smem>>, %arg2: memref<1xi32, #tpu.memory_space<smem>>) -> (i32, i32, i32) {
    %get3A = arith.index_cast %arg0 : i32 to index
    %get3A_0 = memref.load %arg1[%get3A] : memref<16xi32, #tpu.memory_space<smem>>
    %c0_i32 = arith.constant 0 : i32
    %c0_i32_1 = arith.constant 0 : i32
    %c0_i32_2 = arith.constant 0 : i32
    return %get3A_0, %c0_i32, %c0_i32_1 : i32, i32, i32
  }
  func.func @transform_2(%arg0: i32, %arg1: memref<16xi32, #tpu.memory_space<smem>>, %arg2: memref<1xi32, #tpu.memory_space<smem>>) -> (i32, i32, i32) {
    %get3A = arith.index_cast %arg0 : i32 to index
    %get3A_0 = memref.load %arg1[%get3A] : memref<16xi32, #tpu.memory_space<smem>>
    %c0_i32 = arith.constant 0 : i32
    %c0_i32_1 = arith.constant 0 : i32
    %c0_i32_2 = arith.constant 0 : i32
    return %get3A_0, %c0_i32, %c0_i32_1 : i32, i32, i32
  }
  func.func @transform_3(%arg0: i32, %arg1: memref<16xi32, #tpu.memory_space<smem>>, %arg2: memref<1xi32, #tpu.memory_space<smem>>) -> (i32, i32, i32) {
    %get3A = arith.index_cast %arg0 : i32 to index
    %get3A_0 = memref.load %arg1[%get3A] : memref<16xi32, #tpu.memory_space<smem>>
    %c0_i32 = arith.constant 0 : i32
    %c0_i32_1 = arith.constant 0 : i32
    %c0_i32_2 = arith.constant 0 : i32
    return %get3A_0, %c0_i32, %c0_i32_1 : i32, i32, i32
  }
  func.func @transform_4(%arg0: i32, %arg1: memref<16xi32, #tpu.memory_space<smem>>, %arg2: memref<1xi32, #tpu.memory_space<smem>>) -> (i32, i32, i32) {
    %get3A = arith.index_cast %arg0 : i32 to index
    %get3A_0 = memref.load %arg1[%get3A] : memref<16xi32, #tpu.memory_space<smem>>
    %c0_i32 = arith.constant 0 : i32
    %c0_i32_1 = arith.constant 0 : i32
    %c0_i32_2 = arith.constant 0 : i32
    return %get3A_0, %c0_i32, %c0_i32_1 : i32, i32, i32
  }
  func.func @transform_5(%arg0: i32, %arg1: memref<16xi32, #tpu.memory_space<smem>>, %arg2: memref<1xi32, #tpu.memory_space<smem>>) -> (i32, i32) {
    %c0_i32 = arith.constant 0 : i32
    %c0_i32_0 = arith.constant 0 : i32
    return %arg0, %c0_i32 : i32, i32
  }
}

</mosaic_0001>

<sc_bundles>
// kernel: kernel.6.cloned.1.call-start
scs
__scs_entry_jumppad:
0x0: {  	(pc) =	sbr.rel $0x88, $3  }
0x1: {  	(tag) =	ssettag $0x0;
	lr =	simm.s32 $0x1  }
0x2: {  	[smem:$0x3F9A] =	sst lr;
	_ =	strace $0xD0000000  }
0x3: {  	_ = 	snop  }
0x4: {  	_ = 	snop  }
0x5: {  	_ = 	snop  }
0x6: {  	_ = 	snop  }
0x7: {  	_ = 	snop  }
__scs_overlays_trampoline_lowered:
0x8: {  	[smem:$0x3FA9] =	sst s0  }
0x9: {  	[smem:$0x3FAA] =	sst s1  }
0xa: {  	[smem:$0x3FAB] =	sst s2  }
0xb: {  	[smem:$0x3FAC] =	sst s3  }
0xc: {  	[smem:$0x3FAD] =	sst s4  }
0xd: {  	[smem:$0x3FAE] =	sst s5  }
0xe: {  	[smem:$0x3FAF] =	sst s6  }
0xf: {  	[smem:$0x3FB0] =	sst s7  }
0x10: {  	[smem:$0x3FB1] =	sst s8  }
0x11: {  	[smem:$0x3FB2] =	sst s9;
	s0 =	simm.s32 @!p0 $0x0  }
0x12: {  	s1 =	sld [smem:$0x3F98];
	s0 =	simm.s32 @p0 $0x1  }
0x13: {  	[smem:$0x3FB3] =	sst s0;
	s0 =	simm.s32 @!p1 $0x0  }
0x14: {  	s2 =	sld [smem:$0x3F97];
	s0 =	simm.s32 @p1 $0x1  }
0x15: {  	[smem:$0x3FB4] =	sst s0;
	s0 =	simm.s32 @!p2 $0x0  }
0x16: {  	s3 =	sld [smem:$0x3FDB];
	s0 =	simm.s32 @p2 $0x1  }
0x17: {  	s4 =	simm.s32 $0x1BF5;
	[smem:$0x3FB6] =	sst s0  }
0x18: {  	s0 =	sld [smem:$0x3F99];
	_ =	swait.ge [sflag:s4], $0x0  }
0x19: {  	s7 =	sld [smem:$0x3F9A]  }
0x1a: {  	s8 =	sadd.s32 $0xFFFFE003, lr  }
0x1b: {  	s9 =	sadd.s32 $0xFFFFFEF7, lr;
	s5 =	simm.s32 $0xFFFFFFFF;
	p2 =	slt.u32 s8, $0xFFFFF086  }
0x1c: {  	p1 =	slt.u32 s9, $0xF7A;
	s5 =	simm.s32 @!p2 $0x0  }
0x1d: {  	s5 =	simm.s32 @p1 $0x1;
	p0 =	seq.s32 s7, s2  }
0x1e: {  	s7 =	smul.u32 @!p0 $0xF7A, s2;
	p2 =	seq.s32 @!p0 s5, $0x0  }
0x1f: {  	s9 =	smul.u32 $0xF7A, s1;
	s8 =	simm.s32 @!p0 $0x1BF5;
	p2 =	por !p2, p0  }
0x20: {  	[sflag:s8] =	ssyncset.s32 @!p0 $0xFFFFF086;
	s6 =	sadd.s32 @!p0 s3, s7;
	s7 =	simm.s32 @!p0 $0x108  }
0x21: {  	s3 =	sadd.s32 s3, s9;
	s6 =	sadd.s32 @!p0 $0x88, s6;
	s7 =	simm.s32 @p2 $0x1082  }
0x22: {  	[simem:s7], [sflag:s8] =	dma.local @!p0 [hbm:s6], $0xF7A  }
0x23: {  	s9 =	sor.u32 $0xD0000000, s2;
	s6 =	simm.s32 $0x108;
	_ =	swait.ge @!p0 [sflag:s8], $0x0  }
0x24: {  	s3 =	sadd.s32 $0x88, s3;
	s6 =	simm.s32 @!p1 $0x1082;
	[sflag:s4] =	ssyncset.s32 $0xFFFFF086  }
0x25: {  	[simem:s6], [sflag:s4] =	dma.local [hbm:s3], $0xF7A  }
0x26: {  	[smem:$0x3F9A] =	sst s1;
	(tag) =	ssettag s2;
	_ =	strace s9  }
0x27: {  	s1 =	sld [smem:$0x3FAA]  }
0x28: {  	s2 =	sld [smem:$0x3FAB]  }
0x29: {  	s4 =	sld [smem:$0x3FAD]  }
0x2a: {  	p0 =	seq.s32 s5, $0x0;
	s5 =	sld [smem:$0x3FAE]  }
0x2b: {  	s6 =	sld [smem:$0x3FAF]  }
0x2c: {  	s7 =	sld [smem:$0x3FB0]  }
0x2d: {  	s3 =	simm.s32 $0x108;
	s8 =	sld [smem:$0x3FB1]  }
0x2e: {  	s3 =	simm.s32 @!p0 $0x1082;
	s9 =	sld [smem:$0x3FB2]  }
0x2f: {  	lr =	sadd.s32 s0, s3;
	s0 =	sld [smem:$0x3FA9]  }
0x30: {  	s3 =	sld [smem:$0x3FAC]  }
0x31: {  	[smem:$0x3FB5] =	sst s10  }
0x32: {  	s10 =	sld [smem:$0x3FB3];
	_ =	sdelay $0x3  }
0x33: {  	p0 =	seq.s32 s10, $0x1;
	s10 =	sld [smem:$0x3FB5];
	_ =	sdelay $0x3  }
0x34: {  	[smem:$0x3FB5] =	sst s10  }
0x35: {  	s10 =	sld [smem:$0x3FB4];
	_ =	sdelay $0x3  }
0x36: {  	p1 =	seq.s32 s10, $0x1;
	s10 =	sld [smem:$0x3FB5];
	_ =	sdelay $0x3  }
0x37: {  	[smem:$0x3FB5] =	sst s10  }
0x38: {  	s10 =	sld [smem:$0x3FB6]  }
0x39: {  	_ = 	snop;
	(pc) =	sbr.ind lr, $3  }
0x3a: {  	_ = 	snop  }
0x3b: {  	_ = 	snop  }
0x3c: {  	p2 =	seq.s32 s10, $0x1;
	s10 =	sld [smem:$0x3FB5]  }
0x3d: {  	_ =	shalt  }
0x3e: {  	_ =	shalt  }
0x3f: {  	_ =	shalt  }
0x40: {  	_ =	shalt  }
0x41: {  	_ =	shalt  }
0x42: {  	_ =	shalt  }
0x43: {  	_ =	shalt  }
0x44: {  	_ =	shalt  }
0x45: {  	_ =	shalt  }
0x46: {  	_ =	shalt  }
0x47: {  	_ =	shalt  }
0x48: {  	_ =	shalt  }
0x49: {  	_ =	shalt  }
0x4a: {  	_ =	shalt  }
0x4b: {  	_ =	shalt  }
0x4c: {  	_ =	shalt  }
0x4d: {  	_ =	shalt  }
0x4e: {  	_ =	shalt  }
0x4f: {  	_ =	shalt  }
0x50: {  	_ =	shalt  }
0x51: {  	_ =	shalt  }
0x52: {  	_ =	shalt  }
0x53: {  	_ =	shalt  }
0x54: {  	_ =	shalt  }
0x55: {  	_ =	shalt  }
0x56: {  	_ =	shalt  }
0x57: {  	_ =	shalt  }
0x58: {  	_ =	shalt  }
0x59: {  	_ =	shalt  }
0x5a: {  	_ =	shalt  }
0x5b: {  	_ =	shalt  }
0x5c: {  	_ =	shalt  }
0x5d: {  	_ =	shalt  }
0x5e: {  	_ =	shalt  }
0x5f: {  	_ =	shalt  }
0x60: {  	_ =	shalt  }
0x61: {  	_ =	shalt  }
0x62: {  	_ =	shalt  }
0x63: {  	_ =	shalt  }
0x64: {  	_ =	shalt  }
0x65: {  	_ =	shalt  }
0x66: {  	_ =	shalt  }
0x67: {  	_ =	shalt  }
0x68: {  	_ =	shalt  }
0x69: {  	_ =	shalt  }
0x6a: {  	_ =	shalt  }
0x6b: {  	_ =	shalt  }
0x6c: {  	_ =	shalt  }
0x6d: {  	_ =	shalt  }
0x6e: {  	_ =	shalt  }
0x6f: {  	_ =	shalt  }
0x70: {  	_ =	shalt  }
0x71: {  	_ =	shalt  }
0x72: {  	_ =	shalt  }
0x73: {  	_ =	shalt  }
0x74: {  	_ =	shalt  }
0x75: {  	_ =	shalt  }
0x76: {  	_ =	shalt  }
0x77: {  	_ =	shalt  }
0x78: {  	_ =	shalt  }
0x79: {  	_ =	shalt  }
0x7a: {  	_ =	shalt  }
0x7b: {  	_ =	shalt  }
0x7c: {  	_ =	shalt  }
0x7d: {  	_ =	shalt  }
0x7e: {  	_ =	shalt  }
0x7f: {  	_ =	shalt  }
0x80: {  	_ =	shalt  }
0x81: {  	_ =	shalt  }
0x82: {  	_ =	shalt  }
0x83: {  	_ =	shalt  }
0x84: {  	_ =	shalt  }
0x85: {  	_ =	shalt  }
0x86: {  	_ =	shalt  }
0x87: {  	_ =	shalt  }
.Lfunc_end0:
.L_simem_size_0:
called_computation_lowered:
.L_overlay_start_0:
0x88: {  	s2 =	sld [smem:$0x3FD9]  }
0x89: {  	s3 =	sld [smem:$0x3FFE];
	_ =	sdelay $0x1  }
0x8a: {  	s1 =	srdreg.scid  }
0x8b: {  	s0 =	sand.u32 $0x1, s1  }
0x8c: {  	s17 =	sshll.u32 s0, $0xA;
	s2 =	sadd.s32 s3, s2  }
0x8d: {  	s2 =	sadd.s32 s2, s17  }
0x8e: {  	[smem:$0x3FC1] =	sst s2  }
0x8f: {  	_ = 	snop  }
0x90: {  	s2 =	sld [smem:$0x3FC9];
	(tm) =	ssettm $0x1  }
0x91: {  	s18 =	sld [smem:$0x3FFB];
	_ =	sdelay $0x3  }
0x92: {  	_ =	strace s18  }
0x93: {  	s3 =	sld [smem:$0x3FFC];
	_ =	sdelay $0x3  }
0x94: {  	_ =	strace s3  }
0x95: {  	s3 =	sld [smem:$0x3FFD];
	_ =	sdelay $0x3  }
0x96: {  	_ =	strace s3  }
0x97: {  	_ =	strace $0x8FFFFFFF  }
0x98: {  	s19 =	sld [smem:$0x3FDB];
	_ =	sdelay $0x1  }
0x99: {  	s4 =	simm.s32 $_scs_section_size  }
0x9a: {  	s5 =	simm.s32 $_size__tile_overlayer_lowered;
	s6 =	simm.s32 $_tile_overlayer_lowered  }
0x9b: {  	s22 =	simm.s32 $0x1BFF;
	s21 =	sshll.u32 s6, $0x1;
	s3 =	sadd.s32 s4, s19  }
0x9c: {  	s7 =	simm.s32 $0x0;
	s20 =	sshll.u32 s5, $0x1;
	s5 =	sadd.s32 s21, s3  }
0x9d: {  	[timem:s7], [sflag:s22] =	dma.local [hbm:s5], s20  }
0x9e: {  	_ =	swait.ge [sflag:s22], s20  }
0x9f: {  	s4 =	ssub.s32 $0x0, s20;
	[sflag:s22] =	ssyncset.done $0x0  }
0xa0: {  	[sflag:s22] =	ssyncadd.s32 s4;
	_ =	sdelay $0x1  }
0xa1: {  	s23 =	simm.s32 $0x1B8B  }
0xa2: {  	_ =	swait.ge [sflag:s23], $0x1  }
0xa3: {  	[sflag:s23] =	ssyncset.done $0x0  }
0xa4: {  	s25 =	simm.s32 $0x1B8E;
	s24 =	sld [smem:$0x3FFE];
	[sflag:s23] =	ssyncadd.s32 $0xFFFFFFFF  }
0xa5: {  	s26 =	simm.s32 $execute0_lowered;
	[smem:$0x3FD2] =	sst s25  }
0xa6: {  	s5 =	sshll.u32 s26, $0x1;
	_ =	strace $0x80000046;
	[dreg:$0x1] =	wrdreg $0xFFFFFFFF  }
0xa7: {  	s28 =	simm.s32 $_size_execute0_lowered;
	s3 =	sadd.s32 s3, s5;
	[dreg:$0x0] =	wrdreg $0x0  }
0xa8: {  	s5 =	sshll.u32 s28, $0x1;
	[dreg:$0x2] =	wrdreg s3  }
0xa9: {  	[dreg:$0x3] =	wrdreg s5  }
0xaa: {  	[dreg:$0x4] =	wrdreg $0xC0  }
0xab: {  	_ =	task [dreg:s7], $0x5FFFF  }
0xac: {  	[dreg:$0x1] =	wrdreg $0xFFFFFFFF  }
0xad: {  	[dreg:$0x0] =	wrdreg $0x60  }
0xae: {  	[dreg:$0x2] =	wrdreg s2  }
0xaf: {  	[dreg:$0x3] =	wrdreg s24  }
0xb0: {  	[dreg:$0x4] =	wrdreg $0x9  }
0xb1: {  	_ =	task.clear_ibuf [dreg:s7], $0x5FFFF;
	_ =	strace $0x90000046  }
0xb2: {  	s29 =	simm.s32 $0x9;
	_ =	strace $0x80000048  }
0xb3: {  	_ =	swait.ge [sflag:s29], $0x1  }
0xb4: {  	[sflag:s29] =	ssyncadd.s32 $0xFFFFFFFF  }
0xb5: {  	_ =	strace $0x90000048  }
0xb6: {  	_ =	sfence  }
0xb7: {  	s30 =	sld [smem:$0x0];
	_ =	sdelay $0x2  }
0xb8: {  	s31 =	sshll.u32 s1, $0xD;
	s1 =	sshrl.u32 s1, $0x2  }
0xb9: {  	s3 =	sand.u32 $0x4000, s31;
	s1 =	sadd.s32 s1, s30  }
0xba: {  	s0 =	sor.u32 s3, s0;
	s1 =	sshll.u32 s1, $0x11  }
0xbb: {  	s0 =	sor.u32 s1, s0  }
0xbc: {  	s0 =	sadd.s32 $0x8F2B, s0  }
0xbd: {  	[sflag:s0] =	ssyncadd.remote.s32 $0x1  }
0xbe: {  	_ =	sfence.sel $0xFFFF  }
0xbf: {  	[dreg:$0x0] =	wrdreg $0xFFFFFFFF;
	(pc) =	sbr.abs _section_cstart, $3  }
0xc0: {  	[dreg:$0x1] =	wrdreg $0xFFFFFFFF  }
0xc1: {  	_ =	task.clear_ibuf [dreg:s7], $0x2FFFF;
	_ =	strace $0x9FFFFFFF  }
0xc2: {  	(tm) =	ssettm $0x7FFFFFFF  }
0xc3: {  	_ =	shalt  }
tec
execute0_lowered:
.L_overlay_start_1:
0x0: {  	(tag) =	ssettag $0x1  }
0x1: {  	s0 =	srdreg.scid;
	s1 =	rddreg [dreg:$0x0]  }
0x2: {  	s2 =	stileid.u32;
	s6 =	rddreg [dreg:$0x1];
	s25 =	simm.s32 $0x10000  }
0x3: {  	s26 =	simm.s32 $0x10080;
	s8 =	simm.s32 $0x3;
	s20 =	simm.s32 $0x1800  }
0x4: {  	s21 =	simm.s32 $0x2000;
	s22 =	simm.s32 $0x2800;
	s23 =	simm.s32 $0x3000  }
0x5: {  	s28 =	simm.s32 $0x5000;
	s29 =	simm.s32 $0x5800;
	s30 =	simm.s32 $0x6000  }
0x6: {  	s31 =	simm.s32 $0x6800;
	s9 =	simm.s32 $0x8000;
	s10 =	simm.s32 $0x8800  }
0x7: {  	s11 =	simm.s32 $0x9000;
	s12 =	simm.s32 $0x9800;
	s13 =	simm.s32 $0xA000  }
0x8: {  	s14 =	simm.s32 $0xA800;
	s15 =	simm.s32 $0xB000;
	s16 =	simm.s32 $0xB800  }
0x9: {  	s17 =	simm.s32 $0xC000;
	s0 =	sand.u32 $0x1, s0;
	s2 =	sshll.u32 s2, $0x1  }
0xa: {  	s3 =	sor.u32 s0, s2;
	s2 =	simm.s32 $0x0;
	s0 =	ssub.s32 $0x2, s0  }
0xb: {  	s4 =	sshll.u32 s3, $0x4;
	[smem:$0x7FF] =	sst s2;
	s3 =	sshll.u32 s3, $0xD  }
0xc: {  	s24 =	sshrl.u32 s0, $0x1;
	s4 =	sadd.s32 s4, s6;
	_ =	strace $0x80000047  }
0xd: {  	s1 =	sadd.s32 s1, s3;
	s3 =	sadd.s32 $0x10400, s6;
	[dreg:$0x6] =	wrdreg s25  }
0xe: {  	s0 =	ssub.s32 s0, s24;
	[dreg:$0x7] =	wrdreg s26;
	s24 =	simm.s32 $0x3800  }
0xf: {  	s25 =	simm.s32 $0x4000;
	s5 =	sadd.s32 $0x10200, s4;
	[dreg:$0x5] =	wrdreg s1  }
0x10: {  	v2 =	vlaneseq.u32;
	s26 =	simm.s32 $0x4800;
	s4 =	sadd.s32 $0x10000, s4;
	[dreg:$0x3] =	wrdreg s5  }
0x11: {  	vm0 =	vmmov $0xffff;
	v1 =	vshrl.u32 v2, $0x3;
	s7 =	smax.u32 s0, $0x1;
	s1 =	simm.s32 $0x7000;
	[dreg:$0x4] =	wrdreg s4  }
0x12: {  	v0 =	vand.u32 $0x7, v2;
	v2 =	vor.u32 $0x8, v2;
	v1 =	vmul.u32 $0x8, v1;
	s4 =	sadd.s32 $0x10500, s6;
	s5 =	sadd.s32 $0x10600, s6;
	s6 =	sadd.s32 $0x10700, s6  }
.LBB2_1:
0x13: {  	s18 =	rddreg [dreg:$0x3]  }
0x14: {  	s19 =	rddreg [dreg:$0x6]  }
0x15: {  	[tilespmem:s19], [sflag:$0x3] =	stream.linear.gather [hbm4b:s18+s2], $0x80, $0x38;
	[tilespmem:$0x10100] =	vst v63  }
0x16: {  	_ =	swait.ge [sflag:s8], $0x80  }
0x17: {  	s19 =	rddreg [dreg:$0x4];
	[sflag:s8] =	ssyncset.done $0x0  }
0x18: {  	s0 =	rddreg [dreg:$0x7];
	[sflag:s8] =	ssyncadd.s32 $0xFFFFFF80  }
0x19: {  	[tilespmem:s0], [sflag:$0x3] =	stream.linear.gather [hbm4b:s19+s2], $0x80, $0x38;
	[tilespmem:$0x10100] =	vst v63  }
0x1a: {  	_ =	swait.ge [sflag:s8], $0x80  }
0x1b: {  	[sflag:s8] =	ssyncset.done $0x0  }
0x1c: {  	s0 =	rddreg [dreg:$0x5];
	[sflag:s8] =	ssyncadd.s32 $0xFFFFFF80  }
0x1d: {  	[tilespmem:s2], [sflag:$0x3] =	stream.linear.gather [hbm4b:s0+s2], $0x10000, $0x38;
	[tilespmem:$0x10100] =	vst v63  }
0x1e: {  	_ =	swait.ge [sflag:s8], $0x10000  }
0x1f: {  	[sflag:s8] =	ssyncset.done $0x0  }
0x20: {  	[sflag:s8] =	ssyncadd.s32 $0xFFFF0000  }
0x21: {  	v3 =	vld [tilespmem:$0x10000];
	_ =	sdelay $0x4  }
0x22: {  	v4 =	vshll.u32 v3, $0x3  }
0x23: {  	v3 =	vand.u32 $0x7, v3;
	v4 =	vand.u32 $0xFFFFFFC0, v4  }
0x24: {  	v3 =	vor.u32 v3, v4  }
0x25: {  	v4 =	vperm.xlane v3, v0;
	_ =	sdelay $0x1  }
0x26: {  	v4 =	vadd.s32 v1, v4;
	_ =	sdelay $0x4  }
0x27: {  	[hbm4b:s3+s2] =	stream.indirect_vreg.scatter [tilespmem:s2], [sflag:$0x1], $0x80, v4, vm0, $0xb8;
	[tilespmem:$0x10100] =	vst v63  }
0x28: {  	s18 =	simm.s32 $0x800;
	v3 =	vperm.xlane v3, v2  }
0x29: {  	[hbm4b:s4+s2] =	stream.indirect_vreg.scatter [tilespmem:s18], [sflag:$0x1], $0x80, v4, vm0, $0xb8;
	[tilespmem:$0x10100] =	vst v63  }
0x2a: {  	s19 =	simm.s32 $0x1000;
	v3 =	vadd.s32 v1, v3  }
0x2b: {  	[hbm4b:s5+s2] =	stream.indirect_vreg.scatter [tilespmem:s19], [sflag:$0x1], $0x80, v4, vm0, $0xb8;
	[tilespmem:$0x10100] =	vst v63  }
0x2c: {  	_ = 	snop  }
0x2d: {  	[hbm4b:s6+s2] =	stream.indirect_vreg.scatter [tilespmem:s20], [sflag:$0x1], $0x80, v4, vm0, $0xb8;
	[tilespmem:$0x10100] =	vst v63  }
0x2e: {  	_ = 	snop  }
0x2f: {  	[hbm4b:s3+s2] =	stream.indirect_vreg.scatter [tilespmem:s21], [sflag:$0x1], $0x80, v3, vm0, $0xb8;
	[tilespmem:$0x10100] =	vst v63  }
0x30: {  	_ = 	snop  }
0x31: {  	[hbm4b:s4+s2] =	stream.indirect_vreg.scatter [tilespmem:s22], [sflag:$0x1], $0x80, v3, vm0, $0xb8;
	[tilespmem:$0x10100] =	vst v63  }
0x32: {  	_ = 	snop  }
0x33: {  	[hbm4b:s5+s2] =	stream.indirect_vreg.scatter [tilespmem:s23], [sflag:$0x1], $0x80, v3, vm0, $0xb8;
	[tilespmem:$0x10100] =	vst v63  }
0x34: {  	_ = 	snop  }
0x35: {  	[hbm4b:s6+s2] =	stream.indirect_vreg.scatter [tilespmem:s24], [sflag:$0x1], $0x80, v3, vm0, $0xb8;
	[tilespmem:$0x10100] =	vst v63  }
0x36: {  	v3 =	vld [tilespmem:$0x10010];
	_ =	sdelay $0x4  }
0x37: {  	v57 =	vshll.u32 v3, $0x3  }
0x38: {  	v3 =	vand.u32 $0x7, v3;
	v4 =	vand.u32 $0xFFFFFFC0, v57  }
0x39: {  	v3 =	vor.u32 v3, v4  }
0x3a: {  	v4 =	vperm.xlane v3, v0;
	_ =	sdelay $0x1  }
0x3b: {  	v4 =	vadd.s32 v1, v4;
	_ =	sdelay $0x4  }
0x3c: {  	[hbm4b:s3+s2] =	stream.indirect_vreg.scatter [tilespmem:s25], [sflag:$0x1], $0x80, v4, vm0, $0xb8;
	[tilespmem:$0x10100] =	vst v63  }
0x3d: {  	v3 =	vperm.xlane v3, v2  }
0x3e: {  	[hbm4b:s4+s2] =	stream.indirect_vreg.scatter [tilespmem:s26], [sflag:$0x1], $0x80, v4, vm0, $0xb8;
	[tilespmem:$0x10100] =	vst v63  }
0x3f: {  	v3 =	vadd.s32 v1, v3  }
0x40: {  	[hbm4b:s5+s2] =	stream.indirect_vreg.scatter [tilespmem:s28], [sflag:$0x1], $0x80, v4, vm0, $0xb8;
	[tilespmem:$0x10100] =	vst v63  }
0x41: {  	_ = 	snop  }
0x42: {  	[hbm4b:s6+s2] =	stream.indirect_vreg.scatter [tilespmem:s29], [sflag:$0x1], $0x80, v4, vm0, $0xb8;
	[tilespmem:$0x10100] =	vst v63  }
0x43: {  	_ = 	snop  }
0x44: {  	[hbm4b:s3+s2] =	stream.indirect_vreg.scatter [tilespmem:s30], [sflag:$0x1], $0x80, v3, vm0, $0xb8;
	[tilespmem:$0x10100] =	vst v63  }
0x45: {  	_ = 	snop  }
0x46: {  	[hbm4b:s4+s2] =	stream.indirect_vreg.scatter [tilespmem:s31], [sflag:$0x1], $0x80, v3, vm0, $0xb8;
	[tilespmem:$0x10100] =	vst v63  }
0x47: {  	_ = 	snop  }
0x48: {  	[hbm4b:s5+s2] =	stream.indirect_vreg.scatter [tilespmem:s1], [sflag:$0x1], $0x80, v3, vm0, $0xb8;
	[tilespmem:$0x10100] =	vst v63  }
0x49: {  	s0 =	simm.s32 $0x7800  }
0x4a: {  	[hbm4b:s6+s2] =	stream.indirect_vreg.scatter [tilespmem:s0], [sflag:$0x1], $0x80, v3, vm0, $0xb8;
	[tilespmem:$0x10100] =	vst v63  }
0x4b: {  	v3 =	vld [tilespmem:$0x10020];
	_ =	sdelay $0x4  }
0x4c: {  	v58 =	vshll.u32 v3, $0x3  }
0x4d: {  	v3 =	vand.u32 $0x7, v3;
	v4 =	vand.u32 $0xFFFFFFC0, v58  }
0x4e: {  	v3 =	vor.u32 v3, v4  }
0x4f: {  	v4 =	vperm.xlane v3, v0;
	_ =	sdelay $0x1  }
0x50: {  	v4 =	vadd.s32 v1, v4;
	_ =	sdelay $0x4  }
0x51: {  	[hbm4b:s3+s2] =	stream.indirect_vreg.scatter [tilespmem:s9], [sflag:$0x1], $0x80, v4, vm0, $0xb8;
	[tilespmem:$0x10100] =	vst v63  }
0x52: {  	v3 =	vperm.xlane v3, v2  }
0x53: {  	[hbm4b:s4+s2] =	stream.indirect_vreg.scatter [tilespmem:s10], [sflag:$0x1], $0x80, v4, vm0, $0xb8;
	[tilespmem:$0x10100] =	vst v63  }
0x54: {  	v3 =	vadd.s32 v1, v3  }
0x55: {  	[hbm4b:s5+s2] =	stream.indirect_vreg.scatter [tilespmem:s11], [sflag:$0x1], $0x80, v4, vm0, $0xb8;
	[tilespmem:$0x10100] =	vst v63  }
0x56: {  	_ = 	snop  }
0x57: {  	[hbm4b:s6+s2] =	stream.indirect_vreg.scatter [tilespmem:s12], [sflag:$0x1], $0x80, v4, vm0, $0xb8;
	[tilespmem:$0x10100] =	vst v63  }
0x58: {  	_ = 	snop  }
0x59: {  	[hbm4b:s3+s2] =	stream.indirect_vreg.scatter [tilespmem:s13], [sflag:$0x1], $0x80, v3, vm0, $0xb8;
	[tilespmem:$0x10100] =	vst v63  }
0x5a: {  	_ = 	snop  }
0x5b: {  	[hbm4b:s4+s2] =	stream.indirect_vreg.scatter [tilespmem:s14], [sflag:$0x1], $0x80, v3, vm0, $0xb8;
	[tilespmem:$0x10100] =	vst v63  }
0x5c: {  	_ = 	snop  }
0x5d: {  	[hbm4b:s5+s2] =	stream.indirect_vreg.scatter [tilespmem:s15], [sflag:$0x1], $0x80, v3, vm0, $0xb8;
	[tilespmem:$0x10100] =	vst v63  }
0x5e: {  	_ = 	snop  }
0x5f: {  	[hbm4b:s6+s2] =	stream.indirect_vreg.scatter [tilespmem:s16], [sflag:$0x1], $0x80, v3, vm0, $0xb8;
	[tilespmem:$0x10100] =	vst v63  }
0x60: {  	v3 =	vld [tilespmem:$0x10030];
	_ =	sdelay $0x4  }
0x61: {  	v59 =	vshll.u32 v3, $0x3  }
0x62: {  	v3 =	vand.u32 $0x7, v3;
	v4 =	vand.u32 $0xFFFFFFC0, v59  }
0x63: {  	v3 =	vor.u32 v3, v4  }
0x64: {  	v4 =	vperm.xlane v3, v0;
	_ =	sdelay $0x1  }
0x65: {  	v4 =	vadd.s32 v1, v4;
	_ =	sdelay $0x4  }
0x66: {  	[hbm4b:s3+s2] =	stream.indirect_vreg.scatter [tilespmem:s17], [sflag:$0x1], $0x80, v4, vm0, $0xb8;
	[tilespmem:$0x10100] =	vst v63  }
0x67: {  	s0 =	simm.s32 $0xC800;
	v3 =	vperm.xlane v3, v2  }
0x68: {  	[hbm4b:s4+s2] =	stream.indirect_vreg.scatter [tilespmem:s0], [sflag:$0x1], $0x80, v4, vm0, $0xb8;
	[tilespmem:$0x10100] =	vst v63  }
0x69: {  	v3 =	vadd.s32 v1, v3;
	s0 =	simm.s32 $0xD000  }
0x6a: {  	[hbm4b:s5+s2] =	stream.indirect_vreg.scatter [tilespmem:s0], [sflag:$0x1], $0x80, v4, vm0, $0xb8;
	[tilespmem:$0x10100] =	vst v63  }
0x6b: {  	s0 =	simm.s32 $0xD800  }
0x6c: {  	[hbm4b:s6+s2] =	stream.indirect_vreg.scatter [tilespmem:s0], [sflag:$0x1], $0x80, v4, vm0, $0xb8;
	[tilespmem:$0x10100] =	vst v63  }
0x6d: {  	s0 =	simm.s32 $0xE000  }
0x6e: {  	[hbm4b:s3+s2] =	stream.indirect_vreg.scatter [tilespmem:s0], [sflag:$0x1], $0x80, v3, vm0, $0xb8;
	[tilespmem:$0x10100] =	vst v63  }
0x6f: {  	s0 =	simm.s32 $0xE800  }
0x70: {  	[hbm4b:s4+s2] =	stream.indirect_vreg.scatter [tilespmem:s0], [sflag:$0x1], $0x80, v3, vm0, $0xb8;
	[tilespmem:$0x10100] =	vst v63  }
0x71: {  	s0 =	simm.s32 $0xF000  }
0x72: {  	[hbm4b:s5+s2] =	stream.indirect_vreg.scatter [tilespmem:s0], [sflag:$0x1], $0x80, v3, vm0, $0xb8;
	[tilespmem:$0x10100] =	vst v63  }
0x73: {  	s0 =	simm.s32 $0xF800  }
0x74: {  	[hbm4b:s6+s2] =	stream.indirect_vreg.scatter [tilespmem:s0], [sflag:$0x1], $0x80, v3, vm0, $0xb8;
	[tilespmem:$0x10100] =	vst v63  }
0x75: {  	v3 =	vld [tilespmem:$0x10080];
	_ =	sdelay $0x4  }
0x76: {  	v60 =	vshll.u32 v3, $0x3  }
0x77: {  	v3 =	vand.u32 $0x7, v3;
	v4 =	vand.u32 $0xFFFFFFC0, v60  }
0x78: {  	v3 =	vor.u32 v3, v4  }
0x79: {  	v4 =	vperm.xlane v3, v0;
	_ =	sdelay $0x1  }
0x7a: {  	v4 =	vadd.s32 v1, v4;
	_ =	sdelay $0x4  }
0x7b: {  	[hbm4b:s3+s2] =	stream.indirect_vreg.scatter [tilespmem:s2], [sflag:$0x2], $0x80, v4, vm0, $0xb8;
	[tilespmem:$0x10100] =	vst v63  }
0x7c: {  	v3 =	vperm.xlane v3, v2  }
0x7d: {  	[hbm4b:s4+s2] =	stream.indirect_vreg.scatter [tilespmem:s18], [sflag:$0x2], $0x80, v4, vm0, $0xb8;
	[tilespmem:$0x10100] =	vst v63  }
0x7e: {  	v3 =	vadd.s32 v1, v3  }
0x7f: {  	[hbm4b:s5+s2] =	stream.indirect_vreg.scatter [tilespmem:s19], [sflag:$0x2], $0x80, v4, vm0, $0xb8;
	[tilespmem:$0x10100] =	vst v63  }
0x80: {  	_ = 	snop  }
0x81: {  	[hbm4b:s6+s2] =	stream.indirect_vreg.scatter [tilespmem:s20], [sflag:$0x2], $0x80, v4, vm0, $0xb8;
	[tilespmem:$0x10100] =	vst v63  }
0x82: {  	_ = 	snop  }
0x83: {  	[hbm4b:s3+s2] =	stream.indirect_vreg.scatter [tilespmem:s21], [sflag:$0x2], $0x80, v3, vm0, $0xb8;
	[tilespmem:$0x10100] =	vst v63  }
0x84: {  	_ = 	snop  }
0x85: {  	[hbm4b:s4+s2] =	stream.indirect_vreg.scatter [tilespmem:s22], [sflag:$0x2], $0x80, v3, vm0, $0xb8;
	[tilespmem:$0x10100] =	vst v63  }
0x86: {  	_ = 	snop  }
0x87: {  	[hbm4b:s5+s2] =	stream.indirect_vreg.scatter [tilespmem:s23], [sflag:$0x2], $0x80, v3, vm0, $0xb8;
	[tilespmem:$0x10100] =	vst v63  }
0x88: {  	_ = 	snop  }
0x89: {  	[hbm4b:s6+s2] =	stream.indirect_vreg.scatter [tilespmem:s24], [sflag:$0x2], $0x80, v3, vm0, $0xb8;
	[tilespmem:$0x10100] =	vst v63  }
0x8a: {  	v3 =	vld [tilespmem:$0x10090];
	_ =	sdelay $0x4  }
0x8b: {  	v61 =	vshll.u32 v3, $0x3  }
0x8c: {  	v3 =	vand.u32 $0x7, v3;
	v4 =	vand.u32 $0xFFFFFFC0, v61  }
0x8d: {  	v3 =	vor.u32 v3, v4  }
0x8e: {  	v4 =	vperm.xlane v3, v0;
	_ =	sdelay $0x1  }
0x8f: {  	v4 =	vadd.s32 v1, v4;
	_ =	sdelay $0x4  }
0x90: {  	[hbm4b:s3+s2] =	stream.indirect_vreg.scatter [tilespmem:s25], [sflag:$0x2], $0x80, v4, vm0, $0xb8;
	[tilespmem:$0x10100] =	vst v63  }
0x91: {  	v3 =	vperm.xlane v3, v2  }
0x92: {  	[hbm4b:s4+s2] =	stream.indirect_vreg.scatter [tilespmem:s26], [sflag:$0x2], $0x80, v4, vm0, $0xb8;
	[tilespmem:$0x10100] =	vst v63  }
0x93: {  	v3 =	vadd.s32 v1, v3  }
0x94: {  	[hbm4b:s5+s2] =	stream.indirect_vreg.scatter [tilespmem:s28], [sflag:$0x2], $0x80, v4, vm0, $0xb8;
	[tilespmem:$0x10100] =	vst v63  }
0x95: {  	_ = 	snop  }
0x96: {  	[hbm4b:s6+s2] =	stream.indirect_vreg.scatter [tilespmem:s29], [sflag:$0x2], $0x80, v4, vm0, $0xb8;
	[tilespmem:$0x10100] =	vst v63  }
0x97: {  	_ = 	snop  }
0x98: {  	[hbm4b:s3+s2] =	stream.indirect_vreg.scatter [tilespmem:s30], [sflag:$0x2], $0x80, v3, vm0, $0xb8;
	[tilespmem:$0x10100] =	vst v63  }
0x99: {  	_ = 	snop  }
0x9a: {  	[hbm4b:s4+s2] =	stream.indirect_vreg.scatter [tilespmem:s31], [sflag:$0x2], $0x80, v3, vm0, $0xb8;
	[tilespmem:$0x10100] =	vst v63  }
0x9b: {  	_ = 	snop  }
0x9c: {  	[hbm4b:s5+s2] =	stream.indirect_vreg.scatter [tilespmem:s1], [sflag:$0x2], $0x80, v3, vm0, $0xb8;
	[tilespmem:$0x10100] =	vst v63  }
0x9d: {  	s18 =	simm.s32 $0x7800  }
0x9e: {  	[hbm4b:s6+s2] =	stream.indirect_vreg.scatter [tilespmem:s18], [sflag:$0x2], $0x80, v3, vm0, $0xb8;
	[tilespmem:$0x10100] =	vst v63  }
0x9f: {  	v3 =	vld [tilespmem:$0x100A0];
	_ =	sdelay $0x4  }
0xa0: {  	v62 =	vshll.u32 v3, $0x3  }
0xa1: {  	v3 =	vand.u32 $0x7, v3;
	v4 =	vand.u32 $0xFFFFFFC0, v62  }
0xa2: {  	v3 =	vor.u32 v3, v4  }
0xa3: {  	v4 =	vperm.xlane v3, v0;
	_ =	sdelay $0x1  }
0xa4: {  	v4 =	vadd.s32 v1, v4;
	_ =	sdelay $0x4  }
0xa5: {  	[hbm4b:s3+s2] =	stream.indirect_vreg.scatter [tilespmem:s9], [sflag:$0x2], $0x80, v4, vm0, $0xb8;
	[tilespmem:$0x10100] =	vst v63  }
0xa6: {  	v3 =	vperm.xlane v3, v2  }
0xa7: {  	[hbm4b:s4+s2] =	stream.indirect_vreg.scatter [tilespmem:s10], [sflag:$0x2], $0x80, v4, vm0, $0xb8;
	[tilespmem:$0x10100] =	vst v63  }
0xa8: {  	v3 =	vadd.s32 v1, v3  }
0xa9: {  	[hbm4b:s5+s2] =	stream.indirect_vreg.scatter [tilespmem:s11], [sflag:$0x2], $0x80, v4, vm0, $0xb8;
	[tilespmem:$0x10100] =	vst v63  }
0xaa: {  	_ = 	snop  }
0xab: {  	[hbm4b:s6+s2] =	stream.indirect_vreg.scatter [tilespmem:s12], [sflag:$0x2], $0x80, v4, vm0, $0xb8;
	[tilespmem:$0x10100] =	vst v63  }
0xac: {  	_ = 	snop  }
0xad: {  	[hbm4b:s3+s2] =	stream.indirect_vreg.scatter [tilespmem:s13], [sflag:$0x2], $0x80, v3, vm0, $0xb8;
	[tilespmem:$0x10100] =	vst v63  }
0xae: {  	_ = 	snop  }
0xaf: {  	[hbm4b:s4+s2] =	stream.indirect_vreg.scatter [tilespmem:s14], [sflag:$0x2], $0x80, v3, vm0, $0xb8;
	[tilespmem:$0x10100] =	vst v63  }
0xb0: {  	_ = 	snop  }
0xb1: {  	[hbm4b:s5+s2] =	stream.indirect_vreg.scatter [tilespmem:s15], [sflag:$0x2], $0x80, v3, vm0, $0xb8;
	[tilespmem:$0x10100] =	vst v63  }
0xb2: {  	_ = 	snop  }
0xb3: {  	[hbm4b:s6+s2] =	stream.indirect_vreg.scatter [tilespmem:s16], [sflag:$0x2], $0x80, v3, vm0, $0xb8;
	[tilespmem:$0x10100] =	vst v63  }
0xb4: {  	v3 =	vld [tilespmem:$0x100B0];
	_ =	sdelay $0x4  }
0xb5: {  	v63 =	vshll.u32 v3, $0x3  }
0xb6: {  	v3 =	vand.u32 $0x7, v3;
	v4 =	vand.u32 $0xFFFFFFC0, v63  }
0xb7: {  	v3 =	vor.u32 v3, v4  }
0xb8: {  	v4 =	vperm.xlane v3, v0;
	_ =	sdelay $0x1  }
0xb9: {  	v4 =	vadd.s32 v1, v4;
	_ =	sdelay $0x4  }
0xba: {  	[hbm4b:s3+s2] =	stream.indirect_vreg.scatter [tilespmem:s17], [sflag:$0x2], $0x80, v4, vm0, $0xb8;
	[tilespmem:$0x10100] =	vst v63  }
0xbb: {  	s19 =	simm.s32 $0xC800;
	v3 =	vperm.xlane v3, v2  }
0xbc: {  	[hbm4b:s4+s2] =	stream.indirect_vreg.scatter [tilespmem:s19], [sflag:$0x2], $0x80, v4, vm0, $0xb8;
	[tilespmem:$0x10100] =	vst v63  }
0xbd: {  	s18 =	simm.s32 $0xD000;
	v3 =	vadd.s32 v1, v3  }
0xbe: {  	[hbm4b:s5+s2] =	stream.indirect_vreg.scatter [tilespmem:s18], [sflag:$0x2], $0x80, v4, vm0, $0xb8;
	[tilespmem:$0x10100] =	vst v63  }
0xbf: {  	s19 =	simm.s32 $0xD800  }
0xc0: {  	[hbm4b:s6+s2] =	stream.indirect_vreg.scatter [tilespmem:s19], [sflag:$0x2], $0x80, v4, vm0, $0xb8;
	[tilespmem:$0x10100] =	vst v63  }
0xc1: {  	s18 =	simm.s32 $0xE000  }
0xc2: {  	[hbm4b:s3+s2] =	stream.indirect_vreg.scatter [tilespmem:s18], [sflag:$0x2], $0x80, v3, vm0, $0xb8;
	[tilespmem:$0x10100] =	vst v63  }
0xc3: {  	s19 =	simm.s32 $0xE800  }
0xc4: {  	[hbm4b:s4+s2] =	stream.indirect_vreg.scatter [tilespmem:s19], [sflag:$0x2], $0x80, v3, vm0, $0xb8;
	[tilespmem:$0x10100] =	vst v63  }
0xc5: {  	s18 =	simm.s32 $0xF000  }
0xc6: {  	[hbm4b:s5+s2] =	stream.indirect_vreg.scatter [tilespmem:s18], [sflag:$0x2], $0x80, v3, vm0, $0xb8;
	[tilespmem:$0x10100] =	vst v63  }
0xc7: {  	s19 =	simm.s32 $0xF800;
	s18 =	simm.s32 $0x1  }
0xc8: {  	[hbm4b:s6+s2] =	stream.indirect_vreg.scatter [tilespmem:s19], [sflag:$0x2], $0x80, v3, vm0, $0xb8;
	[tilespmem:$0x10100] =	vst v63  }
0xc9: {  	p0 =	sne.s32 s7, $0x1;
	_ =	swait.ge [sflag:s18], $0x10000  }
.Ltmp0:
0xca: {  	[sflag:s18] =	ssyncset.done $0x0;
	(pc) =	sbr.rel @p0 .LBB2_1-.Ltmp0, $4  }
0xcb: {  	s19 =	simm.s32 $0x2;
	[sflag:s18] =	ssyncadd.s32 $0xFFFF0000  }
0xcc: {  	_ =	swait.ge [sflag:s19], $0x10000  }
0xcd: {  	[sflag:s19] =	ssyncset.done $0x0  }
0xce: {  	s7 =	sadd.s32 $0xFFFFFFFF, s7;
	[sflag:s19] =	ssyncadd.s32 $0xFFFF0000  }
0xcf: {  	_ =	sfence.sel $0x180000  }
0xd0: {  	[bflag:$0x0] =	sbarrier.arrive $0xFFFF  }
0xd1: {  	_ =	strace $0x90000047  }
0xd2: {  	s0 =	stileid.u32;
	[bflag:$0x2] =	sbarrier.arrive $0xFFFF  }
0xd3: {  	p0 =	sne.s32 s0, $0x0;
	s0 =	rddreg [dreg:$0x2]  }
0xd4: {  	s0 =	sadd.s32 @!p0 $0x100000, s0  }
0xd5: {  	[sflag:s0] =	ssyncadd.tile.s32 @!p0 $0x1;
	_ =	shalt  }
.Lfunc_end2:
_tile_overlayer_lowered:
.L_overlay_start_2:
0xd6: {  	(tag) =	ssettag $0x2  }
0xd7: {  	s0 =	rddreg [dreg:$0x0];
	s2 =	stileid.u32  }
0xd8: {  	s1 =	rddreg [dreg:$0x1];
	p0 =	sne.s32 s2, $0x0  }
0xd9: {  	s3 =	rddreg [dreg:$0x2];
	[bflag:$0x3] =	sbarrier.arrive $0xFFFF;
	s2 =	simm.s32 @!p0 $0x1C03  }
0xda: {  	[timem:s3], [sflag:s2] =	dma.local @!p0 [hbm:s0], s1  }
0xdb: {  	s0 =	simm.s32 @!p0 $0x3  }
0xdc: {  	_ =	swait.ge @!p0 [sflag:s0], s1  }
0xdd: {  	s1 =	ssub.s32 @!p0 $0x0, s1;
	[sflag:s0] =	ssyncset.done @!p0 $0x0  }
0xde: {  	[sflag:s0] =	ssyncadd.s32 @!p0 s1  }
0xdf: {  	[bflag:$0x3] =	sbarrier.arrive $0xFFFF  }
0xe0: {  	_ =	shalt  }

// kernel: kernel.9.cloned.1.call-start
scs
__scs_entry_jumppad:
0x0: {  	(pc) =	sbr.rel $0x88, $3  }
0x1: {  	(tag) =	ssettag $0x0;
	lr =	simm.s32 $0x1  }
0x2: {  	[smem:$0x3F9A] =	sst lr;
	_ =	strace $0xD0000000  }
0x3: {  	_ = 	snop  }
0x4: {  	_ = 	snop  }
0x5: {  	_ = 	snop  }
0x6: {  	_ = 	snop  }
0x7: {  	_ = 	snop  }
__scs_overlays_trampoline_lowered:
0x8: {  	[smem:$0x3FA9] =	sst s0  }
0x9: {  	[smem:$0x3FAA] =	sst s1  }
0xa: {  	[smem:$0x3FAB] =	sst s2  }
0xb: {  	[smem:$0x3FAC] =	sst s3  }
0xc: {  	[smem:$0x3FAD] =	sst s4  }
0xd: {  	[smem:$0x3FAE] =	sst s5  }
0xe: {  	[smem:$0x3FAF] =	sst s6  }
0xf: {  	[smem:$0x3FB0] =	sst s7  }
0x10: {  	[smem:$0x3FB1] =	sst s8  }
0x11: {  	[smem:$0x3FB2] =	sst s9;
	s0 =	simm.s32 @!p0 $0x0  }
0x12: {  	s1 =	sld [smem:$0x3F98];
	s0 =	simm.s32 @p0 $0x1  }
0x13: {  	[smem:$0x3FB3] =	sst s0;
	s0 =	simm.s32 @!p1 $0x0  }
0x14: {  	s2 =	sld [smem:$0x3F97];
	s0 =	simm.s32 @p1 $0x1  }
0x15: {  	[smem:$0x3FB4] =	sst s0;
	s0 =	simm.s32 @!p2 $0x0  }
0x16: {  	s3 =	sld [smem:$0x3FDB];
	s0 =	simm.s32 @p2 $0x1  }
0x17: {  	s4 =	simm.s32 $0x1BF5;
	[smem:$0x3FB6] =	sst s0  }
0x18: {  	s0 =	sld [smem:$0x3F99];
	_ =	swait.ge [sflag:s4], $0x0  }
0x19: {  	s7 =	sld [smem:$0x3F9A]  }
0x1a: {  	s8 =	sadd.s32 $0xFFFFE003, lr  }
0x1b: {  	s9 =	sadd.s32 $0xFFFFFEF7, lr;
	s5 =	simm.s32 $0xFFFFFFFF;
	p2 =	slt.u32 s8, $0xFFFFF086  }
0x1c: {  	p1 =	slt.u32 s9, $0xF7A;
	s5 =	simm.s32 @!p2 $0x0  }
0x1d: {  	s5 =	simm.s32 @p1 $0x1;
	p0 =	seq.s32 s7, s2  }
0x1e: {  	s7 =	smul.u32 @!p0 $0xF7A, s2;
	p2 =	seq.s32 @!p0 s5, $0x0  }
0x1f: {  	s9 =	smul.u32 $0xF7A, s1;
	s8 =	simm.s32 @!p0 $0x1BF5;
	p2 =	por !p2, p0  }
0x20: {  	[sflag:s8] =	ssyncset.s32 @!p0 $0xFFFFF086;
	s6 =	sadd.s32 @!p0 s3, s7;
	s7 =	simm.s32 @!p0 $0x108  }
0x21: {  	s3 =	sadd.s32 s3, s9;
	s6 =	sadd.s32 @!p0 $0x88, s6;
	s7 =	simm.s32 @p2 $0x1082  }
0x22: {  	[simem:s7], [sflag:s8] =	dma.local @!p0 [hbm:s6], $0xF7A  }
0x23: {  	s9 =	sor.u32 $0xD0000000, s2;
	s6 =	simm.s32 $0x108;
	_ =	swait.ge @!p0 [sflag:s8], $0x0  }
0x24: {  	s3 =	sadd.s32 $0x88, s3;
	s6 =	simm.s32 @!p1 $0x1082;
	[sflag:s4] =	ssyncset.s32 $0xFFFFF086  }
0x25: {  	[simem:s6], [sflag:s4] =	dma.local [hbm:s3], $0xF7A  }
0x26: {  	[smem:$0x3F9A] =	sst s1;
	(tag) =	ssettag s2;
	_ =	strace s9  }
0x27: {  	s1 =	sld [smem:$0x3FAA]  }
0x28: {  	s2 =	sld [smem:$0x3FAB]  }
0x29: {  	s4 =	sld [smem:$0x3FAD]  }
0x2a: {  	p0 =	seq.s32 s5, $0x0;
	s5 =	sld [smem:$0x3FAE]  }
0x2b: {  	s6 =	sld [smem:$0x3FAF]  }
0x2c: {  	s7 =	sld [smem:$0x3FB0]  }
0x2d: {  	s3 =	simm.s32 $0x108;
	s8 =	sld [smem:$0x3FB1]  }
0x2e: {  	s3 =	simm.s32 @!p0 $0x1082;
	s9 =	sld [smem:$0x3FB2]  }
0x2f: {  	lr =	sadd.s32 s0, s3;
	s0 =	sld [smem:$0x3FA9]  }
0x30: {  	s3 =	sld [smem:$0x3FAC]  }
0x31: {  	[smem:$0x3FB5] =	sst s10  }
0x32: {  	s10 =	sld [smem:$0x3FB3];
	_ =	sdelay $0x3  }
0x33: {  	p0 =	seq.s32 s10, $0x1;
	s10 =	sld [smem:$0x3FB5];
	_ =	sdelay $0x3  }
0x34: {  	[smem:$0x3FB5] =	sst s10  }
0x35: {  	s10 =	sld [smem:$0x3FB4];
	_ =	sdelay $0x3  }
0x36: {  	p1 =	seq.s32 s10, $0x1;
	s10 =	sld [smem:$0x3FB5];
	_ =	sdelay $0x3  }
0x37: {  	[smem:$0x3FB5] =	sst s10  }
0x38: {  	s10 =	sld [smem:$0x3FB6]  }
0x39: {  	_ = 	snop;
	(pc) =	sbr.ind lr, $3  }
0x3a: {  	_ = 	snop  }
0x3b: {  	_ = 	snop  }
0x3c: {  	p2 =	seq.s32 s10, $0x1;
	s10 =	sld [smem:$0x3FB5]  }
0x3d: {  	_ =	shalt  }
0x3e: {  	_ =	shalt  }
0x3f: {  	_ =	shalt  }
0x40: {  	_ =	shalt  }
0x41: {  	_ =	shalt  }
0x42: {  	_ =	shalt  }
0x43: {  	_ =	shalt  }
0x44: {  	_ =	shalt  }
0x45: {  	_ =	shalt  }
0x46: {  	_ =	shalt  }
0x47: {  	_ =	shalt  }
0x48: {  	_ =	shalt  }
0x49: {  	_ =	shalt  }
0x4a: {  	_ =	shalt  }
0x4b: {  	_ =	shalt  }
0x4c: {  	_ =	shalt  }
0x4d: {  	_ =	shalt  }
0x4e: {  	_ =	shalt  }
0x4f: {  	_ =	shalt  }
0x50: {  	_ =	shalt  }
0x51: {  	_ =	shalt  }
0x52: {  	_ =	shalt  }
0x53: {  	_ =	shalt  }
0x54: {  	_ =	shalt  }
0x55: {  	_ =	shalt  }
0x56: {  	_ =	shalt  }
0x57: {  	_ =	shalt  }
0x58: {  	_ =	shalt  }
0x59: {  	_ =	shalt  }
0x5a: {  	_ =	shalt  }
0x5b: {  	_ =	shalt  }
0x5c: {  	_ =	shalt  }
0x5d: {  	_ =	shalt  }
0x5e: {  	_ =	shalt  }
0x5f: {  	_ =	shalt  }
0x60: {  	_ =	shalt  }
0x61: {  	_ =	shalt  }
0x62: {  	_ =	shalt  }
0x63: {  	_ =	shalt  }
0x64: {  	_ =	shalt  }
0x65: {  	_ =	shalt  }
0x66: {  	_ =	shalt  }
0x67: {  	_ =	shalt  }
0x68: {  	_ =	shalt  }
0x69: {  	_ =	shalt  }
0x6a: {  	_ =	shalt  }
0x6b: {  	_ =	shalt  }
0x6c: {  	_ =	shalt  }
0x6d: {  	_ =	shalt  }
0x6e: {  	_ =	shalt  }
0x6f: {  	_ =	shalt  }
0x70: {  	_ =	shalt  }
0x71: {  	_ =	shalt  }
0x72: {  	_ =	shalt  }
0x73: {  	_ =	shalt  }
0x74: {  	_ =	shalt  }
0x75: {  	_ =	shalt  }
0x76: {  	_ =	shalt  }
0x77: {  	_ =	shalt  }
0x78: {  	_ =	shalt  }
0x79: {  	_ =	shalt  }
0x7a: {  	_ =	shalt  }
0x7b: {  	_ =	shalt  }
0x7c: {  	_ =	shalt  }
0x7d: {  	_ =	shalt  }
0x7e: {  	_ =	shalt  }
0x7f: {  	_ =	shalt  }
0x80: {  	_ =	shalt  }
0x81: {  	_ =	shalt  }
0x82: {  	_ =	shalt  }
0x83: {  	_ =	shalt  }
0x84: {  	_ =	shalt  }
0x85: {  	_ =	shalt  }
0x86: {  	_ =	shalt  }
0x87: {  	_ =	shalt  }
.Lfunc_end0:
.L_simem_size_0:
called_computation.1_lowered:
.L_overlay_start_0:
0x88: {  	s2 =	sld [smem:$0x3FD9]  }
0x89: {  	s3 =	sld [smem:$0x3FFE];
	_ =	sdelay $0x1  }
0x8a: {  	s1 =	srdreg.scid  }
0x8b: {  	s0 =	sand.u32 $0x1, s1  }
0x8c: {  	s17 =	sshll.u32 s0, $0xA;
	s2 =	sadd.s32 s3, s2  }
0x8d: {  	s2 =	sadd.s32 s2, s17  }
0x8e: {  	[smem:$0x3FC1] =	sst s2  }
0x8f: {  	_ = 	snop  }
0x90: {  	s2 =	sld [smem:$0x3FD0];
	(tm) =	ssettm $0x1  }
0x91: {  	s18 =	sld [smem:$0x3FFB];
	_ =	sdelay $0x3  }
0x92: {  	_ =	strace s18  }
0x93: {  	s3 =	sld [smem:$0x3FFC];
	_ =	sdelay $0x3  }
0x94: {  	_ =	strace s3  }
0x95: {  	s3 =	sld [smem:$0x3FFD];
	_ =	sdelay $0x3  }
0x96: {  	_ =	strace s3  }
0x97: {  	_ =	strace $0x8FFFFFFF  }
0x98: {  	s19 =	sld [smem:$0x3FDB];
	_ =	sdelay $0x1  }
0x99: {  	s4 =	simm.s32 $_scs_section_size  }
0x9a: {  	s5 =	simm.s32 $_size__tile_overlayer_lowered;
	s6 =	simm.s32 $_tile_overlayer_lowered  }
0x9b: {  	s22 =	simm.s32 $0x1BFF;
	s21 =	sshll.u32 s6, $0x1;
	s3 =	sadd.s32 s4, s19  }
0x9c: {  	s7 =	simm.s32 $0x0;
	s20 =	sshll.u32 s5, $0x1;
	s5 =	sadd.s32 s21, s3  }
0x9d: {  	[timem:s7], [sflag:s22] =	dma.local [hbm:s5], s20  }
0x9e: {  	_ =	swait.ge [sflag:s22], s20  }
0x9f: {  	s4 =	ssub.s32 $0x0, s20;
	[sflag:s22] =	ssyncset.done $0x0  }
0xa0: {  	[sflag:s22] =	ssyncadd.s32 s4;
	_ =	sdelay $0x1  }
0xa1: {  	s23 =	simm.s32 $0x1B8B  }
0xa2: {  	_ =	swait.ge [sflag:s23], $0x1  }
0xa3: {  	[sflag:s23] =	ssyncset.done $0x0  }
0xa4: {  	s25 =	simm.s32 $0x1B8E;
	s24 =	sld [smem:$0x3FFE];
	[sflag:s23] =	ssyncadd.s32 $0xFFFFFFFF  }
0xa5: {  	s26 =	simm.s32 $execute0_lowered;
	[smem:$0x3FD2] =	sst s25  }
0xa6: {  	s5 =	sshll.u32 s26, $0x1;
	_ =	strace $0x80000049;
	[dreg:$0x1] =	wrdreg $0xFFFFFFFF  }
0xa7: {  	s28 =	simm.s32 $_size_execute0_lowered;
	s3 =	sadd.s32 s3, s5;
	[dreg:$0x0] =	wrdreg $0x0  }
0xa8: {  	s5 =	sshll.u32 s28, $0x1;
	[dreg:$0x2] =	wrdreg s3  }
0xa9: {  	[dreg:$0x3] =	wrdreg s5  }
0xaa: {  	[dreg:$0x4] =	wrdreg $0xC0  }
0xab: {  	_ =	task [dreg:s7], $0x5FFFF  }
0xac: {  	[dreg:$0x1] =	wrdreg $0xFFFFFFFF  }
0xad: {  	[dreg:$0x0] =	wrdreg $0x60  }
0xae: {  	[dreg:$0x2] =	wrdreg s24  }
0xaf: {  	[dreg:$0x3] =	wrdreg s2  }
0xb0: {  	[dreg:$0x4] =	wrdreg $0x9  }
0xb1: {  	_ =	task.clear_ibuf [dreg:s7], $0x5FFFF;
	_ =	strace $0x90000049  }
0xb2: {  	s29 =	simm.s32 $0x9;
	_ =	strace $0x8000004B  }
0xb3: {  	_ =	swait.ge [sflag:s29], $0x1  }
0xb4: {  	[sflag:s29] =	ssyncadd.s32 $0xFFFFFFFF  }
0xb5: {  	_ =	strace $0x9000004B  }
0xb6: {  	_ =	sfence  }
0xb7: {  	s30 =	sld [smem:$0x0];
	_ =	sdelay $0x2  }
0xb8: {  	s31 =	sshll.u32 s1, $0xD;
	s1 =	sshrl.u32 s1, $0x2  }
0xb9: {  	s3 =	sand.u32 $0x4000, s31;
	s1 =	sadd.s32 s1, s30  }
0xba: {  	s0 =	sor.u32 s3, s0;
	s1 =	sshll.u32 s1, $0x11  }
0xbb: {  	s0 =	sor.u32 s1, s0  }
0xbc: {  	s0 =	sadd.s32 $0x8F2B, s0  }
0xbd: {  	[sflag:s0] =	ssyncadd.remote.s32 $0x1  }
0xbe: {  	_ =	sfence.sel $0xFFFF  }
0xbf: {  	[dreg:$0x0] =	wrdreg $0xFFFFFFFF;
	(pc) =	sbr.abs _section_cstart, $3  }
0xc0: {  	[dreg:$0x1] =	wrdreg $0xFFFFFFFF  }
0xc1: {  	_ =	task.clear_ibuf [dreg:s7], $0x2FFFF;
	_ =	strace $0x9FFFFFFF  }
0xc2: {  	(tm) =	ssettm $0x7FFFFFFF  }
0xc3: {  	_ =	shalt  }
tec
execute0_lowered:
.L_overlay_start_1:
0x0: {  	(tag) =	ssettag $0x1  }
0x1: {  	s0 =	rddreg [dreg:$0x0]  }
0x2: {  	s1 =	rddreg [dreg:$0x1];
	s2 =	simm.s32 $0x0;
	s3 =	srdreg.scid  }
0x3: {  	s5 =	stileid.u32;
	s16 =	simm.s32 $0x3;
	s28 =	simm.s32 $0xE000  }
0x4: {  	s29 =	simm.s32 $0xE800;
	s30 =	simm.s32 $0xF800;
	s13 =	simm.s32 $0x1  }
0x5: {  	s31 =	simm.s32 $0x2;
	s14 =	simm.s32 $0x0;
	[smem:$0x7FF] =	sst s2  }
0x6: {  	s4 =	sand.u32 $0x1, s3;
	s5 =	sshll.u32 s5, $0x1;
	s3 =	sadd.s32 $0x210400, s0  }
0x7: {  	s6 =	sadd.s32 $0x10200, s0;
	s7 =	sadd.s32 $0x10000, s0;
	s10 =	sadd.s32 $0x210700, s0  }
0x8: {  	_ =	strace $0x8000004A;
	s5 =	sor.u32 s4, s5;
	s8 =	ssub.s32 $0x2, s4  }
0x9: {  	s17 =	sshll.u32 s5, $0xA;
	s9 =	sshrl.u32 s8, $0x1;
	s11 =	sshll.u32 s5, $0x4  }
0xa: {  	s21 =	sshll.u32 s5, $0xD;
	s4 =	sadd.s32 s0, s17;
	s12 =	ssub.s32 s8, s9  }
0xb: {  	s19 =	sadd.s32 s6, s11;
	s20 =	sadd.s32 s7, s11;
	s8 =	sadd.s32 $0x210500, s0  }
0xc: {  	s9 =	sadd.s32 $0x210600, s0;
	s22 =	sor.u32 $0x4, s11;
	[dreg:$0x4] =	wrdreg s19  }
0xd: {  	s11 =	sadd.s32 s1, s21;
	s18 =	sadd.s32 $0x8000, s4;
	[dreg:$0x5] =	wrdreg s20  }
0xe: {  	s21 =	simm.s32 $0xA800;
	s23 =	sadd.s32 s6, s22;
	[dreg:$0x3] =	wrdreg s18  }
0xf: {  	v2 =	vlaneseq.u32;
	s24 =	sadd.s32 s7, s22;
	s25 =	sadd.s32 $0x1000, s11;
	[dreg:$0x6] =	wrdreg s23  }
0x10: {  	v0 =	vand.u32 $0x7, v2;
	v1 =	vshrl.u32 v2, $0x3;
	s26 =	smax.u32 s12, $0x1;
	s6 =	simm.s32 $0xA000;
	[dreg:$0x7] =	wrdreg s24  }
0x11: {  	v63 =	vor.u32 $0x8, v2;
	[tilespmem:$0x1FFD0] =	vst v0;
	v62 =	vmul.u32 $0x8, v1;
	s7 =	simm.s32 $0xB000;
	s22 =	simm.s32 $0xB800;
	[dreg:$0x8] =	wrdreg s25  }
0x12: {  	[tilespmem:$0x1FFF0] =	vst v63;
	s12 =	simm.s32 $0xF000;
	[dreg:$0x9] =	wrdreg s26;
	s23 =	simm.s32 $0xC000  }
0x13: {  	vm0 =	vmmov $0xffff;
	[tilespmem:$0x1FFE0] =	vst v62;
	s24 =	simm.s32 $0xC800;
	s25 =	simm.s32 $0xD000;
	s26 =	simm.s32 $0xD800  }
.LBB2_1:
0x14: {  	s0 =	simm.s32 $0x10100  }
0x15: {  	[tilespmem:s0], [sflag:$0x3] =	stream.linear.gather [hbm4b:s4+s2], $0x2000, $0x38;
	[tilespmem:$0x14100] =	vst v63  }
0x16: {  	_ =	swait.ge [sflag:s16], $0x2000  }
0x17: {  	[sflag:s16] =	ssyncset.done $0x0  }
0x18: {  	s15 =	simm.s32 $0x12100;
	s1 =	rddreg [dreg:$0x3];
	[sflag:s16] =	ssyncadd.s32 $0xFFFFE000  }
0x19: {  	[tilespmem:s15], [sflag:$0x3] =	stream.linear.gather [hbm4b:s1+s2], $0x2000, $0x38;
	[tilespmem:$0x14100] =	vst v63  }
0x1a: {  	_ =	swait.ge [sflag:s16], $0x2000  }
0x1b: {  	[sflag:s16] =	ssyncset.done $0x0  }
0x1c: {  	s5 =	simm.s32 $0x10000;
	s18 =	rddreg [dreg:$0x4];
	[sflag:s16] =	ssyncadd.s32 $0xFFFFE000  }
0x1d: {  	[tilespmem:s5], [sflag:$0x3] =	stream.linear.gather [hbm4b:s18+s2], $0x20, $0x38;
	[tilespmem:$0x14100] =	vst v63  }
0x1e: {  	_ =	swait.ge [sflag:s16], $0x20  }
0x1f: {  	[sflag:s16] =	ssyncset.done $0x0  }
0x20: {  	s20 =	simm.s32 $0x10080;
	s19 =	rddreg [dreg:$0x5];
	[sflag:s16] =	ssyncadd.s32 $0xFFFFFFE0  }
0x21: {  	[tilespmem:s20], [sflag:$0x3] =	stream.linear.gather [hbm4b:s19+s2], $0x20, $0x38;
	[tilespmem:$0x14100] =	vst v63  }
0x22: {  	_ =	swait.ge [sflag:s16], $0x20  }
0x23: {  	[sflag:s16] =	ssyncset.done $0x0  }
0x24: {  	[sflag:s16] =	ssyncadd.s32 $0xFFFFFFE0  }
0x25: {  	v3 =	vld [tilespmem:$0x10000];
	_ =	sdelay $0x2  }
0x26: {  	v0 =	vld [tilespmem:$0x1FFD0];
	_ =	sdelay $0x1  }
0x27: {  	v1 =	vld [tilespmem:$0x1FFE0];
	v4 =	vshll.u32 v3, $0x3  }
0x28: {  	v3 =	vand.u32 $0x7, v3;
	v4 =	vand.u32 $0xFFFFFFC0, v4  }
0x29: {  	v3 =	vor.u32 v3, v4  }
0x2a: {  	v4 =	vperm.xlane v3, v0;
	_ =	sdelay $0x1  }
0x2b: {  	v4 =	vadd.s32 v1, v4  }
0x2c: {  	v2 =	vld [tilespmem:$0x1FFF0];
	_ =	sdelay $0x3  }
0x2d: {  	[tilespmem:s2], [sflag:$0x1] =	stream.indirect_vreg.gather [hbm4b:s3+s2], $0x80, v4, vm0, $0xb8;
	[tilespmem:$0x14100] =	vst v63  }
0x2e: {  	s17 =	simm.s32 $0x800;
	v3 =	vperm.xlane v3, v2  }
0x2f: {  	[tilespmem:s17], [sflag:$0x1] =	stream.indirect_vreg.gather [hbm4b:s8+s2], $0x80, v4, vm0, $0xb8;
	[tilespmem:$0x14100] =	vst v63  }
0x30: {  	s18 =	simm.s32 $0x1000;
	v3 =	vadd.s32 v1, v3  }
0x31: {  	[tilespmem:s18], [sflag:$0x1] =	stream.indirect_vreg.gather [hbm4b:s9+s2], $0x80, v4, vm0, $0xb8;
	[tilespmem:$0x14100] =	vst v63  }
0x32: {  	s19 =	simm.s32 $0x1800  }
0x33: {  	[tilespmem:s19], [sflag:$0x1] =	stream.indirect_vreg.gather [hbm4b:s10+s2], $0x80, v4, vm0, $0xb8;
	[tilespmem:$0x14100] =	vst v63  }
0x34: {  	s20 =	simm.s32 $0x2000  }
0x35: {  	[tilespmem:s20], [sflag:$0x1] =	stream.indirect_vreg.gather [hbm4b:s3+s2], $0x80, v3, vm0, $0xb8;
	[tilespmem:$0x14100] =	vst v63  }
0x36: {  	s5 =	simm.s32 $0x2800  }
0x37: {  	[tilespmem:s5], [sflag:$0x1] =	stream.indirect_vreg.gather [hbm4b:s8+s2], $0x80, v3, vm0, $0xb8;
	[tilespmem:$0x14100] =	vst v63  }
0x38: {  	s17 =	simm.s32 $0x3000  }
0x39: {  	[tilespmem:s17], [sflag:$0x1] =	stream.indirect_vreg.gather [hbm4b:s9+s2], $0x80, v3, vm0, $0xb8;
	[tilespmem:$0x14100] =	vst v63  }
0x3a: {  	s18 =	simm.s32 $0x3800  }
0x3b: {  	[tilespmem:s18], [sflag:$0x1] =	stream.indirect_vreg.gather [hbm4b:s10+s2], $0x80, v3, vm0, $0xb8;
	[tilespmem:$0x14100] =	vst v63  }
0x3c: {  	v3 =	vld [tilespmem:$0x10010];
	_ =	sdelay $0x4  }
0x3d: {  	v61 =	vshll.u32 v3, $0x3  }
0x3e: {  	v3 =	vand.u32 $0x7, v3;
	v4 =	vand.u32 $0xFFFFFFC0, v61  }
0x3f: {  	v3 =	vor.u32 v3, v4  }
0x40: {  	v4 =	vperm.xlane v3, v0;
	_ =	sdelay $0x1  }
0x41: {  	v4 =	vadd.s32 v1, v4;
	_ =	sdelay $0x3  }
0x42: {  	s19 =	simm.s32 $0x4000  }
0x43: {  	[tilespmem:s19], [sflag:$0x1] =	stream.indirect_vreg.gather [hbm4b:s3+s2], $0x80, v4, vm0, $0xb8;
	[tilespmem:$0x14100] =	vst v63  }
0x44: {  	s20 =	simm.s32 $0x4800;
	v3 =	vperm.xlane v3, v2  }
0x45: {  	[tilespmem:s20], [sflag:$0x1] =	stream.indirect_vreg.gather [hbm4b:s8+s2], $0x80, v4, vm0, $0xb8;
	[tilespmem:$0x14100] =	vst v63  }
0x46: {  	s5 =	simm.s32 $0x5000;
	v3 =	vadd.s32 v1, v3  }
0x47: {  	[tilespmem:s5], [sflag:$0x1] =	stream.indirect_vreg.gather [hbm4b:s9+s2], $0x80, v4, vm0, $0xb8;
	[tilespmem:$0x14100] =	vst v63  }
0x48: {  	s17 =	simm.s32 $0x5800  }
0x49: {  	[tilespmem:s17], [sflag:$0x1] =	stream.indirect_vreg.gather [hbm4b:s10+s2], $0x80, v4, vm0, $0xb8;
	[tilespmem:$0x14100] =	vst v63  }
0x4a: {  	s18 =	simm.s32 $0x6000  }
0x4b: {  	[tilespmem:s18], [sflag:$0x1] =	stream.indirect_vreg.gather [hbm4b:s3+s2], $0x80, v3, vm0, $0xb8;
	[tilespmem:$0x14100] =	vst v63  }
0x4c: {  	s19 =	simm.s32 $0x6800  }
0x4d: {  	[tilespmem:s19], [sflag:$0x1] =	stream.indirect_vreg.gather [hbm4b:s8+s2], $0x80, v3, vm0, $0xb8;
	[tilespmem:$0x14100] =	vst v63  }
0x4e: {  	s20 =	simm.s32 $0x7000  }
0x4f: {  	[tilespmem:s20], [sflag:$0x1] =	stream.indirect_vreg.gather [hbm4b:s9+s2], $0x80, v3, vm0, $0xb8;
	[tilespmem:$0x14100] =	vst v63  }
0x50: {  	s5 =	simm.s32 $0x7800  }
0x51: {  	[tilespmem:s5], [sflag:$0x1] =	stream.indirect_vreg.gather [hbm4b:s10+s2], $0x80, v3, vm0, $0xb8;
	[tilespmem:$0x14100] =	vst v63  }
0x52: {  	v3 =	vld [tilespmem:$0x10080];
	_ =	sdelay $0x4  }
0x53: {  	v62 =	vshll.u32 v3, $0x3  }
0x54: {  	v3 =	vand.u32 $0x7, v3;
	v4 =	vand.u32 $0xFFFFFFC0, v62  }
0x55: {  	v3 =	vor.u32 v3, v4  }
0x56: {  	v4 =	vperm.xlane v3, v0;
	_ =	sdelay $0x1  }
0x57: {  	v4 =	vadd.s32 v1, v4;
	_ =	sdelay $0x3  }
0x58: {  	s17 =	simm.s32 $0x8000  }
0x59: {  	[tilespmem:s17], [sflag:$0x2] =	stream.indirect_vreg.gather [hbm4b:s3+s2], $0x80, v4, vm0, $0xb8;
	[tilespmem:$0x14100] =	vst v63  }
0x5a: {  	s18 =	simm.s32 $0x8800;
	v3 =	vperm.xlane v3, v2  }
0x5b: {  	[tilespmem:s18], [sflag:$0x2] =	stream.indirect_vreg.gather [hbm4b:s8+s2], $0x80, v4, vm0, $0xb8;
	[tilespmem:$0x14100] =	vst v63  }
0x5c: {  	s19 =	simm.s32 $0x9000;
	v3 =	vadd.s32 v1, v3  }
0x5d: {  	[tilespmem:s19], [sflag:$0x2] =	stream.indirect_vreg.gather [hbm4b:s9+s2], $0x80, v4, vm0, $0xb8;
	[tilespmem:$0x14100] =	vst v63  }
0x5e: {  	s20 =	simm.s32 $0x9800  }
0x5f: {  	[tilespmem:s20], [sflag:$0x2] =	stream.indirect_vreg.gather [hbm4b:s10+s2], $0x80, v4, vm0, $0xb8;
	[tilespmem:$0x14100] =	vst v63  }
0x60: {  	_ = 	snop  }
0x61: {  	[tilespmem:s6], [sflag:$0x2] =	stream.indirect_vreg.gather [hbm4b:s3+s2], $0x80, v3, vm0, $0xb8;
	[tilespmem:$0x14100] =	vst v63  }
0x62: {  	_ = 	snop  }
0x63: {  	[tilespmem:s21], [sflag:$0x2] =	stream.indirect_vreg.gather [hbm4b:s8+s2], $0x80, v3, vm0, $0xb8;
	[tilespmem:$0x14100] =	vst v63  }
0x64: {  	_ = 	snop  }
0x65: {  	[tilespmem:s7], [sflag:$0x2] =	stream.indirect_vreg.gather [hbm4b:s9+s2], $0x80, v3, vm0, $0xb8;
	[tilespmem:$0x14100] =	vst v63  }
0x66: {  	_ = 	snop  }
0x67: {  	[tilespmem:s22], [sflag:$0x2] =	stream.indirect_vreg.gather [hbm4b:s10+s2], $0x80, v3, vm0, $0xb8;
	[tilespmem:$0x14100] =	vst v63  }
0x68: {  	v3 =	vld [tilespmem:$0x10090];
	_ =	sdelay $0x4  }
0x69: {  	v63 =	vshll.u32 v3, $0x3  }
0x6a: {  	v3 =	vand.u32 $0x7, v3;
	v4 =	vand.u32 $0xFFFFFFC0, v63  }
0x6b: {  	v3 =	vor.u32 v3, v4  }
0x6c: {  	v4 =	vperm.xlane v3, v0;
	_ =	sdelay $0x1  }
0x6d: {  	v4 =	vadd.s32 v1, v4;
	_ =	sdelay $0x4  }
0x6e: {  	[tilespmem:s23], [sflag:$0x2] =	stream.indirect_vreg.gather [hbm4b:s3+s2], $0x80, v4, vm0, $0xb8;
	[tilespmem:$0x14100] =	vst v63  }
0x6f: {  	v3 =	vperm.xlane v3, v2  }
0x70: {  	[tilespmem:s24], [sflag:$0x2] =	stream.indirect_vreg.gather [hbm4b:s8+s2], $0x80, v4, vm0, $0xb8;
	[tilespmem:$0x14100] =	vst v63  }
0x71: {  	v3 =	vadd.s32 v1, v3  }
0x72: {  	[tilespmem:s25], [sflag:$0x2] =	stream.indirect_vreg.gather [hbm4b:s9+s2], $0x80, v4, vm0, $0xb8;
	[tilespmem:$0x14100] =	vst v63  }
0x73: {  	_ = 	snop  }
0x74: {  	[tilespmem:s26], [sflag:$0x2] =	stream.indirect_vreg.gather [hbm4b:s10+s2], $0x80, v4, vm0, $0xb8;
	[tilespmem:$0x14100] =	vst v63  }
0x75: {  	_ = 	snop  }
0x76: {  	[tilespmem:s28], [sflag:$0x2] =	stream.indirect_vreg.gather [hbm4b:s3+s2], $0x80, v3, vm0, $0xb8;
	[tilespmem:$0x14100] =	vst v63  }
0x77: {  	_ = 	snop  }
0x78: {  	[tilespmem:s29], [sflag:$0x2] =	stream.indirect_vreg.gather [hbm4b:s8+s2], $0x80, v3, vm0, $0xb8;
	[tilespmem:$0x14100] =	vst v63  }
0x79: {  	_ = 	snop  }
0x7a: {  	[tilespmem:s12], [sflag:$0x2] =	stream.indirect_vreg.gather [hbm4b:s9+s2], $0x80, v3, vm0, $0xb8;
	[tilespmem:$0x14100] =	vst v63  }
0x7b: {  	_ = 	snop  }
0x7c: {  	[tilespmem:s30], [sflag:$0x2] =	stream.indirect_vreg.gather [hbm4b:s10+s2], $0x80, v3, vm0, $0xb8;
	[tilespmem:$0x14100] =	vst v63  }
0x7d: {  	_ =	swait.ge [sflag:s13], $0x8000  }
0x7e: {  	[sflag:s13] =	ssyncset.done $0x0  }
0x7f: {  	[sflag:s13] =	ssyncadd.s32 $0xFFFF8000  }
0x80: {  	_ =	swait.ge [sflag:s31], $0x8000  }
0x81: {  	s1 =	simm.s32 $0x0;
	[sflag:s31] =	ssyncset.done $0x0  }
0x82: {  	s17 =	simm.s32 $0x0;
	s18 =	simm.s32 $0x0;
	[sflag:s31] =	ssyncadd.s32 $0xFFFF8000  }
.LBB2_2:
0x83: {  	v3 =	vld [tilespmem:s0+$0x0];
	s19 =	sand.u32 $0x6000, s17;
	s5 =	sand.u32 $0x380, s18  }
0x84: {  	v4 =	vld [tilespmem:s15+$0x0];
	s19 =	sor.u32 s5, s19  }
0x85: {  	v6 =	vld [tilespmem:s19+$0x0]  }
0x86: {  	v7 =	vld [tilespmem:s19+$0x8000]  }
0x87: {  	v10 =	vld [tilespmem:s19+$0x10]  }
0x88: {  	v11 =	vld [tilespmem:s19+$0x8010]  }
0x89: {  	v14 =	vld [tilespmem:s19+$0x20]  }
0x8a: {  	v17 =	vld [tilespmem:s19+$0x8020]  }
0x8b: {  	v20 =	vld [tilespmem:s19+$0x30]  }
0x8c: {  	v21 =	vld [tilespmem:s19+$0x8030]  }
0x8d: {  	v26 =	vld [tilespmem:s19+$0x40]  }
0x8e: {  	v27 =	vld [tilespmem:s19+$0x8040]  }
0x8f: {  	v28 =	vld [tilespmem:s19+$0x50]  }
0x90: {  	v29 =	vld [tilespmem:s19+$0x8050]  }
0x91: {  	v30 =	vld [tilespmem:s19+$0x60]  }
0x92: {  	v31 =	vld [tilespmem:s19+$0x8060]  }
0x93: {  	v32 =	vld [tilespmem:s19+$0x70]  }
0x94: {  	v33 =	vld [tilespmem:s19+$0x8070]  }
0x95: {  	v34 =	vld [tilespmem:s19+$0x400]  }
0x96: {  	v35 =	vld [tilespmem:s19+$0x8400]  }
0x97: {  	v36 =	vld [tilespmem:s19+$0x410]  }
0x98: {  	v37 =	vld [tilespmem:s19+$0x8410]  }
0x99: {  	v38 =	vld [tilespmem:s19+$0x420]  }
0x9a: {  	v39 =	vld [tilespmem:s19+$0x8420]  }
0x9b: {  	v40 =	vld [tilespmem:s19+$0x430]  }
0x9c: {  	v41 =	vld [tilespmem:s19+$0x8430]  }
0x9d: {  	v42 =	vld [tilespmem:s19+$0x440]  }
0x9e: {  	v43 =	vld [tilespmem:s19+$0x8440]  }
0x9f: {  	v44 =	vld [tilespmem:s19+$0x450]  }
0xa0: {  	v45 =	vld [tilespmem:s19+$0x8450]  }
0xa1: {  	v46 =	vld [tilespmem:s19+$0x460]  }
0xa2: {  	v47 =	vld [tilespmem:s19+$0x8460]  }
0xa3: {  	v48 =	vld [tilespmem:s19+$0x470]  }
0xa4: {  	v49 =	vld [tilespmem:s19+$0x8470]  }
0xa5: {  	v50 =	vld [tilespmem:s19+$0x800]  }
0xa6: {  	v51 =	vld [tilespmem:s19+$0x8800]  }
0xa7: {  	v52 =	vld [tilespmem:s19+$0x810]  }
0xa8: {  	v53 =	vld [tilespmem:s19+$0x8810]  }
0xa9: {  	v54 =	vld [tilespmem:s19+$0x820]  }
0xaa: {  	v55 =	vld [tilespmem:s19+$0x8820]  }
0xab: {  	v56 =	vld [tilespmem:s19+$0x830]  }
0xac: {  	v57 =	vld [tilespmem:s19+$0x8830]  }
0xad: {  	v58 =	vld [tilespmem:s19+$0x840]  }
0xae: {  	v59 =	vld [tilespmem:s19+$0x8840]  }
0xaf: {  	v60 =	vld [tilespmem:s19+$0x850]  }
0xb0: {  	v61 =	vld [tilespmem:s19+$0x8850]  }
0xb1: {  	v62 =	vld [tilespmem:s19+$0x860]  }
0xb2: {  	v63 =	vld [tilespmem:s19+$0x8860]  }
0xb3: {  	v5 =	vld [tilespmem:s19+$0x870]  }
0xb4: {  	v2 =	vld [tilespmem:s19+$0x8870]  }
0xb5: {  	v24 =	vld [tilespmem:s19+$0xC00]  }
0xb6: {  	v25 =	vld [tilespmem:s19+$0x8C00]  }
0xb7: {  	v22 =	vld [tilespmem:s19+$0xC10]  }
0xb8: {  	v23 =	vld [tilespmem:s19+$0x8C10]  }
0xb9: {  	v18 =	vld [tilespmem:s19+$0xC20]  }
0xba: {  	v0 =	vld [tilespmem:s19+$0xC60]  }
0xbb: {  	v19 =	vld [tilespmem:s19+$0x8C20]  }
0xbc: {  	v15 =	vld [tilespmem:s19+$0xC30]  }
0xbd: {  	v16 =	vld [tilespmem:s19+$0x8C30]  }
0xbe: {  	v12 =	vld [tilespmem:s19+$0xC40];
	v1 =	vmul.f32 v6, v3  }
0xbf: {  	v13 =	vld [tilespmem:s19+$0x8C40];
	[tilespmem:$0x1FFC0] =	vst v0;
	v0 =	vmul.f32 v7, v4;
	v10 =	vmul.f32 v10, v3  }
0xc0: {  	v8 =	vld [tilespmem:s19+$0xC50];
	v11 =	vmul.f32 v11, v4;
	v14 =	vmul.f32 v14, v3  }
0xc1: {  	v9 =	vld [tilespmem:s19+$0x8C50];
	v17 =	vmul.f32 v17, v4;
	v20 =	vmul.f32 v20, v3  }
0xc2: {  	v7 =	vld [tilespmem:s19+$0x8C60];
	v21 =	vmul.f32 v21, v4;
	v26 =	vmul.f32 v26, v3  }
0xc3: {  	v6 =	vld [tilespmem:s19+$0xC70];
	v27 =	vmul.f32 v27, v4;
	v34 =	vmul.f32 v34, v3  }
0xc4: {  	v35 =	vmul.f32 v35, v4;
	v38 =	vmul.f32 v38, v3;
	v1 =	vadd.f32 v0, v1;
	v0 =	vld [tilespmem:s19+$0x8C70]  }
0xc5: {  	v39 =	vmul.f32 v39, v4;
	v40 =	vmul.f32 v40, v3;
	v10 =	vadd.f32 v11, v10;
	v11 =	vld [tilespmem:s19+$0x1000]  }
0xc6: {  	v5 =	vmul.f32 v5, v3;
	v2 =	vmul.f32 v2, v4;
	[tilespmem:s19+$0x0] =	vst v1;
	v1 =	vadd.f32 v17, v14;
	v14 =	vld [tilespmem:s19+$0x9000]  }
0xc7: {  	[tilespmem:s19+$0x10] =	vst v10;
	v10 =	vadd.f32 v21, v20;
	v21 =	vmul.f32 v28, v3;
	v28 =	vmul.f32 v29, v4;
	v17 =	vld [tilespmem:s19+$0x1010]  }
0xc8: {  	v52 =	vmul.f32 v52, v3;
	v2 =	vadd.f32 v2, v5;
	v20 =	vld [tilespmem:s19+$0x9010];
	v29 =	vmul.f32 v33, v4;
	[tilespmem:s19+$0x20] =	vst v1  }
0xc9: {  	v1 =	vadd.f32 v27, v26;
	v26 =	vmul.f32 v30, v3;
	[tilespmem:s19+$0x30] =	vst v10;
	v10 =	vadd.f32 v28, v21;
	v21 =	vld [tilespmem:s19+$0x1020]  }
0xca: {  	v27 =	vmul.f32 v31, v4;
	v28 =	vmul.f32 v32, v3;
	v31 =	vld [tilespmem:s19+$0x1030]  }
0xcb: {  	v24 =	vmul.f32 v24, v3;
	v25 =	vmul.f32 v25, v4;
	[tilespmem:s19+$0x870] =	vst v2;
	v32 =	vld [tilespmem:s19+$0x9030]  }
0xcc: {  	v18 =	vmul.f32 v18, v3;
	v33 =	vadd.f32 v27, v26;
	v26 =	vld [tilespmem:s19+$0x9020];
	[tilespmem:s19+$0x50] =	vst v10;
	v10 =	vadd.f32 v29, v28  }
0xcd: {  	[tilespmem:s19+$0x40] =	vst v1;
	v28 =	vmul.f32 v36, v3;
	v36 =	vmul.f32 v37, v4;
	v37 =	vadd.f32 v35, v34;
	v34 =	vld [tilespmem:s19+$0x9040]  }
0xce: {  	v19 =	vmul.f32 v19, v4;
	v12 =	vmul.f32 v12, v3;
	v35 =	vld [tilespmem:s19+$0x1050];
	[tilespmem:s19+$0x60] =	vst v33  }
0xcf: {  	v13 =	vmul.f32 v13, v4;
	v27 =	vld [tilespmem:s19+$0x9420];
	v29 =	vadd.f32 v25, v24;
	[tilespmem:s19+$0x70] =	vst v10;
	v10 =	vadd.f32 v36, v28  }
0xd0: {  	v36 =	vmul.f32 v41, v4;
	v33 =	vld [tilespmem:s19+$0x1040];
	[tilespmem:s19+$0x400] =	vst v37;
	v37 =	vadd.f32 v39, v38;
	v38 =	vmul.f32 v42, v3  }
0xd1: {  	v39 =	vmul.f32 v43, v4;
	v41 =	vmul.f32 v45, v4;
	v28 =	vld [tilespmem:s19+$0x1420];
	[tilespmem:s19+$0xC00] =	vst v29  }
0xd2: {  	v43 =	vmul.f32 v46, v3;
	[tilespmem:s19+$0x410] =	vst v10;
	v10 =	vadd.f32 v36, v40;
	v40 =	vmul.f32 v44, v3;
	v36 =	vld [tilespmem:s19+$0x9050]  }
0xd3: {  	v46 =	vmul.f32 v48, v3;
	[tilespmem:s19+$0x420] =	vst v37;
	v42 =	vadd.f32 v39, v38;
	v44 =	vmul.f32 v47, v4;
	v37 =	vld [tilespmem:s19+$0x1060]  }
0xd4: {  	v47 =	vmul.f32 v49, v4;
	v49 =	vmul.f32 v50, v3;
	v38 =	vld [tilespmem:s19+$0x9060];
	[tilespmem:s19+$0x430] =	vst v10;
	v45 =	vadd.f32 v41, v40  }
0xd5: {  	v50 =	vmul.f32 v51, v4;
	v39 =	vld [tilespmem:s19+$0x1070];
	[tilespmem:s19+$0x440] =	vst v42;
	v48 =	vadd.f32 v44, v43;
	v44 =	vmul.f32 v53, v4  }
0xd6: {  	v51 =	vadd.f32 v47, v46;
	v46 =	vmul.f32 v54, v3;
	v47 =	vmul.f32 v55, v4;
	v40 =	vld [tilespmem:s19+$0x9070];
	[tilespmem:s19+$0x450] =	vst v45  }
0xd7: {  	v41 =	vld [tilespmem:s19+$0x1400];
	v53 =	vmul.f32 v59, v4;
	v55 =	vmul.f32 v60, v3;
	[tilespmem:s19+$0x460] =	vst v48;
	v45 =	vadd.f32 v50, v49  }
0xd8: {  	v42 =	vld [tilespmem:s19+$0x9400];
	v59 =	vmul.f32 v63, v4;
	v63 =	vmul.f32 v23, v4;
	[tilespmem:s19+$0x470] =	vst v51;
	v48 =	vadd.f32 v44, v52  }
0xd9: {  	v43 =	vld [tilespmem:s19+$0x1410];
	v49 =	vmul.f32 v56, v3;
	v50 =	vmul.f32 v57, v4;
	v51 =	vadd.f32 v47, v46;
	[tilespmem:s19+$0x800] =	vst v45  }
0xda: {  	v23 =	vld [tilespmem:s19+$0x9430];
	v25 =	vmul.f32 v33, v3;
	v52 =	vmul.f32 v58, v3;
	v47 =	vadd.f32 v19, v18;
	[tilespmem:s19+$0x810] =	vst v48  }
0xdb: {  	v56 =	vmul.f32 v61, v4;
	v58 =	vmul.f32 v62, v3;
	v44 =	vld [tilespmem:s19+$0x9410];
	v54 =	vadd.f32 v50, v49;
	[tilespmem:s19+$0x820] =	vst v51  }
0xdc: {  	v62 =	vmul.f32 v22, v3;
	v22 =	vld [tilespmem:s19+$0x1430];
	v46 =	vmul.f32 v16, v4;
	v57 =	vadd.f32 v53, v52;
	[tilespmem:s19+$0xC20] =	vst v47  }
0xdd: {  	v16 =	vld [tilespmem:s19+$0x9440];
	v33 =	vmul.f32 v37, v3;
	v60 =	vadd.f32 v56, v55;
	v45 =	vmul.f32 v15, v3;
	[tilespmem:s19+$0x830] =	vst v54  }
0xde: {  	v18 =	vld [tilespmem:s19+$0x1810];
	v61 =	vadd.f32 v59, v58;
	v49 =	vmul.f32 v8, v3;
	v50 =	vmul.f32 v9, v4;
	[tilespmem:s19+$0x840] =	vst v57  }
0xdf: {  	v19 =	vld [tilespmem:s19+$0x9810];
	v30 =	vadd.f32 v63, v62;
	v56 =	vmul.f32 v11, v3;
	v58 =	vmul.f32 v17, v3;
	[tilespmem:s19+$0x850] =	vst v60  }
0xe0: {  	v15 =	vld [tilespmem:s19+$0x1440];
	v51 =	vadd.f32 v13, v12;
	v59 =	vmul.f32 v20, v4;
	v62 =	vmul.f32 v26, v4;
	[tilespmem:s19+$0x860] =	vst v61  }
0xe1: {  	v9 =	vld [tilespmem:s19+$0x1450];
	v20 =	vmul.f32 v31, v3;
	v26 =	vmul.f32 v34, v4;
	[tilespmem:s19+$0xC10] =	vst v30;
	v48 =	vadd.f32 v46, v45  }
0xe2: {  	v52 =	vld [tilespmem:$0x1FFC0];
	v31 =	vmul.f32 v36, v4;
	v34 =	vmul.f32 v38, v4;
	v53 =	vadd.f32 v50, v49;
	[tilespmem:s19+$0xC40] =	vst v51  }
0xe3: {  	v12 =	vld [tilespmem:s19+$0x9450];
	v36 =	vmul.f32 v39, v3;
	v37 =	vmul.f32 v40, v4;
	v63 =	vadd.f32 v59, v58;
	[tilespmem:s19+$0xC30] =	vst v48  }
0xe4: {  	v11 =	vld [tilespmem:s19+$0x1470];
	v61 =	vmul.f32 v21, v3;
	v21 =	vmul.f32 v32, v4;
	v32 =	vadd.f32 v26, v25;
	[tilespmem:s19+$0xC50] =	vst v53  }
0xe5: {  	v13 =	vld [tilespmem:s19+$0x9470];
	v39 =	vmul.f32 v41, v3;
	v40 =	vmul.f32 v42, v4;
	v38 =	vadd.f32 v34, v33;
	[tilespmem:s19+$0x1010] =	vst v63  }
0xe6: {  	v0 =	vmul.f32 v0, v4;
	v17 =	vld [tilespmem:s19+$0x9800];
	v54 =	vmul.f32 v6, v3;
	v42 =	vadd.f32 v37, v36;
	[tilespmem:s19+$0x1040] =	vst v32  }
0xe7: {  	v41 =	vld [tilespmem:s19+$0x9820];
	v57 =	vmul.f32 v14, v4;
	v47 =	vadd.f32 v40, v39;
	[tilespmem:s19+$0x1060] =	vst v38  }
0xe8: {  	v6 =	vld [tilespmem:s19+$0x1460];
	v0 =	vadd.f32 v0, v54;
	[tilespmem:s19+$0x1070] =	vst v42  }
0xe9: {  	v14 =	vld [tilespmem:s19+$0x1800];
	v60 =	vadd.f32 v57, v56;
	[tilespmem:s19+$0x1400] =	vst v47  }
0xea: {  	v7 =	vmul.f32 v7, v4;
	v30 =	vmul.f32 v35, v3;
	v46 =	vld [tilespmem:s19+$0x1830];
	v24 =	vadd.f32 v62, v61;
	[tilespmem:s19+$0xC70] =	vst v0  }
0xeb: {  	v43 =	vmul.f32 v43, v3;
	v50 =	vld [tilespmem:s19+$0x9830];
	v45 =	vmul.f32 v44, v4;
	v29 =	vadd.f32 v21, v20;
	[tilespmem:s19+$0x1000] =	vst v60  }
0xec: {  	v49 =	vmul.f32 v27, v4;
	v58 =	vld [tilespmem:s19+$0x1850];
	v35 =	vadd.f32 v31, v30;
	v10 =	vmul.f32 v52, v3;
	[tilespmem:s19+$0x1020] =	vst v24  }
0xed: {  	v36 =	vld [tilespmem:s19+$0x9870];
	v53 =	vmul.f32 v23, v4;
	v51 =	vadd.f32 v45, v43;
	v52 =	vmul.f32 v22, v3;
	[tilespmem:s19+$0x1030] =	vst v29  }
0xee: {  	v40 =	vld [tilespmem:s19+$0x9840];
	v57 =	vmul.f32 v16, v4;
	v56 =	vmul.f32 v15, v3;
	[tilespmem:s19+$0x1050] =	vst v35;
	v55 =	vadd.f32 v7, v10  }
0xef: {  	v20 =	vld [tilespmem:s19+$0x1820];
	v26 =	vmul.f32 v11, v3;
	v27 =	vmul.f32 v13, v4;
	[tilespmem:s19+$0x1410] =	vst v51;
	v59 =	vadd.f32 v53, v52  }
0xf0: {  	v62 =	vld [tilespmem:s19+$0x9850];
	v61 =	vmul.f32 v12, v4;
	v60 =	vmul.f32 v9, v3;
	v63 =	vadd.f32 v57, v56;
	[tilespmem:s19+$0xC60] =	vst v55  }
0xf1: {  	v34 =	vmul.f32 v18, v3;
	v16 =	vld [tilespmem:s19+$0x1860];
	v35 =	vmul.f32 v19, v4;
	v33 =	vadd.f32 v27, v26;
	[tilespmem:s19+$0x1430] =	vst v59  }
0xf2: {  	v48 =	vmul.f32 v28, v3;
	v28 =	vld [tilespmem:s19+$0x9860];
	v31 =	vmul.f32 v17, v4;
	v23 =	vadd.f32 v61, v60;
	[tilespmem:s19+$0x1440] =	vst v63  }
0xf3: {  	v32 =	vld [tilespmem:s19+$0x1870];
	v39 =	vmul.f32 v41, v4;
	v30 =	vmul.f32 v14, v3;
	v41 =	vadd.f32 v35, v34;
	[tilespmem:s19+$0x1470] =	vst v33  }
0xf4: {  	v10 =	vld [tilespmem:s19+$0x9460];
	v42 =	vmul.f32 v46, v3;
	v43 =	vmul.f32 v50, v4;
	v55 =	vadd.f32 v49, v48;
	[tilespmem:s19+$0x1450] =	vst v23  }
0xf5: {  	v54 =	vld [tilespmem:s19+$0x1840];
	v37 =	vadd.f32 v31, v30;
	v38 =	vmul.f32 v20, v3;
	[tilespmem:s19+$0x1810] =	vst v41  }
0xf6: {  	v45 =	vmul.f32 v58, v3;
	v46 =	vmul.f32 v62, v4;
	v47 =	vadd.f32 v43, v42;
	[tilespmem:s19+$0x1420] =	vst v55  }
0xf7: {  	v48 =	vmul.f32 v16, v3;
	v49 =	vmul.f32 v28, v4;
	[tilespmem:s19+$0x1800] =	vst v37;
	v44 =	vadd.f32 v39, v38  }
0xf8: {  	v52 =	vmul.f32 v36, v4;
	v51 =	vmul.f32 v32, v3;
	v50 =	vadd.f32 v46, v45;
	[tilespmem:s19+$0x1830] =	vst v47  }
0xf9: {  	v6 =	vmul.f32 v6, v3;
	v53 =	vadd.f32 v49, v48;
	v12 =	vmul.f32 v10, v4;
	[tilespmem:s19+$0x1820] =	vst v44  }
0xfa: {  	s20 =	sand.u32 $0x7, s1;
	v54 =	vmul.f32 v54, v3;
	v55 =	vmul.f32 v40, v4;
	v56 =	vadd.f32 v52, v51;
	[tilespmem:s19+$0x1850] =	vst v50  }
0xfb: {  	s5 =	sshll.u32 s20, $0x7;
	[tilespmem:s19+$0x1860] =	vst v53;
	v29 =	vadd.f32 v12, v6  }
0xfc: {  	s5 =	sadd.s32 s5, s17;
	v2 =	vadd.f32 v55, v54;
	[tilespmem:s19+$0x1870] =	vst v56  }
0xfd: {  	s20 =	sor.u32 $0x1C00, s5;
	[tilespmem:s19+$0x1460] =	vst v29  }
0xfe: {  	[tilespmem:s19+$0x1840] =	vst v2;
	v0 =	vld [tilespmem:s20+$0x0]  }
0xff: {  	v1 =	vld [tilespmem:s20+$0x8000];
	_ =	sdelay $0x4  }
0x100: {  	v0 =	vmul.f32 v0, v3;
	v1 =	vmul.f32 v1, v4;
	_ =	sdelay $0x1  }
0x101: {  	v0 =	vadd.f32 v1, v0;
	_ =	sdelay $0x1  }
0x102: {  	[tilespmem:s20+$0x0] =	vst v0;
	s20 =	sor.u32 $0x1C10, s5  }
0x103: {  	v0 =	vld [tilespmem:s20+$0x0]  }
0x104: {  	v57 =	vld [tilespmem:s20+$0x8000];
	_ =	sdelay $0x4  }
0x105: {  	v0 =	vmul.f32 v0, v3;
	v1 =	vmul.f32 v57, v4;
	_ =	sdelay $0x1  }
0x106: {  	v0 =	vadd.f32 v1, v0;
	_ =	sdelay $0x1  }
0x107: {  	[tilespmem:s20+$0x0] =	vst v0;
	s20 =	sor.u32 $0x1C20, s5  }
0x108: {  	v0 =	vld [tilespmem:s20+$0x0]  }
0x109: {  	v58 =	vld [tilespmem:s20+$0x8000];
	_ =	sdelay $0x4  }
0x10a: {  	v0 =	vmul.f32 v0, v3;
	v1 =	vmul.f32 v58, v4;
	_ =	sdelay $0x1  }
0x10b: {  	v0 =	vadd.f32 v1, v0;
	_ =	sdelay $0x1  }
0x10c: {  	[tilespmem:s20+$0x0] =	vst v0;
	s20 =	sor.u32 $0x1C30, s5  }
0x10d: {  	v0 =	vld [tilespmem:s20+$0x0]  }
0x10e: {  	v59 =	vld [tilespmem:s20+$0x8000];
	_ =	sdelay $0x4  }
0x10f: {  	v0 =	vmul.f32 v0, v3;
	v1 =	vmul.f32 v59, v4;
	_ =	sdelay $0x1  }
0x110: {  	v0 =	vadd.f32 v1, v0;
	_ =	sdelay $0x1  }
0x111: {  	[tilespmem:s20+$0x0] =	vst v0;
	s20 =	sor.u32 $0x1C40, s5  }
0x112: {  	v0 =	vld [tilespmem:s20+$0x0]  }
0x113: {  	v60 =	vld [tilespmem:s20+$0x8000];
	_ =	sdelay $0x4  }
0x114: {  	v0 =	vmul.f32 v0, v3;
	v1 =	vmul.f32 v60, v4;
	_ =	sdelay $0x1  }
0x115: {  	v0 =	vadd.f32 v1, v0;
	_ =	sdelay $0x1  }
0x116: {  	[tilespmem:s20+$0x0] =	vst v0;
	s20 =	sor.u32 $0x1C50, s5  }
0x117: {  	v0 =	vld [tilespmem:s20+$0x0]  }
0x118: {  	v61 =	vld [tilespmem:s20+$0x8000];
	_ =	sdelay $0x4  }
0x119: {  	v0 =	vmul.f32 v0, v3;
	v1 =	vmul.f32 v61, v4;
	_ =	sdelay $0x1  }
0x11a: {  	v0 =	vadd.f32 v1, v0;
	_ =	sdelay $0x1  }
0x11b: {  	[tilespmem:s20+$0x0] =	vst v0;
	s20 =	sor.u32 $0x1C60, s5  }
0x11c: {  	v0 =	vld [tilespmem:s20+$0x0]  }
0x11d: {  	v62 =	vld [tilespmem:s20+$0x8000];
	_ =	sdelay $0x4  }
0x11e: {  	v0 =	vmul.f32 v0, v3;
	v1 =	vmul.f32 v62, v4;
	_ =	sdelay $0x1  }
0x11f: {  	v0 =	vadd.f32 v1, v0;
	_ =	sdelay $0x1  }
0x120: {  	s5 =	sor.u32 $0x1C70, s5;
	[tilespmem:s20+$0x0] =	vst v0  }
0x121: {  	v0 =	vld [tilespmem:s5+$0x0]  }
0x122: {  	v63 =	vld [tilespmem:s5+$0x8000];
	_ =	sdelay $0x3  }
0x123: {  	p0 =	sne.s32 s18, $0xF80  }
.Ltmp0:
0x124: {  	v0 =	vmul.f32 v0, v3;
	v1 =	vmul.f32 v63, v4;
	(pc) =	sbr.rel @p0 .LBB2_2-.Ltmp0, $4  }
0x125: {  	_ = 	snop  }
0x126: {  	v0 =	vadd.f32 v1, v0  }
0x127: {  	s1 =	sadd.s32 $0x1, s1;
	s0 =	sadd.s32 $0x80, s0  }
0x128: {  	s15 =	sadd.s32 $0x80, s15;
	s18 =	sadd.s32 $0x80, s18;
	s17 =	sadd.s32 $0x400, s17;
	[tilespmem:s5+$0x0] =	vst v0  }
0x129: {  	s0 =	simm.s32 $0x0  }
0x12a: {  	[hbm4b:s11+s0] =	stream.linear.scatter [tilespmem:s0], [sflag:$0x3], $0x8000, $0x38;
	[tilespmem:$0x14100] =	vst v63  }
0x12b: {  	_ =	swait.ge [sflag:s16], $0x8000  }
0x12c: {  	[sflag:s16] =	ssyncset.done $0x0  }
0x12d: {  	s5 =	simm.s32 $0x10000;
	s1 =	rddreg [dreg:$0x6];
	[sflag:s16] =	ssyncadd.s32 $0xFFFF8000  }
0x12e: {  	[tilespmem:s5], [sflag:$0x3] =	stream.linear.gather [hbm4b:s1+s0], $0x20, $0x38;
	[tilespmem:$0x14100] =	vst v63  }
0x12f: {  	_ =	swait.ge [sflag:s16], $0x20  }
0x130: {  	[sflag:s16] =	ssyncset.done $0x0  }
0x131: {  	s19 =	simm.s32 $0x10080;
	s18 =	rddreg [dreg:$0x7];
	[sflag:s16] =	ssyncadd.s32 $0xFFFFFFE0  }
0x132: {  	[tilespmem:s19], [sflag:$0x3] =	stream.linear.gather [hbm4b:s18+s0], $0x20, $0x38;
	[tilespmem:$0x14100] =	vst v63  }
0x133: {  	_ =	swait.ge [sflag:s16], $0x20  }
0x134: {  	[sflag:s16] =	ssyncset.done $0x0  }
0x135: {  	[sflag:s16] =	ssyncadd.s32 $0xFFFFFFE0  }
0x136: {  	v0 =	vld [tilespmem:$0x10000];
	_ =	sdelay $0x2  }
0x137: {  	v2 =	vld [tilespmem:$0x1FFD0];
	_ =	sdelay $0x1  }
0x138: {  	v3 =	vld [tilespmem:$0x1FFE0];
	v1 =	vshll.u32 v0, $0x3  }
0x139: {  	v0 =	vand.u32 $0x7, v0;
	v1 =	vand.u32 $0xFFFFFFC0, v1  }
0x13a: {  	v0 =	vor.u32 v0, v1  }
0x13b: {  	v1 =	vperm.xlane v0, v2;
	_ =	sdelay $0x1  }
0x13c: {  	v1 =	vadd.s32 v3, v1  }
0x13d: {  	v4 =	vld [tilespmem:$0x1FFF0];
	_ =	sdelay $0x3  }
0x13e: {  	[tilespmem:s0], [sflag:$0x1] =	stream.indirect_vreg.gather [hbm4b:s3+s0], $0x80, v1, vm0, $0xb8;
	[tilespmem:$0x14100] =	vst v63  }
0x13f: {  	s20 =	simm.s32 $0x800;
	v0 =	vperm.xlane v0, v4  }
0x140: {  	[tilespmem:s20], [sflag:$0x1] =	stream.indirect_vreg.gather [hbm4b:s8+s0], $0x80, v1, vm0, $0xb8;
	[tilespmem:$0x14100] =	vst v63  }
0x141: {  	s5 =	simm.s32 $0x1000;
	v0 =	vadd.s32 v3, v0  }
0x142: {  	[tilespmem:s5], [sflag:$0x1] =	stream.indirect_vreg.gather [hbm4b:s9+s0], $0x80, v1, vm0, $0xb8;
	[tilespmem:$0x14100] =	vst v63  }
0x143: {  	s15 =	simm.s32 $0x1800  }
0x144: {  	[tilespmem:s15], [sflag:$0x1] =	stream.indirect_vreg.gather [hbm4b:s10+s0], $0x80, v1, vm0, $0xb8;
	[tilespmem:$0x14100] =	vst v63  }
0x145: {  	s17 =	simm.s32 $0x2000  }
0x146: {  	[tilespmem:s17], [sflag:$0x1] =	stream.indirect_vreg.gather [hbm4b:s3+s0], $0x80, v0, vm0, $0xb8;
	[tilespmem:$0x14100] =	vst v63  }
0x147: {  	s18 =	simm.s32 $0x2800  }
0x148: {  	[tilespmem:s18], [sflag:$0x1] =	stream.indirect_vreg.gather [hbm4b:s8+s0], $0x80, v0, vm0, $0xb8;
	[tilespmem:$0x14100] =	vst v63  }
0x149: {  	s19 =	simm.s32 $0x3000  }
0x14a: {  	[tilespmem:s19], [sflag:$0x1] =	stream.indirect_vreg.gather [hbm4b:s9+s0], $0x80, v0, vm0, $0xb8;
	[tilespmem:$0x14100] =	vst v63  }
0x14b: {  	s20 =	simm.s32 $0x3800  }
0x14c: {  	[tilespmem:s20], [sflag:$0x1] =	stream.indirect_vreg.gather [hbm4b:s10+s0], $0x80, v0, vm0, $0xb8;
	[tilespmem:$0x14100] =	vst v63  }
0x14d: {  	v0 =	vld [tilespmem:$0x10010];
	_ =	sdelay $0x4  }
0x14e: {  	v61 =	vshll.u32 v0, $0x3  }
0x14f: {  	v0 =	vand.u32 $0x7, v0;
	v1 =	vand.u32 $0xFFFFFFC0, v61  }
0x150: {  	v0 =	vor.u32 v0, v1  }
0x151: {  	v1 =	vperm.xlane v0, v2;
	_ =	sdelay $0x1  }
0x152: {  	v1 =	vadd.s32 v3, v1;
	_ =	sdelay $0x3  }
0x153: {  	s5 =	simm.s32 $0x4000  }
0x154: {  	[tilespmem:s5], [sflag:$0x1] =	stream.indirect_vreg.gather [hbm4b:s3+s0], $0x80, v1, vm0, $0xb8;
	[tilespmem:$0x14100] =	vst v63  }
0x155: {  	s15 =	simm.s32 $0x4800;
	v0 =	vperm.xlane v0, v4  }
0x156: {  	[tilespmem:s15], [sflag:$0x1] =	stream.indirect_vreg.gather [hbm4b:s8+s0], $0x80, v1, vm0, $0xb8;
	[tilespmem:$0x14100] =	vst v63  }
0x157: {  	s17 =	simm.s32 $0x5000;
	v0 =	vadd.s32 v3, v0  }
0x158: {  	[tilespmem:s17], [sflag:$0x1] =	stream.indirect_vreg.gather [hbm4b:s9+s0], $0x80, v1, vm0, $0xb8;
	[tilespmem:$0x14100] =	vst v63  }
0x159: {  	s18 =	simm.s32 $0x5800  }
0x15a: {  	[tilespmem:s18], [sflag:$0x1] =	stream.indirect_vreg.gather [hbm4b:s10+s0], $0x80, v1, vm0, $0xb8;
	[tilespmem:$0x14100] =	vst v63  }
0x15b: {  	s19 =	simm.s32 $0x6000  }
0x15c: {  	[tilespmem:s19], [sflag:$0x1] =	stream.indirect_vreg.gather [hbm4b:s3+s0], $0x80, v0, vm0, $0xb8;
	[tilespmem:$0x14100] =	vst v63  }
0x15d: {  	s20 =	simm.s32 $0x6800  }
0x15e: {  	[tilespmem:s20], [sflag:$0x1] =	stream.indirect_vreg.gather [hbm4b:s8+s0], $0x80, v0, vm0, $0xb8;
	[tilespmem:$0x14100] =	vst v63  }
0x15f: {  	s5 =	simm.s32 $0x7000  }
0x160: {  	[tilespmem:s5], [sflag:$0x1] =	stream.indirect_vreg.gather [hbm4b:s9+s0], $0x80, v0, vm0, $0xb8;
	[tilespmem:$0x14100] =	vst v63  }
0x161: {  	s15 =	simm.s32 $0x7800  }
0x162: {  	[tilespmem:s15], [sflag:$0x1] =	stream.indirect_vreg.gather [hbm4b:s10+s0], $0x80, v0, vm0, $0xb8;
	[tilespmem:$0x14100] =	vst v63  }
0x163: {  	v0 =	vld [tilespmem:$0x10080];
	_ =	sdelay $0x4  }
0x164: {  	v62 =	vshll.u32 v0, $0x3  }
0x165: {  	v0 =	vand.u32 $0x7, v0;
	v1 =	vand.u32 $0xFFFFFFC0, v62  }
0x166: {  	v0 =	vor.u32 v0, v1  }
0x167: {  	v1 =	vperm.xlane v0, v2;
	_ =	sdelay $0x1  }
0x168: {  	v1 =	vadd.s32 v3, v1;
	_ =	sdelay $0x3  }
0x169: {  	s17 =	simm.s32 $0x8000  }
0x16a: {  	[tilespmem:s17], [sflag:$0x2] =	stream.indirect_vreg.gather [hbm4b:s3+s0], $0x80, v1, vm0, $0xb8;
	[tilespmem:$0x14100] =	vst v63  }
0x16b: {  	s18 =	simm.s32 $0x8800;
	v0 =	vperm.xlane v0, v4  }
0x16c: {  	[tilespmem:s18], [sflag:$0x2] =	stream.indirect_vreg.gather [hbm4b:s8+s0], $0x80, v1, vm0, $0xb8;
	[tilespmem:$0x14100] =	vst v63  }
0x16d: {  	s19 =	simm.s32 $0x9000;
	v0 =	vadd.s32 v3, v0  }
0x16e: {  	[tilespmem:s19], [sflag:$0x2] =	stream.indirect_vreg.gather [hbm4b:s9+s0], $0x80, v1, vm0, $0xb8;
	[tilespmem:$0x14100] =	vst v63  }
0x16f: {  	s20 =	simm.s32 $0x9800  }
0x170: {  	[tilespmem:s20], [sflag:$0x2] =	stream.indirect_vreg.gather [hbm4b:s10+s0], $0x80, v1, vm0, $0xb8;
	[tilespmem:$0x14100] =	vst v63  }
0x171: {  	_ = 	snop  }
0x172: {  	[tilespmem:s6], [sflag:$0x2] =	stream.indirect_vreg.gather [hbm4b:s3+s0], $0x80, v0, vm0, $0xb8;
	[tilespmem:$0x14100] =	vst v63  }
0x173: {  	_ = 	snop  }
0x174: {  	[tilespmem:s21], [sflag:$0x2] =	stream.indirect_vreg.gather [hbm4b:s8+s0], $0x80, v0, vm0, $0xb8;
	[tilespmem:$0x14100] =	vst v63  }
0x175: {  	_ = 	snop  }
0x176: {  	[tilespmem:s7], [sflag:$0x2] =	stream.indirect_vreg.gather [hbm4b:s9+s0], $0x80, v0, vm0, $0xb8;
	[tilespmem:$0x14100] =	vst v63  }
0x177: {  	_ = 	snop  }
0x178: {  	[tilespmem:s22], [sflag:$0x2] =	stream.indirect_vreg.gather [hbm4b:s10+s0], $0x80, v0, vm0, $0xb8;
	[tilespmem:$0x14100] =	vst v63  }
0x179: {  	v0 =	vld [tilespmem:$0x10090];
	_ =	sdelay $0x4  }
0x17a: {  	v63 =	vshll.u32 v0, $0x3  }
0x17b: {  	v0 =	vand.u32 $0x7, v0;
	v1 =	vand.u32 $0xFFFFFFC0, v63  }
0x17c: {  	v0 =	vor.u32 v0, v1  }
0x17d: {  	v1 =	vperm.xlane v0, v2;
	_ =	sdelay $0x1  }
0x17e: {  	v1 =	vadd.s32 v3, v1;
	_ =	sdelay $0x4  }
0x17f: {  	[tilespmem:s23], [sflag:$0x2] =	stream.indirect_vreg.gather [hbm4b:s3+s0], $0x80, v1, vm0, $0xb8;
	[tilespmem:$0x14100] =	vst v63  }
0x180: {  	v0 =	vperm.xlane v0, v4  }
0x181: {  	[tilespmem:s24], [sflag:$0x2] =	stream.indirect_vreg.gather [hbm4b:s8+s0], $0x80, v1, vm0, $0xb8;
	[tilespmem:$0x14100] =	vst v63  }
0x182: {  	v0 =	vadd.s32 v3, v0  }
0x183: {  	[tilespmem:s25], [sflag:$0x2] =	stream.indirect_vreg.gather [hbm4b:s9+s0], $0x80, v1, vm0, $0xb8;
	[tilespmem:$0x14100] =	vst v63  }
0x184: {  	_ = 	snop  }
0x185: {  	[tilespmem:s26], [sflag:$0x2] =	stream.indirect_vreg.gather [hbm4b:s10+s0], $0x80, v1, vm0, $0xb8;
	[tilespmem:$0x14100] =	vst v63  }
0x186: {  	_ = 	snop  }
0x187: {  	[tilespmem:s28], [sflag:$0x2] =	stream.indirect_vreg.gather [hbm4b:s3+s0], $0x80, v0, vm0, $0xb8;
	[tilespmem:$0x14100] =	vst v63  }
0x188: {  	_ = 	snop  }
0x189: {  	[tilespmem:s29], [sflag:$0x2] =	stream.indirect_vreg.gather [hbm4b:s8+s0], $0x80, v0, vm0, $0xb8;
	[tilespmem:$0x14100] =	vst v63  }
0x18a: {  	_ = 	snop  }
0x18b: {  	[tilespmem:s12], [sflag:$0x2] =	stream.indirect_vreg.gather [hbm4b:s9+s0], $0x80, v0, vm0, $0xb8;
	[tilespmem:$0x14100] =	vst v63  }
0x18c: {  	_ = 	snop  }
0x18d: {  	[tilespmem:s30], [sflag:$0x2] =	stream.indirect_vreg.gather [hbm4b:s10+s0], $0x80, v0, vm0, $0xb8;
	[tilespmem:$0x14100] =	vst v63  }
0x18e: {  	_ =	swait.ge [sflag:s13], $0x8000  }
0x18f: {  	[sflag:s13] =	ssyncset.done $0x0  }
0x190: {  	[sflag:s13] =	ssyncadd.s32 $0xFFFF8000  }
0x191: {  	_ =	swait.ge [sflag:s31], $0x8000  }
0x192: {  	s1 =	simm.s32 $0x13100;
	s15 =	simm.s32 $0x11100;
	[sflag:s31] =	ssyncset.done $0x0  }
0x193: {  	s17 =	simm.s32 $0x0;
	s18 =	simm.s32 $0x0;
	[sflag:s31] =	ssyncadd.s32 $0xFFFF8000  }
.LBB2_4:
0x194: {  	v3 =	vld [tilespmem:s15+$0x0];
	s5 =	sand.u32 $0x6000, s17;
	s19 =	sand.u32 $0x380, s18  }
0x195: {  	v4 =	vld [tilespmem:s1+$0x0];
	s19 =	sor.u32 s19, s5  }
0x196: {  	v0 =	vld [tilespmem:s19+$0x0]  }
0x197: {  	v1 =	vld [tilespmem:s19+$0x8000]  }
0x198: {  	v2 =	vld [tilespmem:s19+$0x10]  }
0x199: {  	v6 =	vld [tilespmem:s19+$0x8010]  }
0x19a: {  	v10 =	vld [tilespmem:s19+$0x20]  }
0x19b: {  	v11 =	vld [tilespmem:s19+$0x8020]  }
0x19c: {  	v14 =	vld [tilespmem:s19+$0x30]  }
0x19d: {  	v17 =	vld [tilespmem:s19+$0x8030]  }
0x19e: {  	v20 =	vld [tilespmem:s19+$0x40]  }
0x19f: {  	v21 =	vld [tilespmem:s19+$0x8040]  }
0x1a0: {  	v26 =	vld [tilespmem:s19+$0x50]  }
0x1a1: {  	v27 =	vld [tilespmem:s19+$0x8050]  }
0x1a2: {  	v28 =	vld [tilespmem:s19+$0x60]  }
0x1a3: {  	v29 =	vld [tilespmem:s19+$0x8060]  }
0x1a4: {  	v30 =	vld [tilespmem:s19+$0x70]  }
0x1a5: {  	v31 =	vld [tilespmem:s19+$0x8070]  }
0x1a6: {  	v32 =	vld [tilespmem:s19+$0x400]  }
0x1a7: {  	v33 =	vld [tilespmem:s19+$0x8400]  }
0x1a8: {  	v34 =	vld [tilespmem:s19+$0x410]  }
0x1a9: {  	v35 =	vld [tilespmem:s19+$0x8410]  }
0x1aa: {  	v36 =	vld [tilespmem:s19+$0x420]  }
0x1ab: {  	v37 =	vld [tilespmem:s19+$0x8420]  }
0x1ac: {  	v38 =	vld [tilespmem:s19+$0x430]  }
0x1ad: {  	v39 =	vld [tilespmem:s19+$0x8430]  }
0x1ae: {  	v40 =	vld [tilespmem:s19+$0x440]  }
0x1af: {  	v41 =	vld [tilespmem:s19+$0x8440]  }
0x1b0: {  	v42 =	vld [tilespmem:s19+$0x450]  }
0x1b1: {  	v43 =	vld [tilespmem:s19+$0x8450]  }
0x1b2: {  	v44 =	vld [tilespmem:s19+$0x460]  }
0x1b3: {  	v45 =	vld [tilespmem:s19+$0x8460]  }
0x1b4: {  	v46 =	vld [tilespmem:s19+$0x470]  }
0x1b5: {  	v47 =	vld [tilespmem:s19+$0x8470]  }
0x1b6: {  	v48 =	vld [tilespmem:s19+$0x800]  }
0x1b7: {  	v49 =	vld [tilespmem:s19+$0x8800]  }
0x1b8: {  	v50 =	vld [tilespmem:s19+$0x810]  }
0x1b9: {  	v51 =	vld [tilespmem:s19+$0x8810]  }
0x1ba: {  	v52 =	vld [tilespmem:s19+$0x820]  }
0x1bb: {  	v53 =	vld [tilespmem:s19+$0x8820]  }
0x1bc: {  	v54 =	vld [tilespmem:s19+$0x830]  }
0x1bd: {  	v55 =	vld [tilespmem:s19+$0x8830]  }
0x1be: {  	v56 =	vld [tilespmem:s19+$0x840]  }
0x1bf: {  	v57 =	vld [tilespmem:s19+$0x8840]  }
0x1c0: {  	v58 =	vld [tilespmem:s19+$0x850]  }
0x1c1: {  	v59 =	vld [tilespmem:s19+$0x8850]  }
0x1c2: {  	v60 =	vld [tilespmem:s19+$0x860]  }
0x1c3: {  	v61 =	vld [tilespmem:s19+$0x8860]  }
0x1c4: {  	v62 =	vld [tilespmem:s19+$0x870]  }
0x1c5: {  	v63 =	vld [tilespmem:s19+$0x8870]  }
0x1c6: {  	v24 =	vld [tilespmem:s19+$0xC00]  }
0x1c7: {  	v25 =	vld [tilespmem:s19+$0x8C00]  }
0x1c8: {  	v22 =	vld [tilespmem:s19+$0xC10]  }
0x1c9: {  	v23 =	vld [tilespmem:s19+$0x8C10]  }
0x1ca: {  	v18 =	vld [tilespmem:s19+$0xC20]  }
0x1cb: {  	v19 =	vld [tilespmem:s19+$0x8C20]  }
0x1cc: {  	v15 =	vld [tilespmem:s19+$0xC30]  }
0x1cd: {  	v16 =	vld [tilespmem:s19+$0x8C30]  }
0x1ce: {  	v5 =	vld [tilespmem:s19+$0xC60]  }
0x1cf: {  	v12 =	vld [tilespmem:s19+$0xC40]  }
0x1d0: {  	v13 =	vld [tilespmem:s19+$0x8C40]  }
0x1d1: {  	v8 =	vld [tilespmem:s19+$0xC50]  }
0x1d2: {  	v9 =	vld [tilespmem:s19+$0x8C50];
	v0 =	vmul.f32 v0, v3;
	v1 =	vmul.f32 v1, v4  }
0x1d3: {  	v7 =	vld [tilespmem:s19+$0x8C60];
	[tilespmem:$0x1FFA0] =	vst v5;
	v5 =	vmul.f32 v2, v3;
	v2 =	vmul.f32 v6, v4  }
0x1d4: {  	v6 =	vld [tilespmem:s19+$0xC70];
	v17 =	vmul.f32 v17, v4;
	v0 =	vadd.f32 v1, v0  }
0x1d5: {  	v1 =	vmul.f32 v10, v3;
	v10 =	vld [tilespmem:s19+$0x8C70];
	v5 =	vadd.f32 v2, v5;
	v2 =	vmul.f32 v14, v3  }
0x1d6: {  	v11 =	vmul.f32 v11, v4;
	v14 =	vld [tilespmem:s19+$0x9000]  }
0x1d7: {  	v26 =	vmul.f32 v26, v3;
	v2 =	vadd.f32 v17, v2;
	v17 =	vld [tilespmem:s19+$0x1010]  }
0x1d8: {  	[tilespmem:s19+$0x0] =	vst v0;
	v0 =	vadd.f32 v11, v1;
	v1 =	vmul.f32 v20, v3;
	v11 =	vmul.f32 v21, v4;
	v20 =	vld [tilespmem:s19+$0x9010]  }
0x1d9: {  	v27 =	vmul.f32 v27, v4;
	v30 =	vmul.f32 v30, v3;
	v21 =	vld [tilespmem:s19+$0x1020];
	[tilespmem:$0x1FFB0] =	vst v6  }
0x1da: {  	v31 =	vmul.f32 v31, v4;
	v33 =	vmul.f32 v33, v4;
	v6 =	vld [tilespmem:s19+$0x1000];
	[tilespmem:s19+$0x20] =	vst v0;
	v0 =	vadd.f32 v11, v1  }
0x1db: {  	v1 =	vmul.f32 v28, v3;
	v11 =	vmul.f32 v29, v4;
	[tilespmem:s19+$0x30] =	vst v2;
	v2 =	vadd.f32 v27, v26;
	v26 =	vld [tilespmem:s19+$0x9020]  }
0x1dc: {  	v42 =	vmul.f32 v42, v3;
	[tilespmem:s19+$0x10] =	vst v5;
	v5 =	vmul.f32 v34, v3;
	v28 =	vld [tilespmem:s19+$0x1030]  }
0x1dd: {  	v34 =	vmul.f32 v37, v4;
	v29 =	vld [tilespmem:s19+$0x9030];
	[tilespmem:s19+$0x40] =	vst v0;
	v0 =	vadd.f32 v11, v1;
	v1 =	vmul.f32 v32, v3  }
0x1de: {  	v37 =	vmul.f32 v39, v4;
	[tilespmem:s19+$0x50] =	vst v2;
	v2 =	vadd.f32 v31, v30;
	v32 =	vmul.f32 v35, v4;
	v30 =	vld [tilespmem:s19+$0x1040]  }
0x1df: {  	v31 =	vld [tilespmem:s19+$0x9040];
	[tilespmem:s19+$0x60] =	vst v0;
	v0 =	vadd.f32 v33, v1;
	v33 =	vmul.f32 v36, v3;
	v36 =	vmul.f32 v38, v3  }
0x1e0: {  	v39 =	vmul.f32 v40, v3;
	v40 =	vmul.f32 v41, v4;
	v11 =	vld [tilespmem:s19+$0x9450];
	[tilespmem:s19+$0x70] =	vst v2;
	v35 =	vadd.f32 v32, v5  }
0x1e1: {  	v56 =	vmul.f32 v56, v3;
	v32 =	vld [tilespmem:s19+$0x1050];
	[tilespmem:s19+$0x400] =	vst v0;
	v38 =	vadd.f32 v34, v33;
	v41 =	vadd.f32 v37, v36  }
0x1e2: {  	[tilespmem:s19+$0x410] =	vst v35;
	v36 =	vmul.f32 v43, v4;
	v37 =	vadd.f32 v40, v39;
	v39 =	vmul.f32 v45, v4;
	v33 =	vld [tilespmem:s19+$0x9050]  }
0x1e3: {  	v34 =	vld [tilespmem:s19+$0x1060];
	v45 =	vmul.f32 v49, v4;
	[tilespmem:s19+$0x420] =	vst v38;
	v38 =	vmul.f32 v44, v3  }
0x1e4: {  	v35 =	vld [tilespmem:s19+$0x9060];
	[tilespmem:s19+$0x430] =	vst v41;
	v40 =	vadd.f32 v36, v42;
	v41 =	vmul.f32 v46, v3;
	v42 =	vmul.f32 v47, v4  }
0x1e5: {  	[tilespmem:s19+$0x440] =	vst v37;
	v44 =	vmul.f32 v48, v3;
	v47 =	vmul.f32 v50, v3;
	v36 =	vld [tilespmem:s19+$0x1070];
	v43 =	vadd.f32 v39, v38  }
0x1e6: {  	v48 =	vmul.f32 v51, v4;
	v50 =	vmul.f32 v52, v3;
	v37 =	vld [tilespmem:s19+$0x9070];
	[tilespmem:s19+$0x450] =	vst v40;
	v46 =	vadd.f32 v42, v41  }
0x1e7: {  	v51 =	vmul.f32 v53, v4;
	v53 =	vmul.f32 v54, v3;
	v49 =	vadd.f32 v45, v44;
	v38 =	vld [tilespmem:s19+$0x1400];
	[tilespmem:s19+$0x460] =	vst v43  }
0x1e8: {  	v54 =	vmul.f32 v55, v4;
	v52 =	vadd.f32 v48, v47;
	v44 =	vmul.f32 v57, v4;
	v39 =	vld [tilespmem:s19+$0x9400];
	[tilespmem:s19+$0x470] =	vst v46  }
0x1e9: {  	v55 =	vadd.f32 v51, v50;
	v47 =	vmul.f32 v59, v4;
	v40 =	vld [tilespmem:s19+$0x1410];
	v50 =	vmul.f32 v61, v4;
	[tilespmem:s19+$0x800] =	vst v49  }
0x1ea: {  	v45 =	vadd.f32 v54, v53;
	v41 =	vld [tilespmem:s19+$0x9410];
	v53 =	vmul.f32 v63, v4;
	[tilespmem:s19+$0x810] =	vst v52;
	v46 =	vmul.f32 v58, v3  }
0x1eb: {  	v42 =	vld [tilespmem:s19+$0x1420];
	v59 =	vmul.f32 v23, v4;
	[tilespmem:s19+$0x820] =	vst v55;
	v48 =	vadd.f32 v44, v56;
	v49 =	vmul.f32 v60, v3  }
0x1ec: {  	v23 =	vld [tilespmem:s19+$0x1430];
	v61 =	vmul.f32 v18, v3;
	[tilespmem:s19+$0x830] =	vst v45;
	v52 =	vmul.f32 v62, v3;
	v51 =	vadd.f32 v47, v46  }
0x1ed: {  	v18 =	vld [tilespmem:s19+$0x9430];
	v55 =	vmul.f32 v24, v3;
	v56 =	vmul.f32 v25, v4;
	[tilespmem:s19+$0x840] =	vst v48;
	v54 =	vadd.f32 v50, v49  }
0x1ee: {  	v24 =	vld [tilespmem:s19+$0x9420];
	v58 =	vmul.f32 v22, v3;
	v62 =	vmul.f32 v19, v4;
	v57 =	vadd.f32 v53, v52;
	[tilespmem:s19+$0x850] =	vst v51  }
0x1ef: {  	v22 =	vmul.f32 v15, v3;
	v25 =	vmul.f32 v16, v4;
	v16 =	vld [tilespmem:s19+$0x1440];
	v60 =	vadd.f32 v56, v55;
	[tilespmem:s19+$0x860] =	vst v54  }
0x1f0: {  	v43 =	vmul.f32 v12, v3;
	v44 =	vmul.f32 v13, v4;
	v12 =	vld [tilespmem:s19+$0x9440];
	v63 =	vadd.f32 v59, v58;
	[tilespmem:s19+$0x870] =	vst v57  }
0x1f1: {  	v13 =	vld [tilespmem:s19+$0x1470];
	v27 =	vadd.f32 v62, v61;
	v46 =	vmul.f32 v8, v3;
	v47 =	vmul.f32 v9, v4;
	[tilespmem:s19+$0xC00] =	vst v60  }
0x1f2: {  	v15 =	vld [tilespmem:s19+$0x1800];
	v45 =	vadd.f32 v25, v22;
	v55 =	vmul.f32 v14, v4;
	v58 =	vmul.f32 v20, v4;
	[tilespmem:s19+$0xC10] =	vst v63  }
0x1f3: {  	v19 =	vld [tilespmem:s19+$0x1810];
	v48 =	vadd.f32 v44, v43;
	v22 =	vmul.f32 v30, v3;
	v25 =	vmul.f32 v31, v4;
	[tilespmem:s19+$0xC20] =	vst v27  }
0x1f4: {  	v9 =	vld [tilespmem:s19+$0x1450];
	v30 =	vmul.f32 v34, v3;
	v31 =	vmul.f32 v35, v4;
	[tilespmem:s19+$0xC30] =	vst v45;
	v50 =	vadd.f32 v47, v46  }
0x1f5: {  	v49 =	vld [tilespmem:$0x1FFA0];
	v20 =	vmul.f32 v29, v4;
	[tilespmem:s19+$0xC40] =	vst v48;
	v54 =	vmul.f32 v6, v3;
	v29 =	vadd.f32 v25, v22  }
0x1f6: {  	v52 =	vmul.f32 v10, v4;
	v10 =	vld [tilespmem:s19+$0x1460];
	v57 =	vmul.f32 v17, v3;
	v35 =	vadd.f32 v31, v30;
	[tilespmem:s19+$0xC50] =	vst v50  }
0x1f7: {  	v61 =	vmul.f32 v26, v4;
	v14 =	vld [tilespmem:s19+$0x9470];
	v60 =	vmul.f32 v21, v3;
	v59 =	vadd.f32 v55, v54;
	[tilespmem:s19+$0x1040] =	vst v29  }
0x1f8: {  	v7 =	vmul.f32 v7, v4;
	v44 =	vld [tilespmem:s19+$0x1830];
	v63 =	vmul.f32 v28, v3;
	v62 =	vadd.f32 v58, v57;
	[tilespmem:s19+$0x1060] =	vst v35  }
0x1f9: {  	v51 =	vld [tilespmem:$0x1FFB0];
	v27 =	vmul.f32 v32, v3;
	v28 =	vmul.f32 v33, v4;
	v21 =	vadd.f32 v61, v60;
	[tilespmem:s19+$0x1000] =	vst v59  }
0x1fa: {  	v34 =	vmul.f32 v37, v4;
	v17 =	vld [tilespmem:s19+$0x9800];
	v33 =	vmul.f32 v36, v3;
	v26 =	vadd.f32 v20, v63;
	[tilespmem:s19+$0x1010] =	vst v62  }
0x1fb: {  	v37 =	vmul.f32 v39, v4;
	v36 =	vmul.f32 v38, v3;
	v38 =	vld [tilespmem:s19+$0x9820];
	v32 =	vadd.f32 v28, v27;
	[tilespmem:s19+$0x1020] =	vst v21  }
0x1fc: {  	v40 =	vmul.f32 v40, v3;
	v43 =	vmul.f32 v41, v4;
	v48 =	vld [tilespmem:s19+$0x9830];
	v39 =	vadd.f32 v34, v33;
	[tilespmem:s19+$0x1030] =	vst v26  }
0x1fd: {  	v31 =	vld [tilespmem:s19+$0x1870];
	v45 =	vadd.f32 v37, v36;
	v50 =	vmul.f32 v23, v3;
	v1 =	vmul.f32 v49, v3;
	[tilespmem:s19+$0x1050] =	vst v32  }
0x1fe: {  	v20 =	vld [tilespmem:s19+$0x9810];
	v23 =	vmul.f32 v13, v3;
	v49 =	vadd.f32 v43, v40;
	[tilespmem:s19+$0x1070] =	vst v39;
	v26 =	vmul.f32 v14, v4  }
0x1ff: {  	v46 =	vmul.f32 v42, v3;
	v55 =	vld [tilespmem:s19+$0x1850];
	[tilespmem:s19+$0x1400] =	vst v45;
	v5 =	vmul.f32 v51, v3;
	v53 =	vadd.f32 v7, v1  }
0x200: {  	v47 =	vmul.f32 v24, v4;
	v58 =	vmul.f32 v11, v4;
	v63 =	vld [tilespmem:s19+$0x1860];
	[tilespmem:s19+$0x1410] =	vst v49;
	v32 =	vadd.f32 v26, v23  }
0x201: {  	v27 =	vld [tilespmem:s19+$0x9860];
	v29 =	vmul.f32 v15, v3;
	v57 =	vmul.f32 v9, v3;
	v56 =	vadd.f32 v52, v5;
	[tilespmem:s19+$0xC60] =	vst v53  }
0x202: {  	v35 =	vld [tilespmem:s19+$0x9870];
	v41 =	vmul.f32 v44, v3;
	v30 =	vmul.f32 v17, v4;
	v52 =	vadd.f32 v47, v46;
	[tilespmem:s19+$0x1470] =	vst v32  }
0x203: {  	v21 =	vld [tilespmem:s19+$0x1820];
	v42 =	vmul.f32 v48, v4;
	v53 =	vmul.f32 v16, v3;
	v16 =	vadd.f32 v58, v57;
	[tilespmem:s19+$0xC70] =	vst v56  }
0x204: {  	v59 =	vld [tilespmem:s19+$0x9850];
	v51 =	vmul.f32 v18, v4;
	v36 =	vadd.f32 v30, v29;
	[tilespmem:s19+$0x1420] =	vst v52  }
0x205: {  	v54 =	vmul.f32 v12, v4;
	v39 =	vld [tilespmem:s19+$0x9840];
	v46 =	vadd.f32 v42, v41;
	[tilespmem:s19+$0x1450] =	vst v16  }
0x206: {  	v33 =	vmul.f32 v19, v3;
	v7 =	vld [tilespmem:s19+$0x9460];
	v34 =	vmul.f32 v20, v4;
	v56 =	vadd.f32 v51, v50;
	[tilespmem:s19+$0x1800] =	vst v36  }
0x207: {  	v18 =	vld [tilespmem:s19+$0x1840];
	v47 =	vmul.f32 v63, v3;
	v48 =	vmul.f32 v27, v4;
	v60 =	vadd.f32 v54, v53;
	[tilespmem:s19+$0x1830] =	vst v46  }
0x208: {  	v38 =	vmul.f32 v38, v4;
	v37 =	vmul.f32 v21, v3;
	v40 =	vadd.f32 v34, v33;
	[tilespmem:s19+$0x1430] =	vst v56  }
0x209: {  	v44 =	vmul.f32 v55, v3;
	v45 =	vmul.f32 v59, v4;
	v52 =	vadd.f32 v48, v47;
	[tilespmem:s19+$0x1440] =	vst v60  }
0x20a: {  	v50 =	vmul.f32 v31, v3;
	v51 =	vmul.f32 v35, v4;
	v43 =	vadd.f32 v38, v37;
	[tilespmem:s19+$0x1810] =	vst v40  }
0x20b: {  	v61 =	vmul.f32 v10, v3;
	v62 =	vmul.f32 v7, v4;
	v49 =	vadd.f32 v45, v44;
	[tilespmem:s19+$0x1860] =	vst v52  }
0x20c: {  	s20 =	sand.u32 $0x7, s0;
	v54 =	vmul.f32 v39, v4;
	v53 =	vmul.f32 v18, v3;
	v55 =	vadd.f32 v51, v50;
	[tilespmem:s19+$0x1820] =	vst v43  }
0x20d: {  	s5 =	sshll.u32 s20, $0x7;
	v28 =	vadd.f32 v62, v61;
	[tilespmem:s19+$0x1850] =	vst v49  }
0x20e: {  	s5 =	sadd.s32 s5, s17;
	v56 =	vadd.f32 v54, v53;
	[tilespmem:s19+$0x1870] =	vst v55  }
0x20f: {  	s20 =	sor.u32 $0x1C00, s5;
	[tilespmem:s19+$0x1460] =	vst v28  }
0x210: {  	[tilespmem:s19+$0x1840] =	vst v56;
	v0 =	vld [tilespmem:s20+$0x0]  }
0x211: {  	v1 =	vld [tilespmem:s20+$0x8000];
	_ =	sdelay $0x4  }
0x212: {  	v0 =	vmul.f32 v0, v3;
	v1 =	vmul.f32 v1, v4;
	_ =	sdelay $0x1  }
0x213: {  	v0 =	vadd.f32 v1, v0;
	_ =	sdelay $0x1  }
0x214: {  	[tilespmem:s20+$0x0] =	vst v0;
	s20 =	sor.u32 $0x1C10, s5  }
0x215: {  	v0 =	vld [tilespmem:s20+$0x0]  }
0x216: {  	v57 =	vld [tilespmem:s20+$0x8000];
	_ =	sdelay $0x4  }
0x217: {  	v0 =	vmul.f32 v0, v3;
	v1 =	vmul.f32 v57, v4;
	_ =	sdelay $0x1  }
0x218: {  	v0 =	vadd.f32 v1, v0;
	_ =	sdelay $0x1  }
0x219: {  	[tilespmem:s20+$0x0] =	vst v0;
	s20 =	sor.u32 $0x1C20, s5  }
0x21a: {  	v0 =	vld [tilespmem:s20+$0x0]  }
0x21b: {  	v58 =	vld [tilespmem:s20+$0x8000];
	_ =	sdelay $0x4  }
0x21c: {  	v0 =	vmul.f32 v0, v3;
	v1 =	vmul.f32 v58, v4;
	_ =	sdelay $0x1  }
0x21d: {  	v0 =	vadd.f32 v1, v0;
	_ =	sdelay $0x1  }
0x21e: {  	[tilespmem:s20+$0x0] =	vst v0;
	s20 =	sor.u32 $0x1C30, s5  }
0x21f: {  	v0 =	vld [tilespmem:s20+$0x0]  }
0x220: {  	v59 =	vld [tilespmem:s20+$0x8000];
	_ =	sdelay $0x4  }
0x221: {  	v0 =	vmul.f32 v0, v3;
	v1 =	vmul.f32 v59, v4;
	_ =	sdelay $0x1  }
0x222: {  	v0 =	vadd.f32 v1, v0;
	_ =	sdelay $0x1  }
0x223: {  	[tilespmem:s20+$0x0] =	vst v0;
	s20 =	sor.u32 $0x1C40, s5  }
0x224: {  	v0 =	vld [tilespmem:s20+$0x0]  }
0x225: {  	v60 =	vld [tilespmem:s20+$0x8000];
	_ =	sdelay $0x4  }
0x226: {  	v0 =	vmul.f32 v0, v3;
	v1 =	vmul.f32 v60, v4;
	_ =	sdelay $0x1  }
0x227: {  	v0 =	vadd.f32 v1, v0;
	_ =	sdelay $0x1  }
0x228: {  	[tilespmem:s20+$0x0] =	vst v0;
	s20 =	sor.u32 $0x1C50, s5  }
0x229: {  	v0 =	vld [tilespmem:s20+$0x0]  }
0x22a: {  	v61 =	vld [tilespmem:s20+$0x8000];
	_ =	sdelay $0x4  }
0x22b: {  	v0 =	vmul.f32 v0, v3;
	v1 =	vmul.f32 v61, v4;
	_ =	sdelay $0x1  }
0x22c: {  	v0 =	vadd.f32 v1, v0;
	_ =	sdelay $0x1  }
0x22d: {  	[tilespmem:s20+$0x0] =	vst v0;
	s20 =	sor.u32 $0x1C60, s5  }
0x22e: {  	v0 =	vld [tilespmem:s20+$0x0]  }
0x22f: {  	v62 =	vld [tilespmem:s20+$0x8000];
	_ =	sdelay $0x4  }
0x230: {  	v0 =	vmul.f32 v0, v3;
	v1 =	vmul.f32 v62, v4;
	_ =	sdelay $0x1  }
0x231: {  	v0 =	vadd.f32 v1, v0;
	_ =	sdelay $0x1  }
0x232: {  	s5 =	sor.u32 $0x1C70, s5;
	[tilespmem:s20+$0x0] =	vst v0  }
0x233: {  	v0 =	vld [tilespmem:s5+$0x0]  }
0x234: {  	v63 =	vld [tilespmem:s5+$0x8000];
	_ =	sdelay $0x3  }
0x235: {  	p0 =	sne.s32 s18, $0xF80  }
.Ltmp1:
0x236: {  	v0 =	vmul.f32 v0, v3;
	v1 =	vmul.f32 v63, v4;
	(pc) =	sbr.rel @p0 .LBB2_4-.Ltmp1, $4  }
0x237: {  	_ = 	snop  }
0x238: {  	v0 =	vadd.f32 v1, v0  }
0x239: {  	s0 =	sadd.s32 $0x1, s0;
	s15 =	sadd.s32 $0x80, s15  }
0x23a: {  	s1 =	sadd.s32 $0x80, s1;
	s18 =	sadd.s32 $0x80, s18;
	s17 =	sadd.s32 $0x400, s17;
	[tilespmem:s5+$0x0] =	vst v0  }
0x23b: {  	s0 =	rddreg [dreg:$0x8]  }
0x23c: {  	[hbm4b:s0+s2] =	stream.linear.scatter [tilespmem:s2], [sflag:$0x3], $0x8000, $0x38;
	[tilespmem:$0x14100] =	vst v63  }
0x23d: {  	_ =	swait.ge [sflag:s16], $0x8000  }
0x23e: {  	s14 =	sadd.s32 $0x1, s14;
	s20 =	rddreg [dreg:$0x9]  }
0x23f: {  	p0 =	sne.s32 s14, s20  }
.Ltmp2:
0x240: {  	_ = 	snop;
	(pc) =	sbr.rel @p0 .LBB2_1-.Ltmp2, $3  }
0x241: {  	_ =	sdelay $0x1  }
0x242: {  	[sflag:s16] =	ssyncset.done $0x0  }
0x243: {  	[sflag:s16] =	ssyncadd.s32 $0xFFFF8000  }
0x244: {  	_ =	sfence.sel $0x180000  }
0x245: {  	[bflag:$0x0] =	sbarrier.arrive $0xFFFF  }
0x246: {  	_ =	strace $0x9000004A  }
0x247: {  	s0 =	stileid.u32;
	[bflag:$0x2] =	sbarrier.arrive $0xFFFF  }
0x248: {  	p0 =	sne.s32 s0, $0x0;
	s0 =	rddreg [dreg:$0x2]  }
0x249: {  	s0 =	sadd.s32 @!p0 $0x100000, s0  }
0x24a: {  	[sflag:s0] =	ssyncadd.tile.s32 @!p0 $0x1;
	_ =	shalt  }
.Lfunc_end2:
_tile_overlayer_lowered:
.L_overlay_start_2:
0x24b: {  	(tag) =	ssettag $0x2  }
0x24c: {  	s0 =	rddreg [dreg:$0x0];
	s2 =	stileid.u32  }
0x24d: {  	s1 =	rddreg [dreg:$0x1];
	p0 =	sne.s32 s2, $0x0  }
0x24e: {  	s3 =	rddreg [dreg:$0x2];
	[bflag:$0x3] =	sbarrier.arrive $0xFFFF;
	s2 =	simm.s32 @!p0 $0x1C03  }
0x24f: {  	[timem:s3], [sflag:s2] =	dma.local @!p0 [hbm:s0], s1  }
0x250: {  	s0 =	simm.s32 @!p0 $0x3  }
0x251: {  	_ =	swait.ge @!p0 [sflag:s0], s1  }
0x252: {  	s1 =	ssub.s32 @!p0 $0x0, s1;
	[sflag:s0] =	ssyncset.done @!p0 $0x0  }
0x253: {  	[sflag:s0] =	ssyncadd.s32 @!p0 s1  }
0x254: {  	[bflag:$0x3] =	sbarrier.arrive $0xFFFF  }
0x255: {  	_ =	shalt  }

</sc_bundles>
